<compile_context>
chip_gen: v7x
topology: tpu7x:2x2x1
jax: 0.10.2.dev20260603
libtpu: 0.0.44.dev20260713+nightly
codegen_flags: <defaults>
</compile_context>

<pallas_src>
import functools

import jax
import jax.numpy as jnp
from jax import lax
from jax.experimental import pallas as pl
from jax.experimental.pallas import tpu as pltpu
from jax.experimental.pallas import tpu_sc as plsc

N = 100000
D = 128
G = 256
NW = 32
RPW = N // NW
C = 125
NCH = RPW // C
IDS_PAD = 3160
L = 16

assert NW * RPW == N and NCH * C == RPW

_mesh = plsc.VectorSubcoreMesh(core_axis_name="c", subcore_axis_name="s")


@functools.partial(
    pl.kernel,
    mesh=_mesh,
    compiler_params=pltpu.CompilerParams(needs_layout_passes=False),
    out_type=[
        jax.ShapeDtypeStruct((NW, G * D), jnp.float32),
        jax.ShapeDtypeStruct((NW, L), jnp.float32),
    ],
    scratch_types=[
        pltpu.VMEM(((C + 8) * D,), jnp.float32),
        pltpu.VMEM(((C + 8) * D,), jnp.float32),
        pltpu.VMEM((IDS_PAD,), jnp.int32),
        pltpu.VMEM((D,), jnp.float32),
        pltpu.VMEM((G * D,), jnp.float32),
        pltpu.VMEM((L,), jnp.float32),
        pltpu.SemaphoreType.DMA,
        pltpu.SemaphoreType.DMA,
    ],
)
def _sc_pool(x_hbm, ids_hbm, w_hbm, outp_hbm, outz_hbm,
             xb0, xb1, ids_v, w_v, acc, zbuf, sem0, sem1):
    wid = lax.axis_index("s") * 2 + lax.axis_index("c")
    row0 = wid * RPW

    pltpu.sync_copy(w_hbm, w_v)
    pltpu.sync_copy(ids_hbm.at[wid], ids_v)

    zeros = jnp.zeros((L,), jnp.float32)

    def _zero(t, carry):
        acc[pl.ds(t * L, L)] = zeros
        return carry

    lax.fori_loop(0, (G * D) // L, _zero, 0)

    wv = [w_v[pl.ds(k * L, L)] for k in range(8)]
    iota = lax.iota(jnp.int32, L)

    bufs = (xb0, xb1)
    sems = (sem0, sem1)

    def _issue(j, b):
        return pltpu.async_copy(
            x_hbm.at[pl.ds((row0 + j * C) * D, C * D)],
            bufs[b].at[pl.ds(0, C * D)], sems[b])

    rz = jnp.minimum(ids_v[pl.ds(0, L)][0], 0)

    def _process(buf, ids_base, z):
        R = 5

        @plsc.parallel_loop(0, C, step=R, carry=z)
        def zout(i, zc):
            gv = ids_v[pl.ds(ids_base + i, L)]
            gis = [jnp.broadcast_to(gv[r], (L,)) * D + iota for r in range(R)]
            bases = [(i + r) * D for r in range(R)]
            dvs = [None] * R
            for k in range(8):
                for r in range(R):
                    xk = buf[pl.ds(bases[r] + k * L, L)]
                    p = xk * wv[k]
                    dvs[r] = p if k == 0 else dvs[r] + p
            es = []
            for r in range(R):
                s = jnp.sum(dvs[r])
                es.append(jnp.exp(jnp.broadcast_to(s, (L,))))
                zc = zc + es[r]
            for k in range(8):
                vals = [es[r] * buf[pl.ds(bases[r] + rz + k * L, L)]
                        for r in range(R)]
                for r in range(R):
                    plsc.addupdate_scatter(acc, [gis[r] + (k * L)], vals[r])
            return zc

        return zout

    def _drain(b):
        pltpu.make_async_copy(
            x_hbm.at[pl.ds(row0 * D, C * D)],
            bufs[b].at[pl.ds(0, C * D)], sems[b]).wait()

    _issue(0, 0)
    _issue(1, 1)
    z = jnp.zeros((L,), jnp.float32)

    def _pair(jj, zc):
        j0 = jj * 2
        _drain(0)
        zc = _process(bufs[0], j0 * C, zc)
        _issue(j0 + 2, 0)
        _drain(1)
        zc = _process(bufs[1], (j0 + 1) * C, zc)

        @pl.when(jj < (NCH - 3) // 2)
        def _():
            _issue(j0 + 3, 1)

        return zc

    z = lax.fori_loop(0, (NCH - 1) // 2, _pair, z)
    _drain(0)
    z = _process(bufs[0], (NCH - 1) * C, z)

    zbuf[...] = z
    pltpu.sync_copy(acc, outp_hbm.at[wid])
    pltpu.sync_copy(zbuf, outz_hbm.at[wid])


def _combine_body(p_ref, z_ref, o_ref):
    ztot = jnp.sum(z_ref[...]) * (1.0 / L)
    o_ref[...] = jnp.sum(p_ref[...], axis=0) * (1.0 / ztot)


def kernel(x, batch, W, b):
    del b
    xflat = x.reshape(-1)
    ids = batch.astype(jnp.int32).reshape(NW, RPW)
    ids = jnp.pad(ids, ((0, 0), (0, IDS_PAD - RPW)))
    wflat = W.reshape(-1).astype(jnp.float32)

    partial, zp = _sc_pool(xflat, ids, wflat)

    out = pl.pallas_call(
        _combine_body,
        out_shape=jax.ShapeDtypeStruct((G, D), jnp.float32),
    )(partial.reshape(NW, G, D), zp)
    return out

# --- scband reference (transcript-rebuilt; emitter-appended) ---
"""Pipeline reference for scband-aagam-30279519436891 (READ-ONLY COPY).

The authoritative reference and input builder live on the scoring server;
editing this copy changes nothing except your own understanding.
"""

import jax, jax.numpy as jnp
import numpy as np

N_NODES = 100000
IN_DIM = 128
NUM_GRAPHS = 256


def setup_inputs(seed: int = 0) -> dict:
    key = jax.random.key(seed)
    k1, k2, k3, k4 = jax.random.split(key, 4)
    x = jax.random.normal(k1, (N_NODES, IN_DIM), dtype=jnp.float32)
    batch = jnp.sort(jax.random.randint(k2, (N_NODES,), 0, NUM_GRAPHS)).astype(jnp.int64)
    # nn.Linear(in_dim, 1): weight [1, in_dim], bias [1]
    bound = 1.0 / np.sqrt(IN_DIM)
    W = jax.random.uniform(k3, (1, IN_DIM), dtype=jnp.float32, minval=-bound, maxval=bound)
    b = jax.random.uniform(k4, (1,), dtype=jnp.float32, minval=-bound, maxval=bound)
    return {"x": x, "batch": batch, "W": W, "b": b}


def reference(x, batch, W, b):
    # attn_score = Linear(x) -> [N, 1]
    attn_score = x @ W.T + b
    # softmax over dim=0 (global over all nodes, as in the original module)
    attn_score = jax.nn.softmax(attn_score, axis=0)
    # weight node features
    xw = attn_score * x
    # scatter_sum over batch (graph-id) -> [NUM_GRAPHS, IN_DIM]
    out = jax.ops.segment_sum(xw, batch, num_segments=NUM_GRAPHS)
    return out

if __name__ == "__main__":
    import jax
    _d = setup_inputs()
    print(jax.jit(kernel)(*tuple(_d.values())))

</pallas_src>

<mosaic_0001>
#map = affine_map<(d0, d1) -> (0)>
#map1 = affine_map<(d0, d1) -> (0, 0)>
module attributes {stable_mosaic.version = 14 : i64} {
  func.func @_sc_pool(%arg0: i32, %arg1: i32, %arg2: memref<12800000xf32, #tpu.memory_space<hbm>>, %arg3: memref<32x3160xi32, #tpu.memory_space<hbm>>, %arg4: memref<128xf32, #tpu.memory_space<hbm>>, %arg5: memref<32x32768xf32, #tpu.memory_space<hbm>>, %arg6: memref<32x16xf32, #tpu.memory_space<hbm>>, %arg7: memref<17024xf32, #tpu.memory_space<vmem>>, %arg8: memref<17024xf32, #tpu.memory_space<vmem>>, %arg9: memref<3160xi32, #tpu.memory_space<vmem>>, %arg10: memref<128xf32, #tpu.memory_space<vmem>>, %arg11: memref<32768xf32, #tpu.memory_space<vmem>>, %arg12: memref<16xf32, #tpu.memory_space<vmem>>, %arg13: memref<!tpu.dma_semaphore, #tpu.memory_space<semaphore_mem>>, %arg14: memref<!tpu.dma_semaphore, #tpu.memory_space<semaphore_mem>>) attributes {dimension_semantics = [#tpu.dimension_semantics<core_parallel>, #tpu.dimension_semantics<subcore_parallel>], iteration_bounds = array<i64: 2, 16>, scalar_prefetch = 0 : i64, scratch_operands = 8 : i64, tpu.core_type = #tpu.core_type<sc_vector_subcore>, window_params = [{transform_indices = #map}, {transform_indices = #map1}, {transform_indices = #map}, {transform_indices = #map1}, {transform_indices = #map1}]} {
    %mul3A = arith.constant 2 : i32
    %mul3A_0 = arith.muli %arg1, %mul3A : i32
    %add3A = arith.addi %mul3A_0, %arg0 : i32
    %mul3A_1 = arith.constant 3125 : i32
    %mul3A_2 = arith.muli %add3A, %mul3A_1 : i32
    "tpu.region"() ({
      %run_scoped3A = tpu.sem_alloc : memref<!tpu.dma_semaphore, #tpu.memory_space<semaphore_mem>>
      tpu.enqueue_dma source(%arg4 : memref<128xf32, #tpu.memory_space<hbm>>) target(%arg10 : memref<128xf32, #tpu.memory_space<vmem>>) target_semaphore(%run_scoped3A : memref<!tpu.dma_semaphore, #tpu.memory_space<semaphore_mem>>)
      tpu.wait_dma2 semaphore(%run_scoped3A : memref<!tpu.dma_semaphore, #tpu.memory_space<semaphore_mem>>) src(%arg4 : memref<128xf32, #tpu.memory_space<hbm>>) dst(%arg10 : memref<128xf32, #tpu.memory_space<vmem>>)
      tpu.yield
    }) : () -> ()
    "tpu.region"() ({
      %run_scoped3A = tpu.sem_alloc : memref<!tpu.dma_semaphore, #tpu.memory_space<semaphore_mem>>
      %dma_start3A_65 = arith.constant 0 : i32
      %dma_start3A_66 = tpu.memref_slice %arg3[%add3A, %dma_start3A_65] : memref<32x3160xi32, #tpu.memory_space<hbm>> -> memref<1x3160xi32, #tpu.memory_space<hbm>>
      %dma_start3A_67 = tpu.memref_squeeze %dma_start3A_66 : memref<1x3160xi32, #tpu.memory_space<hbm>> -> memref<3160xi32, #tpu.memory_space<hbm>>
      %dma_start3A_68 = arith.constant 0 : i32
      %dma_start3A_69 = tpu.memref_slice %arg3[%add3A, %dma_start3A_68] : memref<32x3160xi32, #tpu.memory_space<hbm>> -> memref<1x3160xi32, #tpu.memory_space<hbm>>
      %dma_start3A_70 = tpu.memref_squeeze %dma_start3A_69 : memref<1x3160xi32, #tpu.memory_space<hbm>> -> memref<3160xi32, #tpu.memory_space<hbm>>
      tpu.enqueue_dma source(%dma_start3A_70 : memref<3160xi32, #tpu.memory_space<hbm>>) target(%arg9 : memref<3160xi32, #tpu.memory_space<vmem>>) target_semaphore(%run_scoped3A : memref<!tpu.dma_semaphore, #tpu.memory_space<semaphore_mem>>)
      %dma_wait3A_71 = arith.constant 0 : i32
      %dma_wait3A_72 = tpu.memref_slice %arg3[%add3A, %dma_wait3A_71] : memref<32x3160xi32, #tpu.memory_space<hbm>> -> memref<1x3160xi32, #tpu.memory_space<hbm>>
      %dma_wait3A_73 = tpu.memref_squeeze %dma_wait3A_72 : memref<1x3160xi32, #tpu.memory_space<hbm>> -> memref<3160xi32, #tpu.memory_space<hbm>>
      %dma_wait3A_74 = arith.constant 0 : i32
      %dma_wait3A_75 = tpu.memref_slice %arg3[%add3A, %dma_wait3A_74] : memref<32x3160xi32, #tpu.memory_space<hbm>> -> memref<1x3160xi32, #tpu.memory_space<hbm>>
      %dma_wait3A_76 = tpu.memref_squeeze %dma_wait3A_75 : memref<1x3160xi32, #tpu.memory_space<hbm>> -> memref<3160xi32, #tpu.memory_space<hbm>>
      tpu.wait_dma2 semaphore(%run_scoped3A : memref<!tpu.dma_semaphore, #tpu.memory_space<semaphore_mem>>) src(%dma_wait3A_76 : memref<3160xi32, #tpu.memory_space<hbm>>) dst(%arg9 : memref<3160xi32, #tpu.memory_space<vmem>>)
      tpu.yield
    }) : () -> ()
    %broadcast_in_dim3A = arith.constant 0.000000e+00 : f32
    %broadcast_in_dim3A_3 = vector.broadcast %broadcast_in_dim3A : f32 to vector<16xf32>
    %scan3A = arith.constant 0 : i32
    %scan3A_4 = arith.constant 0 : i32
    %scan3A_5 = arith.constant 2048 : i32
    %scan3A_6 = arith.addi %scan3A_4, %scan3A_5 : i32
    %scan3A_7 = arith.constant 1 : i32
    scf.for %scan3A_65 = %scan3A_4 to %scan3A_6 step %scan3A_7  : i32 {
      %mul3A_66 = arith.constant 16 : i32
      %mul3A_67 = arith.muli %scan3A_65, %mul3A_66 : i32
      %swap3A_68 = arith.index_cast %mul3A_67 : i32 to index
      %swap3A_69 = tpu.vector_load %arg11[%swap3A_68] {strides = array<i32>} : memref<32768xf32, #tpu.memory_space<vmem>>, vector<16xf32>,
      tpu.vector_store %arg11[%swap3A_68], %broadcast_in_dim3A_3 {strides = array<i32>} : memref<32768xf32, #tpu.memory_space<vmem>>, vector<16xf32>,
    }
    %scan3A_8 = arith.constant 2048 : i32
    %get3A = arith.constant 0 : index
    %get3A_9 = tpu.vector_load %arg10[%get3A] {strides = array<i32>} : memref<128xf32, #tpu.memory_space<vmem>>, vector<16xf32>,
    %get3A_10 = arith.constant 16 : index
    %get3A_11 = tpu.vector_load %arg10[%get3A_10] {strides = array<i32>} : memref<128xf32, #tpu.memory_space<vmem>>, vector<16xf32>,
    %get3A_12 = arith.constant 32 : index
    %get3A_13 = tpu.vector_load %arg10[%get3A_12] {strides = array<i32>} : memref<128xf32, #tpu.memory_space<vmem>>, vector<16xf32>,
    %get3A_14 = arith.constant 48 : index
    %get3A_15 = tpu.vector_load %arg10[%get3A_14] {strides = array<i32>} : memref<128xf32, #tpu.memory_space<vmem>>, vector<16xf32>,
    %get3A_16 = arith.constant 64 : index
    %get3A_17 = tpu.vector_load %arg10[%get3A_16] {strides = array<i32>} : memref<128xf32, #tpu.memory_space<vmem>>, vector<16xf32>,
    %get3A_18 = arith.constant 80 : index
    %get3A_19 = tpu.vector_load %arg10[%get3A_18] {strides = array<i32>} : memref<128xf32, #tpu.memory_space<vmem>>, vector<16xf32>,
    %get3A_20 = arith.constant 96 : index
    %get3A_21 = tpu.vector_load %arg10[%get3A_20] {strides = array<i32>} : memref<128xf32, #tpu.memory_space<vmem>>, vector<16xf32>,
    %get3A_22 = arith.constant 112 : index
    %get3A_23 = tpu.vector_load %arg10[%get3A_22] {strides = array<i32>} : memref<128xf32, #tpu.memory_space<vmem>>, vector<16xf32>,
    %iota3A = tpu.iota {dimensions = array<i32: 0>} : vector<16xi32>
    %get3A_24 = arith.constant 0 : index
    %get3A_25 = tpu.vector_load %arg9[%get3A_24] {strides = array<i32>} : memref<3160xi32, #tpu.memory_space<vmem>>, vector<16xi32>,
    %slice3A = vector.extract_strided_slice %get3A_25 {offsets = [0], sizes = [1], strides = [1]} : vector<16xi32> to vector<1xi32>
    %squeeze3A = vector.extract %slice3A[0] : i32 from vector<1xi32>
    %min3A = arith.constant 0 : i32
    %min3A_26 = arith.minsi %squeeze3A, %min3A : i32
    %add3A_27 = arith.constant 0 : i32
    %add3A_28 = arith.addi %mul3A_2, %add3A_27 : i32
    %mul3A_29 = arith.constant 128 : i32
    %mul3A_30 = arith.muli %add3A_28, %mul3A_29 : i32
    %dma_start3A = arith.constant 0 : i32
    %dma_start3A_31 = tpu.memref_slice %arg7[%dma_start3A] : memref<17024xf32, #tpu.memory_space<vmem>> -> memref<16000xf32, #tpu.memory_space<vmem>>
    %dma_start3A_32 = tpu.memref_slice %arg2[%mul3A_30] : memref<12800000xf32, #tpu.memory_space<hbm>> -> memref<16000xf32, #tpu.memory_space<hbm>>
    %dma_start3A_33 = arith.constant 0 : i32
    %dma_start3A_34 = tpu.memref_slice %arg7[%dma_start3A_33] : memref<17024xf32, #tpu.memory_space<vmem>> -> memref<16000xf32, #tpu.memory_space<vmem>>
    %dma_start3A_35 = tpu.memref_slice %arg2[%mul3A_30] : memref<12800000xf32, #tpu.memory_space<hbm>> -> memref<16000xf32, #tpu.memory_space<hbm>>
    tpu.enqueue_dma source(%dma_start3A_35 : memref<16000xf32, #tpu.memory_space<hbm>>) target(%dma_start3A_34 : memref<16000xf32, #tpu.memory_space<vmem>>) target_semaphore(%arg13 : memref<!tpu.dma_semaphore, #tpu.memory_space<semaphore_mem>>)
    %add3A_36 = arith.constant 125 : i32
    %add3A_37 = arith.addi %mul3A_2, %add3A_36 : i32
    %mul3A_38 = arith.constant 128 : i32
    %mul3A_39 = arith.muli %add3A_37, %mul3A_38 : i32
    %dma_start3A_40 = arith.constant 0 : i32
    %dma_start3A_41 = tpu.memref_slice %arg8[%dma_start3A_40] : memref<17024xf32, #tpu.memory_space<vmem>> -> memref<16000xf32, #tpu.memory_space<vmem>>
    %dma_start3A_42 = tpu.memref_slice %arg2[%mul3A_39] : memref<12800000xf32, #tpu.memory_space<hbm>> -> memref<16000xf32, #tpu.memory_space<hbm>>
    %dma_start3A_43 = arith.constant 0 : i32
    %dma_start3A_44 = tpu.memref_slice %arg8[%dma_start3A_43] : memref<17024xf32, #tpu.memory_space<vmem>> -> memref<16000xf32, #tpu.memory_space<vmem>>
    %dma_start3A_45 = tpu.memref_slice %arg2[%mul3A_39] : memref<12800000xf32, #tpu.memory_space<hbm>> -> memref<16000xf32, #tpu.memory_space<hbm>>
    tpu.enqueue_dma source(%dma_start3A_45 : memref<16000xf32, #tpu.memory_space<hbm>>) target(%dma_start3A_44 : memref<16000xf32, #tpu.memory_space<vmem>>) target_semaphore(%arg14 : memref<!tpu.dma_semaphore, #tpu.memory_space<semaphore_mem>>)
    %broadcast_in_dim3A_46 = arith.constant 0.000000e+00 : f32
    %broadcast_in_dim3A_47 = vector.broadcast %broadcast_in_dim3A_46 : f32 to vector<16xf32>
    %scan3A_48 = arith.constant 0 : i32
    %scan3A_49 = arith.constant 12 : i32
    %scan3A_50 = arith.addi %scan3A_48, %scan3A_49 : i32
    %scan3A_51 = arith.constant 1 : i32
    %scan3A_52 = scf.for %scan3A_65 = %scan3A_48 to %scan3A_50 step %scan3A_51 iter_args(%scan3A_66 = %broadcast_in_dim3A_47) -> (vector<16xf32>)  : i32 {
      %mul3A_67 = arith.constant 2 : i32
      %mul3A_68 = arith.muli %scan3A_65, %mul3A_67 : i32
      %mul3A_69 = arith.constant 128 : i32
      %mul3A_70 = arith.muli %mul3A_2, %mul3A_69 : i32
      %dma_wait3A_71 = arith.constant 0 : i32
      %dma_wait3A_72 = tpu.memref_slice %arg7[%dma_wait3A_71] : memref<17024xf32, #tpu.memory_space<vmem>> -> memref<16000xf32, #tpu.memory_space<vmem>>
      %dma_wait3A_73 = tpu.memref_slice %arg2[%mul3A_70] : memref<12800000xf32, #tpu.memory_space<hbm>> -> memref<16000xf32, #tpu.memory_space<hbm>>
      %dma_wait3A_74 = arith.constant 0 : i32
      %dma_wait3A_75 = tpu.memref_slice %arg7[%dma_wait3A_74] : memref<17024xf32, #tpu.memory_space<vmem>> -> memref<16000xf32, #tpu.memory_space<vmem>>
      %dma_wait3A_76 = tpu.memref_slice %arg2[%mul3A_70] : memref<12800000xf32, #tpu.memory_space<hbm>> -> memref<16000xf32, #tpu.memory_space<hbm>>
      tpu.wait_dma2 semaphore(%arg13 : memref<!tpu.dma_semaphore, #tpu.memory_space<semaphore_mem>>) src(%dma_wait3A_76 : memref<16000xf32, #tpu.memory_space<hbm>>) dst(%dma_wait3A_75 : memref<16000xf32, #tpu.memory_space<vmem>>)
      %mul3A_77 = arith.constant 125 : i32
      %mul3A_78 = arith.muli %mul3A_68, %mul3A_77 : i32
      %parallel_loop3A_79 = arith.constant 0 : i32
      %parallel_loop3A_80 = arith.constant 125 : i32
      %parallel_loop3A_81 = arith.constant 5 : i32
      %parallel_loop3A_82 = scf.for %parallel_loop3A_114 = %parallel_loop3A_79 to %parallel_loop3A_80 step %parallel_loop3A_81 iter_args(%parallel_loop3A_115 = %scan3A_66) -> (vector<16xf32>)  : i32 {
        %parallel_loop3A_116 = arith.addi %mul3A_78, %parallel_loop3A_114 : i32
        %parallel_loop3A_117 = arith.index_cast %parallel_loop3A_116 : i32 to index
        %parallel_loop3A_118 = tpu.vector_load %arg9[%parallel_loop3A_117] {strides = array<i32>} : memref<3160xi32, #tpu.memory_space<vmem>>, vector<16xi32>,
        %parallel_loop3A_119 = vector.extract_strided_slice %parallel_loop3A_118 {offsets = [0], sizes = [1], strides = [1]} : vector<16xi32> to vector<1xi32>
        %parallel_loop3A_120 = vector.extract %parallel_loop3A_119[0] : i32 from vector<1xi32>
        %parallel_loop3A_121 = vector.broadcast %parallel_loop3A_120 : i32 to vector<16xi32>
        %parallel_loop3A_122 = arith.constant 128 : i32
        %parallel_loop3A_123 = vector.broadcast %parallel_loop3A_122 : i32 to vector<16xi32>
        %parallel_loop3A_124 = arith.muli %parallel_loop3A_121, %parallel_loop3A_123 : vector<16xi32>
        %parallel_loop3A_125 = arith.addi %parallel_loop3A_124, %iota3A : vector<16xi32>
        %parallel_loop3A_126 = vector.extract_strided_slice %parallel_loop3A_118 {offsets = [1], sizes = [1], strides = [1]} : vector<16xi32> to vector<1xi32>
        %parallel_loop3A_127 = vector.extract %parallel_loop3A_126[0] : i32 from vector<1xi32>
        %parallel_loop3A_128 = vector.broadcast %parallel_loop3A_127 : i32 to vector<16xi32>
        %parallel_loop3A_129 = arith.constant 128 : i32
        %parallel_loop3A_130 = vector.broadcast %parallel_loop3A_129 : i32 to vector<16xi32>
        %parallel_loop3A_131 = arith.muli %parallel_loop3A_128, %parallel_loop3A_130 : vector<16xi32>
        %parallel_loop3A_132 = arith.addi %parallel_loop3A_131, %iota3A : vector<16xi32>
        %parallel_loop3A_133 = vector.extract_strided_slice %parallel_loop3A_118 {offsets = [2], sizes = [1], strides = [1]} : vector<16xi32> to vector<1xi32>
        %parallel_loop3A_134 = vector.extract %parallel_loop3A_133[0] : i32 from vector<1xi32>
        %parallel_loop3A_135 = vector.broadcast %parallel_loop3A_134 : i32 to vector<16xi32>
        %parallel_loop3A_136 = arith.constant 128 : i32
        %parallel_loop3A_137 = vector.broadcast %parallel_loop3A_136 : i32 to vector<16xi32>
        %parallel_loop3A_138 = arith.muli %parallel_loop3A_135, %parallel_loop3A_137 : vector<16xi32>
        %parallel_loop3A_139 = arith.addi %parallel_loop3A_138, %iota3A : vector<16xi32>
        %parallel_loop3A_140 = vector.extract_strided_slice %parallel_loop3A_118 {offsets = [3], sizes = [1], strides = [1]} : vector<16xi32> to vector<1xi32>
        %parallel_loop3A_141 = vector.extract %parallel_loop3A_140[0] : i32 from vector<1xi32>
        %parallel_loop3A_142 = vector.broadcast %parallel_loop3A_141 : i32 to vector<16xi32>
        %parallel_loop3A_143 = arith.constant 128 : i32
        %parallel_loop3A_144 = vector.broadcast %parallel_loop3A_143 : i32 to vector<16xi32>
        %parallel_loop3A_145 = arith.muli %parallel_loop3A_142, %parallel_loop3A_144 : vector<16xi32>
        %parallel_loop3A_146 = arith.addi %parallel_loop3A_145, %iota3A : vector<16xi32>
        %parallel_loop3A_147 = vector.extract_strided_slice %parallel_loop3A_118 {offsets = [4], sizes = [1], strides = [1]} : vector<16xi32> to vector<1xi32>
        %parallel_loop3A_148 = vector.extract %parallel_loop3A_147[0] : i32 from vector<1xi32>
        %parallel_loop3A_149 = vector.broadcast %parallel_loop3A_148 : i32 to vector<16xi32>
        %parallel_loop3A_150 = arith.constant 128 : i32
        %parallel_loop3A_151 = vector.broadcast %parallel_loop3A_150 : i32 to vector<16xi32>
        %parallel_loop3A_152 = arith.muli %parallel_loop3A_149, %parallel_loop3A_151 : vector<16xi32>
        %parallel_loop3A_153 = arith.addi %parallel_loop3A_152, %iota3A : vector<16xi32>
        %parallel_loop3A_154 = arith.constant 0 : i32
        %parallel_loop3A_155 = arith.addi %parallel_loop3A_114, %parallel_loop3A_154 : i32
        %parallel_loop3A_156 = arith.constant 128 : i32
        %parallel_loop3A_157 = arith.muli %parallel_loop3A_155, %parallel_loop3A_156 : i32
        %parallel_loop3A_158 = arith.constant 1 : i32
        %parallel_loop3A_159 = arith.addi %parallel_loop3A_114, %parallel_loop3A_158 : i32
        %parallel_loop3A_160 = arith.constant 128 : i32
        %parallel_loop3A_161 = arith.muli %parallel_loop3A_159, %parallel_loop3A_160 : i32
        %parallel_loop3A_162 = arith.constant 2 : i32
        %parallel_loop3A_163 = arith.addi %parallel_loop3A_114, %parallel_loop3A_162 : i32
        %parallel_loop3A_164 = arith.constant 128 : i32
        %parallel_loop3A_165 = arith.muli %parallel_loop3A_163, %parallel_loop3A_164 : i32
        %parallel_loop3A_166 = arith.constant 3 : i32
        %parallel_loop3A_167 = arith.addi %parallel_loop3A_114, %parallel_loop3A_166 : i32
        %parallel_loop3A_168 = arith.constant 128 : i32
        %parallel_loop3A_169 = arith.muli %parallel_loop3A_167, %parallel_loop3A_168 : i32
        %parallel_loop3A_170 = arith.constant 4 : i32
        %parallel_loop3A_171 = arith.addi %parallel_loop3A_114, %parallel_loop3A_170 : i32
        %parallel_loop3A_172 = arith.constant 128 : i32
        %parallel_loop3A_173 = arith.muli %parallel_loop3A_171, %parallel_loop3A_172 : i32
        %parallel_loop3A_174 = arith.constant 0 : i32
        %parallel_loop3A_175 = arith.addi %parallel_loop3A_157, %parallel_loop3A_174 : i32
        %parallel_loop3A_176 = arith.index_cast %parallel_loop3A_175 : i32 to index
        %parallel_loop3A_177 = tpu.vector_load %arg7[%parallel_loop3A_176] {strides = array<i32>} : memref<17024xf32, #tpu.memory_space<vmem>>, vector<16xf32>,
        %parallel_loop3A_178 = arith.mulf %parallel_loop3A_177, %get3A_9 : vector<16xf32>
        %parallel_loop3A_179 = arith.constant 0 : i32
        %parallel_loop3A_180 = arith.addi %parallel_loop3A_161, %parallel_loop3A_179 : i32
        %parallel_loop3A_181 = arith.index_cast %parallel_loop3A_180 : i32 to index
        %parallel_loop3A_182 = tpu.vector_load %arg7[%parallel_loop3A_181] {strides = array<i32>} : memref<17024xf32, #tpu.memory_space<vmem>>, vector<16xf32>,
        %parallel_loop3A_183 = arith.mulf %parallel_loop3A_182, %get3A_9 : vector<16xf32>
        %parallel_loop3A_184 = arith.constant 0 : i32
        %parallel_loop3A_185 = arith.addi %parallel_loop3A_165, %parallel_loop3A_184 : i32
        %parallel_loop3A_186 = arith.index_cast %parallel_loop3A_185 : i32 to index
        %parallel_loop3A_187 = tpu.vector_load %arg7[%parallel_loop3A_186] {strides = array<i32>} : memref<17024xf32, #tpu.memory_space<vmem>>, vector<16xf32>,
        %parallel_loop3A_188 = arith.mulf %parallel_loop3A_187, %get3A_9 : vector<16xf32>
        %parallel_loop3A_189 = arith.constant 0 : i32
        %parallel_loop3A_190 = arith.addi %parallel_loop3A_169, %parallel_loop3A_189 : i32
        %parallel_loop3A_191 = arith.index_cast %parallel_loop3A_190 : i32 to index
        %parallel_loop3A_192 = tpu.vector_load %arg7[%parallel_loop3A_191] {strides = array<i32>} : memref<17024xf32, #tpu.memory_space<vmem>>, vector<16xf32>,
        %parallel_loop3A_193 = arith.mulf %parallel_loop3A_192, %get3A_9 : vector<16xf32>
        %parallel_loop3A_194 = arith.constant 0 : i32
        %parallel_loop3A_195 = arith.addi %parallel_loop3A_173, %parallel_loop3A_194 : i32
        %parallel_loop3A_196 = arith.index_cast %parallel_loop3A_195 : i32 to index
        %parallel_loop3A_197 = tpu.vector_load %arg7[%parallel_loop3A_196] {strides = array<i32>} : memref<17024xf32, #tpu.memory_space<vmem>>, vector<16xf32>,
        %parallel_loop3A_198 = arith.mulf %parallel_loop3A_197, %get3A_9 : vector<16xf32>
        %parallel_loop3A_199 = arith.constant 16 : i32
        %parallel_loop3A_200 = arith.addi %parallel_loop3A_157, %parallel_loop3A_199 : i32
        %parallel_loop3A_201 = arith.index_cast %parallel_loop3A_200 : i32 to index
        %parallel_loop3A_202 = tpu.vector_load %arg7[%parallel_loop3A_201] {strides = array<i32>} : memref<17024xf32, #tpu.memory_space<vmem>>, vector<16xf32>,
        %parallel_loop3A_203 = arith.mulf %parallel_loop3A_202, %get3A_11 : vector<16xf32>
        %parallel_loop3A_204 = arith.addf %parallel_loop3A_178, %parallel_loop3A_203 : vector<16xf32>
        %parallel_loop3A_205 = arith.constant 16 : i32
        %parallel_loop3A_206 = arith.addi %parallel_loop3A_161, %parallel_loop3A_205 : i32
        %parallel_loop3A_207 = arith.index_cast %parallel_loop3A_206 : i32 to index
        %parallel_loop3A_208 = tpu.vector_load %arg7[%parallel_loop3A_207] {strides = array<i32>} : memref<17024xf32, #tpu.memory_space<vmem>>, vector<16xf32>,
        %parallel_loop3A_209 = arith.mulf %parallel_loop3A_208, %get3A_11 : vector<16xf32>
        %parallel_loop3A_210 = arith.addf %parallel_loop3A_183, %parallel_loop3A_209 : vector<16xf32>
        %parallel_loop3A_211 = arith.constant 16 : i32
        %parallel_loop3A_212 = arith.addi %parallel_loop3A_165, %parallel_loop3A_211 : i32
        %parallel_loop3A_213 = arith.index_cast %parallel_loop3A_212 : i32 to index
        %parallel_loop3A_214 = tpu.vector_load %arg7[%parallel_loop3A_213] {strides = array<i32>} : memref<17024xf32, #tpu.memory_space<vmem>>, vector<16xf32>,
        %parallel_loop3A_215 = arith.mulf %parallel_loop3A_214, %get3A_11 : vector<16xf32>
        %parallel_loop3A_216 = arith.addf %parallel_loop3A_188, %parallel_loop3A_215 : vector<16xf32>
        %parallel_loop3A_217 = arith.constant 16 : i32
        %parallel_loop3A_218 = arith.addi %parallel_loop3A_169, %parallel_loop3A_217 : i32
        %parallel_loop3A_219 = arith.index_cast %parallel_loop3A_218 : i32 to index
        %parallel_loop3A_220 = tpu.vector_load %arg7[%parallel_loop3A_219] {strides = array<i32>} : memref<17024xf32, #tpu.memory_space<vmem>>, vector<16xf32>,
        %parallel_loop3A_221 = arith.mulf %parallel_loop3A_220, %get3A_11 : vector<16xf32>
        %parallel_loop3A_222 = arith.addf %parallel_loop3A_193, %parallel_loop3A_221 : vector<16xf32>
        %parallel_loop3A_223 = arith.constant 16 : i32
        %parallel_loop3A_224 = arith.addi %parallel_loop3A_173, %parallel_loop3A_223 : i32
        %parallel_loop3A_225 = arith.index_cast %parallel_loop3A_224 : i32 to index
        %parallel_loop3A_226 = tpu.vector_load %arg7[%parallel_loop3A_225] {strides = array<i32>} : memref<17024xf32, #tpu.memory_space<vmem>>, vector<16xf32>,
        %parallel_loop3A_227 = arith.mulf %parallel_loop3A_226, %get3A_11 : vector<16xf32>
        %parallel_loop3A_228 = arith.addf %parallel_loop3A_198, %parallel_loop3A_227 : vector<16xf32>
        %parallel_loop3A_229 = arith.constant 32 : i32
        %parallel_loop3A_230 = arith.addi %parallel_loop3A_157, %parallel_loop3A_229 : i32
        %parallel_loop3A_231 = arith.index_cast %parallel_loop3A_230 : i32 to index
        %parallel_loop3A_232 = tpu.vector_load %arg7[%parallel_loop3A_231] {strides = array<i32>} : memref<17024xf32, #tpu.memory_space<vmem>>, vector<16xf32>,
        %parallel_loop3A_233 = arith.mulf %parallel_loop3A_232, %get3A_13 : vector<16xf32>
        %parallel_loop3A_234 = arith.addf %parallel_loop3A_204, %parallel_loop3A_233 : vector<16xf32>
        %parallel_loop3A_235 = arith.constant 32 : i32
        %parallel_loop3A_236 = arith.addi %parallel_loop3A_161, %parallel_loop3A_235 : i32
        %parallel_loop3A_237 = arith.index_cast %parallel_loop3A_236 : i32 to index
        %parallel_loop3A_238 = tpu.vector_load %arg7[%parallel_loop3A_237] {strides = array<i32>} : memref<17024xf32, #tpu.memory_space<vmem>>, vector<16xf32>,
        %parallel_loop3A_239 = arith.mulf %parallel_loop3A_238, %get3A_13 : vector<16xf32>
        %parallel_loop3A_240 = arith.addf %parallel_loop3A_210, %parallel_loop3A_239 : vector<16xf32>
        %parallel_loop3A_241 = arith.constant 32 : i32
        %parallel_loop3A_242 = arith.addi %parallel_loop3A_165, %parallel_loop3A_241 : i32
        %parallel_loop3A_243 = arith.index_cast %parallel_loop3A_242 : i32 to index
        %parallel_loop3A_244 = tpu.vector_load %arg7[%parallel_loop3A_243] {strides = array<i32>} : memref<17024xf32, #tpu.memory_space<vmem>>, vector<16xf32>,
        %parallel_loop3A_245 = arith.mulf %parallel_loop3A_244, %get3A_13 : vector<16xf32>
        %parallel_loop3A_246 = arith.addf %parallel_loop3A_216, %parallel_loop3A_245 : vector<16xf32>
        %parallel_loop3A_247 = arith.constant 32 : i32
        %parallel_loop3A_248 = arith.addi %parallel_loop3A_169, %parallel_loop3A_247 : i32
        %parallel_loop3A_249 = arith.index_cast %parallel_loop3A_248 : i32 to index
        %parallel_loop3A_250 = tpu.vector_load %arg7[%parallel_loop3A_249] {strides = array<i32>} : memref<17024xf32, #tpu.memory_space<vmem>>, vector<16xf32>,
        %parallel_loop3A_251 = arith.mulf %parallel_loop3A_250, %get3A_13 : vector<16xf32>
        %parallel_loop3A_252 = arith.addf %parallel_loop3A_222, %parallel_loop3A_251 : vector<16xf32>
        %parallel_loop3A_253 = arith.constant 32 : i32
        %parallel_loop3A_254 = arith.addi %parallel_loop3A_173, %parallel_loop3A_253 : i32
        %parallel_loop3A_255 = arith.index_cast %parallel_loop3A_254 : i32 to index
        %parallel_loop3A_256 = tpu.vector_load %arg7[%parallel_loop3A_255] {strides = array<i32>} : memref<17024xf32, #tpu.memory_space<vmem>>, vector<16xf32>,
        %parallel_loop3A_257 = arith.mulf %parallel_loop3A_256, %get3A_13 : vector<16xf32>
        %parallel_loop3A_258 = arith.addf %parallel_loop3A_228, %parallel_loop3A_257 : vector<16xf32>
        %parallel_loop3A_259 = arith.constant 48 : i32
        %parallel_loop3A_260 = arith.addi %parallel_loop3A_157, %parallel_loop3A_259 : i32
        %parallel_loop3A_261 = arith.index_cast %parallel_loop3A_260 : i32 to index
        %parallel_loop3A_262 = tpu.vector_load %arg7[%parallel_loop3A_261] {strides = array<i32>} : memref<17024xf32, #tpu.memory_space<vmem>>, vector<16xf32>,
        %parallel_loop3A_263 = arith.mulf %parallel_loop3A_262, %get3A_15 : vector<16xf32>
        %parallel_loop3A_264 = arith.addf %parallel_loop3A_234, %parallel_loop3A_263 : vector<16xf32>
        %parallel_loop3A_265 = arith.constant 48 : i32
        %parallel_loop3A_266 = arith.addi %parallel_loop3A_161, %parallel_loop3A_265 : i32
        %parallel_loop3A_267 = arith.index_cast %parallel_loop3A_266 : i32 to index
        %parallel_loop3A_268 = tpu.vector_load %arg7[%parallel_loop3A_267] {strides = array<i32>} : memref<17024xf32, #tpu.memory_space<vmem>>, vector<16xf32>,
        %parallel_loop3A_269 = arith.mulf %parallel_loop3A_268, %get3A_15 : vector<16xf32>
        %parallel_loop3A_270 = arith.addf %parallel_loop3A_240, %parallel_loop3A_269 : vector<16xf32>
        %parallel_loop3A_271 = arith.constant 48 : i32
        %parallel_loop3A_272 = arith.addi %parallel_loop3A_165, %parallel_loop3A_271 : i32
        %parallel_loop3A_273 = arith.index_cast %parallel_loop3A_272 : i32 to index
        %parallel_loop3A_274 = tpu.vector_load %arg7[%parallel_loop3A_273] {strides = array<i32>} : memref<17024xf32, #tpu.memory_space<vmem>>, vector<16xf32>,
        %parallel_loop3A_275 = arith.mulf %parallel_loop3A_274, %get3A_15 : vector<16xf32>
        %parallel_loop3A_276 = arith.addf %parallel_loop3A_246, %parallel_loop3A_275 : vector<16xf32>
        %parallel_loop3A_277 = arith.constant 48 : i32
        %parallel_loop3A_278 = arith.addi %parallel_loop3A_169, %parallel_loop3A_277 : i32
        %parallel_loop3A_279 = arith.index_cast %parallel_loop3A_278 : i32 to index
        %parallel_loop3A_280 = tpu.vector_load %arg7[%parallel_loop3A_279] {strides = array<i32>} : memref<17024xf32, #tpu.memory_space<vmem>>, vector<16xf32>,
        %parallel_loop3A_281 = arith.mulf %parallel_loop3A_280, %get3A_15 : vector<16xf32>
        %parallel_loop3A_282 = arith.addf %parallel_loop3A_252, %parallel_loop3A_281 : vector<16xf32>
        %parallel_loop3A_283 = arith.constant 48 : i32
        %parallel_loop3A_284 = arith.addi %parallel_loop3A_173, %parallel_loop3A_283 : i32
        %parallel_loop3A_285 = arith.index_cast %parallel_loop3A_284 : i32 to index
        %parallel_loop3A_286 = tpu.vector_load %arg7[%parallel_loop3A_285] {strides = array<i32>} : memref<17024xf32, #tpu.memory_space<vmem>>, vector<16xf32>,
        %parallel_loop3A_287 = arith.mulf %parallel_loop3A_286, %get3A_15 : vector<16xf32>
        %parallel_loop3A_288 = arith.addf %parallel_loop3A_258, %parallel_loop3A_287 : vector<16xf32>
        %parallel_loop3A_289 = arith.constant 64 : i32
        %parallel_loop3A_290 = arith.addi %parallel_loop3A_157, %parallel_loop3A_289 : i32
        %parallel_loop3A_291 = arith.index_cast %parallel_loop3A_290 : i32 to index
        %parallel_loop3A_292 = tpu.vector_load %arg7[%parallel_loop3A_291] {strides = array<i32>} : memref<17024xf32, #tpu.memory_space<vmem>>, vector<16xf32>,
        %parallel_loop3A_293 = arith.mulf %parallel_loop3A_292, %get3A_17 : vector<16xf32>
        %parallel_loop3A_294 = arith.addf %parallel_loop3A_264, %parallel_loop3A_293 : vector<16xf32>
        %parallel_loop3A_295 = arith.constant 64 : i32
        %parallel_loop3A_296 = arith.addi %parallel_loop3A_161, %parallel_loop3A_295 : i32
        %parallel_loop3A_297 = arith.index_cast %parallel_loop3A_296 : i32 to index
        %parallel_loop3A_298 = tpu.vector_load %arg7[%parallel_loop3A_297] {strides = array<i32>} : memref<17024xf32, #tpu.memory_space<vmem>>, vector<16xf32>,
        %parallel_loop3A_299 = arith.mulf %parallel_loop3A_298, %get3A_17 : vector<16xf32>
        %parallel_loop3A_300 = arith.addf %parallel_loop3A_270, %parallel_loop3A_299 : vector<16xf32>
        %parallel_loop3A_301 = arith.constant 64 : i32
        %parallel_loop3A_302 = arith.addi %parallel_loop3A_165, %parallel_loop3A_301 : i32
        %parallel_loop3A_303 = arith.index_cast %parallel_loop3A_302 : i32 to index
        %parallel_loop3A_304 = tpu.vector_load %arg7[%parallel_loop3A_303] {strides = array<i32>} : memref<17024xf32, #tpu.memory_space<vmem>>, vector<16xf32>,
        %parallel_loop3A_305 = arith.mulf %parallel_loop3A_304, %get3A_17 : vector<16xf32>
        %parallel_loop3A_306 = arith.addf %parallel_loop3A_276, %parallel_loop3A_305 : vector<16xf32>
        %parallel_loop3A_307 = arith.constant 64 : i32
        %parallel_loop3A_308 = arith.addi %parallel_loop3A_169, %parallel_loop3A_307 : i32
        %parallel_loop3A_309 = arith.index_cast %parallel_loop3A_308 : i32 to index
        %parallel_loop3A_310 = tpu.vector_load %arg7[%parallel_loop3A_309] {strides = array<i32>} : memref<17024xf32, #tpu.memory_space<vmem>>, vector<16xf32>,
        %parallel_loop3A_311 = arith.mulf %parallel_loop3A_310, %get3A_17 : vector<16xf32>
        %parallel_loop3A_312 = arith.addf %parallel_loop3A_282, %parallel_loop3A_311 : vector<16xf32>
        %parallel_loop3A_313 = arith.constant 64 : i32
        %parallel_loop3A_314 = arith.addi %parallel_loop3A_173, %parallel_loop3A_313 : i32
        %parallel_loop3A_315 = arith.index_cast %parallel_loop3A_314 : i32 to index
        %parallel_loop3A_316 = tpu.vector_load %arg7[%parallel_loop3A_315] {strides = array<i32>} : memref<17024xf32, #tpu.memory_space<vmem>>, vector<16xf32>,
        %parallel_loop3A_317 = arith.mulf %parallel_loop3A_316, %get3A_17 : vector<16xf32>
        %parallel_loop3A_318 = arith.addf %parallel_loop3A_288, %parallel_loop3A_317 : vector<16xf32>
        %parallel_loop3A_319 = arith.constant 80 : i32
        %parallel_loop3A_320 = arith.addi %parallel_loop3A_157, %parallel_loop3A_319 : i32
        %parallel_loop3A_321 = arith.index_cast %parallel_loop3A_320 : i32 to index
        %parallel_loop3A_322 = tpu.vector_load %arg7[%parallel_loop3A_321] {strides = array<i32>} : memref<17024xf32, #tpu.memory_space<vmem>>, vector<16xf32>,
        %parallel_loop3A_323 = arith.mulf %parallel_loop3A_322, %get3A_19 : vector<16xf32>
        %parallel_loop3A_324 = arith.addf %parallel_loop3A_294, %parallel_loop3A_323 : vector<16xf32>
        %parallel_loop3A_325 = arith.constant 80 : i32
        %parallel_loop3A_326 = arith.addi %parallel_loop3A_161, %parallel_loop3A_325 : i32
        %parallel_loop3A_327 = arith.index_cast %parallel_loop3A_326 : i32 to index
        %parallel_loop3A_328 = tpu.vector_load %arg7[%parallel_loop3A_327] {strides = array<i32>} : memref<17024xf32, #tpu.memory_space<vmem>>, vector<16xf32>,
        %parallel_loop3A_329 = arith.mulf %parallel_loop3A_328, %get3A_19 : vector<16xf32>
        %parallel_loop3A_330 = arith.addf %parallel_loop3A_300, %parallel_loop3A_329 : vector<16xf32>
        %parallel_loop3A_331 = arith.constant 80 : i32
        %parallel_loop3A_332 = arith.addi %parallel_loop3A_165, %parallel_loop3A_331 : i32
        %parallel_loop3A_333 = arith.index_cast %parallel_loop3A_332 : i32 to index
        %parallel_loop3A_334 = tpu.vector_load %arg7[%parallel_loop3A_333] {strides = array<i32>} : memref<17024xf32, #tpu.memory_space<vmem>>, vector<16xf32>,
        %parallel_loop3A_335 = arith.mulf %parallel_loop3A_334, %get3A_19 : vector<16xf32>
        %parallel_loop3A_336 = arith.addf %parallel_loop3A_306, %parallel_loop3A_335 : vector<16xf32>
        %parallel_loop3A_337 = arith.constant 80 : i32
        %parallel_loop3A_338 = arith.addi %parallel_loop3A_169, %parallel_loop3A_337 : i32
        %parallel_loop3A_339 = arith.index_cast %parallel_loop3A_338 : i32 to index
        %parallel_loop3A_340 = tpu.vector_load %arg7[%parallel_loop3A_339] {strides = array<i32>} : memref<17024xf32, #tpu.memory_space<vmem>>, vector<16xf32>,
        %parallel_loop3A_341 = arith.mulf %parallel_loop3A_340, %get3A_19 : vector<16xf32>
        %parallel_loop3A_342 = arith.addf %parallel_loop3A_312, %parallel_loop3A_341 : vector<16xf32>
        %parallel_loop3A_343 = arith.constant 80 : i32
        %parallel_loop3A_344 = arith.addi %parallel_loop3A_173, %parallel_loop3A_343 : i32
        %parallel_loop3A_345 = arith.index_cast %parallel_loop3A_344 : i32 to index
        %parallel_loop3A_346 = tpu.vector_load %arg7[%parallel_loop3A_345] {strides = array<i32>} : memref<17024xf32, #tpu.memory_space<vmem>>, vector<16xf32>,
        %parallel_loop3A_347 = arith.mulf %parallel_loop3A_346, %get3A_19 : vector<16xf32>
        %parallel_loop3A_348 = arith.addf %parallel_loop3A_318, %parallel_loop3A_347 : vector<16xf32>
        %parallel_loop3A_349 = arith.constant 96 : i32
        %parallel_loop3A_350 = arith.addi %parallel_loop3A_157, %parallel_loop3A_349 : i32
        %parallel_loop3A_351 = arith.index_cast %parallel_loop3A_350 : i32 to index
        %parallel_loop3A_352 = tpu.vector_load %arg7[%parallel_loop3A_351] {strides = array<i32>} : memref<17024xf32, #tpu.memory_space<vmem>>, vector<16xf32>,
        %parallel_loop3A_353 = arith.mulf %parallel_loop3A_352, %get3A_21 : vector<16xf32>
        %parallel_loop3A_354 = arith.addf %parallel_loop3A_324, %parallel_loop3A_353 : vector<16xf32>
        %parallel_loop3A_355 = arith.constant 96 : i32
        %parallel_loop3A_356 = arith.addi %parallel_loop3A_161, %parallel_loop3A_355 : i32
        %parallel_loop3A_357 = arith.index_cast %parallel_loop3A_356 : i32 to index
        %parallel_loop3A_358 = tpu.vector_load %arg7[%parallel_loop3A_357] {strides = array<i32>} : memref<17024xf32, #tpu.memory_space<vmem>>, vector<16xf32>,
        %parallel_loop3A_359 = arith.mulf %parallel_loop3A_358, %get3A_21 : vector<16xf32>
        %parallel_loop3A_360 = arith.addf %parallel_loop3A_330, %parallel_loop3A_359 : vector<16xf32>
        %parallel_loop3A_361 = arith.constant 96 : i32
        %parallel_loop3A_362 = arith.addi %parallel_loop3A_165, %parallel_loop3A_361 : i32
        %parallel_loop3A_363 = arith.index_cast %parallel_loop3A_362 : i32 to index
        %parallel_loop3A_364 = tpu.vector_load %arg7[%parallel_loop3A_363] {strides = array<i32>} : memref<17024xf32, #tpu.memory_space<vmem>>, vector<16xf32>,
        %parallel_loop3A_365 = arith.mulf %parallel_loop3A_364, %get3A_21 : vector<16xf32>
        %parallel_loop3A_366 = arith.addf %parallel_loop3A_336, %parallel_loop3A_365 : vector<16xf32>
        %parallel_loop3A_367 = arith.constant 96 : i32
        %parallel_loop3A_368 = arith.addi %parallel_loop3A_169, %parallel_loop3A_367 : i32
        %parallel_loop3A_369 = arith.index_cast %parallel_loop3A_368 : i32 to index
        %parallel_loop3A_370 = tpu.vector_load %arg7[%parallel_loop3A_369] {strides = array<i32>} : memref<17024xf32, #tpu.memory_space<vmem>>, vector<16xf32>,
        %parallel_loop3A_371 = arith.mulf %parallel_loop3A_370, %get3A_21 : vector<16xf32>
        %parallel_loop3A_372 = arith.addf %parallel_loop3A_342, %parallel_loop3A_371 : vector<16xf32>
        %parallel_loop3A_373 = arith.constant 96 : i32
        %parallel_loop3A_374 = arith.addi %parallel_loop3A_173, %parallel_loop3A_373 : i32
        %parallel_loop3A_375 = arith.index_cast %parallel_loop3A_374 : i32 to index
        %parallel_loop3A_376 = tpu.vector_load %arg7[%parallel_loop3A_375] {strides = array<i32>} : memref<17024xf32, #tpu.memory_space<vmem>>, vector<16xf32>,
        %parallel_loop3A_377 = arith.mulf %parallel_loop3A_376, %get3A_21 : vector<16xf32>
        %parallel_loop3A_378 = arith.addf %parallel_loop3A_348, %parallel_loop3A_377 : vector<16xf32>
        %parallel_loop3A_379 = arith.constant 112 : i32
        %parallel_loop3A_380 = arith.addi %parallel_loop3A_157, %parallel_loop3A_379 : i32
        %parallel_loop3A_381 = arith.index_cast %parallel_loop3A_380 : i32 to index
        %parallel_loop3A_382 = tpu.vector_load %arg7[%parallel_loop3A_381] {strides = array<i32>} : memref<17024xf32, #tpu.memory_space<vmem>>, vector<16xf32>,
        %parallel_loop3A_383 = arith.mulf %parallel_loop3A_382, %get3A_23 : vector<16xf32>
        %parallel_loop3A_384 = arith.addf %parallel_loop3A_354, %parallel_loop3A_383 : vector<16xf32>
        %parallel_loop3A_385 = arith.constant 112 : i32
        %parallel_loop3A_386 = arith.addi %parallel_loop3A_161, %parallel_loop3A_385 : i32
        %parallel_loop3A_387 = arith.index_cast %parallel_loop3A_386 : i32 to index
        %parallel_loop3A_388 = tpu.vector_load %arg7[%parallel_loop3A_387] {strides = array<i32>} : memref<17024xf32, #tpu.memory_space<vmem>>, vector<16xf32>,
        %parallel_loop3A_389 = arith.mulf %parallel_loop3A_388, %get3A_23 : vector<16xf32>
        %parallel_loop3A_390 = arith.addf %parallel_loop3A_360, %parallel_loop3A_389 : vector<16xf32>
        %parallel_loop3A_391 = arith.constant 112 : i32
        %parallel_loop3A_392 = arith.addi %parallel_loop3A_165, %parallel_loop3A_391 : i32
        %parallel_loop3A_393 = arith.index_cast %parallel_loop3A_392 : i32 to index
        %parallel_loop3A_394 = tpu.vector_load %arg7[%parallel_loop3A_393] {strides = array<i32>} : memref<17024xf32, #tpu.memory_space<vmem>>, vector<16xf32>,
        %parallel_loop3A_395 = arith.mulf %parallel_loop3A_394, %get3A_23 : vector<16xf32>
        %parallel_loop3A_396 = arith.addf %parallel_loop3A_366, %parallel_loop3A_395 : vector<16xf32>
        %parallel_loop3A_397 = arith.constant 112 : i32
        %parallel_loop3A_398 = arith.addi %parallel_loop3A_169, %parallel_loop3A_397 : i32
        %parallel_loop3A_399 = arith.index_cast %parallel_loop3A_398 : i32 to index
        %parallel_loop3A_400 = tpu.vector_load %arg7[%parallel_loop3A_399] {strides = array<i32>} : memref<17024xf32, #tpu.memory_space<vmem>>, vector<16xf32>,
        %parallel_loop3A_401 = arith.mulf %parallel_loop3A_400, %get3A_23 : vector<16xf32>
        %parallel_loop3A_402 = arith.addf %parallel_loop3A_372, %parallel_loop3A_401 : vector<16xf32>
        %parallel_loop3A_403 = arith.constant 112 : i32
        %parallel_loop3A_404 = arith.addi %parallel_loop3A_173, %parallel_loop3A_403 : i32
        %parallel_loop3A_405 = arith.index_cast %parallel_loop3A_404 : i32 to index
        %parallel_loop3A_406 = tpu.vector_load %arg7[%parallel_loop3A_405] {strides = array<i32>} : memref<17024xf32, #tpu.memory_space<vmem>>, vector<16xf32>,
        %parallel_loop3A_407 = arith.mulf %parallel_loop3A_406, %get3A_23 : vector<16xf32>
        %parallel_loop3A_408 = arith.addf %parallel_loop3A_378, %parallel_loop3A_407 : vector<16xf32>
        %parallel_loop3A_409 = arith.constant true
        %parallel_loop3A_410 = vector.broadcast %parallel_loop3A_409 : i1 to vector<16xi1>
        %parallel_loop3A_411 = tpu.scan <sum>, %parallel_loop3A_384 masked %parallel_loop3A_410 : vector<16xf32>, vector<16xi1> -> vector<16xf32>
        %parallel_loop3A_412 = vector.extract %parallel_loop3A_411[15] : f32 from vector<16xf32>
        %parallel_loop3A_413 = vector.broadcast %parallel_loop3A_412 : f32 to vector<16xf32>
        %parallel_loop3A_414 = math.exp %parallel_loop3A_413 : vector<16xf32>
        %parallel_loop3A_415 = arith.addf %parallel_loop3A_115, %parallel_loop3A_414 : vector<16xf32>
        %parallel_loop3A_416 = arith.constant true
        %parallel_loop3A_417 = vector.broadcast %parallel_loop3A_416 : i1 to vector<16xi1>
        %parallel_loop3A_418 = tpu.scan <sum>, %parallel_loop3A_390 masked %parallel_loop3A_417 : vector<16xf32>, vector<16xi1> -> vector<16xf32>
        %parallel_loop3A_419 = vector.extract %parallel_loop3A_418[15] : f32 from vector<16xf32>
        %parallel_loop3A_420 = vector.broadcast %parallel_loop3A_419 : f32 to vector<16xf32>
        %parallel_loop3A_421 = math.exp %parallel_loop3A_420 : vector<16xf32>
        %parallel_loop3A_422 = arith.addf %parallel_loop3A_415, %parallel_loop3A_421 : vector<16xf32>
        %parallel_loop3A_423 = arith.constant true
        %parallel_loop3A_424 = vector.broadcast %parallel_loop3A_423 : i1 to vector<16xi1>
        %parallel_loop3A_425 = tpu.scan <sum>, %parallel_loop3A_396 masked %parallel_loop3A_424 : vector<16xf32>, vector<16xi1> -> vector<16xf32>
        %parallel_loop3A_426 = vector.extract %parallel_loop3A_425[15] : f32 from vector<16xf32>
        %parallel_loop3A_427 = vector.broadcast %parallel_loop3A_426 : f32 to vector<16xf32>
        %parallel_loop3A_428 = math.exp %parallel_loop3A_427 : vector<16xf32>
        %parallel_loop3A_429 = arith.addf %parallel_loop3A_422, %parallel_loop3A_428 : vector<16xf32>
        %parallel_loop3A_430 = arith.constant true
        %parallel_loop3A_431 = vector.broadcast %parallel_loop3A_430 : i1 to vector<16xi1>
        %parallel_loop3A_432 = tpu.scan <sum>, %parallel_loop3A_402 masked %parallel_loop3A_431 : vector<16xf32>, vector<16xi1> -> vector<16xf32>
        %parallel_loop3A_433 = vector.extract %parallel_loop3A_432[15] : f32 from vector<16xf32>
        %parallel_loop3A_434 = vector.broadcast %parallel_loop3A_433 : f32 to vector<16xf32>
        %parallel_loop3A_435 = math.exp %parallel_loop3A_434 : vector<16xf32>
        %parallel_loop3A_436 = arith.addf %parallel_loop3A_429, %parallel_loop3A_435 : vector<16xf32>
        %parallel_loop3A_437 = arith.constant true
        %parallel_loop3A_438 = vector.broadcast %parallel_loop3A_437 : i1 to vector<16xi1>
        %parallel_loop3A_439 = tpu.scan <sum>, %parallel_loop3A_408 masked %parallel_loop3A_438 : vector<16xf32>, vector<16xi1> -> vector<16xf32>
        %parallel_loop3A_440 = vector.extract %parallel_loop3A_439[15] : f32 from vector<16xf32>
        %parallel_loop3A_441 = vector.broadcast %parallel_loop3A_440 : f32 to vector<16xf32>
        %parallel_loop3A_442 = math.exp %parallel_loop3A_441 : vector<16xf32>
        %parallel_loop3A_443 = arith.addf %parallel_loop3A_436, %parallel_loop3A_442 : vector<16xf32>
        %parallel_loop3A_444 = arith.addi %parallel_loop3A_157, %min3A_26 : i32
        %parallel_loop3A_445 = arith.constant 0 : i32
        %parallel_loop3A_446 = arith.addi %parallel_loop3A_444, %parallel_loop3A_445 : i32
        %parallel_loop3A_447 = arith.index_cast %parallel_loop3A_446 : i32 to index
        %parallel_loop3A_448 = tpu.vector_load %arg7[%parallel_loop3A_447] {strides = array<i32>} : memref<17024xf32, #tpu.memory_space<vmem>>, vector<16xf32>,
        %parallel_loop3A_449 = arith.mulf %parallel_loop3A_414, %parallel_loop3A_448 : vector<16xf32>
        %parallel_loop3A_450 = arith.addi %parallel_loop3A_161, %min3A_26 : i32
        %parallel_loop3A_451 = arith.constant 0 : i32
        %parallel_loop3A_452 = arith.addi %parallel_loop3A_450, %parallel_loop3A_451 : i32
        %parallel_loop3A_453 = arith.index_cast %parallel_loop3A_452 : i32 to index
        %parallel_loop3A_454 = tpu.vector_load %arg7[%parallel_loop3A_453] {strides = array<i32>} : memref<17024xf32, #tpu.memory_space<vmem>>, vector<16xf32>,
        %parallel_loop3A_455 = arith.mulf %parallel_loop3A_421, %parallel_loop3A_454 : vector<16xf32>
        %parallel_loop3A_456 = arith.addi %parallel_loop3A_165, %min3A_26 : i32
        %parallel_loop3A_457 = arith.constant 0 : i32
        %parallel_loop3A_458 = arith.addi %parallel_loop3A_456, %parallel_loop3A_457 : i32
        %parallel_loop3A_459 = arith.index_cast %parallel_loop3A_458 : i32 to index
        %parallel_loop3A_460 = tpu.vector_load %arg7[%parallel_loop3A_459] {strides = array<i32>} : memref<17024xf32, #tpu.memory_space<vmem>>, vector<16xf32>,
        %parallel_loop3A_461 = arith.mulf %parallel_loop3A_428, %parallel_loop3A_460 : vector<16xf32>
        %parallel_loop3A_462 = arith.addi %parallel_loop3A_169, %min3A_26 : i32
        %parallel_loop3A_463 = arith.constant 0 : i32
        %parallel_loop3A_464 = arith.addi %parallel_loop3A_462, %parallel_loop3A_463 : i32
        %parallel_loop3A_465 = arith.index_cast %parallel_loop3A_464 : i32 to index
        %parallel_loop3A_466 = tpu.vector_load %arg7[%parallel_loop3A_465] {strides = array<i32>} : memref<17024xf32, #tpu.memory_space<vmem>>, vector<16xf32>,
        %parallel_loop3A_467 = arith.mulf %parallel_loop3A_435, %parallel_loop3A_466 : vector<16xf32>
        %parallel_loop3A_468 = arith.addi %parallel_loop3A_173, %min3A_26 : i32
        %parallel_loop3A_469 = arith.constant 0 : i32
        %parallel_loop3A_470 = arith.addi %parallel_loop3A_468, %parallel_loop3A_469 : i32
        %parallel_loop3A_471 = arith.index_cast %parallel_loop3A_470 : i32 to index
        %parallel_loop3A_472 = tpu.vector_load %arg7[%parallel_loop3A_471] {strides = array<i32>} : memref<17024xf32, #tpu.memory_space<vmem>>, vector<16xf32>,
        %parallel_loop3A_473 = arith.mulf %parallel_loop3A_442, %parallel_loop3A_472 : vector<16xf32>
        %parallel_loop3A_474 = arith.constant 0 : i32
        %parallel_loop3A_475 = vector.broadcast %parallel_loop3A_474 : i32 to vector<16xi32>
        %parallel_loop3A_476 = arith.addi %parallel_loop3A_125, %parallel_loop3A_475 : vector<16xi32>
        tpu.vector_store_idx %arg11[%parallel_loop3A_476], %parallel_loop3A_449 {add = true} : memref<32768xf32, #tpu.memory_space<vmem>>[vector<16xi32>], vector<16xf32>,
        %parallel_loop3A_477 = arith.constant 0 : i32
        %parallel_loop3A_478 = vector.broadcast %parallel_loop3A_477 : i32 to vector<16xi32>
        %parallel_loop3A_479 = arith.addi %parallel_loop3A_132, %parallel_loop3A_478 : vector<16xi32>
        tpu.vector_store_idx %arg11[%parallel_loop3A_479], %parallel_loop3A_455 {add = true} : memref<32768xf32, #tpu.memory_space<vmem>>[vector<16xi32>], vector<16xf32>,
        %parallel_loop3A_480 = arith.constant 0 : i32
        %parallel_loop3A_481 = vector.broadcast %parallel_loop3A_480 : i32 to vector<16xi32>
        %parallel_loop3A_482 = arith.addi %parallel_loop3A_139, %parallel_loop3A_481 : vector<16xi32>
        tpu.vector_store_idx %arg11[%parallel_loop3A_482], %parallel_loop3A_461 {add = true} : memref<32768xf32, #tpu.memory_space<vmem>>[vector<16xi32>], vector<16xf32>,
        %parallel_loop3A_483 = arith.constant 0 : i32
        %parallel_loop3A_484 = vector.broadcast %parallel_loop3A_483 : i32 to vector<16xi32>
        %parallel_loop3A_485 = arith.addi %parallel_loop3A_146, %parallel_loop3A_484 : vector<16xi32>
        tpu.vector_store_idx %arg11[%parallel_loop3A_485], %parallel_loop3A_467 {add = true} : memref<32768xf32, #tpu.memory_space<vmem>>[vector<16xi32>], vector<16xf32>,
        %parallel_loop3A_486 = arith.constant 0 : i32
        %parallel_loop3A_487 = vector.broadcast %parallel_loop3A_486 : i32 to vector<16xi32>
        %parallel_loop3A_488 = arith.addi %parallel_loop3A_153, %parallel_loop3A_487 : vector<16xi32>
        tpu.vector_store_idx %arg11[%parallel_loop3A_488], %parallel_loop3A_473 {add = true} : memref<32768xf32, #tpu.memory_space<vmem>>[vector<16xi32>], vector<16xf32>,
        %parallel_loop3A_489 = arith.addi %parallel_loop3A_157, %min3A_26 : i32
        %parallel_loop3A_490 = arith.constant 16 : i32
        %parallel_loop3A_491 = arith.addi %parallel_loop3A_489, %parallel_loop3A_490 : i32
        %parallel_loop3A_492 = arith.index_cast %parallel_loop3A_491 : i32 to index
        %parallel_loop3A_493 = tpu.vector_load %arg7[%parallel_loop3A_492] {strides = array<i32>} : memref<17024xf32, #tpu.memory_space<vmem>>, vector<16xf32>,
        %parallel_loop3A_494 = arith.mulf %parallel_loop3A_414, %parallel_loop3A_493 : vector<16xf32>
        %parallel_loop3A_495 = arith.addi %parallel_loop3A_161, %min3A_26 : i32
        %parallel_loop3A_496 = arith.constant 16 : i32
        %parallel_loop3A_497 = arith.addi %parallel_loop3A_495, %parallel_loop3A_496 : i32
        %parallel_loop3A_498 = arith.index_cast %parallel_loop3A_497 : i32 to index
        %parallel_loop3A_499 = tpu.vector_load %arg7[%parallel_loop3A_498] {strides = array<i32>} : memref<17024xf32, #tpu.memory_space<vmem>>, vector<16xf32>,
        %parallel_loop3A_500 = arith.mulf %parallel_loop3A_421, %parallel_loop3A_499 : vector<16xf32>
        %parallel_loop3A_501 = arith.addi %parallel_loop3A_165, %min3A_26 : i32
        %parallel_loop3A_502 = arith.constant 16 : i32
        %parallel_loop3A_503 = arith.addi %parallel_loop3A_501, %parallel_loop3A_502 : i32
        %parallel_loop3A_504 = arith.index_cast %parallel_loop3A_503 : i32 to index
        %parallel_loop3A_505 = tpu.vector_load %arg7[%parallel_loop3A_504] {strides = array<i32>} : memref<17024xf32, #tpu.memory_space<vmem>>, vector<16xf32>,
        %parallel_loop3A_506 = arith.mulf %parallel_loop3A_428, %parallel_loop3A_505 : vector<16xf32>
        %parallel_loop3A_507 = arith.addi %parallel_loop3A_169, %min3A_26 : i32
        %parallel_loop3A_508 = arith.constant 16 : i32
        %parallel_loop3A_509 = arith.addi %parallel_loop3A_507, %parallel_loop3A_508 : i32
        %parallel_loop3A_510 = arith.index_cast %parallel_loop3A_509 : i32 to index
        %parallel_loop3A_511 = tpu.vector_load %arg7[%parallel_loop3A_510] {strides = array<i32>} : memref<17024xf32, #tpu.memory_space<vmem>>, vector<16xf32>,
        %parallel_loop3A_512 = arith.mulf %parallel_loop3A_435, %parallel_loop3A_511 : vector<16xf32>
        %parallel_loop3A_513 = arith.addi %parallel_loop3A_173, %min3A_26 : i32
        %parallel_loop3A_514 = arith.constant 16 : i32
        %parallel_loop3A_515 = arith.addi %parallel_loop3A_513, %parallel_loop3A_514 : i32
        %parallel_loop3A_516 = arith.index_cast %parallel_loop3A_515 : i32 to index
        %parallel_loop3A_517 = tpu.vector_load %arg7[%parallel_loop3A_516] {strides = array<i32>} : memref<17024xf32, #tpu.memory_space<vmem>>, vector<16xf32>,
        %parallel_loop3A_518 = arith.mulf %parallel_loop3A_442, %parallel_loop3A_517 : vector<16xf32>
        %parallel_loop3A_519 = arith.constant 16 : i32
        %parallel_loop3A_520 = vector.broadcast %parallel_loop3A_519 : i32 to vector<16xi32>
        %parallel_loop3A_521 = arith.addi %parallel_loop3A_125, %parallel_loop3A_520 : vector<16xi32>
        tpu.vector_store_idx %arg11[%parallel_loop3A_521], %parallel_loop3A_494 {add = true} : memref<32768xf32, #tpu.memory_space<vmem>>[vector<16xi32>], vector<16xf32>,
        %parallel_loop3A_522 = arith.constant 16 : i32
        %parallel_loop3A_523 = vector.broadcast %parallel_loop3A_522 : i32 to vector<16xi32>
        %parallel_loop3A_524 = arith.addi %parallel_loop3A_132, %parallel_loop3A_523 : vector<16xi32>
        tpu.vector_store_idx %arg11[%parallel_loop3A_524], %parallel_loop3A_500 {add = true} : memref<32768xf32, #tpu.memory_space<vmem>>[vector<16xi32>], vector<16xf32>,
        %parallel_loop3A_525 = arith.constant 16 : i32
        %parallel_loop3A_526 = vector.broadcast %parallel_loop3A_525 : i32 to vector<16xi32>
        %parallel_loop3A_527 = arith.addi %parallel_loop3A_139, %parallel_loop3A_526 : vector<16xi32>
        tpu.vector_store_idx %arg11[%parallel_loop3A_527], %parallel_loop3A_506 {add = true} : memref<32768xf32, #tpu.memory_space<vmem>>[vector<16xi32>], vector<16xf32>,
        %parallel_loop3A_528 = arith.constant 16 : i32
        %parallel_loop3A_529 = vector.broadcast %parallel_loop3A_528 : i32 to vector<16xi32>
        %parallel_loop3A_530 = arith.addi %parallel_loop3A_146, %parallel_loop3A_529 : vector<16xi32>
        tpu.vector_store_idx %arg11[%parallel_loop3A_530], %parallel_loop3A_512 {add = true} : memref<32768xf32, #tpu.memory_space<vmem>>[vector<16xi32>], vector<16xf32>,
        %parallel_loop3A_531 = arith.constant 16 : i32
        %parallel_loop3A_532 = vector.broadcast %parallel_loop3A_531 : i32 to vector<16xi32>
        %parallel_loop3A_533 = arith.addi %parallel_loop3A_153, %parallel_loop3A_532 : vector<16xi32>
        tpu.vector_store_idx %arg11[%parallel_loop3A_533], %parallel_loop3A_518 {add = true} : memref<32768xf32, #tpu.memory_space<vmem>>[vector<16xi32>], vector<16xf32>,
        %parallel_loop3A_534 = arith.addi %parallel_loop3A_157, %min3A_26 : i32
        %parallel_loop3A_535 = arith.constant 32 : i32
        %parallel_loop3A_536 = arith.addi %parallel_loop3A_534, %parallel_loop3A_535 : i32
        %parallel_loop3A_537 = arith.index_cast %parallel_loop3A_536 : i32 to index
        %parallel_loop3A_538 = tpu.vector_load %arg7[%parallel_loop3A_537] {strides = array<i32>} : memref<17024xf32, #tpu.memory_space<vmem>>, vector<16xf32>,
        %parallel_loop3A_539 = arith.mulf %parallel_loop3A_414, %parallel_loop3A_538 : vector<16xf32>
        %parallel_loop3A_540 = arith.addi %parallel_loop3A_161, %min3A_26 : i32
        %parallel_loop3A_541 = arith.constant 32 : i32
        %parallel_loop3A_542 = arith.addi %parallel_loop3A_540, %parallel_loop3A_541 : i32
        %parallel_loop3A_543 = arith.index_cast %parallel_loop3A_542 : i32 to index
        %parallel_loop3A_544 = tpu.vector_load %arg7[%parallel_loop3A_543] {strides = array<i32>} : memref<17024xf32, #tpu.memory_space<vmem>>, vector<16xf32>,
        %parallel_loop3A_545 = arith.mulf %parallel_loop3A_421, %parallel_loop3A_544 : vector<16xf32>
        %parallel_loop3A_546 = arith.addi %parallel_loop3A_165, %min3A_26 : i32
        %parallel_loop3A_547 = arith.constant 32 : i32
        %parallel_loop3A_548 = arith.addi %parallel_loop3A_546, %parallel_loop3A_547 : i32
        %parallel_loop3A_549 = arith.index_cast %parallel_loop3A_548 : i32 to index
        %parallel_loop3A_550 = tpu.vector_load %arg7[%parallel_loop3A_549] {strides = array<i32>} : memref<17024xf32, #tpu.memory_space<vmem>>, vector<16xf32>,
        %parallel_loop3A_551 = arith.mulf %parallel_loop3A_428, %parallel_loop3A_550 : vector<16xf32>
        %parallel_loop3A_552 = arith.addi %parallel_loop3A_169, %min3A_26 : i32
        %parallel_loop3A_553 = arith.constant 32 : i32
        %parallel_loop3A_554 = arith.addi %parallel_loop3A_552, %parallel_loop3A_553 : i32
        %parallel_loop3A_555 = arith.index_cast %parallel_loop3A_554 : i32 to index
        %parallel_loop3A_556 = tpu.vector_load %arg7[%parallel_loop3A_555] {strides = array<i32>} : memref<17024xf32, #tpu.memory_space<vmem>>, vector<16xf32>,
        %parallel_loop3A_557 = arith.mulf %parallel_loop3A_435, %parallel_loop3A_556 : vector<16xf32>
        %parallel_loop3A_558 = arith.addi %parallel_loop3A_173, %min3A_26 : i32
        %parallel_loop3A_559 = arith.constant 32 : i32
        %parallel_loop3A_560 = arith.addi %parallel_loop3A_558, %parallel_loop3A_559 : i32
        %parallel_loop3A_561 = arith.index_cast %parallel_loop3A_560 : i32 to index
        %parallel_loop3A_562 = tpu.vector_load %arg7[%parallel_loop3A_561] {strides = array<i32>} : memref<17024xf32, #tpu.memory_space<vmem>>, vector<16xf32>,
        %parallel_loop3A_563 = arith.mulf %parallel_loop3A_442, %parallel_loop3A_562 : vector<16xf32>
        %parallel_loop3A_564 = arith.constant 32 : i32
        %parallel_loop3A_565 = vector.broadcast %parallel_loop3A_564 : i32 to vector<16xi32>
        %parallel_loop3A_566 = arith.addi %parallel_loop3A_125, %parallel_loop3A_565 : vector<16xi32>
        tpu.vector_store_idx %arg11[%parallel_loop3A_566], %parallel_loop3A_539 {add = true} : memref<32768xf32, #tpu.memory_space<vmem>>[vector<16xi32>], vector<16xf32>,
        %parallel_loop3A_567 = arith.constant 32 : i32
        %parallel_loop3A_568 = vector.broadcast %parallel_loop3A_567 : i32 to vector<16xi32>
        %parallel_loop3A_569 = arith.addi %parallel_loop3A_132, %parallel_loop3A_568 : vector<16xi32>
        tpu.vector_store_idx %arg11[%parallel_loop3A_569], %parallel_loop3A_545 {add = true} : memref<32768xf32, #tpu.memory_space<vmem>>[vector<16xi32>], vector<16xf32>,
        %parallel_loop3A_570 = arith.constant 32 : i32
        %parallel_loop3A_571 = vector.broadcast %parallel_loop3A_570 : i32 to vector<16xi32>
        %parallel_loop3A_572 = arith.addi %parallel_loop3A_139, %parallel_loop3A_571 : vector<16xi32>
        tpu.vector_store_idx %arg11[%parallel_loop3A_572], %parallel_loop3A_551 {add = true} : memref<32768xf32, #tpu.memory_space<vmem>>[vector<16xi32>], vector<16xf32>,
        %parallel_loop3A_573 = arith.constant 32 : i32
        %parallel_loop3A_574 = vector.broadcast %parallel_loop3A_573 : i32 to vector<16xi32>
        %parallel_loop3A_575 = arith.addi %parallel_loop3A_146, %parallel_loop3A_574 : vector<16xi32>
        tpu.vector_store_idx %arg11[%parallel_loop3A_575], %parallel_loop3A_557 {add = true} : memref<32768xf32, #tpu.memory_space<vmem>>[vector<16xi32>], vector<16xf32>,
        %parallel_loop3A_576 = arith.constant 32 : i32
        %parallel_loop3A_577 = vector.broadcast %parallel_loop3A_576 : i32 to vector<16xi32>
        %parallel_loop3A_578 = arith.addi %parallel_loop3A_153, %parallel_loop3A_577 : vector<16xi32>
        tpu.vector_store_idx %arg11[%parallel_loop3A_578], %parallel_loop3A_563 {add = true} : memref<32768xf32, #tpu.memory_space<vmem>>[vector<16xi32>], vector<16xf32>,
        %parallel_loop3A_579 = arith.addi %parallel_loop3A_157, %min3A_26 : i32
        %parallel_loop3A_580 = arith.constant 48 : i32
        %parallel_loop3A_581 = arith.addi %parallel_loop3A_579, %parallel_loop3A_580 : i32
        %parallel_loop3A_582 = arith.index_cast %parallel_loop3A_581 : i32 to index
        %parallel_loop3A_583 = tpu.vector_load %arg7[%parallel_loop3A_582] {strides = array<i32>} : memref<17024xf32, #tpu.memory_space<vmem>>, vector<16xf32>,
        %parallel_loop3A_584 = arith.mulf %parallel_loop3A_414, %parallel_loop3A_583 : vector<16xf32>
        %parallel_loop3A_585 = arith.addi %parallel_loop3A_161, %min3A_26 : i32
        %parallel_loop3A_586 = arith.constant 48 : i32
        %parallel_loop3A_587 = arith.addi %parallel_loop3A_585, %parallel_loop3A_586 : i32
        %parallel_loop3A_588 = arith.index_cast %parallel_loop3A_587 : i32 to index
        %parallel_loop3A_589 = tpu.vector_load %arg7[%parallel_loop3A_588] {strides = array<i32>} : memref<17024xf32, #tpu.memory_space<vmem>>, vector<16xf32>,
        %parallel_loop3A_590 = arith.mulf %parallel_loop3A_421, %parallel_loop3A_589 : vector<16xf32>
        %parallel_loop3A_591 = arith.addi %parallel_loop3A_165, %min3A_26 : i32
        %parallel_loop3A_592 = arith.constant 48 : i32
        %parallel_loop3A_593 = arith.addi %parallel_loop3A_591, %parallel_loop3A_592 : i32
        %parallel_loop3A_594 = arith.index_cast %parallel_loop3A_593 : i32 to index
        %parallel_loop3A_595 = tpu.vector_load %arg7[%parallel_loop3A_594] {strides = array<i32>} : memref<17024xf32, #tpu.memory_space<vmem>>, vector<16xf32>,
        %parallel_loop3A_596 = arith.mulf %parallel_loop3A_428, %parallel_loop3A_595 : vector<16xf32>
        %parallel_loop3A_597 = arith.addi %parallel_loop3A_169, %min3A_26 : i32
        %parallel_loop3A_598 = arith.constant 48 : i32
        %parallel_loop3A_599 = arith.addi %parallel_loop3A_597, %parallel_loop3A_598 : i32
        %parallel_loop3A_600 = arith.index_cast %parallel_loop3A_599 : i32 to index
        %parallel_loop3A_601 = tpu.vector_load %arg7[%parallel_loop3A_600] {strides = array<i32>} : memref<17024xf32, #tpu.memory_space<vmem>>, vector<16xf32>,
        %parallel_loop3A_602 = arith.mulf %parallel_loop3A_435, %parallel_loop3A_601 : vector<16xf32>
        %parallel_loop3A_603 = arith.addi %parallel_loop3A_173, %min3A_26 : i32
        %parallel_loop3A_604 = arith.constant 48 : i32
        %parallel_loop3A_605 = arith.addi %parallel_loop3A_603, %parallel_loop3A_604 : i32
        %parallel_loop3A_606 = arith.index_cast %parallel_loop3A_605 : i32 to index
        %parallel_loop3A_607 = tpu.vector_load %arg7[%parallel_loop3A_606] {strides = array<i32>} : memref<17024xf32, #tpu.memory_space<vmem>>, vector<16xf32>,
        %parallel_loop3A_608 = arith.mulf %parallel_loop3A_442, %parallel_loop3A_607 : vector<16xf32>
        %parallel_loop3A_609 = arith.constant 48 : i32
        %parallel_loop3A_610 = vector.broadcast %parallel_loop3A_609 : i32 to vector<16xi32>
        %parallel_loop3A_611 = arith.addi %parallel_loop3A_125, %parallel_loop3A_610 : vector<16xi32>
        tpu.vector_store_idx %arg11[%parallel_loop3A_611], %parallel_loop3A_584 {add = true} : memref<32768xf32, #tpu.memory_space<vmem>>[vector<16xi32>], vector<16xf32>,
        %parallel_loop3A_612 = arith.constant 48 : i32
        %parallel_loop3A_613 = vector.broadcast %parallel_loop3A_612 : i32 to vector<16xi32>
        %parallel_loop3A_614 = arith.addi %parallel_loop3A_132, %parallel_loop3A_613 : vector<16xi32>
        tpu.vector_store_idx %arg11[%parallel_loop3A_614], %parallel_loop3A_590 {add = true} : memref<32768xf32, #tpu.memory_space<vmem>>[vector<16xi32>], vector<16xf32>,
        %parallel_loop3A_615 = arith.constant 48 : i32
        %parallel_loop3A_616 = vector.broadcast %parallel_loop3A_615 : i32 to vector<16xi32>
        %parallel_loop3A_617 = arith.addi %parallel_loop3A_139, %parallel_loop3A_616 : vector<16xi32>
        tpu.vector_store_idx %arg11[%parallel_loop3A_617], %parallel_loop3A_596 {add = true} : memref<32768xf32, #tpu.memory_space<vmem>>[vector<16xi32>], vector<16xf32>,
        %parallel_loop3A_618 = arith.constant 48 : i32
        %parallel_loop3A_619 = vector.broadcast %parallel_loop3A_618 : i32 to vector<16xi32>
        %parallel_loop3A_620 = arith.addi %parallel_loop3A_146, %parallel_loop3A_619 : vector<16xi32>
        tpu.vector_store_idx %arg11[%parallel_loop3A_620], %parallel_loop3A_602 {add = true} : memref<32768xf32, #tpu.memory_space<vmem>>[vector<16xi32>], vector<16xf32>,
        %parallel_loop3A_621 = arith.constant 48 : i32
        %parallel_loop3A_622 = vector.broadcast %parallel_loop3A_621 : i32 to vector<16xi32>
        %parallel_loop3A_623 = arith.addi %parallel_loop3A_153, %parallel_loop3A_622 : vector<16xi32>
        tpu.vector_store_idx %arg11[%parallel_loop3A_623], %parallel_loop3A_608 {add = true} : memref<32768xf32, #tpu.memory_space<vmem>>[vector<16xi32>], vector<16xf32>,
        %parallel_loop3A_624 = arith.addi %parallel_loop3A_157, %min3A_26 : i32
        %parallel_loop3A_625 = arith.constant 64 : i32
        %parallel_loop3A_626 = arith.addi %parallel_loop3A_624, %parallel_loop3A_625 : i32
        %parallel_loop3A_627 = arith.index_cast %parallel_loop3A_626 : i32 to index
        %parallel_loop3A_628 = tpu.vector_load %arg7[%parallel_loop3A_627] {strides = array<i32>} : memref<17024xf32, #tpu.memory_space<vmem>>, vector<16xf32>,
        %parallel_loop3A_629 = arith.mulf %parallel_loop3A_414, %parallel_loop3A_628 : vector<16xf32>
        %parallel_loop3A_630 = arith.addi %parallel_loop3A_161, %min3A_26 : i32
        %parallel_loop3A_631 = arith.constant 64 : i32
        %parallel_loop3A_632 = arith.addi %parallel_loop3A_630, %parallel_loop3A_631 : i32
        %parallel_loop3A_633 = arith.index_cast %parallel_loop3A_632 : i32 to index
        %parallel_loop3A_634 = tpu.vector_load %arg7[%parallel_loop3A_633] {strides = array<i32>} : memref<17024xf32, #tpu.memory_space<vmem>>, vector<16xf32>,
        %parallel_loop3A_635 = arith.mulf %parallel_loop3A_421, %parallel_loop3A_634 : vector<16xf32>
        %parallel_loop3A_636 = arith.addi %parallel_loop3A_165, %min3A_26 : i32
        %parallel_loop3A_637 = arith.constant 64 : i32
        %parallel_loop3A_638 = arith.addi %parallel_loop3A_636, %parallel_loop3A_637 : i32
        %parallel_loop3A_639 = arith.index_cast %parallel_loop3A_638 : i32 to index
        %parallel_loop3A_640 = tpu.vector_load %arg7[%parallel_loop3A_639] {strides = array<i32>} : memref<17024xf32, #tpu.memory_space<vmem>>, vector<16xf32>,
        %parallel_loop3A_641 = arith.mulf %parallel_loop3A_428, %parallel_loop3A_640 : vector<16xf32>
        %parallel_loop3A_642 = arith.addi %parallel_loop3A_169, %min3A_26 : i32
        %parallel_loop3A_643 = arith.constant 64 : i32
        %parallel_loop3A_644 = arith.addi %parallel_loop3A_642, %parallel_loop3A_643 : i32
        %parallel_loop3A_645 = arith.index_cast %parallel_loop3A_644 : i32 to index
        %parallel_loop3A_646 = tpu.vector_load %arg7[%parallel_loop3A_645] {strides = array<i32>} : memref<17024xf32, #tpu.memory_space<vmem>>, vector<16xf32>,
        %parallel_loop3A_647 = arith.mulf %parallel_loop3A_435, %parallel_loop3A_646 : vector<16xf32>
        %parallel_loop3A_648 = arith.addi %parallel_loop3A_173, %min3A_26 : i32
        %parallel_loop3A_649 = arith.constant 64 : i32
        %parallel_loop3A_650 = arith.addi %parallel_loop3A_648, %parallel_loop3A_649 : i32
        %parallel_loop3A_651 = arith.index_cast %parallel_loop3A_650 : i32 to index
        %parallel_loop3A_652 = tpu.vector_load %arg7[%parallel_loop3A_651] {strides = array<i32>} : memref<17024xf32, #tpu.memory_space<vmem>>, vector<16xf32>,
        %parallel_loop3A_653 = arith.mulf %parallel_loop3A_442, %parallel_loop3A_652 : vector<16xf32>
        %parallel_loop3A_654 = arith.constant 64 : i32
        %parallel_loop3A_655 = vector.broadcast %parallel_loop3A_654 : i32 to vector<16xi32>
        %parallel_loop3A_656 = arith.addi %parallel_loop3A_125, %parallel_loop3A_655 : vector<16xi32>
        tpu.vector_store_idx %arg11[%parallel_loop3A_656], %parallel_loop3A_629 {add = true} : memref<32768xf32, #tpu.memory_space<vmem>>[vector<16xi32>], vector<16xf32>,
        %parallel_loop3A_657 = arith.constant 64 : i32
        %parallel_loop3A_658 = vector.broadcast %parallel_loop3A_657 : i32 to vector<16xi32>
        %parallel_loop3A_659 = arith.addi %parallel_loop3A_132, %parallel_loop3A_658 : vector<16xi32>
        tpu.vector_store_idx %arg11[%parallel_loop3A_659], %parallel_loop3A_635 {add = true} : memref<32768xf32, #tpu.memory_space<vmem>>[vector<16xi32>], vector<16xf32>,
        %parallel_loop3A_660 = arith.constant 64 : i32
        %parallel_loop3A_661 = vector.broadcast %parallel_loop3A_660 : i32 to vector<16xi32>
        %parallel_loop3A_662 = arith.addi %parallel_loop3A_139, %parallel_loop3A_661 : vector<16xi32>
        tpu.vector_store_idx %arg11[%parallel_loop3A_662], %parallel_loop3A_641 {add = true} : memref<32768xf32, #tpu.memory_space<vmem>>[vector<16xi32>], vector<16xf32>,
        %parallel_loop3A_663 = arith.constant 64 : i32
        %parallel_loop3A_664 = vector.broadcast %parallel_loop3A_663 : i32 to vector<16xi32>
        %parallel_loop3A_665 = arith.addi %parallel_loop3A_146, %parallel_loop3A_664 : vector<16xi32>
        tpu.vector_store_idx %arg11[%parallel_loop3A_665], %parallel_loop3A_647 {add = true} : memref<32768xf32, #tpu.memory_space<vmem>>[vector<16xi32>], vector<16xf32>,
        %parallel_loop3A_666 = arith.constant 64 : i32
        %parallel_loop3A_667 = vector.broadcast %parallel_loop3A_666 : i32 to vector<16xi32>
        %parallel_loop3A_668 = arith.addi %parallel_loop3A_153, %parallel_loop3A_667 : vector<16xi32>
        tpu.vector_store_idx %arg11[%parallel_loop3A_668], %parallel_loop3A_653 {add = true} : memref<32768xf32, #tpu.memory_space<vmem>>[vector<16xi32>], vector<16xf32>,
        %parallel_loop3A_669 = arith.addi %parallel_loop3A_157, %min3A_26 : i32
        %parallel_loop3A_670 = arith.constant 80 : i32
        %parallel_loop3A_671 = arith.addi %parallel_loop3A_669, %parallel_loop3A_670 : i32
        %parallel_loop3A_672 = arith.index_cast %parallel_loop3A_671 : i32 to index
        %parallel_loop3A_673 = tpu.vector_load %arg7[%parallel_loop3A_672] {strides = array<i32>} : memref<17024xf32, #tpu.memory_space<vmem>>, vector<16xf32>,
        %parallel_loop3A_674 = arith.mulf %parallel_loop3A_414, %parallel_loop3A_673 : vector<16xf32>
        %parallel_loop3A_675 = arith.addi %parallel_loop3A_161, %min3A_26 : i32
        %parallel_loop3A_676 = arith.constant 80 : i32
        %parallel_loop3A_677 = arith.addi %parallel_loop3A_675, %parallel_loop3A_676 : i32
        %parallel_loop3A_678 = arith.index_cast %parallel_loop3A_677 : i32 to index
        %parallel_loop3A_679 = tpu.vector_load %arg7[%parallel_loop3A_678] {strides = array<i32>} : memref<17024xf32, #tpu.memory_space<vmem>>, vector<16xf32>,
        %parallel_loop3A_680 = arith.mulf %parallel_loop3A_421, %parallel_loop3A_679 : vector<16xf32>
        %parallel_loop3A_681 = arith.addi %parallel_loop3A_165, %min3A_26 : i32
        %parallel_loop3A_682 = arith.constant 80 : i32
        %parallel_loop3A_683 = arith.addi %parallel_loop3A_681, %parallel_loop3A_682 : i32
        %parallel_loop3A_684 = arith.index_cast %parallel_loop3A_683 : i32 to index
        %parallel_loop3A_685 = tpu.vector_load %arg7[%parallel_loop3A_684] {strides = array<i32>} : memref<17024xf32, #tpu.memory_space<vmem>>, vector<16xf32>,
        %parallel_loop3A_686 = arith.mulf %parallel_loop3A_428, %parallel_loop3A_685 : vector<16xf32>
        %parallel_loop3A_687 = arith.addi %parallel_loop3A_169, %min3A_26 : i32
        %parallel_loop3A_688 = arith.constant 80 : i32
        %parallel_loop3A_689 = arith.addi %parallel_loop3A_687, %parallel_loop3A_688 : i32
        %parallel_loop3A_690 = arith.index_cast %parallel_loop3A_689 : i32 to index
        %parallel_loop3A_691 = tpu.vector_load %arg7[%parallel_loop3A_690] {strides = array<i32>} : memref<17024xf32, #tpu.memory_space<vmem>>, vector<16xf32>,
        %parallel_loop3A_692 = arith.mulf %parallel_loop3A_435, %parallel_loop3A_691 : vector<16xf32>
        %parallel_loop3A_693 = arith.addi %parallel_loop3A_173, %min3A_26 : i32
        %parallel_loop3A_694 = arith.constant 80 : i32
        %parallel_loop3A_695 = arith.addi %parallel_loop3A_693, %parallel_loop3A_694 : i32
        %parallel_loop3A_696 = arith.index_cast %parallel_loop3A_695 : i32 to index
        %parallel_loop3A_697 = tpu.vector_load %arg7[%parallel_loop3A_696] {strides = array<i32>} : memref<17024xf32, #tpu.memory_space<vmem>>, vector<16xf32>,
        %parallel_loop3A_698 = arith.mulf %parallel_loop3A_442, %parallel_loop3A_697 : vector<16xf32>
        %parallel_loop3A_699 = arith.constant 80 : i32
        %parallel_loop3A_700 = vector.broadcast %parallel_loop3A_699 : i32 to vector<16xi32>
        %parallel_loop3A_701 = arith.addi %parallel_loop3A_125, %parallel_loop3A_700 : vector<16xi32>
        tpu.vector_store_idx %arg11[%parallel_loop3A_701], %parallel_loop3A_674 {add = true} : memref<32768xf32, #tpu.memory_space<vmem>>[vector<16xi32>], vector<16xf32>,
        %parallel_loop3A_702 = arith.constant 80 : i32
        %parallel_loop3A_703 = vector.broadcast %parallel_loop3A_702 : i32 to vector<16xi32>
        %parallel_loop3A_704 = arith.addi %parallel_loop3A_132, %parallel_loop3A_703 : vector<16xi32>
        tpu.vector_store_idx %arg11[%parallel_loop3A_704], %parallel_loop3A_680 {add = true} : memref<32768xf32, #tpu.memory_space<vmem>>[vector<16xi32>], vector<16xf32>,
        %parallel_loop3A_705 = arith.constant 80 : i32
        %parallel_loop3A_706 = vector.broadcast %parallel_loop3A_705 : i32 to vector<16xi32>
        %parallel_loop3A_707 = arith.addi %parallel_loop3A_139, %parallel_loop3A_706 : vector<16xi32>
        tpu.vector_store_idx %arg11[%parallel_loop3A_707], %parallel_loop3A_686 {add = true} : memref<32768xf32, #tpu.memory_space<vmem>>[vector<16xi32>], vector<16xf32>,
        %parallel_loop3A_708 = arith.constant 80 : i32
        %parallel_loop3A_709 = vector.broadcast %parallel_loop3A_708 : i32 to vector<16xi32>
        %parallel_loop3A_710 = arith.addi %parallel_loop3A_146, %parallel_loop3A_709 : vector<16xi32>
        tpu.vector_store_idx %arg11[%parallel_loop3A_710], %parallel_loop3A_692 {add = true} : memref<32768xf32, #tpu.memory_space<vmem>>[vector<16xi32>], vector<16xf32>,
        %parallel_loop3A_711 = arith.constant 80 : i32
        %parallel_loop3A_712 = vector.broadcast %parallel_loop3A_711 : i32 to vector<16xi32>
        %parallel_loop3A_713 = arith.addi %parallel_loop3A_153, %parallel_loop3A_712 : vector<16xi32>
        tpu.vector_store_idx %arg11[%parallel_loop3A_713], %parallel_loop3A_698 {add = true} : memref<32768xf32, #tpu.memory_space<vmem>>[vector<16xi32>], vector<16xf32>,
        %parallel_loop3A_714 = arith.addi %parallel_loop3A_157, %min3A_26 : i32
        %parallel_loop3A_715 = arith.constant 96 : i32
        %parallel_loop3A_716 = arith.addi %parallel_loop3A_714, %parallel_loop3A_715 : i32
        %parallel_loop3A_717 = arith.index_cast %parallel_loop3A_716 : i32 to index
        %parallel_loop3A_718 = tpu.vector_load %arg7[%parallel_loop3A_717] {strides = array<i32>} : memref<17024xf32, #tpu.memory_space<vmem>>, vector<16xf32>,
        %parallel_loop3A_719 = arith.mulf %parallel_loop3A_414, %parallel_loop3A_718 : vector<16xf32>
        %parallel_loop3A_720 = arith.addi %parallel_loop3A_161, %min3A_26 : i32
        %parallel_loop3A_721 = arith.constant 96 : i32
        %parallel_loop3A_722 = arith.addi %parallel_loop3A_720, %parallel_loop3A_721 : i32
        %parallel_loop3A_723 = arith.index_cast %parallel_loop3A_722 : i32 to index
        %parallel_loop3A_724 = tpu.vector_load %arg7[%parallel_loop3A_723] {strides = array<i32>} : memref<17024xf32, #tpu.memory_space<vmem>>, vector<16xf32>,
        %parallel_loop3A_725 = arith.mulf %parallel_loop3A_421, %parallel_loop3A_724 : vector<16xf32>
        %parallel_loop3A_726 = arith.addi %parallel_loop3A_165, %min3A_26 : i32
        %parallel_loop3A_727 = arith.constant 96 : i32
        %parallel_loop3A_728 = arith.addi %parallel_loop3A_726, %parallel_loop3A_727 : i32
        %parallel_loop3A_729 = arith.index_cast %parallel_loop3A_728 : i32 to index
        %parallel_loop3A_730 = tpu.vector_load %arg7[%parallel_loop3A_729] {strides = array<i32>} : memref<17024xf32, #tpu.memory_space<vmem>>, vector<16xf32>,
        %parallel_loop3A_731 = arith.mulf %parallel_loop3A_428, %parallel_loop3A_730 : vector<16xf32>
        %parallel_loop3A_732 = arith.addi %parallel_loop3A_169, %min3A_26 : i32
        %parallel_loop3A_733 = arith.constant 96 : i32
        %parallel_loop3A_734 = arith.addi %parallel_loop3A_732, %parallel_loop3A_733 : i32
        %parallel_loop3A_735 = arith.index_cast %parallel_loop3A_734 : i32 to index
        %parallel_loop3A_736 = tpu.vector_load %arg7[%parallel_loop3A_735] {strides = array<i32>} : memref<17024xf32, #tpu.memory_space<vmem>>, vector<16xf32>,
        %parallel_loop3A_737 = arith.mulf %parallel_loop3A_435, %parallel_loop3A_736 : vector<16xf32>
        %parallel_loop3A_738 = arith.addi %parallel_loop3A_173, %min3A_26 : i32
        %parallel_loop3A_739 = arith.constant 96 : i32
        %parallel_loop3A_740 = arith.addi %parallel_loop3A_738, %parallel_loop3A_739 : i32
        %parallel_loop3A_741 = arith.index_cast %parallel_loop3A_740 : i32 to index
        %parallel_loop3A_742 = tpu.vector_load %arg7[%parallel_loop3A_741] {strides = array<i32>} : memref<17024xf32, #tpu.memory_space<vmem>>, vector<16xf32>,
        %parallel_loop3A_743 = arith.mulf %parallel_loop3A_442, %parallel_loop3A_742 : vector<16xf32>
        %parallel_loop3A_744 = arith.constant 96 : i32
        %parallel_loop3A_745 = vector.broadcast %parallel_loop3A_744 : i32 to vector<16xi32>
        %parallel_loop3A_746 = arith.addi %parallel_loop3A_125, %parallel_loop3A_745 : vector<16xi32>
        tpu.vector_store_idx %arg11[%parallel_loop3A_746], %parallel_loop3A_719 {add = true} : memref<32768xf32, #tpu.memory_space<vmem>>[vector<16xi32>], vector<16xf32>,
        %parallel_loop3A_747 = arith.constant 96 : i32
        %parallel_loop3A_748 = vector.broadcast %parallel_loop3A_747 : i32 to vector<16xi32>
        %parallel_loop3A_749 = arith.addi %parallel_loop3A_132, %parallel_loop3A_748 : vector<16xi32>
        tpu.vector_store_idx %arg11[%parallel_loop3A_749], %parallel_loop3A_725 {add = true} : memref<32768xf32, #tpu.memory_space<vmem>>[vector<16xi32>], vector<16xf32>,
        %parallel_loop3A_750 = arith.constant 96 : i32
        %parallel_loop3A_751 = vector.broadcast %parallel_loop3A_750 : i32 to vector<16xi32>
        %parallel_loop3A_752 = arith.addi %parallel_loop3A_139, %parallel_loop3A_751 : vector<16xi32>
        tpu.vector_store_idx %arg11[%parallel_loop3A_752], %parallel_loop3A_731 {add = true} : memref<32768xf32, #tpu.memory_space<vmem>>[vector<16xi32>], vector<16xf32>,
        %parallel_loop3A_753 = arith.constant 96 : i32
        %parallel_loop3A_754 = vector.broadcast %parallel_loop3A_753 : i32 to vector<16xi32>
        %parallel_loop3A_755 = arith.addi %parallel_loop3A_146, %parallel_loop3A_754 : vector<16xi32>
        tpu.vector_store_idx %arg11[%parallel_loop3A_755], %parallel_loop3A_737 {add = true} : memref<32768xf32, #tpu.memory_space<vmem>>[vector<16xi32>], vector<16xf32>,
        %parallel_loop3A_756 = arith.constant 96 : i32
        %parallel_loop3A_757 = vector.broadcast %parallel_loop3A_756 : i32 to vector<16xi32>
        %parallel_loop3A_758 = arith.addi %parallel_loop3A_153, %parallel_loop3A_757 : vector<16xi32>
        tpu.vector_store_idx %arg11[%parallel_loop3A_758], %parallel_loop3A_743 {add = true} : memref<32768xf32, #tpu.memory_space<vmem>>[vector<16xi32>], vector<16xf32>,
        %parallel_loop3A_759 = arith.addi %parallel_loop3A_157, %min3A_26 : i32
        %parallel_loop3A_760 = arith.constant 112 : i32
        %parallel_loop3A_761 = arith.addi %parallel_loop3A_759, %parallel_loop3A_760 : i32
        %parallel_loop3A_762 = arith.index_cast %parallel_loop3A_761 : i32 to index
        %parallel_loop3A_763 = tpu.vector_load %arg7[%parallel_loop3A_762] {strides = array<i32>} : memref<17024xf32, #tpu.memory_space<vmem>>, vector<16xf32>,
        %parallel_loop3A_764 = arith.mulf %parallel_loop3A_414, %parallel_loop3A_763 : vector<16xf32>
        %parallel_loop3A_765 = arith.addi %parallel_loop3A_161, %min3A_26 : i32
        %parallel_loop3A_766 = arith.constant 112 : i32
        %parallel_loop3A_767 = arith.addi %parallel_loop3A_765, %parallel_loop3A_766 : i32
        %parallel_loop3A_768 = arith.index_cast %parallel_loop3A_767 : i32 to index
        %parallel_loop3A_769 = tpu.vector_load %arg7[%parallel_loop3A_768] {strides = array<i32>} : memref<17024xf32, #tpu.memory_space<vmem>>, vector<16xf32>,
        %parallel_loop3A_770 = arith.mulf %parallel_loop3A_421, %parallel_loop3A_769 : vector<16xf32>
        %parallel_loop3A_771 = arith.addi %parallel_loop3A_165, %min3A_26 : i32
        %parallel_loop3A_772 = arith.constant 112 : i32
        %parallel_loop3A_773 = arith.addi %parallel_loop3A_771, %parallel_loop3A_772 : i32
        %parallel_loop3A_774 = arith.index_cast %parallel_loop3A_773 : i32 to index
        %parallel_loop3A_775 = tpu.vector_load %arg7[%parallel_loop3A_774] {strides = array<i32>} : memref<17024xf32, #tpu.memory_space<vmem>>, vector<16xf32>,
        %parallel_loop3A_776 = arith.mulf %parallel_loop3A_428, %parallel_loop3A_775 : vector<16xf32>
        %parallel_loop3A_777 = arith.addi %parallel_loop3A_169, %min3A_26 : i32
        %parallel_loop3A_778 = arith.constant 112 : i32
        %parallel_loop3A_779 = arith.addi %parallel_loop3A_777, %parallel_loop3A_778 : i32
        %parallel_loop3A_780 = arith.index_cast %parallel_loop3A_779 : i32 to index
        %parallel_loop3A_781 = tpu.vector_load %arg7[%parallel_loop3A_780] {strides = array<i32>} : memref<17024xf32, #tpu.memory_space<vmem>>, vector<16xf32>,
        %parallel_loop3A_782 = arith.mulf %parallel_loop3A_435, %parallel_loop3A_781 : vector<16xf32>
        %parallel_loop3A_783 = arith.addi %parallel_loop3A_173, %min3A_26 : i32
        %parallel_loop3A_784 = arith.constant 112 : i32
        %parallel_loop3A_785 = arith.addi %parallel_loop3A_783, %parallel_loop3A_784 : i32
        %parallel_loop3A_786 = arith.index_cast %parallel_loop3A_785 : i32 to index
        %parallel_loop3A_787 = tpu.vector_load %arg7[%parallel_loop3A_786] {strides = array<i32>} : memref<17024xf32, #tpu.memory_space<vmem>>, vector<16xf32>,
        %parallel_loop3A_788 = arith.mulf %parallel_loop3A_442, %parallel_loop3A_787 : vector<16xf32>
        %parallel_loop3A_789 = arith.constant 112 : i32
        %parallel_loop3A_790 = vector.broadcast %parallel_loop3A_789 : i32 to vector<16xi32>
        %parallel_loop3A_791 = arith.addi %parallel_loop3A_125, %parallel_loop3A_790 : vector<16xi32>
        tpu.vector_store_idx %arg11[%parallel_loop3A_791], %parallel_loop3A_764 {add = true} : memref<32768xf32, #tpu.memory_space<vmem>>[vector<16xi32>], vector<16xf32>,
        %parallel_loop3A_792 = arith.constant 112 : i32
        %parallel_loop3A_793 = vector.broadcast %parallel_loop3A_792 : i32 to vector<16xi32>
        %parallel_loop3A_794 = arith.addi %parallel_loop3A_132, %parallel_loop3A_793 : vector<16xi32>
        tpu.vector_store_idx %arg11[%parallel_loop3A_794], %parallel_loop3A_770 {add = true} : memref<32768xf32, #tpu.memory_space<vmem>>[vector<16xi32>], vector<16xf32>,
        %parallel_loop3A_795 = arith.constant 112 : i32
        %parallel_loop3A_796 = vector.broadcast %parallel_loop3A_795 : i32 to vector<16xi32>
        %parallel_loop3A_797 = arith.addi %parallel_loop3A_139, %parallel_loop3A_796 : vector<16xi32>
        tpu.vector_store_idx %arg11[%parallel_loop3A_797], %parallel_loop3A_776 {add = true} : memref<32768xf32, #tpu.memory_space<vmem>>[vector<16xi32>], vector<16xf32>,
        %parallel_loop3A_798 = arith.constant 112 : i32
        %parallel_loop3A_799 = vector.broadcast %parallel_loop3A_798 : i32 to vector<16xi32>
        %parallel_loop3A_800 = arith.addi %parallel_loop3A_146, %parallel_loop3A_799 : vector<16xi32>
        tpu.vector_store_idx %arg11[%parallel_loop3A_800], %parallel_loop3A_782 {add = true} : memref<32768xf32, #tpu.memory_space<vmem>>[vector<16xi32>], vector<16xf32>,
        %parallel_loop3A_801 = arith.constant 112 : i32
        %parallel_loop3A_802 = vector.broadcast %parallel_loop3A_801 : i32 to vector<16xi32>
        %parallel_loop3A_803 = arith.addi %parallel_loop3A_153, %parallel_loop3A_802 : vector<16xi32>
        tpu.vector_store_idx %arg11[%parallel_loop3A_803], %parallel_loop3A_788 {add = true} : memref<32768xf32, #tpu.memory_space<vmem>>[vector<16xi32>], vector<16xf32>,
        scf.yield %parallel_loop3A_443 : vector<16xf32>
      } {sc.loop_unroll_factor = 1 : i64, sc.parallel_access}
      %add3A_83 = arith.constant 2 : i32
      %add3A_84 = arith.addi %mul3A_68, %add3A_83 : i32
      %mul3A_85 = arith.constant 125 : i32
      %mul3A_86 = arith.muli %add3A_84, %mul3A_85 : i32
      %add3A_87 = arith.addi %mul3A_2, %mul3A_86 : i32
      %mul3A_88 = arith.constant 128 : i32
      %mul3A_89 = arith.muli %add3A_87, %mul3A_88 : i32
      %dma_start3A_90 = arith.constant 0 : i32
      %dma_start3A_91 = tpu.memref_slice %arg7[%dma_start3A_90] : memref<17024xf32, #tpu.memory_space<vmem>> -> memref<16000xf32, #tpu.memory_space<vmem>>
      %dma_start3A_92 = tpu.memref_slice %arg2[%mul3A_89] : memref<12800000xf32, #tpu.memory_space<hbm>> -> memref<16000xf32, #tpu.memory_space<hbm>>
      %dma_start3A_93 = arith.constant 0 : i32
      %dma_start3A_94 = tpu.memref_slice %arg7[%dma_start3A_93] : memref<17024xf32, #tpu.memory_space<vmem>> -> memref<16000xf32, #tpu.memory_space<vmem>>
      %dma_start3A_95 = tpu.memref_slice %arg2[%mul3A_89] : memref<12800000xf32, #tpu.memory_space<hbm>> -> memref<16000xf32, #tpu.memory_space<hbm>>
      tpu.enqueue_dma source(%dma_start3A_95 : memref<16000xf32, #tpu.memory_space<hbm>>) target(%dma_start3A_94 : memref<16000xf32, #tpu.memory_space<vmem>>) target_semaphore(%arg13 : memref<!tpu.dma_semaphore, #tpu.memory_space<semaphore_mem>>)
      %mul3A_96 = arith.constant 128 : i32
      %mul3A_97 = arith.muli %mul3A_2, %mul3A_96 : i32
      %dma_wait3A_98 = arith.constant 0 : i32
      %dma_wait3A_99 = tpu.memref_slice %arg8[%dma_wait3A_98] : memref<17024xf32, #tpu.memory_space<vmem>> -> memref<16000xf32, #tpu.memory_space<vmem>>
      %dma_wait3A_100 = tpu.memref_slice %arg2[%mul3A_97] : memref<12800000xf32, #tpu.memory_space<hbm>> -> memref<16000xf32, #tpu.memory_space<hbm>>
      %dma_wait3A_101 = arith.constant 0 : i32
      %dma_wait3A_102 = tpu.memref_slice %arg8[%dma_wait3A_101] : memref<17024xf32, #tpu.memory_space<vmem>> -> memref<16000xf32, #tpu.memory_space<vmem>>
      %dma_wait3A_103 = tpu.memref_slice %arg2[%mul3A_97] : memref<12800000xf32, #tpu.memory_space<hbm>> -> memref<16000xf32, #tpu.memory_space<hbm>>
      tpu.wait_dma2 semaphore(%arg14 : memref<!tpu.dma_semaphore, #tpu.memory_space<semaphore_mem>>) src(%dma_wait3A_103 : memref<16000xf32, #tpu.memory_space<hbm>>) dst(%dma_wait3A_102 : memref<16000xf32, #tpu.memory_space<vmem>>)
      %add3A_104 = arith.constant 1 : i32
      %add3A_105 = arith.addi %mul3A_68, %add3A_104 : i32
      %mul3A_106 = arith.constant 125 : i32
      %mul3A_107 = arith.muli %add3A_105, %mul3A_106 : i32
      %parallel_loop3A_108 = arith.constant 0 : i32
      %parallel_loop3A_109 = arith.constant 125 : i32
      %parallel_loop3A_110 = arith.constant 5 : i32
      %parallel_loop3A_111 = scf.for %parallel_loop3A_114 = %parallel_loop3A_108 to %parallel_loop3A_109 step %parallel_loop3A_110 iter_args(%parallel_loop3A_115 = %parallel_loop3A_82) -> (vector<16xf32>)  : i32 {
        %parallel_loop3A_116 = arith.addi %mul3A_107, %parallel_loop3A_114 : i32
        %parallel_loop3A_117 = arith.index_cast %parallel_loop3A_116 : i32 to index
        %parallel_loop3A_118 = tpu.vector_load %arg9[%parallel_loop3A_117] {strides = array<i32>} : memref<3160xi32, #tpu.memory_space<vmem>>, vector<16xi32>,
        %parallel_loop3A_119 = vector.extract_strided_slice %parallel_loop3A_118 {offsets = [0], sizes = [1], strides = [1]} : vector<16xi32> to vector<1xi32>
        %parallel_loop3A_120 = vector.extract %parallel_loop3A_119[0] : i32 from vector<1xi32>
        %parallel_loop3A_121 = vector.broadcast %parallel_loop3A_120 : i32 to vector<16xi32>
        %parallel_loop3A_122 = arith.constant 128 : i32
        %parallel_loop3A_123 = vector.broadcast %parallel_loop3A_122 : i32 to vector<16xi32>
        %parallel_loop3A_124 = arith.muli %parallel_loop3A_121, %parallel_loop3A_123 : vector<16xi32>
        %parallel_loop3A_125 = arith.addi %parallel_loop3A_124, %iota3A : vector<16xi32>
        %parallel_loop3A_126 = vector.extract_strided_slice %parallel_loop3A_118 {offsets = [1], sizes = [1], strides = [1]} : vector<16xi32> to vector<1xi32>
        %parallel_loop3A_127 = vector.extract %parallel_loop3A_126[0] : i32 from vector<1xi32>
        %parallel_loop3A_128 = vector.broadcast %parallel_loop3A_127 : i32 to vector<16xi32>
        %parallel_loop3A_129 = arith.constant 128 : i32
        %parallel_loop3A_130 = vector.broadcast %parallel_loop3A_129 : i32 to vector<16xi32>
        %parallel_loop3A_131 = arith.muli %parallel_loop3A_128, %parallel_loop3A_130 : vector<16xi32>
        %parallel_loop3A_132 = arith.addi %parallel_loop3A_131, %iota3A : vector<16xi32>
        %parallel_loop3A_133 = vector.extract_strided_slice %parallel_loop3A_118 {offsets = [2], sizes = [1], strides = [1]} : vector<16xi32> to vector<1xi32>
        %parallel_loop3A_134 = vector.extract %parallel_loop3A_133[0] : i32 from vector<1xi32>
        %parallel_loop3A_135 = vector.broadcast %parallel_loop3A_134 : i32 to vector<16xi32>
        %parallel_loop3A_136 = arith.constant 128 : i32
        %parallel_loop3A_137 = vector.broadcast %parallel_loop3A_136 : i32 to vector<16xi32>
        %parallel_loop3A_138 = arith.muli %parallel_loop3A_135, %parallel_loop3A_137 : vector<16xi32>
        %parallel_loop3A_139 = arith.addi %parallel_loop3A_138, %iota3A : vector<16xi32>
        %parallel_loop3A_140 = vector.extract_strided_slice %parallel_loop3A_118 {offsets = [3], sizes = [1], strides = [1]} : vector<16xi32> to vector<1xi32>
        %parallel_loop3A_141 = vector.extract %parallel_loop3A_140[0] : i32 from vector<1xi32>
        %parallel_loop3A_142 = vector.broadcast %parallel_loop3A_141 : i32 to vector<16xi32>
        %parallel_loop3A_143 = arith.constant 128 : i32
        %parallel_loop3A_144 = vector.broadcast %parallel_loop3A_143 : i32 to vector<16xi32>
        %parallel_loop3A_145 = arith.muli %parallel_loop3A_142, %parallel_loop3A_144 : vector<16xi32>
        %parallel_loop3A_146 = arith.addi %parallel_loop3A_145, %iota3A : vector<16xi32>
        %parallel_loop3A_147 = vector.extract_strided_slice %parallel_loop3A_118 {offsets = [4], sizes = [1], strides = [1]} : vector<16xi32> to vector<1xi32>
        %parallel_loop3A_148 = vector.extract %parallel_loop3A_147[0] : i32 from vector<1xi32>
        %parallel_loop3A_149 = vector.broadcast %parallel_loop3A_148 : i32 to vector<16xi32>
        %parallel_loop3A_150 = arith.constant 128 : i32
        %parallel_loop3A_151 = vector.broadcast %parallel_loop3A_150 : i32 to vector<16xi32>
        %parallel_loop3A_152 = arith.muli %parallel_loop3A_149, %parallel_loop3A_151 : vector<16xi32>
        %parallel_loop3A_153 = arith.addi %parallel_loop3A_152, %iota3A : vector<16xi32>
        %parallel_loop3A_154 = arith.constant 0 : i32
        %parallel_loop3A_155 = arith.addi %parallel_loop3A_114, %parallel_loop3A_154 : i32
        %parallel_loop3A_156 = arith.constant 128 : i32
        %parallel_loop3A_157 = arith.muli %parallel_loop3A_155, %parallel_loop3A_156 : i32
        %parallel_loop3A_158 = arith.constant 1 : i32
        %parallel_loop3A_159 = arith.addi %parallel_loop3A_114, %parallel_loop3A_158 : i32
        %parallel_loop3A_160 = arith.constant 128 : i32
        %parallel_loop3A_161 = arith.muli %parallel_loop3A_159, %parallel_loop3A_160 : i32
        %parallel_loop3A_162 = arith.constant 2 : i32
        %parallel_loop3A_163 = arith.addi %parallel_loop3A_114, %parallel_loop3A_162 : i32
        %parallel_loop3A_164 = arith.constant 128 : i32
        %parallel_loop3A_165 = arith.muli %parallel_loop3A_163, %parallel_loop3A_164 : i32
        %parallel_loop3A_166 = arith.constant 3 : i32
        %parallel_loop3A_167 = arith.addi %parallel_loop3A_114, %parallel_loop3A_166 : i32
        %parallel_loop3A_168 = arith.constant 128 : i32
        %parallel_loop3A_169 = arith.muli %parallel_loop3A_167, %parallel_loop3A_168 : i32
        %parallel_loop3A_170 = arith.constant 4 : i32
        %parallel_loop3A_171 = arith.addi %parallel_loop3A_114, %parallel_loop3A_170 : i32
        %parallel_loop3A_172 = arith.constant 128 : i32
        %parallel_loop3A_173 = arith.muli %parallel_loop3A_171, %parallel_loop3A_172 : i32
        %parallel_loop3A_174 = arith.constant 0 : i32
        %parallel_loop3A_175 = arith.addi %parallel_loop3A_157, %parallel_loop3A_174 : i32
        %parallel_loop3A_176 = arith.index_cast %parallel_loop3A_175 : i32 to index
        %parallel_loop3A_177 = tpu.vector_load %arg8[%parallel_loop3A_176] {strides = array<i32>} : memref<17024xf32, #tpu.memory_space<vmem>>, vector<16xf32>,
        %parallel_loop3A_178 = arith.mulf %parallel_loop3A_177, %get3A_9 : vector<16xf32>
        %parallel_loop3A_179 = arith.constant 0 : i32
        %parallel_loop3A_180 = arith.addi %parallel_loop3A_161, %parallel_loop3A_179 : i32
        %parallel_loop3A_181 = arith.index_cast %parallel_loop3A_180 : i32 to index
        %parallel_loop3A_182 = tpu.vector_load %arg8[%parallel_loop3A_181] {strides = array<i32>} : memref<17024xf32, #tpu.memory_space<vmem>>, vector<16xf32>,
        %parallel_loop3A_183 = arith.mulf %parallel_loop3A_182, %get3A_9 : vector<16xf32>
        %parallel_loop3A_184 = arith.constant 0 : i32
        %parallel_loop3A_185 = arith.addi %parallel_loop3A_165, %parallel_loop3A_184 : i32
        %parallel_loop3A_186 = arith.index_cast %parallel_loop3A_185 : i32 to index
        %parallel_loop3A_187 = tpu.vector_load %arg8[%parallel_loop3A_186] {strides = array<i32>} : memref<17024xf32, #tpu.memory_space<vmem>>, vector<16xf32>,
        %parallel_loop3A_188 = arith.mulf %parallel_loop3A_187, %get3A_9 : vector<16xf32>
        %parallel_loop3A_189 = arith.constant 0 : i32
        %parallel_loop3A_190 = arith.addi %parallel_loop3A_169, %parallel_loop3A_189 : i32
        %parallel_loop3A_191 = arith.index_cast %parallel_loop3A_190 : i32 to index
        %parallel_loop3A_192 = tpu.vector_load %arg8[%parallel_loop3A_191] {strides = array<i32>} : memref<17024xf32, #tpu.memory_space<vmem>>, vector<16xf32>,
        %parallel_loop3A_193 = arith.mulf %parallel_loop3A_192, %get3A_9 : vector<16xf32>
        %parallel_loop3A_194 = arith.constant 0 : i32
        %parallel_loop3A_195 = arith.addi %parallel_loop3A_173, %parallel_loop3A_194 : i32
        %parallel_loop3A_196 = arith.index_cast %parallel_loop3A_195 : i32 to index
        %parallel_loop3A_197 = tpu.vector_load %arg8[%parallel_loop3A_196] {strides = array<i32>} : memref<17024xf32, #tpu.memory_space<vmem>>, vector<16xf32>,
        %parallel_loop3A_198 = arith.mulf %parallel_loop3A_197, %get3A_9 : vector<16xf32>
        %parallel_loop3A_199 = arith.constant 16 : i32
        %parallel_loop3A_200 = arith.addi %parallel_loop3A_157, %parallel_loop3A_199 : i32
        %parallel_loop3A_201 = arith.index_cast %parallel_loop3A_200 : i32 to index
        %parallel_loop3A_202 = tpu.vector_load %arg8[%parallel_loop3A_201] {strides = array<i32>} : memref<17024xf32, #tpu.memory_space<vmem>>, vector<16xf32>,
        %parallel_loop3A_203 = arith.mulf %parallel_loop3A_202, %get3A_11 : vector<16xf32>
        %parallel_loop3A_204 = arith.addf %parallel_loop3A_178, %parallel_loop3A_203 : vector<16xf32>
        %parallel_loop3A_205 = arith.constant 16 : i32
        %parallel_loop3A_206 = arith.addi %parallel_loop3A_161, %parallel_loop3A_205 : i32
        %parallel_loop3A_207 = arith.index_cast %parallel_loop3A_206 : i32 to index
        %parallel_loop3A_208 = tpu.vector_load %arg8[%parallel_loop3A_207] {strides = array<i32>} : memref<17024xf32, #tpu.memory_space<vmem>>, vector<16xf32>,
        %parallel_loop3A_209 = arith.mulf %parallel_loop3A_208, %get3A_11 : vector<16xf32>
        %parallel_loop3A_210 = arith.addf %parallel_loop3A_183, %parallel_loop3A_209 : vector<16xf32>
        %parallel_loop3A_211 = arith.constant 16 : i32
        %parallel_loop3A_212 = arith.addi %parallel_loop3A_165, %parallel_loop3A_211 : i32
        %parallel_loop3A_213 = arith.index_cast %parallel_loop3A_212 : i32 to index
        %parallel_loop3A_214 = tpu.vector_load %arg8[%parallel_loop3A_213] {strides = array<i32>} : memref<17024xf32, #tpu.memory_space<vmem>>, vector<16xf32>,
        %parallel_loop3A_215 = arith.mulf %parallel_loop3A_214, %get3A_11 : vector<16xf32>
        %parallel_loop3A_216 = arith.addf %parallel_loop3A_188, %parallel_loop3A_215 : vector<16xf32>
        %parallel_loop3A_217 = arith.constant 16 : i32
        %parallel_loop3A_218 = arith.addi %parallel_loop3A_169, %parallel_loop3A_217 : i32
        %parallel_loop3A_219 = arith.index_cast %parallel_loop3A_218 : i32 to index
        %parallel_loop3A_220 = tpu.vector_load %arg8[%parallel_loop3A_219] {strides = array<i32>} : memref<17024xf32, #tpu.memory_space<vmem>>, vector<16xf32>,
        %parallel_loop3A_221 = arith.mulf %parallel_loop3A_220, %get3A_11 : vector<16xf32>
        %parallel_loop3A_222 = arith.addf %parallel_loop3A_193, %parallel_loop3A_221 : vector<16xf32>
        %parallel_loop3A_223 = arith.constant 16 : i32
        %parallel_loop3A_224 = arith.addi %parallel_loop3A_173, %parallel_loop3A_223 : i32
        %parallel_loop3A_225 = arith.index_cast %parallel_loop3A_224 : i32 to index
        %parallel_loop3A_226 = tpu.vector_load %arg8[%parallel_loop3A_225] {strides = array<i32>} : memref<17024xf32, #tpu.memory_space<vmem>>, vector<16xf32>,
        %parallel_loop3A_227 = arith.mulf %parallel_loop3A_226, %get3A_11 : vector<16xf32>
        %parallel_loop3A_228 = arith.addf %parallel_loop3A_198, %parallel_loop3A_227 : vector<16xf32>
        %parallel_loop3A_229 = arith.constant 32 : i32
        %parallel_loop3A_230 = arith.addi %parallel_loop3A_157, %parallel_loop3A_229 : i32
        %parallel_loop3A_231 = arith.index_cast %parallel_loop3A_230 : i32 to index
        %parallel_loop3A_232 = tpu.vector_load %arg8[%parallel_loop3A_231] {strides = array<i32>} : memref<17024xf32, #tpu.memory_space<vmem>>, vector<16xf32>,
        %parallel_loop3A_233 = arith.mulf %parallel_loop3A_232, %get3A_13 : vector<16xf32>
        %parallel_loop3A_234 = arith.addf %parallel_loop3A_204, %parallel_loop3A_233 : vector<16xf32>
        %parallel_loop3A_235 = arith.constant 32 : i32
        %parallel_loop3A_236 = arith.addi %parallel_loop3A_161, %parallel_loop3A_235 : i32
        %parallel_loop3A_237 = arith.index_cast %parallel_loop3A_236 : i32 to index
        %parallel_loop3A_238 = tpu.vector_load %arg8[%parallel_loop3A_237] {strides = array<i32>} : memref<17024xf32, #tpu.memory_space<vmem>>, vector<16xf32>,
        %parallel_loop3A_239 = arith.mulf %parallel_loop3A_238, %get3A_13 : vector<16xf32>
        %parallel_loop3A_240 = arith.addf %parallel_loop3A_210, %parallel_loop3A_239 : vector<16xf32>
        %parallel_loop3A_241 = arith.constant 32 : i32
        %parallel_loop3A_242 = arith.addi %parallel_loop3A_165, %parallel_loop3A_241 : i32
        %parallel_loop3A_243 = arith.index_cast %parallel_loop3A_242 : i32 to index
        %parallel_loop3A_244 = tpu.vector_load %arg8[%parallel_loop3A_243] {strides = array<i32>} : memref<17024xf32, #tpu.memory_space<vmem>>, vector<16xf32>,
        %parallel_loop3A_245 = arith.mulf %parallel_loop3A_244, %get3A_13 : vector<16xf32>
        %parallel_loop3A_246 = arith.addf %parallel_loop3A_216, %parallel_loop3A_245 : vector<16xf32>
        %parallel_loop3A_247 = arith.constant 32 : i32
        %parallel_loop3A_248 = arith.addi %parallel_loop3A_169, %parallel_loop3A_247 : i32
        %parallel_loop3A_249 = arith.index_cast %parallel_loop3A_248 : i32 to index
        %parallel_loop3A_250 = tpu.vector_load %arg8[%parallel_loop3A_249] {strides = array<i32>} : memref<17024xf32, #tpu.memory_space<vmem>>, vector<16xf32>,
        %parallel_loop3A_251 = arith.mulf %parallel_loop3A_250, %get3A_13 : vector<16xf32>
        %parallel_loop3A_252 = arith.addf %parallel_loop3A_222, %parallel_loop3A_251 : vector<16xf32>
        %parallel_loop3A_253 = arith.constant 32 : i32
        %parallel_loop3A_254 = arith.addi %parallel_loop3A_173, %parallel_loop3A_253 : i32
        %parallel_loop3A_255 = arith.index_cast %parallel_loop3A_254 : i32 to index
        %parallel_loop3A_256 = tpu.vector_load %arg8[%parallel_loop3A_255] {strides = array<i32>} : memref<17024xf32, #tpu.memory_space<vmem>>, vector<16xf32>,
        %parallel_loop3A_257 = arith.mulf %parallel_loop3A_256, %get3A_13 : vector<16xf32>
        %parallel_loop3A_258 = arith.addf %parallel_loop3A_228, %parallel_loop3A_257 : vector<16xf32>
        %parallel_loop3A_259 = arith.constant 48 : i32
        %parallel_loop3A_260 = arith.addi %parallel_loop3A_157, %parallel_loop3A_259 : i32
        %parallel_loop3A_261 = arith.index_cast %parallel_loop3A_260 : i32 to index
        %parallel_loop3A_262 = tpu.vector_load %arg8[%parallel_loop3A_261] {strides = array<i32>} : memref<17024xf32, #tpu.memory_space<vmem>>, vector<16xf32>,
        %parallel_loop3A_263 = arith.mulf %parallel_loop3A_262, %get3A_15 : vector<16xf32>
        %parallel_loop3A_264 = arith.addf %parallel_loop3A_234, %parallel_loop3A_263 : vector<16xf32>
        %parallel_loop3A_265 = arith.constant 48 : i32
        %parallel_loop3A_266 = arith.addi %parallel_loop3A_161, %parallel_loop3A_265 : i32
        %parallel_loop3A_267 = arith.index_cast %parallel_loop3A_266 : i32 to index
        %parallel_loop3A_268 = tpu.vector_load %arg8[%parallel_loop3A_267] {strides = array<i32>} : memref<17024xf32, #tpu.memory_space<vmem>>, vector<16xf32>,
        %parallel_loop3A_269 = arith.mulf %parallel_loop3A_268, %get3A_15 : vector<16xf32>
        %parallel_loop3A_270 = arith.addf %parallel_loop3A_240, %parallel_loop3A_269 : vector<16xf32>
        %parallel_loop3A_271 = arith.constant 48 : i32
        %parallel_loop3A_272 = arith.addi %parallel_loop3A_165, %parallel_loop3A_271 : i32
        %parallel_loop3A_273 = arith.index_cast %parallel_loop3A_272 : i32 to index
        %parallel_loop3A_274 = tpu.vector_load %arg8[%parallel_loop3A_273] {strides = array<i32>} : memref<17024xf32, #tpu.memory_space<vmem>>, vector<16xf32>,
        %parallel_loop3A_275 = arith.mulf %parallel_loop3A_274, %get3A_15 : vector<16xf32>
        %parallel_loop3A_276 = arith.addf %parallel_loop3A_246, %parallel_loop3A_275 : vector<16xf32>
        %parallel_loop3A_277 = arith.constant 48 : i32
        %parallel_loop3A_278 = arith.addi %parallel_loop3A_169, %parallel_loop3A_277 : i32
        %parallel_loop3A_279 = arith.index_cast %parallel_loop3A_278 : i32 to index
        %parallel_loop3A_280 = tpu.vector_load %arg8[%parallel_loop3A_279] {strides = array<i32>} : memref<17024xf32, #tpu.memory_space<vmem>>, vector<16xf32>,
        %parallel_loop3A_281 = arith.mulf %parallel_loop3A_280, %get3A_15 : vector<16xf32>
        %parallel_loop3A_282 = arith.addf %parallel_loop3A_252, %parallel_loop3A_281 : vector<16xf32>
        %parallel_loop3A_283 = arith.constant 48 : i32
        %parallel_loop3A_284 = arith.addi %parallel_loop3A_173, %parallel_loop3A_283 : i32
        %parallel_loop3A_285 = arith.index_cast %parallel_loop3A_284 : i32 to index
        %parallel_loop3A_286 = tpu.vector_load %arg8[%parallel_loop3A_285] {strides = array<i32>} : memref<17024xf32, #tpu.memory_space<vmem>>, vector<16xf32>,
        %parallel_loop3A_287 = arith.mulf %parallel_loop3A_286, %get3A_15 : vector<16xf32>
        %parallel_loop3A_288 = arith.addf %parallel_loop3A_258, %parallel_loop3A_287 : vector<16xf32>
        %parallel_loop3A_289 = arith.constant 64 : i32
        %parallel_loop3A_290 = arith.addi %parallel_loop3A_157, %parallel_loop3A_289 : i32
        %parallel_loop3A_291 = arith.index_cast %parallel_loop3A_290 : i32 to index
        %parallel_loop3A_292 = tpu.vector_load %arg8[%parallel_loop3A_291] {strides = array<i32>} : memref<17024xf32, #tpu.memory_space<vmem>>, vector<16xf32>,
        %parallel_loop3A_293 = arith.mulf %parallel_loop3A_292, %get3A_17 : vector<16xf32>
        %parallel_loop3A_294 = arith.addf %parallel_loop3A_264, %parallel_loop3A_293 : vector<16xf32>
        %parallel_loop3A_295 = arith.constant 64 : i32
        %parallel_loop3A_296 = arith.addi %parallel_loop3A_161, %parallel_loop3A_295 : i32
        %parallel_loop3A_297 = arith.index_cast %parallel_loop3A_296 : i32 to index
        %parallel_loop3A_298 = tpu.vector_load %arg8[%parallel_loop3A_297] {strides = array<i32>} : memref<17024xf32, #tpu.memory_space<vmem>>, vector<16xf32>,
        %parallel_loop3A_299 = arith.mulf %parallel_loop3A_298, %get3A_17 : vector<16xf32>
        %parallel_loop3A_300 = arith.addf %parallel_loop3A_270, %parallel_loop3A_299 : vector<16xf32>
        %parallel_loop3A_301 = arith.constant 64 : i32
        %parallel_loop3A_302 = arith.addi %parallel_loop3A_165, %parallel_loop3A_301 : i32
        %parallel_loop3A_303 = arith.index_cast %parallel_loop3A_302 : i32 to index
        %parallel_loop3A_304 = tpu.vector_load %arg8[%parallel_loop3A_303] {strides = array<i32>} : memref<17024xf32, #tpu.memory_space<vmem>>, vector<16xf32>,
        %parallel_loop3A_305 = arith.mulf %parallel_loop3A_304, %get3A_17 : vector<16xf32>
        %parallel_loop3A_306 = arith.addf %parallel_loop3A_276, %parallel_loop3A_305 : vector<16xf32>
        %parallel_loop3A_307 = arith.constant 64 : i32
        %parallel_loop3A_308 = arith.addi %parallel_loop3A_169, %parallel_loop3A_307 : i32
        %parallel_loop3A_309 = arith.index_cast %parallel_loop3A_308 : i32 to index
        %parallel_loop3A_310 = tpu.vector_load %arg8[%parallel_loop3A_309] {strides = array<i32>} : memref<17024xf32, #tpu.memory_space<vmem>>, vector<16xf32>,
        %parallel_loop3A_311 = arith.mulf %parallel_loop3A_310, %get3A_17 : vector<16xf32>
        %parallel_loop3A_312 = arith.addf %parallel_loop3A_282, %parallel_loop3A_311 : vector<16xf32>
        %parallel_loop3A_313 = arith.constant 64 : i32
        %parallel_loop3A_314 = arith.addi %parallel_loop3A_173, %parallel_loop3A_313 : i32
        %parallel_loop3A_315 = arith.index_cast %parallel_loop3A_314 : i32 to index
        %parallel_loop3A_316 = tpu.vector_load %arg8[%parallel_loop3A_315] {strides = array<i32>} : memref<17024xf32, #tpu.memory_space<vmem>>, vector<16xf32>,
        %parallel_loop3A_317 = arith.mulf %parallel_loop3A_316, %get3A_17 : vector<16xf32>
        %parallel_loop3A_318 = arith.addf %parallel_loop3A_288, %parallel_loop3A_317 : vector<16xf32>
        %parallel_loop3A_319 = arith.constant 80 : i32
        %parallel_loop3A_320 = arith.addi %parallel_loop3A_157, %parallel_loop3A_319 : i32
        %parallel_loop3A_321 = arith.index_cast %parallel_loop3A_320 : i32 to index
        %parallel_loop3A_322 = tpu.vector_load %arg8[%parallel_loop3A_321] {strides = array<i32>} : memref<17024xf32, #tpu.memory_space<vmem>>, vector<16xf32>,
        %parallel_loop3A_323 = arith.mulf %parallel_loop3A_322, %get3A_19 : vector<16xf32>
        %parallel_loop3A_324 = arith.addf %parallel_loop3A_294, %parallel_loop3A_323 : vector<16xf32>
        %parallel_loop3A_325 = arith.constant 80 : i32
        %parallel_loop3A_326 = arith.addi %parallel_loop3A_161, %parallel_loop3A_325 : i32
        %parallel_loop3A_327 = arith.index_cast %parallel_loop3A_326 : i32 to index
        %parallel_loop3A_328 = tpu.vector_load %arg8[%parallel_loop3A_327] {strides = array<i32>} : memref<17024xf32, #tpu.memory_space<vmem>>, vector<16xf32>,
        %parallel_loop3A_329 = arith.mulf %parallel_loop3A_328, %get3A_19 : vector<16xf32>
        %parallel_loop3A_330 = arith.addf %parallel_loop3A_300, %parallel_loop3A_329 : vector<16xf32>
        %parallel_loop3A_331 = arith.constant 80 : i32
        %parallel_loop3A_332 = arith.addi %parallel_loop3A_165, %parallel_loop3A_331 : i32
        %parallel_loop3A_333 = arith.index_cast %parallel_loop3A_332 : i32 to index
        %parallel_loop3A_334 = tpu.vector_load %arg8[%parallel_loop3A_333] {strides = array<i32>} : memref<17024xf32, #tpu.memory_space<vmem>>, vector<16xf32>,
        %parallel_loop3A_335 = arith.mulf %parallel_loop3A_334, %get3A_19 : vector<16xf32>
        %parallel_loop3A_336 = arith.addf %parallel_loop3A_306, %parallel_loop3A_335 : vector<16xf32>
        %parallel_loop3A_337 = arith.constant 80 : i32
        %parallel_loop3A_338 = arith.addi %parallel_loop3A_169, %parallel_loop3A_337 : i32
        %parallel_loop3A_339 = arith.index_cast %parallel_loop3A_338 : i32 to index
        %parallel_loop3A_340 = tpu.vector_load %arg8[%parallel_loop3A_339] {strides = array<i32>} : memref<17024xf32, #tpu.memory_space<vmem>>, vector<16xf32>,
        %parallel_loop3A_341 = arith.mulf %parallel_loop3A_340, %get3A_19 : vector<16xf32>
        %parallel_loop3A_342 = arith.addf %parallel_loop3A_312, %parallel_loop3A_341 : vector<16xf32>
        %parallel_loop3A_343 = arith.constant 80 : i32
        %parallel_loop3A_344 = arith.addi %parallel_loop3A_173, %parallel_loop3A_343 : i32
        %parallel_loop3A_345 = arith.index_cast %parallel_loop3A_344 : i32 to index
        %parallel_loop3A_346 = tpu.vector_load %arg8[%parallel_loop3A_345] {strides = array<i32>} : memref<17024xf32, #tpu.memory_space<vmem>>, vector<16xf32>,
        %parallel_loop3A_347 = arith.mulf %parallel_loop3A_346, %get3A_19 : vector<16xf32>
        %parallel_loop3A_348 = arith.addf %parallel_loop3A_318, %parallel_loop3A_347 : vector<16xf32>
        %parallel_loop3A_349 = arith.constant 96 : i32
        %parallel_loop3A_350 = arith.addi %parallel_loop3A_157, %parallel_loop3A_349 : i32
        %parallel_loop3A_351 = arith.index_cast %parallel_loop3A_350 : i32 to index
        %parallel_loop3A_352 = tpu.vector_load %arg8[%parallel_loop3A_351] {strides = array<i32>} : memref<17024xf32, #tpu.memory_space<vmem>>, vector<16xf32>,
        %parallel_loop3A_353 = arith.mulf %parallel_loop3A_352, %get3A_21 : vector<16xf32>
        %parallel_loop3A_354 = arith.addf %parallel_loop3A_324, %parallel_loop3A_353 : vector<16xf32>
        %parallel_loop3A_355 = arith.constant 96 : i32
        %parallel_loop3A_356 = arith.addi %parallel_loop3A_161, %parallel_loop3A_355 : i32
        %parallel_loop3A_357 = arith.index_cast %parallel_loop3A_356 : i32 to index
        %parallel_loop3A_358 = tpu.vector_load %arg8[%parallel_loop3A_357] {strides = array<i32>} : memref<17024xf32, #tpu.memory_space<vmem>>, vector<16xf32>,
        %parallel_loop3A_359 = arith.mulf %parallel_loop3A_358, %get3A_21 : vector<16xf32>
        %parallel_loop3A_360 = arith.addf %parallel_loop3A_330, %parallel_loop3A_359 : vector<16xf32>
        %parallel_loop3A_361 = arith.constant 96 : i32
        %parallel_loop3A_362 = arith.addi %parallel_loop3A_165, %parallel_loop3A_361 : i32
        %parallel_loop3A_363 = arith.index_cast %parallel_loop3A_362 : i32 to index
        %parallel_loop3A_364 = tpu.vector_load %arg8[%parallel_loop3A_363] {strides = array<i32>} : memref<17024xf32, #tpu.memory_space<vmem>>, vector<16xf32>,
        %parallel_loop3A_365 = arith.mulf %parallel_loop3A_364, %get3A_21 : vector<16xf32>
        %parallel_loop3A_366 = arith.addf %parallel_loop3A_336, %parallel_loop3A_365 : vector<16xf32>
        %parallel_loop3A_367 = arith.constant 96 : i32
        %parallel_loop3A_368 = arith.addi %parallel_loop3A_169, %parallel_loop3A_367 : i32
        %parallel_loop3A_369 = arith.index_cast %parallel_loop3A_368 : i32 to index
        %parallel_loop3A_370 = tpu.vector_load %arg8[%parallel_loop3A_369] {strides = array<i32>} : memref<17024xf32, #tpu.memory_space<vmem>>, vector<16xf32>,
        %parallel_loop3A_371 = arith.mulf %parallel_loop3A_370, %get3A_21 : vector<16xf32>
        %parallel_loop3A_372 = arith.addf %parallel_loop3A_342, %parallel_loop3A_371 : vector<16xf32>
        %parallel_loop3A_373 = arith.constant 96 : i32
        %parallel_loop3A_374 = arith.addi %parallel_loop3A_173, %parallel_loop3A_373 : i32
        %parallel_loop3A_375 = arith.index_cast %parallel_loop3A_374 : i32 to index
        %parallel_loop3A_376 = tpu.vector_load %arg8[%parallel_loop3A_375] {strides = array<i32>} : memref<17024xf32, #tpu.memory_space<vmem>>, vector<16xf32>,
        %parallel_loop3A_377 = arith.mulf %parallel_loop3A_376, %get3A_21 : vector<16xf32>
        %parallel_loop3A_378 = arith.addf %parallel_loop3A_348, %parallel_loop3A_377 : vector<16xf32>
        %parallel_loop3A_379 = arith.constant 112 : i32
        %parallel_loop3A_380 = arith.addi %parallel_loop3A_157, %parallel_loop3A_379 : i32
        %parallel_loop3A_381 = arith.index_cast %parallel_loop3A_380 : i32 to index
        %parallel_loop3A_382 = tpu.vector_load %arg8[%parallel_loop3A_381] {strides = array<i32>} : memref<17024xf32, #tpu.memory_space<vmem>>, vector<16xf32>,
        %parallel_loop3A_383 = arith.mulf %parallel_loop3A_382, %get3A_23 : vector<16xf32>
        %parallel_loop3A_384 = arith.addf %parallel_loop3A_354, %parallel_loop3A_383 : vector<16xf32>
        %parallel_loop3A_385 = arith.constant 112 : i32
        %parallel_loop3A_386 = arith.addi %parallel_loop3A_161, %parallel_loop3A_385 : i32
        %parallel_loop3A_387 = arith.index_cast %parallel_loop3A_386 : i32 to index
        %parallel_loop3A_388 = tpu.vector_load %arg8[%parallel_loop3A_387] {strides = array<i32>} : memref<17024xf32, #tpu.memory_space<vmem>>, vector<16xf32>,
        %parallel_loop3A_389 = arith.mulf %parallel_loop3A_388, %get3A_23 : vector<16xf32>
        %parallel_loop3A_390 = arith.addf %parallel_loop3A_360, %parallel_loop3A_389 : vector<16xf32>
        %parallel_loop3A_391 = arith.constant 112 : i32
        %parallel_loop3A_392 = arith.addi %parallel_loop3A_165, %parallel_loop3A_391 : i32
        %parallel_loop3A_393 = arith.index_cast %parallel_loop3A_392 : i32 to index
        %parallel_loop3A_394 = tpu.vector_load %arg8[%parallel_loop3A_393] {strides = array<i32>} : memref<17024xf32, #tpu.memory_space<vmem>>, vector<16xf32>,
        %parallel_loop3A_395 = arith.mulf %parallel_loop3A_394, %get3A_23 : vector<16xf32>
        %parallel_loop3A_396 = arith.addf %parallel_loop3A_366, %parallel_loop3A_395 : vector<16xf32>
        %parallel_loop3A_397 = arith.constant 112 : i32
        %parallel_loop3A_398 = arith.addi %parallel_loop3A_169, %parallel_loop3A_397 : i32
        %parallel_loop3A_399 = arith.index_cast %parallel_loop3A_398 : i32 to index
        %parallel_loop3A_400 = tpu.vector_load %arg8[%parallel_loop3A_399] {strides = array<i32>} : memref<17024xf32, #tpu.memory_space<vmem>>, vector<16xf32>,
        %parallel_loop3A_401 = arith.mulf %parallel_loop3A_400, %get3A_23 : vector<16xf32>
        %parallel_loop3A_402 = arith.addf %parallel_loop3A_372, %parallel_loop3A_401 : vector<16xf32>
        %parallel_loop3A_403 = arith.constant 112 : i32
        %parallel_loop3A_404 = arith.addi %parallel_loop3A_173, %parallel_loop3A_403 : i32
        %parallel_loop3A_405 = arith.index_cast %parallel_loop3A_404 : i32 to index
        %parallel_loop3A_406 = tpu.vector_load %arg8[%parallel_loop3A_405] {strides = array<i32>} : memref<17024xf32, #tpu.memory_space<vmem>>, vector<16xf32>,
        %parallel_loop3A_407 = arith.mulf %parallel_loop3A_406, %get3A_23 : vector<16xf32>
        %parallel_loop3A_408 = arith.addf %parallel_loop3A_378, %parallel_loop3A_407 : vector<16xf32>
        %parallel_loop3A_409 = arith.constant true
        %parallel_loop3A_410 = vector.broadcast %parallel_loop3A_409 : i1 to vector<16xi1>
        %parallel_loop3A_411 = tpu.scan <sum>, %parallel_loop3A_384 masked %parallel_loop3A_410 : vector<16xf32>, vector<16xi1> -> vector<16xf32>
        %parallel_loop3A_412 = vector.extract %parallel_loop3A_411[15] : f32 from vector<16xf32>
        %parallel_loop3A_413 = vector.broadcast %parallel_loop3A_412 : f32 to vector<16xf32>
        %parallel_loop3A_414 = math.exp %parallel_loop3A_413 : vector<16xf32>
        %parallel_loop3A_415 = arith.addf %parallel_loop3A_115, %parallel_loop3A_414 : vector<16xf32>
        %parallel_loop3A_416 = arith.constant true
        %parallel_loop3A_417 = vector.broadcast %parallel_loop3A_416 : i1 to vector<16xi1>
        %parallel_loop3A_418 = tpu.scan <sum>, %parallel_loop3A_390 masked %parallel_loop3A_417 : vector<16xf32>, vector<16xi1> -> vector<16xf32>
        %parallel_loop3A_419 = vector.extract %parallel_loop3A_418[15] : f32 from vector<16xf32>
        %parallel_loop3A_420 = vector.broadcast %parallel_loop3A_419 : f32 to vector<16xf32>
        %parallel_loop3A_421 = math.exp %parallel_loop3A_420 : vector<16xf32>
        %parallel_loop3A_422 = arith.addf %parallel_loop3A_415, %parallel_loop3A_421 : vector<16xf32>
        %parallel_loop3A_423 = arith.constant true
        %parallel_loop3A_424 = vector.broadcast %parallel_loop3A_423 : i1 to vector<16xi1>
        %parallel_loop3A_425 = tpu.scan <sum>, %parallel_loop3A_396 masked %parallel_loop3A_424 : vector<16xf32>, vector<16xi1> -> vector<16xf32>
        %parallel_loop3A_426 = vector.extract %parallel_loop3A_425[15] : f32 from vector<16xf32>
        %parallel_loop3A_427 = vector.broadcast %parallel_loop3A_426 : f32 to vector<16xf32>
        %parallel_loop3A_428 = math.exp %parallel_loop3A_427 : vector<16xf32>
        %parallel_loop3A_429 = arith.addf %parallel_loop3A_422, %parallel_loop3A_428 : vector<16xf32>
        %parallel_loop3A_430 = arith.constant true
        %parallel_loop3A_431 = vector.broadcast %parallel_loop3A_430 : i1 to vector<16xi1>
        %parallel_loop3A_432 = tpu.scan <sum>, %parallel_loop3A_402 masked %parallel_loop3A_431 : vector<16xf32>, vector<16xi1> -> vector<16xf32>
        %parallel_loop3A_433 = vector.extract %parallel_loop3A_432[15] : f32 from vector<16xf32>
        %parallel_loop3A_434 = vector.broadcast %parallel_loop3A_433 : f32 to vector<16xf32>
        %parallel_loop3A_435 = math.exp %parallel_loop3A_434 : vector<16xf32>
        %parallel_loop3A_436 = arith.addf %parallel_loop3A_429, %parallel_loop3A_435 : vector<16xf32>
        %parallel_loop3A_437 = arith.constant true
        %parallel_loop3A_438 = vector.broadcast %parallel_loop3A_437 : i1 to vector<16xi1>
        %parallel_loop3A_439 = tpu.scan <sum>, %parallel_loop3A_408 masked %parallel_loop3A_438 : vector<16xf32>, vector<16xi1> -> vector<16xf32>
        %parallel_loop3A_440 = vector.extract %parallel_loop3A_439[15] : f32 from vector<16xf32>
        %parallel_loop3A_441 = vector.broadcast %parallel_loop3A_440 : f32 to vector<16xf32>
        %parallel_loop3A_442 = math.exp %parallel_loop3A_441 : vector<16xf32>
        %parallel_loop3A_443 = arith.addf %parallel_loop3A_436, %parallel_loop3A_442 : vector<16xf32>
        %parallel_loop3A_444 = arith.addi %parallel_loop3A_157, %min3A_26 : i32
        %parallel_loop3A_445 = arith.constant 0 : i32
        %parallel_loop3A_446 = arith.addi %parallel_loop3A_444, %parallel_loop3A_445 : i32
        %parallel_loop3A_447 = arith.index_cast %parallel_loop3A_446 : i32 to index
        %parallel_loop3A_448 = tpu.vector_load %arg8[%parallel_loop3A_447] {strides = array<i32>} : memref<17024xf32, #tpu.memory_space<vmem>>, vector<16xf32>,
        %parallel_loop3A_449 = arith.mulf %parallel_loop3A_414, %parallel_loop3A_448 : vector<16xf32>
        %parallel_loop3A_450 = arith.addi %parallel_loop3A_161, %min3A_26 : i32
        %parallel_loop3A_451 = arith.constant 0 : i32
        %parallel_loop3A_452 = arith.addi %parallel_loop3A_450, %parallel_loop3A_451 : i32
        %parallel_loop3A_453 = arith.index_cast %parallel_loop3A_452 : i32 to index
        %parallel_loop3A_454 = tpu.vector_load %arg8[%parallel_loop3A_453] {strides = array<i32>} : memref<17024xf32, #tpu.memory_space<vmem>>, vector<16xf32>,
        %parallel_loop3A_455 = arith.mulf %parallel_loop3A_421, %parallel_loop3A_454 : vector<16xf32>
        %parallel_loop3A_456 = arith.addi %parallel_loop3A_165, %min3A_26 : i32
        %parallel_loop3A_457 = arith.constant 0 : i32
        %parallel_loop3A_458 = arith.addi %parallel_loop3A_456, %parallel_loop3A_457 : i32
        %parallel_loop3A_459 = arith.index_cast %parallel_loop3A_458 : i32 to index
        %parallel_loop3A_460 = tpu.vector_load %arg8[%parallel_loop3A_459] {strides = array<i32>} : memref<17024xf32, #tpu.memory_space<vmem>>, vector<16xf32>,
        %parallel_loop3A_461 = arith.mulf %parallel_loop3A_428, %parallel_loop3A_460 : vector<16xf32>
        %parallel_loop3A_462 = arith.addi %parallel_loop3A_169, %min3A_26 : i32
        %parallel_loop3A_463 = arith.constant 0 : i32
        %parallel_loop3A_464 = arith.addi %parallel_loop3A_462, %parallel_loop3A_463 : i32
        %parallel_loop3A_465 = arith.index_cast %parallel_loop3A_464 : i32 to index
        %parallel_loop3A_466 = tpu.vector_load %arg8[%parallel_loop3A_465] {strides = array<i32>} : memref<17024xf32, #tpu.memory_space<vmem>>, vector<16xf32>,
        %parallel_loop3A_467 = arith.mulf %parallel_loop3A_435, %parallel_loop3A_466 : vector<16xf32>
        %parallel_loop3A_468 = arith.addi %parallel_loop3A_173, %min3A_26 : i32
        %parallel_loop3A_469 = arith.constant 0 : i32
        %parallel_loop3A_470 = arith.addi %parallel_loop3A_468, %parallel_loop3A_469 : i32
        %parallel_loop3A_471 = arith.index_cast %parallel_loop3A_470 : i32 to index
        %parallel_loop3A_472 = tpu.vector_load %arg8[%parallel_loop3A_471] {strides = array<i32>} : memref<17024xf32, #tpu.memory_space<vmem>>, vector<16xf32>,
        %parallel_loop3A_473 = arith.mulf %parallel_loop3A_442, %parallel_loop3A_472 : vector<16xf32>
        %parallel_loop3A_474 = arith.constant 0 : i32
        %parallel_loop3A_475 = vector.broadcast %parallel_loop3A_474 : i32 to vector<16xi32>
        %parallel_loop3A_476 = arith.addi %parallel_loop3A_125, %parallel_loop3A_475 : vector<16xi32>
        tpu.vector_store_idx %arg11[%parallel_loop3A_476], %parallel_loop3A_449 {add = true} : memref<32768xf32, #tpu.memory_space<vmem>>[vector<16xi32>], vector<16xf32>,
        %parallel_loop3A_477 = arith.constant 0 : i32
        %parallel_loop3A_478 = vector.broadcast %parallel_loop3A_477 : i32 to vector<16xi32>
        %parallel_loop3A_479 = arith.addi %parallel_loop3A_132, %parallel_loop3A_478 : vector<16xi32>
        tpu.vector_store_idx %arg11[%parallel_loop3A_479], %parallel_loop3A_455 {add = true} : memref<32768xf32, #tpu.memory_space<vmem>>[vector<16xi32>], vector<16xf32>,
        %parallel_loop3A_480 = arith.constant 0 : i32
        %parallel_loop3A_481 = vector.broadcast %parallel_loop3A_480 : i32 to vector<16xi32>
        %parallel_loop3A_482 = arith.addi %parallel_loop3A_139, %parallel_loop3A_481 : vector<16xi32>
        tpu.vector_store_idx %arg11[%parallel_loop3A_482], %parallel_loop3A_461 {add = true} : memref<32768xf32, #tpu.memory_space<vmem>>[vector<16xi32>], vector<16xf32>,
        %parallel_loop3A_483 = arith.constant 0 : i32
        %parallel_loop3A_484 = vector.broadcast %parallel_loop3A_483 : i32 to vector<16xi32>
        %parallel_loop3A_485 = arith.addi %parallel_loop3A_146, %parallel_loop3A_484 : vector<16xi32>
        tpu.vector_store_idx %arg11[%parallel_loop3A_485], %parallel_loop3A_467 {add = true} : memref<32768xf32, #tpu.memory_space<vmem>>[vector<16xi32>], vector<16xf32>,
        %parallel_loop3A_486 = arith.constant 0 : i32
        %parallel_loop3A_487 = vector.broadcast %parallel_loop3A_486 : i32 to vector<16xi32>
        %parallel_loop3A_488 = arith.addi %parallel_loop3A_153, %parallel_loop3A_487 : vector<16xi32>
        tpu.vector_store_idx %arg11[%parallel_loop3A_488], %parallel_loop3A_473 {add = true} : memref<32768xf32, #tpu.memory_space<vmem>>[vector<16xi32>], vector<16xf32>,
        %parallel_loop3A_489 = arith.addi %parallel_loop3A_157, %min3A_26 : i32
        %parallel_loop3A_490 = arith.constant 16 : i32
        %parallel_loop3A_491 = arith.addi %parallel_loop3A_489, %parallel_loop3A_490 : i32
        %parallel_loop3A_492 = arith.index_cast %parallel_loop3A_491 : i32 to index
        %parallel_loop3A_493 = tpu.vector_load %arg8[%parallel_loop3A_492] {strides = array<i32>} : memref<17024xf32, #tpu.memory_space<vmem>>, vector<16xf32>,
        %parallel_loop3A_494 = arith.mulf %parallel_loop3A_414, %parallel_loop3A_493 : vector<16xf32>
        %parallel_loop3A_495 = arith.addi %parallel_loop3A_161, %min3A_26 : i32
        %parallel_loop3A_496 = arith.constant 16 : i32
        %parallel_loop3A_497 = arith.addi %parallel_loop3A_495, %parallel_loop3A_496 : i32
        %parallel_loop3A_498 = arith.index_cast %parallel_loop3A_497 : i32 to index
        %parallel_loop3A_499 = tpu.vector_load %arg8[%parallel_loop3A_498] {strides = array<i32>} : memref<17024xf32, #tpu.memory_space<vmem>>, vector<16xf32>,
        %parallel_loop3A_500 = arith.mulf %parallel_loop3A_421, %parallel_loop3A_499 : vector<16xf32>
        %parallel_loop3A_501 = arith.addi %parallel_loop3A_165, %min3A_26 : i32
        %parallel_loop3A_502 = arith.constant 16 : i32
        %parallel_loop3A_503 = arith.addi %parallel_loop3A_501, %parallel_loop3A_502 : i32
        %parallel_loop3A_504 = arith.index_cast %parallel_loop3A_503 : i32 to index
        %parallel_loop3A_505 = tpu.vector_load %arg8[%parallel_loop3A_504] {strides = array<i32>} : memref<17024xf32, #tpu.memory_space<vmem>>, vector<16xf32>,
        %parallel_loop3A_506 = arith.mulf %parallel_loop3A_428, %parallel_loop3A_505 : vector<16xf32>
        %parallel_loop3A_507 = arith.addi %parallel_loop3A_169, %min3A_26 : i32
        %parallel_loop3A_508 = arith.constant 16 : i32
        %parallel_loop3A_509 = arith.addi %parallel_loop3A_507, %parallel_loop3A_508 : i32
        %parallel_loop3A_510 = arith.index_cast %parallel_loop3A_509 : i32 to index
        %parallel_loop3A_511 = tpu.vector_load %arg8[%parallel_loop3A_510] {strides = array<i32>} : memref<17024xf32, #tpu.memory_space<vmem>>, vector<16xf32>,
        %parallel_loop3A_512 = arith.mulf %parallel_loop3A_435, %parallel_loop3A_511 : vector<16xf32>
        %parallel_loop3A_513 = arith.addi %parallel_loop3A_173, %min3A_26 : i32
        %parallel_loop3A_514 = arith.constant 16 : i32
        %parallel_loop3A_515 = arith.addi %parallel_loop3A_513, %parallel_loop3A_514 : i32
        %parallel_loop3A_516 = arith.index_cast %parallel_loop3A_515 : i32 to index
        %parallel_loop3A_517 = tpu.vector_load %arg8[%parallel_loop3A_516] {strides = array<i32>} : memref<17024xf32, #tpu.memory_space<vmem>>, vector<16xf32>,
        %parallel_loop3A_518 = arith.mulf %parallel_loop3A_442, %parallel_loop3A_517 : vector<16xf32>
        %parallel_loop3A_519 = arith.constant 16 : i32
        %parallel_loop3A_520 = vector.broadcast %parallel_loop3A_519 : i32 to vector<16xi32>
        %parallel_loop3A_521 = arith.addi %parallel_loop3A_125, %parallel_loop3A_520 : vector<16xi32>
        tpu.vector_store_idx %arg11[%parallel_loop3A_521], %parallel_loop3A_494 {add = true} : memref<32768xf32, #tpu.memory_space<vmem>>[vector<16xi32>], vector<16xf32>,
        %parallel_loop3A_522 = arith.constant 16 : i32
        %parallel_loop3A_523 = vector.broadcast %parallel_loop3A_522 : i32 to vector<16xi32>
        %parallel_loop3A_524 = arith.addi %parallel_loop3A_132, %parallel_loop3A_523 : vector<16xi32>
        tpu.vector_store_idx %arg11[%parallel_loop3A_524], %parallel_loop3A_500 {add = true} : memref<32768xf32, #tpu.memory_space<vmem>>[vector<16xi32>], vector<16xf32>,
        %parallel_loop3A_525 = arith.constant 16 : i32
        %parallel_loop3A_526 = vector.broadcast %parallel_loop3A_525 : i32 to vector<16xi32>
        %parallel_loop3A_527 = arith.addi %parallel_loop3A_139, %parallel_loop3A_526 : vector<16xi32>
        tpu.vector_store_idx %arg11[%parallel_loop3A_527], %parallel_loop3A_506 {add = true} : memref<32768xf32, #tpu.memory_space<vmem>>[vector<16xi32>], vector<16xf32>,
        %parallel_loop3A_528 = arith.constant 16 : i32
        %parallel_loop3A_529 = vector.broadcast %parallel_loop3A_528 : i32 to vector<16xi32>
        %parallel_loop3A_530 = arith.addi %parallel_loop3A_146, %parallel_loop3A_529 : vector<16xi32>
        tpu.vector_store_idx %arg11[%parallel_loop3A_530], %parallel_loop3A_512 {add = true} : memref<32768xf32, #tpu.memory_space<vmem>>[vector<16xi32>], vector<16xf32>,
        %parallel_loop3A_531 = arith.constant 16 : i32
        %parallel_loop3A_532 = vector.broadcast %parallel_loop3A_531 : i32 to vector<16xi32>
        %parallel_loop3A_533 = arith.addi %parallel_loop3A_153, %parallel_loop3A_532 : vector<16xi32>
        tpu.vector_store_idx %arg11[%parallel_loop3A_533], %parallel_loop3A_518 {add = true} : memref<32768xf32, #tpu.memory_space<vmem>>[vector<16xi32>], vector<16xf32>,
        %parallel_loop3A_534 = arith.addi %parallel_loop3A_157, %min3A_26 : i32
        %parallel_loop3A_535 = arith.constant 32 : i32
        %parallel_loop3A_536 = arith.addi %parallel_loop3A_534, %parallel_loop3A_535 : i32
        %parallel_loop3A_537 = arith.index_cast %parallel_loop3A_536 : i32 to index
        %parallel_loop3A_538 = tpu.vector_load %arg8[%parallel_loop3A_537] {strides = array<i32>} : memref<17024xf32, #tpu.memory_space<vmem>>, vector<16xf32>,
        %parallel_loop3A_539 = arith.mulf %parallel_loop3A_414, %parallel_loop3A_538 : vector<16xf32>
        %parallel_loop3A_540 = arith.addi %parallel_loop3A_161, %min3A_26 : i32
        %parallel_loop3A_541 = arith.constant 32 : i32
        %parallel_loop3A_542 = arith.addi %parallel_loop3A_540, %parallel_loop3A_541 : i32
        %parallel_loop3A_543 = arith.index_cast %parallel_loop3A_542 : i32 to index
        %parallel_loop3A_544 = tpu.vector_load %arg8[%parallel_loop3A_543] {strides = array<i32>} : memref<17024xf32, #tpu.memory_space<vmem>>, vector<16xf32>,
        %parallel_loop3A_545 = arith.mulf %parallel_loop3A_421, %parallel_loop3A_544 : vector<16xf32>
        %parallel_loop3A_546 = arith.addi %parallel_loop3A_165, %min3A_26 : i32
        %parallel_loop3A_547 = arith.constant 32 : i32
        %parallel_loop3A_548 = arith.addi %parallel_loop3A_546, %parallel_loop3A_547 : i32
        %parallel_loop3A_549 = arith.index_cast %parallel_loop3A_548 : i32 to index
        %parallel_loop3A_550 = tpu.vector_load %arg8[%parallel_loop3A_549] {strides = array<i32>} : memref<17024xf32, #tpu.memory_space<vmem>>, vector<16xf32>,
        %parallel_loop3A_551 = arith.mulf %parallel_loop3A_428, %parallel_loop3A_550 : vector<16xf32>
        %parallel_loop3A_552 = arith.addi %parallel_loop3A_169, %min3A_26 : i32
        %parallel_loop3A_553 = arith.constant 32 : i32
        %parallel_loop3A_554 = arith.addi %parallel_loop3A_552, %parallel_loop3A_553 : i32
        %parallel_loop3A_555 = arith.index_cast %parallel_loop3A_554 : i32 to index
        %parallel_loop3A_556 = tpu.vector_load %arg8[%parallel_loop3A_555] {strides = array<i32>} : memref<17024xf32, #tpu.memory_space<vmem>>, vector<16xf32>,
        %parallel_loop3A_557 = arith.mulf %parallel_loop3A_435, %parallel_loop3A_556 : vector<16xf32>
        %parallel_loop3A_558 = arith.addi %parallel_loop3A_173, %min3A_26 : i32
        %parallel_loop3A_559 = arith.constant 32 : i32
        %parallel_loop3A_560 = arith.addi %parallel_loop3A_558, %parallel_loop3A_559 : i32
        %parallel_loop3A_561 = arith.index_cast %parallel_loop3A_560 : i32 to index
        %parallel_loop3A_562 = tpu.vector_load %arg8[%parallel_loop3A_561] {strides = array<i32>} : memref<17024xf32, #tpu.memory_space<vmem>>, vector<16xf32>,
        %parallel_loop3A_563 = arith.mulf %parallel_loop3A_442, %parallel_loop3A_562 : vector<16xf32>
        %parallel_loop3A_564 = arith.constant 32 : i32
        %parallel_loop3A_565 = vector.broadcast %parallel_loop3A_564 : i32 to vector<16xi32>
        %parallel_loop3A_566 = arith.addi %parallel_loop3A_125, %parallel_loop3A_565 : vector<16xi32>
        tpu.vector_store_idx %arg11[%parallel_loop3A_566], %parallel_loop3A_539 {add = true} : memref<32768xf32, #tpu.memory_space<vmem>>[vector<16xi32>], vector<16xf32>,
        %parallel_loop3A_567 = arith.constant 32 : i32
        %parallel_loop3A_568 = vector.broadcast %parallel_loop3A_567 : i32 to vector<16xi32>
        %parallel_loop3A_569 = arith.addi %parallel_loop3A_132, %parallel_loop3A_568 : vector<16xi32>
        tpu.vector_store_idx %arg11[%parallel_loop3A_569], %parallel_loop3A_545 {add = true} : memref<32768xf32, #tpu.memory_space<vmem>>[vector<16xi32>], vector<16xf32>,
        %parallel_loop3A_570 = arith.constant 32 : i32
        %parallel_loop3A_571 = vector.broadcast %parallel_loop3A_570 : i32 to vector<16xi32>
        %parallel_loop3A_572 = arith.addi %parallel_loop3A_139, %parallel_loop3A_571 : vector<16xi32>
        tpu.vector_store_idx %arg11[%parallel_loop3A_572], %parallel_loop3A_551 {add = true} : memref<32768xf32, #tpu.memory_space<vmem>>[vector<16xi32>], vector<16xf32>,
        %parallel_loop3A_573 = arith.constant 32 : i32
        %parallel_loop3A_574 = vector.broadcast %parallel_loop3A_573 : i32 to vector<16xi32>
        %parallel_loop3A_575 = arith.addi %parallel_loop3A_146, %parallel_loop3A_574 : vector<16xi32>
        tpu.vector_store_idx %arg11[%parallel_loop3A_575], %parallel_loop3A_557 {add = true} : memref<32768xf32, #tpu.memory_space<vmem>>[vector<16xi32>], vector<16xf32>,
        %parallel_loop3A_576 = arith.constant 32 : i32
        %parallel_loop3A_577 = vector.broadcast %parallel_loop3A_576 : i32 to vector<16xi32>
        %parallel_loop3A_578 = arith.addi %parallel_loop3A_153, %parallel_loop3A_577 : vector<16xi32>
        tpu.vector_store_idx %arg11[%parallel_loop3A_578], %parallel_loop3A_563 {add = true} : memref<32768xf32, #tpu.memory_space<vmem>>[vector<16xi32>], vector<16xf32>,
        %parallel_loop3A_579 = arith.addi %parallel_loop3A_157, %min3A_26 : i32
        %parallel_loop3A_580 = arith.constant 48 : i32
        %parallel_loop3A_581 = arith.addi %parallel_loop3A_579, %parallel_loop3A_580 : i32
        %parallel_loop3A_582 = arith.index_cast %parallel_loop3A_581 : i32 to index
        %parallel_loop3A_583 = tpu.vector_load %arg8[%parallel_loop3A_582] {strides = array<i32>} : memref<17024xf32, #tpu.memory_space<vmem>>, vector<16xf32>,
        %parallel_loop3A_584 = arith.mulf %parallel_loop3A_414, %parallel_loop3A_583 : vector<16xf32>
        %parallel_loop3A_585 = arith.addi %parallel_loop3A_161, %min3A_26 : i32
        %parallel_loop3A_586 = arith.constant 48 : i32
        %parallel_loop3A_587 = arith.addi %parallel_loop3A_585, %parallel_loop3A_586 : i32
        %parallel_loop3A_588 = arith.index_cast %parallel_loop3A_587 : i32 to index
        %parallel_loop3A_589 = tpu.vector_load %arg8[%parallel_loop3A_588] {strides = array<i32>} : memref<17024xf32, #tpu.memory_space<vmem>>, vector<16xf32>,
        %parallel_loop3A_590 = arith.mulf %parallel_loop3A_421, %parallel_loop3A_589 : vector<16xf32>
        %parallel_loop3A_591 = arith.addi %parallel_loop3A_165, %min3A_26 : i32
        %parallel_loop3A_592 = arith.constant 48 : i32
        %parallel_loop3A_593 = arith.addi %parallel_loop3A_591, %parallel_loop3A_592 : i32
        %parallel_loop3A_594 = arith.index_cast %parallel_loop3A_593 : i32 to index
        %parallel_loop3A_595 = tpu.vector_load %arg8[%parallel_loop3A_594] {strides = array<i32>} : memref<17024xf32, #tpu.memory_space<vmem>>, vector<16xf32>,
        %parallel_loop3A_596 = arith.mulf %parallel_loop3A_428, %parallel_loop3A_595 : vector<16xf32>
        %parallel_loop3A_597 = arith.addi %parallel_loop3A_169, %min3A_26 : i32
        %parallel_loop3A_598 = arith.constant 48 : i32
        %parallel_loop3A_599 = arith.addi %parallel_loop3A_597, %parallel_loop3A_598 : i32
        %parallel_loop3A_600 = arith.index_cast %parallel_loop3A_599 : i32 to index
        %parallel_loop3A_601 = tpu.vector_load %arg8[%parallel_loop3A_600] {strides = array<i32>} : memref<17024xf32, #tpu.memory_space<vmem>>, vector<16xf32>,
        %parallel_loop3A_602 = arith.mulf %parallel_loop3A_435, %parallel_loop3A_601 : vector<16xf32>
        %parallel_loop3A_603 = arith.addi %parallel_loop3A_173, %min3A_26 : i32
        %parallel_loop3A_604 = arith.constant 48 : i32
        %parallel_loop3A_605 = arith.addi %parallel_loop3A_603, %parallel_loop3A_604 : i32
        %parallel_loop3A_606 = arith.index_cast %parallel_loop3A_605 : i32 to index
        %parallel_loop3A_607 = tpu.vector_load %arg8[%parallel_loop3A_606] {strides = array<i32>} : memref<17024xf32, #tpu.memory_space<vmem>>, vector<16xf32>,
        %parallel_loop3A_608 = arith.mulf %parallel_loop3A_442, %parallel_loop3A_607 : vector<16xf32>
        %parallel_loop3A_609 = arith.constant 48 : i32
        %parallel_loop3A_610 = vector.broadcast %parallel_loop3A_609 : i32 to vector<16xi32>
        %parallel_loop3A_611 = arith.addi %parallel_loop3A_125, %parallel_loop3A_610 : vector<16xi32>
        tpu.vector_store_idx %arg11[%parallel_loop3A_611], %parallel_loop3A_584 {add = true} : memref<32768xf32, #tpu.memory_space<vmem>>[vector<16xi32>], vector<16xf32>,
        %parallel_loop3A_612 = arith.constant 48 : i32
        %parallel_loop3A_613 = vector.broadcast %parallel_loop3A_612 : i32 to vector<16xi32>
        %parallel_loop3A_614 = arith.addi %parallel_loop3A_132, %parallel_loop3A_613 : vector<16xi32>
        tpu.vector_store_idx %arg11[%parallel_loop3A_614], %parallel_loop3A_590 {add = true} : memref<32768xf32, #tpu.memory_space<vmem>>[vector<16xi32>], vector<16xf32>,
        %parallel_loop3A_615 = arith.constant 48 : i32
        %parallel_loop3A_616 = vector.broadcast %parallel_loop3A_615 : i32 to vector<16xi32>
        %parallel_loop3A_617 = arith.addi %parallel_loop3A_139, %parallel_loop3A_616 : vector<16xi32>
        tpu.vector_store_idx %arg11[%parallel_loop3A_617], %parallel_loop3A_596 {add = true} : memref<32768xf32, #tpu.memory_space<vmem>>[vector<16xi32>], vector<16xf32>,
        %parallel_loop3A_618 = arith.constant 48 : i32
        %parallel_loop3A_619 = vector.broadcast %parallel_loop3A_618 : i32 to vector<16xi32>
        %parallel_loop3A_620 = arith.addi %parallel_loop3A_146, %parallel_loop3A_619 : vector<16xi32>
        tpu.vector_store_idx %arg11[%parallel_loop3A_620], %parallel_loop3A_602 {add = true} : memref<32768xf32, #tpu.memory_space<vmem>>[vector<16xi32>], vector<16xf32>,
        %parallel_loop3A_621 = arith.constant 48 : i32
        %parallel_loop3A_622 = vector.broadcast %parallel_loop3A_621 : i32 to vector<16xi32>
        %parallel_loop3A_623 = arith.addi %parallel_loop3A_153, %parallel_loop3A_622 : vector<16xi32>
        tpu.vector_store_idx %arg11[%parallel_loop3A_623], %parallel_loop3A_608 {add = true} : memref<32768xf32, #tpu.memory_space<vmem>>[vector<16xi32>], vector<16xf32>,
        %parallel_loop3A_624 = arith.addi %parallel_loop3A_157, %min3A_26 : i32
        %parallel_loop3A_625 = arith.constant 64 : i32
        %parallel_loop3A_626 = arith.addi %parallel_loop3A_624, %parallel_loop3A_625 : i32
        %parallel_loop3A_627 = arith.index_cast %parallel_loop3A_626 : i32 to index
        %parallel_loop3A_628 = tpu.vector_load %arg8[%parallel_loop3A_627] {strides = array<i32>} : memref<17024xf32, #tpu.memory_space<vmem>>, vector<16xf32>,
        %parallel_loop3A_629 = arith.mulf %parallel_loop3A_414, %parallel_loop3A_628 : vector<16xf32>
        %parallel_loop3A_630 = arith.addi %parallel_loop3A_161, %min3A_26 : i32
        %parallel_loop3A_631 = arith.constant 64 : i32
        %parallel_loop3A_632 = arith.addi %parallel_loop3A_630, %parallel_loop3A_631 : i32
        %parallel_loop3A_633 = arith.index_cast %parallel_loop3A_632 : i32 to index
        %parallel_loop3A_634 = tpu.vector_load %arg8[%parallel_loop3A_633] {strides = array<i32>} : memref<17024xf32, #tpu.memory_space<vmem>>, vector<16xf32>,
        %parallel_loop3A_635 = arith.mulf %parallel_loop3A_421, %parallel_loop3A_634 : vector<16xf32>
        %parallel_loop3A_636 = arith.addi %parallel_loop3A_165, %min3A_26 : i32
        %parallel_loop3A_637 = arith.constant 64 : i32
        %parallel_loop3A_638 = arith.addi %parallel_loop3A_636, %parallel_loop3A_637 : i32
        %parallel_loop3A_639 = arith.index_cast %parallel_loop3A_638 : i32 to index
        %parallel_loop3A_640 = tpu.vector_load %arg8[%parallel_loop3A_639] {strides = array<i32>} : memref<17024xf32, #tpu.memory_space<vmem>>, vector<16xf32>,
        %parallel_loop3A_641 = arith.mulf %parallel_loop3A_428, %parallel_loop3A_640 : vector<16xf32>
        %parallel_loop3A_642 = arith.addi %parallel_loop3A_169, %min3A_26 : i32
        %parallel_loop3A_643 = arith.constant 64 : i32
        %parallel_loop3A_644 = arith.addi %parallel_loop3A_642, %parallel_loop3A_643 : i32
        %parallel_loop3A_645 = arith.index_cast %parallel_loop3A_644 : i32 to index
        %parallel_loop3A_646 = tpu.vector_load %arg8[%parallel_loop3A_645] {strides = array<i32>} : memref<17024xf32, #tpu.memory_space<vmem>>, vector<16xf32>,
        %parallel_loop3A_647 = arith.mulf %parallel_loop3A_435, %parallel_loop3A_646 : vector<16xf32>
        %parallel_loop3A_648 = arith.addi %parallel_loop3A_173, %min3A_26 : i32
        %parallel_loop3A_649 = arith.constant 64 : i32
        %parallel_loop3A_650 = arith.addi %parallel_loop3A_648, %parallel_loop3A_649 : i32
        %parallel_loop3A_651 = arith.index_cast %parallel_loop3A_650 : i32 to index
        %parallel_loop3A_652 = tpu.vector_load %arg8[%parallel_loop3A_651] {strides = array<i32>} : memref<17024xf32, #tpu.memory_space<vmem>>, vector<16xf32>,
        %parallel_loop3A_653 = arith.mulf %parallel_loop3A_442, %parallel_loop3A_652 : vector<16xf32>
        %parallel_loop3A_654 = arith.constant 64 : i32
        %parallel_loop3A_655 = vector.broadcast %parallel_loop3A_654 : i32 to vector<16xi32>
        %parallel_loop3A_656 = arith.addi %parallel_loop3A_125, %parallel_loop3A_655 : vector<16xi32>
        tpu.vector_store_idx %arg11[%parallel_loop3A_656], %parallel_loop3A_629 {add = true} : memref<32768xf32, #tpu.memory_space<vmem>>[vector<16xi32>], vector<16xf32>,
        %parallel_loop3A_657 = arith.constant 64 : i32
        %parallel_loop3A_658 = vector.broadcast %parallel_loop3A_657 : i32 to vector<16xi32>
        %parallel_loop3A_659 = arith.addi %parallel_loop3A_132, %parallel_loop3A_658 : vector<16xi32>
        tpu.vector_store_idx %arg11[%parallel_loop3A_659], %parallel_loop3A_635 {add = true} : memref<32768xf32, #tpu.memory_space<vmem>>[vector<16xi32>], vector<16xf32>,
        %parallel_loop3A_660 = arith.constant 64 : i32
        %parallel_loop3A_661 = vector.broadcast %parallel_loop3A_660 : i32 to vector<16xi32>
        %parallel_loop3A_662 = arith.addi %parallel_loop3A_139, %parallel_loop3A_661 : vector<16xi32>
        tpu.vector_store_idx %arg11[%parallel_loop3A_662], %parallel_loop3A_641 {add = true} : memref<32768xf32, #tpu.memory_space<vmem>>[vector<16xi32>], vector<16xf32>,
        %parallel_loop3A_663 = arith.constant 64 : i32
        %parallel_loop3A_664 = vector.broadcast %parallel_loop3A_663 : i32 to vector<16xi32>
        %parallel_loop3A_665 = arith.addi %parallel_loop3A_146, %parallel_loop3A_664 : vector<16xi32>
        tpu.vector_store_idx %arg11[%parallel_loop3A_665], %parallel_loop3A_647 {add = true} : memref<32768xf32, #tpu.memory_space<vmem>>[vector<16xi32>], vector<16xf32>,
        %parallel_loop3A_666 = arith.constant 64 : i32
        %parallel_loop3A_667 = vector.broadcast %parallel_loop3A_666 : i32 to vector<16xi32>
        %parallel_loop3A_668 = arith.addi %parallel_loop3A_153, %parallel_loop3A_667 : vector<16xi32>
        tpu.vector_store_idx %arg11[%parallel_loop3A_668], %parallel_loop3A_653 {add = true} : memref<32768xf32, #tpu.memory_space<vmem>>[vector<16xi32>], vector<16xf32>,
        %parallel_loop3A_669 = arith.addi %parallel_loop3A_157, %min3A_26 : i32
        %parallel_loop3A_670 = arith.constant 80 : i32
        %parallel_loop3A_671 = arith.addi %parallel_loop3A_669, %parallel_loop3A_670 : i32
        %parallel_loop3A_672 = arith.index_cast %parallel_loop3A_671 : i32 to index
        %parallel_loop3A_673 = tpu.vector_load %arg8[%parallel_loop3A_672] {strides = array<i32>} : memref<17024xf32, #tpu.memory_space<vmem>>, vector<16xf32>,
        %parallel_loop3A_674 = arith.mulf %parallel_loop3A_414, %parallel_loop3A_673 : vector<16xf32>
        %parallel_loop3A_675 = arith.addi %parallel_loop3A_161, %min3A_26 : i32
        %parallel_loop3A_676 = arith.constant 80 : i32
        %parallel_loop3A_677 = arith.addi %parallel_loop3A_675, %parallel_loop3A_676 : i32
        %parallel_loop3A_678 = arith.index_cast %parallel_loop3A_677 : i32 to index
        %parallel_loop3A_679 = tpu.vector_load %arg8[%parallel_loop3A_678] {strides = array<i32>} : memref<17024xf32, #tpu.memory_space<vmem>>, vector<16xf32>,
        %parallel_loop3A_680 = arith.mulf %parallel_loop3A_421, %parallel_loop3A_679 : vector<16xf32>
        %parallel_loop3A_681 = arith.addi %parallel_loop3A_165, %min3A_26 : i32
        %parallel_loop3A_682 = arith.constant 80 : i32
        %parallel_loop3A_683 = arith.addi %parallel_loop3A_681, %parallel_loop3A_682 : i32
        %parallel_loop3A_684 = arith.index_cast %parallel_loop3A_683 : i32 to index
        %parallel_loop3A_685 = tpu.vector_load %arg8[%parallel_loop3A_684] {strides = array<i32>} : memref<17024xf32, #tpu.memory_space<vmem>>, vector<16xf32>,
        %parallel_loop3A_686 = arith.mulf %parallel_loop3A_428, %parallel_loop3A_685 : vector<16xf32>
        %parallel_loop3A_687 = arith.addi %parallel_loop3A_169, %min3A_26 : i32
        %parallel_loop3A_688 = arith.constant 80 : i32
        %parallel_loop3A_689 = arith.addi %parallel_loop3A_687, %parallel_loop3A_688 : i32
        %parallel_loop3A_690 = arith.index_cast %parallel_loop3A_689 : i32 to index
        %parallel_loop3A_691 = tpu.vector_load %arg8[%parallel_loop3A_690] {strides = array<i32>} : memref<17024xf32, #tpu.memory_space<vmem>>, vector<16xf32>,
        %parallel_loop3A_692 = arith.mulf %parallel_loop3A_435, %parallel_loop3A_691 : vector<16xf32>
        %parallel_loop3A_693 = arith.addi %parallel_loop3A_173, %min3A_26 : i32
        %parallel_loop3A_694 = arith.constant 80 : i32
        %parallel_loop3A_695 = arith.addi %parallel_loop3A_693, %parallel_loop3A_694 : i32
        %parallel_loop3A_696 = arith.index_cast %parallel_loop3A_695 : i32 to index
        %parallel_loop3A_697 = tpu.vector_load %arg8[%parallel_loop3A_696] {strides = array<i32>} : memref<17024xf32, #tpu.memory_space<vmem>>, vector<16xf32>,
        %parallel_loop3A_698 = arith.mulf %parallel_loop3A_442, %parallel_loop3A_697 : vector<16xf32>
        %parallel_loop3A_699 = arith.constant 80 : i32
        %parallel_loop3A_700 = vector.broadcast %parallel_loop3A_699 : i32 to vector<16xi32>
        %parallel_loop3A_701 = arith.addi %parallel_loop3A_125, %parallel_loop3A_700 : vector<16xi32>
        tpu.vector_store_idx %arg11[%parallel_loop3A_701], %parallel_loop3A_674 {add = true} : memref<32768xf32, #tpu.memory_space<vmem>>[vector<16xi32>], vector<16xf32>,
        %parallel_loop3A_702 = arith.constant 80 : i32
        %parallel_loop3A_703 = vector.broadcast %parallel_loop3A_702 : i32 to vector<16xi32>
        %parallel_loop3A_704 = arith.addi %parallel_loop3A_132, %parallel_loop3A_703 : vector<16xi32>
        tpu.vector_store_idx %arg11[%parallel_loop3A_704], %parallel_loop3A_680 {add = true} : memref<32768xf32, #tpu.memory_space<vmem>>[vector<16xi32>], vector<16xf32>,
        %parallel_loop3A_705 = arith.constant 80 : i32
        %parallel_loop3A_706 = vector.broadcast %parallel_loop3A_705 : i32 to vector<16xi32>
        %parallel_loop3A_707 = arith.addi %parallel_loop3A_139, %parallel_loop3A_706 : vector<16xi32>
        tpu.vector_store_idx %arg11[%parallel_loop3A_707], %parallel_loop3A_686 {add = true} : memref<32768xf32, #tpu.memory_space<vmem>>[vector<16xi32>], vector<16xf32>,
        %parallel_loop3A_708 = arith.constant 80 : i32
        %parallel_loop3A_709 = vector.broadcast %parallel_loop3A_708 : i32 to vector<16xi32>
        %parallel_loop3A_710 = arith.addi %parallel_loop3A_146, %parallel_loop3A_709 : vector<16xi32>
        tpu.vector_store_idx %arg11[%parallel_loop3A_710], %parallel_loop3A_692 {add = true} : memref<32768xf32, #tpu.memory_space<vmem>>[vector<16xi32>], vector<16xf32>,
        %parallel_loop3A_711 = arith.constant 80 : i32
        %parallel_loop3A_712 = vector.broadcast %parallel_loop3A_711 : i32 to vector<16xi32>
        %parallel_loop3A_713 = arith.addi %parallel_loop3A_153, %parallel_loop3A_712 : vector<16xi32>
        tpu.vector_store_idx %arg11[%parallel_loop3A_713], %parallel_loop3A_698 {add = true} : memref<32768xf32, #tpu.memory_space<vmem>>[vector<16xi32>], vector<16xf32>,
        %parallel_loop3A_714 = arith.addi %parallel_loop3A_157, %min3A_26 : i32
        %parallel_loop3A_715 = arith.constant 96 : i32
        %parallel_loop3A_716 = arith.addi %parallel_loop3A_714, %parallel_loop3A_715 : i32
        %parallel_loop3A_717 = arith.index_cast %parallel_loop3A_716 : i32 to index
        %parallel_loop3A_718 = tpu.vector_load %arg8[%parallel_loop3A_717] {strides = array<i32>} : memref<17024xf32, #tpu.memory_space<vmem>>, vector<16xf32>,
        %parallel_loop3A_719 = arith.mulf %parallel_loop3A_414, %parallel_loop3A_718 : vector<16xf32>
        %parallel_loop3A_720 = arith.addi %parallel_loop3A_161, %min3A_26 : i32
        %parallel_loop3A_721 = arith.constant 96 : i32
        %parallel_loop3A_722 = arith.addi %parallel_loop3A_720, %parallel_loop3A_721 : i32
        %parallel_loop3A_723 = arith.index_cast %parallel_loop3A_722 : i32 to index
        %parallel_loop3A_724 = tpu.vector_load %arg8[%parallel_loop3A_723] {strides = array<i32>} : memref<17024xf32, #tpu.memory_space<vmem>>, vector<16xf32>,
        %parallel_loop3A_725 = arith.mulf %parallel_loop3A_421, %parallel_loop3A_724 : vector<16xf32>
        %parallel_loop3A_726 = arith.addi %parallel_loop3A_165, %min3A_26 : i32
        %parallel_loop3A_727 = arith.constant 96 : i32
        %parallel_loop3A_728 = arith.addi %parallel_loop3A_726, %parallel_loop3A_727 : i32
        %parallel_loop3A_729 = arith.index_cast %parallel_loop3A_728 : i32 to index
        %parallel_loop3A_730 = tpu.vector_load %arg8[%parallel_loop3A_729] {strides = array<i32>} : memref<17024xf32, #tpu.memory_space<vmem>>, vector<16xf32>,
        %parallel_loop3A_731 = arith.mulf %parallel_loop3A_428, %parallel_loop3A_730 : vector<16xf32>
        %parallel_loop3A_732 = arith.addi %parallel_loop3A_169, %min3A_26 : i32
        %parallel_loop3A_733 = arith.constant 96 : i32
        %parallel_loop3A_734 = arith.addi %parallel_loop3A_732, %parallel_loop3A_733 : i32
        %parallel_loop3A_735 = arith.index_cast %parallel_loop3A_734 : i32 to index
        %parallel_loop3A_736 = tpu.vector_load %arg8[%parallel_loop3A_735] {strides = array<i32>} : memref<17024xf32, #tpu.memory_space<vmem>>, vector<16xf32>,
        %parallel_loop3A_737 = arith.mulf %parallel_loop3A_435, %parallel_loop3A_736 : vector<16xf32>
        %parallel_loop3A_738 = arith.addi %parallel_loop3A_173, %min3A_26 : i32
        %parallel_loop3A_739 = arith.constant 96 : i32
        %parallel_loop3A_740 = arith.addi %parallel_loop3A_738, %parallel_loop3A_739 : i32
        %parallel_loop3A_741 = arith.index_cast %parallel_loop3A_740 : i32 to index
        %parallel_loop3A_742 = tpu.vector_load %arg8[%parallel_loop3A_741] {strides = array<i32>} : memref<17024xf32, #tpu.memory_space<vmem>>, vector<16xf32>,
        %parallel_loop3A_743 = arith.mulf %parallel_loop3A_442, %parallel_loop3A_742 : vector<16xf32>
        %parallel_loop3A_744 = arith.constant 96 : i32
        %parallel_loop3A_745 = vector.broadcast %parallel_loop3A_744 : i32 to vector<16xi32>
        %parallel_loop3A_746 = arith.addi %parallel_loop3A_125, %parallel_loop3A_745 : vector<16xi32>
        tpu.vector_store_idx %arg11[%parallel_loop3A_746], %parallel_loop3A_719 {add = true} : memref<32768xf32, #tpu.memory_space<vmem>>[vector<16xi32>], vector<16xf32>,
        %parallel_loop3A_747 = arith.constant 96 : i32
        %parallel_loop3A_748 = vector.broadcast %parallel_loop3A_747 : i32 to vector<16xi32>
        %parallel_loop3A_749 = arith.addi %parallel_loop3A_132, %parallel_loop3A_748 : vector<16xi32>
        tpu.vector_store_idx %arg11[%parallel_loop3A_749], %parallel_loop3A_725 {add = true} : memref<32768xf32, #tpu.memory_space<vmem>>[vector<16xi32>], vector<16xf32>,
        %parallel_loop3A_750 = arith.constant 96 : i32
        %parallel_loop3A_751 = vector.broadcast %parallel_loop3A_750 : i32 to vector<16xi32>
        %parallel_loop3A_752 = arith.addi %parallel_loop3A_139, %parallel_loop3A_751 : vector<16xi32>
        tpu.vector_store_idx %arg11[%parallel_loop3A_752], %parallel_loop3A_731 {add = true} : memref<32768xf32, #tpu.memory_space<vmem>>[vector<16xi32>], vector<16xf32>,
        %parallel_loop3A_753 = arith.constant 96 : i32
        %parallel_loop3A_754 = vector.broadcast %parallel_loop3A_753 : i32 to vector<16xi32>
        %parallel_loop3A_755 = arith.addi %parallel_loop3A_146, %parallel_loop3A_754 : vector<16xi32>
        tpu.vector_store_idx %arg11[%parallel_loop3A_755], %parallel_loop3A_737 {add = true} : memref<32768xf32, #tpu.memory_space<vmem>>[vector<16xi32>], vector<16xf32>,
        %parallel_loop3A_756 = arith.constant 96 : i32
        %parallel_loop3A_757 = vector.broadcast %parallel_loop3A_756 : i32 to vector<16xi32>
        %parallel_loop3A_758 = arith.addi %parallel_loop3A_153, %parallel_loop3A_757 : vector<16xi32>
        tpu.vector_store_idx %arg11[%parallel_loop3A_758], %parallel_loop3A_743 {add = true} : memref<32768xf32, #tpu.memory_space<vmem>>[vector<16xi32>], vector<16xf32>,
        %parallel_loop3A_759 = arith.addi %parallel_loop3A_157, %min3A_26 : i32
        %parallel_loop3A_760 = arith.constant 112 : i32
        %parallel_loop3A_761 = arith.addi %parallel_loop3A_759, %parallel_loop3A_760 : i32
        %parallel_loop3A_762 = arith.index_cast %parallel_loop3A_761 : i32 to index
        %parallel_loop3A_763 = tpu.vector_load %arg8[%parallel_loop3A_762] {strides = array<i32>} : memref<17024xf32, #tpu.memory_space<vmem>>, vector<16xf32>,
        %parallel_loop3A_764 = arith.mulf %parallel_loop3A_414, %parallel_loop3A_763 : vector<16xf32>
        %parallel_loop3A_765 = arith.addi %parallel_loop3A_161, %min3A_26 : i32
        %parallel_loop3A_766 = arith.constant 112 : i32
        %parallel_loop3A_767 = arith.addi %parallel_loop3A_765, %parallel_loop3A_766 : i32
        %parallel_loop3A_768 = arith.index_cast %parallel_loop3A_767 : i32 to index
        %parallel_loop3A_769 = tpu.vector_load %arg8[%parallel_loop3A_768] {strides = array<i32>} : memref<17024xf32, #tpu.memory_space<vmem>>, vector<16xf32>,
        %parallel_loop3A_770 = arith.mulf %parallel_loop3A_421, %parallel_loop3A_769 : vector<16xf32>
        %parallel_loop3A_771 = arith.addi %parallel_loop3A_165, %min3A_26 : i32
        %parallel_loop3A_772 = arith.constant 112 : i32
        %parallel_loop3A_773 = arith.addi %parallel_loop3A_771, %parallel_loop3A_772 : i32
        %parallel_loop3A_774 = arith.index_cast %parallel_loop3A_773 : i32 to index
        %parallel_loop3A_775 = tpu.vector_load %arg8[%parallel_loop3A_774] {strides = array<i32>} : memref<17024xf32, #tpu.memory_space<vmem>>, vector<16xf32>,
        %parallel_loop3A_776 = arith.mulf %parallel_loop3A_428, %parallel_loop3A_775 : vector<16xf32>
        %parallel_loop3A_777 = arith.addi %parallel_loop3A_169, %min3A_26 : i32
        %parallel_loop3A_778 = arith.constant 112 : i32
        %parallel_loop3A_779 = arith.addi %parallel_loop3A_777, %parallel_loop3A_778 : i32
        %parallel_loop3A_780 = arith.index_cast %parallel_loop3A_779 : i32 to index
        %parallel_loop3A_781 = tpu.vector_load %arg8[%parallel_loop3A_780] {strides = array<i32>} : memref<17024xf32, #tpu.memory_space<vmem>>, vector<16xf32>,
        %parallel_loop3A_782 = arith.mulf %parallel_loop3A_435, %parallel_loop3A_781 : vector<16xf32>
        %parallel_loop3A_783 = arith.addi %parallel_loop3A_173, %min3A_26 : i32
        %parallel_loop3A_784 = arith.constant 112 : i32
        %parallel_loop3A_785 = arith.addi %parallel_loop3A_783, %parallel_loop3A_784 : i32
        %parallel_loop3A_786 = arith.index_cast %parallel_loop3A_785 : i32 to index
        %parallel_loop3A_787 = tpu.vector_load %arg8[%parallel_loop3A_786] {strides = array<i32>} : memref<17024xf32, #tpu.memory_space<vmem>>, vector<16xf32>,
        %parallel_loop3A_788 = arith.mulf %parallel_loop3A_442, %parallel_loop3A_787 : vector<16xf32>
        %parallel_loop3A_789 = arith.constant 112 : i32
        %parallel_loop3A_790 = vector.broadcast %parallel_loop3A_789 : i32 to vector<16xi32>
        %parallel_loop3A_791 = arith.addi %parallel_loop3A_125, %parallel_loop3A_790 : vector<16xi32>
        tpu.vector_store_idx %arg11[%parallel_loop3A_791], %parallel_loop3A_764 {add = true} : memref<32768xf32, #tpu.memory_space<vmem>>[vector<16xi32>], vector<16xf32>,
        %parallel_loop3A_792 = arith.constant 112 : i32
        %parallel_loop3A_793 = vector.broadcast %parallel_loop3A_792 : i32 to vector<16xi32>
        %parallel_loop3A_794 = arith.addi %parallel_loop3A_132, %parallel_loop3A_793 : vector<16xi32>
        tpu.vector_store_idx %arg11[%parallel_loop3A_794], %parallel_loop3A_770 {add = true} : memref<32768xf32, #tpu.memory_space<vmem>>[vector<16xi32>], vector<16xf32>,
        %parallel_loop3A_795 = arith.constant 112 : i32
        %parallel_loop3A_796 = vector.broadcast %parallel_loop3A_795 : i32 to vector<16xi32>
        %parallel_loop3A_797 = arith.addi %parallel_loop3A_139, %parallel_loop3A_796 : vector<16xi32>
        tpu.vector_store_idx %arg11[%parallel_loop3A_797], %parallel_loop3A_776 {add = true} : memref<32768xf32, #tpu.memory_space<vmem>>[vector<16xi32>], vector<16xf32>,
        %parallel_loop3A_798 = arith.constant 112 : i32
        %parallel_loop3A_799 = vector.broadcast %parallel_loop3A_798 : i32 to vector<16xi32>
        %parallel_loop3A_800 = arith.addi %parallel_loop3A_146, %parallel_loop3A_799 : vector<16xi32>
        tpu.vector_store_idx %arg11[%parallel_loop3A_800], %parallel_loop3A_782 {add = true} : memref<32768xf32, #tpu.memory_space<vmem>>[vector<16xi32>], vector<16xf32>,
        %parallel_loop3A_801 = arith.constant 112 : i32
        %parallel_loop3A_802 = vector.broadcast %parallel_loop3A_801 : i32 to vector<16xi32>
        %parallel_loop3A_803 = arith.addi %parallel_loop3A_153, %parallel_loop3A_802 : vector<16xi32>
        tpu.vector_store_idx %arg11[%parallel_loop3A_803], %parallel_loop3A_788 {add = true} : memref<32768xf32, #tpu.memory_space<vmem>>[vector<16xi32>], vector<16xf32>,
        scf.yield %parallel_loop3A_443 : vector<16xf32>
      } {sc.loop_unroll_factor = 1 : i64, sc.parallel_access}
      %lt3A = arith.constant 11 : i32
      %lt3A_112 = arith.cmpi slt, %scan3A_65, %lt3A : i32
      %convert_element_type3A = arith.extui %lt3A_112 : i1 to i32
      %cond3A = arith.constant 0 : i32
      %cond3A_113 = arith.cmpi ne, %convert_element_type3A, %cond3A : i32
      scf.if %cond3A_113 {
        %add3A_114 = arith.constant 3 : i32
        %add3A_115 = arith.addi %mul3A_68, %add3A_114 : i32
        %mul3A_116 = arith.constant 125 : i32
        %mul3A_117 = arith.muli %add3A_115, %mul3A_116 : i32
        %add3A_118 = arith.addi %mul3A_2, %mul3A_117 : i32
        %mul3A_119 = arith.constant 128 : i32
        %mul3A_120 = arith.muli %add3A_118, %mul3A_119 : i32
        %dma_start3A_121 = arith.constant 0 : i32
        %dma_start3A_122 = tpu.memref_slice %arg8[%dma_start3A_121] : memref<17024xf32, #tpu.memory_space<vmem>> -> memref<16000xf32, #tpu.memory_space<vmem>>
        %dma_start3A_123 = tpu.memref_slice %arg2[%mul3A_120] : memref<12800000xf32, #tpu.memory_space<hbm>> -> memref<16000xf32, #tpu.memory_space<hbm>>
        %dma_start3A_124 = arith.constant 0 : i32
        %dma_start3A_125 = tpu.memref_slice %arg8[%dma_start3A_124] : memref<17024xf32, #tpu.memory_space<vmem>> -> memref<16000xf32, #tpu.memory_space<vmem>>
        %dma_start3A_126 = tpu.memref_slice %arg2[%mul3A_120] : memref<12800000xf32, #tpu.memory_space<hbm>> -> memref<16000xf32, #tpu.memory_space<hbm>>
        tpu.enqueue_dma source(%dma_start3A_126 : memref<16000xf32, #tpu.memory_space<hbm>>) target(%dma_start3A_125 : memref<16000xf32, #tpu.memory_space<vmem>>) target_semaphore(%arg14 : memref<!tpu.dma_semaphore, #tpu.memory_space<semaphore_mem>>)
      } else {
      }
      scf.yield %parallel_loop3A_111 : vector<16xf32>
    }
    %scan3A_53 = arith.constant 12 : i32
    %mul3A_54 = arith.constant 128 : i32
    %mul3A_55 = arith.muli %mul3A_2, %mul3A_54 : i32
    %dma_wait3A = arith.constant 0 : i32
    %dma_wait3A_56 = tpu.memref_slice %arg7[%dma_wait3A] : memref<17024xf32, #tpu.memory_space<vmem>> -> memref<16000xf32, #tpu.memory_space<vmem>>
    %dma_wait3A_57 = tpu.memref_slice %arg2[%mul3A_55] : memref<12800000xf32, #tpu.memory_space<hbm>> -> memref<16000xf32, #tpu.memory_space<hbm>>
    %dma_wait3A_58 = arith.constant 0 : i32
    %dma_wait3A_59 = tpu.memref_slice %arg7[%dma_wait3A_58] : memref<17024xf32, #tpu.memory_space<vmem>> -> memref<16000xf32, #tpu.memory_space<vmem>>
    %dma_wait3A_60 = tpu.memref_slice %arg2[%mul3A_55] : memref<12800000xf32, #tpu.memory_space<hbm>> -> memref<16000xf32, #tpu.memory_space<hbm>>
    tpu.wait_dma2 semaphore(%arg13 : memref<!tpu.dma_semaphore, #tpu.memory_space<semaphore_mem>>) src(%dma_wait3A_60 : memref<16000xf32, #tpu.memory_space<hbm>>) dst(%dma_wait3A_59 : memref<16000xf32, #tpu.memory_space<vmem>>)
    %parallel_loop3A = arith.constant 0 : i32
    %parallel_loop3A_61 = arith.constant 125 : i32
    %parallel_loop3A_62 = arith.constant 5 : i32
    %parallel_loop3A_63 = scf.for %parallel_loop3A_65 = %parallel_loop3A to %parallel_loop3A_61 step %parallel_loop3A_62 iter_args(%parallel_loop3A_66 = %scan3A_52) -> (vector<16xf32>)  : i32 {
      %parallel_loop3A_67 = arith.constant 3000 : i32
      %parallel_loop3A_68 = arith.addi %parallel_loop3A_67, %parallel_loop3A_65 : i32
      %parallel_loop3A_69 = arith.index_cast %parallel_loop3A_68 : i32 to index
      %parallel_loop3A_70 = tpu.vector_load %arg9[%parallel_loop3A_69] {strides = array<i32>} : memref<3160xi32, #tpu.memory_space<vmem>>, vector<16xi32>,
      %parallel_loop3A_71 = vector.extract_strided_slice %parallel_loop3A_70 {offsets = [0], sizes = [1], strides = [1]} : vector<16xi32> to vector<1xi32>
      %parallel_loop3A_72 = vector.extract %parallel_loop3A_71[0] : i32 from vector<1xi32>
      %parallel_loop3A_73 = vector.broadcast %parallel_loop3A_72 : i32 to vector<16xi32>
      %parallel_loop3A_74 = arith.constant 128 : i32
      %parallel_loop3A_75 = vector.broadcast %parallel_loop3A_74 : i32 to vector<16xi32>
      %parallel_loop3A_76 = arith.muli %parallel_loop3A_73, %parallel_loop3A_75 : vector<16xi32>
      %parallel_loop3A_77 = arith.addi %parallel_loop3A_76, %iota3A : vector<16xi32>
      %parallel_loop3A_78 = vector.extract_strided_slice %parallel_loop3A_70 {offsets = [1], sizes = [1], strides = [1]} : vector<16xi32> to vector<1xi32>
      %parallel_loop3A_79 = vector.extract %parallel_loop3A_78[0] : i32 from vector<1xi32>
      %parallel_loop3A_80 = vector.broadcast %parallel_loop3A_79 : i32 to vector<16xi32>
      %parallel_loop3A_81 = arith.constant 128 : i32
      %parallel_loop3A_82 = vector.broadcast %parallel_loop3A_81 : i32 to vector<16xi32>
      %parallel_loop3A_83 = arith.muli %parallel_loop3A_80, %parallel_loop3A_82 : vector<16xi32>
      %parallel_loop3A_84 = arith.addi %parallel_loop3A_83, %iota3A : vector<16xi32>
      %parallel_loop3A_85 = vector.extract_strided_slice %parallel_loop3A_70 {offsets = [2], sizes = [1], strides = [1]} : vector<16xi32> to vector<1xi32>
      %parallel_loop3A_86 = vector.extract %parallel_loop3A_85[0] : i32 from vector<1xi32>
      %parallel_loop3A_87 = vector.broadcast %parallel_loop3A_86 : i32 to vector<16xi32>
      %parallel_loop3A_88 = arith.constant 128 : i32
      %parallel_loop3A_89 = vector.broadcast %parallel_loop3A_88 : i32 to vector<16xi32>
      %parallel_loop3A_90 = arith.muli %parallel_loop3A_87, %parallel_loop3A_89 : vector<16xi32>
      %parallel_loop3A_91 = arith.addi %parallel_loop3A_90, %iota3A : vector<16xi32>
      %parallel_loop3A_92 = vector.extract_strided_slice %parallel_loop3A_70 {offsets = [3], sizes = [1], strides = [1]} : vector<16xi32> to vector<1xi32>
      %parallel_loop3A_93 = vector.extract %parallel_loop3A_92[0] : i32 from vector<1xi32>
      %parallel_loop3A_94 = vector.broadcast %parallel_loop3A_93 : i32 to vector<16xi32>
      %parallel_loop3A_95 = arith.constant 128 : i32
      %parallel_loop3A_96 = vector.broadcast %parallel_loop3A_95 : i32 to vector<16xi32>
      %parallel_loop3A_97 = arith.muli %parallel_loop3A_94, %parallel_loop3A_96 : vector<16xi32>
      %parallel_loop3A_98 = arith.addi %parallel_loop3A_97, %iota3A : vector<16xi32>
      %parallel_loop3A_99 = vector.extract_strided_slice %parallel_loop3A_70 {offsets = [4], sizes = [1], strides = [1]} : vector<16xi32> to vector<1xi32>
      %parallel_loop3A_100 = vector.extract %parallel_loop3A_99[0] : i32 from vector<1xi32>
      %parallel_loop3A_101 = vector.broadcast %parallel_loop3A_100 : i32 to vector<16xi32>
      %parallel_loop3A_102 = arith.constant 128 : i32
      %parallel_loop3A_103 = vector.broadcast %parallel_loop3A_102 : i32 to vector<16xi32>
      %parallel_loop3A_104 = arith.muli %parallel_loop3A_101, %parallel_loop3A_103 : vector<16xi32>
      %parallel_loop3A_105 = arith.addi %parallel_loop3A_104, %iota3A : vector<16xi32>
      %parallel_loop3A_106 = arith.constant 0 : i32
      %parallel_loop3A_107 = arith.addi %parallel_loop3A_65, %parallel_loop3A_106 : i32
      %parallel_loop3A_108 = arith.constant 128 : i32
      %parallel_loop3A_109 = arith.muli %parallel_loop3A_107, %parallel_loop3A_108 : i32
      %parallel_loop3A_110 = arith.constant 1 : i32
      %parallel_loop3A_111 = arith.addi %parallel_loop3A_65, %parallel_loop3A_110 : i32
      %parallel_loop3A_112 = arith.constant 128 : i32
      %parallel_loop3A_113 = arith.muli %parallel_loop3A_111, %parallel_loop3A_112 : i32
      %parallel_loop3A_114 = arith.constant 2 : i32
      %parallel_loop3A_115 = arith.addi %parallel_loop3A_65, %parallel_loop3A_114 : i32
      %parallel_loop3A_116 = arith.constant 128 : i32
      %parallel_loop3A_117 = arith.muli %parallel_loop3A_115, %parallel_loop3A_116 : i32
      %parallel_loop3A_118 = arith.constant 3 : i32
      %parallel_loop3A_119 = arith.addi %parallel_loop3A_65, %parallel_loop3A_118 : i32
      %parallel_loop3A_120 = arith.constant 128 : i32
      %parallel_loop3A_121 = arith.muli %parallel_loop3A_119, %parallel_loop3A_120 : i32
      %parallel_loop3A_122 = arith.constant 4 : i32
      %parallel_loop3A_123 = arith.addi %parallel_loop3A_65, %parallel_loop3A_122 : i32
      %parallel_loop3A_124 = arith.constant 128 : i32
      %parallel_loop3A_125 = arith.muli %parallel_loop3A_123, %parallel_loop3A_124 : i32
      %parallel_loop3A_126 = arith.constant 0 : i32
      %parallel_loop3A_127 = arith.addi %parallel_loop3A_109, %parallel_loop3A_126 : i32
      %parallel_loop3A_128 = arith.index_cast %parallel_loop3A_127 : i32 to index
      %parallel_loop3A_129 = tpu.vector_load %arg7[%parallel_loop3A_128] {strides = array<i32>} : memref<17024xf32, #tpu.memory_space<vmem>>, vector<16xf32>,
      %parallel_loop3A_130 = arith.mulf %parallel_loop3A_129, %get3A_9 : vector<16xf32>
      %parallel_loop3A_131 = arith.constant 0 : i32
      %parallel_loop3A_132 = arith.addi %parallel_loop3A_113, %parallel_loop3A_131 : i32
      %parallel_loop3A_133 = arith.index_cast %parallel_loop3A_132 : i32 to index
      %parallel_loop3A_134 = tpu.vector_load %arg7[%parallel_loop3A_133] {strides = array<i32>} : memref<17024xf32, #tpu.memory_space<vmem>>, vector<16xf32>,
      %parallel_loop3A_135 = arith.mulf %parallel_loop3A_134, %get3A_9 : vector<16xf32>
      %parallel_loop3A_136 = arith.constant 0 : i32
      %parallel_loop3A_137 = arith.addi %parallel_loop3A_117, %parallel_loop3A_136 : i32
      %parallel_loop3A_138 = arith.index_cast %parallel_loop3A_137 : i32 to index
      %parallel_loop3A_139 = tpu.vector_load %arg7[%parallel_loop3A_138] {strides = array<i32>} : memref<17024xf32, #tpu.memory_space<vmem>>, vector<16xf32>,
      %parallel_loop3A_140 = arith.mulf %parallel_loop3A_139, %get3A_9 : vector<16xf32>
      %parallel_loop3A_141 = arith.constant 0 : i32
      %parallel_loop3A_142 = arith.addi %parallel_loop3A_121, %parallel_loop3A_141 : i32
      %parallel_loop3A_143 = arith.index_cast %parallel_loop3A_142 : i32 to index
      %parallel_loop3A_144 = tpu.vector_load %arg7[%parallel_loop3A_143] {strides = array<i32>} : memref<17024xf32, #tpu.memory_space<vmem>>, vector<16xf32>,
      %parallel_loop3A_145 = arith.mulf %parallel_loop3A_144, %get3A_9 : vector<16xf32>
      %parallel_loop3A_146 = arith.constant 0 : i32
      %parallel_loop3A_147 = arith.addi %parallel_loop3A_125, %parallel_loop3A_146 : i32
      %parallel_loop3A_148 = arith.index_cast %parallel_loop3A_147 : i32 to index
      %parallel_loop3A_149 = tpu.vector_load %arg7[%parallel_loop3A_148] {strides = array<i32>} : memref<17024xf32, #tpu.memory_space<vmem>>, vector<16xf32>,
      %parallel_loop3A_150 = arith.mulf %parallel_loop3A_149, %get3A_9 : vector<16xf32>
      %parallel_loop3A_151 = arith.constant 16 : i32
      %parallel_loop3A_152 = arith.addi %parallel_loop3A_109, %parallel_loop3A_151 : i32
      %parallel_loop3A_153 = arith.index_cast %parallel_loop3A_152 : i32 to index
      %parallel_loop3A_154 = tpu.vector_load %arg7[%parallel_loop3A_153] {strides = array<i32>} : memref<17024xf32, #tpu.memory_space<vmem>>, vector<16xf32>,
      %parallel_loop3A_155 = arith.mulf %parallel_loop3A_154, %get3A_11 : vector<16xf32>
      %parallel_loop3A_156 = arith.addf %parallel_loop3A_130, %parallel_loop3A_155 : vector<16xf32>
      %parallel_loop3A_157 = arith.constant 16 : i32
      %parallel_loop3A_158 = arith.addi %parallel_loop3A_113, %parallel_loop3A_157 : i32
      %parallel_loop3A_159 = arith.index_cast %parallel_loop3A_158 : i32 to index
      %parallel_loop3A_160 = tpu.vector_load %arg7[%parallel_loop3A_159] {strides = array<i32>} : memref<17024xf32, #tpu.memory_space<vmem>>, vector<16xf32>,
      %parallel_loop3A_161 = arith.mulf %parallel_loop3A_160, %get3A_11 : vector<16xf32>
      %parallel_loop3A_162 = arith.addf %parallel_loop3A_135, %parallel_loop3A_161 : vector<16xf32>
      %parallel_loop3A_163 = arith.constant 16 : i32
      %parallel_loop3A_164 = arith.addi %parallel_loop3A_117, %parallel_loop3A_163 : i32
      %parallel_loop3A_165 = arith.index_cast %parallel_loop3A_164 : i32 to index
      %parallel_loop3A_166 = tpu.vector_load %arg7[%parallel_loop3A_165] {strides = array<i32>} : memref<17024xf32, #tpu.memory_space<vmem>>, vector<16xf32>,
      %parallel_loop3A_167 = arith.mulf %parallel_loop3A_166, %get3A_11 : vector<16xf32>
      %parallel_loop3A_168 = arith.addf %parallel_loop3A_140, %parallel_loop3A_167 : vector<16xf32>
      %parallel_loop3A_169 = arith.constant 16 : i32
      %parallel_loop3A_170 = arith.addi %parallel_loop3A_121, %parallel_loop3A_169 : i32
      %parallel_loop3A_171 = arith.index_cast %parallel_loop3A_170 : i32 to index
      %parallel_loop3A_172 = tpu.vector_load %arg7[%parallel_loop3A_171] {strides = array<i32>} : memref<17024xf32, #tpu.memory_space<vmem>>, vector<16xf32>,
      %parallel_loop3A_173 = arith.mulf %parallel_loop3A_172, %get3A_11 : vector<16xf32>
      %parallel_loop3A_174 = arith.addf %parallel_loop3A_145, %parallel_loop3A_173 : vector<16xf32>
      %parallel_loop3A_175 = arith.constant 16 : i32
      %parallel_loop3A_176 = arith.addi %parallel_loop3A_125, %parallel_loop3A_175 : i32
      %parallel_loop3A_177 = arith.index_cast %parallel_loop3A_176 : i32 to index
      %parallel_loop3A_178 = tpu.vector_load %arg7[%parallel_loop3A_177] {strides = array<i32>} : memref<17024xf32, #tpu.memory_space<vmem>>, vector<16xf32>,
      %parallel_loop3A_179 = arith.mulf %parallel_loop3A_178, %get3A_11 : vector<16xf32>
      %parallel_loop3A_180 = arith.addf %parallel_loop3A_150, %parallel_loop3A_179 : vector<16xf32>
      %parallel_loop3A_181 = arith.constant 32 : i32
      %parallel_loop3A_182 = arith.addi %parallel_loop3A_109, %parallel_loop3A_181 : i32
      %parallel_loop3A_183 = arith.index_cast %parallel_loop3A_182 : i32 to index
      %parallel_loop3A_184 = tpu.vector_load %arg7[%parallel_loop3A_183] {strides = array<i32>} : memref<17024xf32, #tpu.memory_space<vmem>>, vector<16xf32>,
      %parallel_loop3A_185 = arith.mulf %parallel_loop3A_184, %get3A_13 : vector<16xf32>
      %parallel_loop3A_186 = arith.addf %parallel_loop3A_156, %parallel_loop3A_185 : vector<16xf32>
      %parallel_loop3A_187 = arith.constant 32 : i32
      %parallel_loop3A_188 = arith.addi %parallel_loop3A_113, %parallel_loop3A_187 : i32
      %parallel_loop3A_189 = arith.index_cast %parallel_loop3A_188 : i32 to index
      %parallel_loop3A_190 = tpu.vector_load %arg7[%parallel_loop3A_189] {strides = array<i32>} : memref<17024xf32, #tpu.memory_space<vmem>>, vector<16xf32>,
      %parallel_loop3A_191 = arith.mulf %parallel_loop3A_190, %get3A_13 : vector<16xf32>
      %parallel_loop3A_192 = arith.addf %parallel_loop3A_162, %parallel_loop3A_191 : vector<16xf32>
      %parallel_loop3A_193 = arith.constant 32 : i32
      %parallel_loop3A_194 = arith.addi %parallel_loop3A_117, %parallel_loop3A_193 : i32
      %parallel_loop3A_195 = arith.index_cast %parallel_loop3A_194 : i32 to index
      %parallel_loop3A_196 = tpu.vector_load %arg7[%parallel_loop3A_195] {strides = array<i32>} : memref<17024xf32, #tpu.memory_space<vmem>>, vector<16xf32>,
      %parallel_loop3A_197 = arith.mulf %parallel_loop3A_196, %get3A_13 : vector<16xf32>
      %parallel_loop3A_198 = arith.addf %parallel_loop3A_168, %parallel_loop3A_197 : vector<16xf32>
      %parallel_loop3A_199 = arith.constant 32 : i32
      %parallel_loop3A_200 = arith.addi %parallel_loop3A_121, %parallel_loop3A_199 : i32
      %parallel_loop3A_201 = arith.index_cast %parallel_loop3A_200 : i32 to index
      %parallel_loop3A_202 = tpu.vector_load %arg7[%parallel_loop3A_201] {strides = array<i32>} : memref<17024xf32, #tpu.memory_space<vmem>>, vector<16xf32>,
      %parallel_loop3A_203 = arith.mulf %parallel_loop3A_202, %get3A_13 : vector<16xf32>
      %parallel_loop3A_204 = arith.addf %parallel_loop3A_174, %parallel_loop3A_203 : vector<16xf32>
      %parallel_loop3A_205 = arith.constant 32 : i32
      %parallel_loop3A_206 = arith.addi %parallel_loop3A_125, %parallel_loop3A_205 : i32
      %parallel_loop3A_207 = arith.index_cast %parallel_loop3A_206 : i32 to index
      %parallel_loop3A_208 = tpu.vector_load %arg7[%parallel_loop3A_207] {strides = array<i32>} : memref<17024xf32, #tpu.memory_space<vmem>>, vector<16xf32>,
      %parallel_loop3A_209 = arith.mulf %parallel_loop3A_208, %get3A_13 : vector<16xf32>
      %parallel_loop3A_210 = arith.addf %parallel_loop3A_180, %parallel_loop3A_209 : vector<16xf32>
      %parallel_loop3A_211 = arith.constant 48 : i32
      %parallel_loop3A_212 = arith.addi %parallel_loop3A_109, %parallel_loop3A_211 : i32
      %parallel_loop3A_213 = arith.index_cast %parallel_loop3A_212 : i32 to index
      %parallel_loop3A_214 = tpu.vector_load %arg7[%parallel_loop3A_213] {strides = array<i32>} : memref<17024xf32, #tpu.memory_space<vmem>>, vector<16xf32>,
      %parallel_loop3A_215 = arith.mulf %parallel_loop3A_214, %get3A_15 : vector<16xf32>
      %parallel_loop3A_216 = arith.addf %parallel_loop3A_186, %parallel_loop3A_215 : vector<16xf32>
      %parallel_loop3A_217 = arith.constant 48 : i32
      %parallel_loop3A_218 = arith.addi %parallel_loop3A_113, %parallel_loop3A_217 : i32
      %parallel_loop3A_219 = arith.index_cast %parallel_loop3A_218 : i32 to index
      %parallel_loop3A_220 = tpu.vector_load %arg7[%parallel_loop3A_219] {strides = array<i32>} : memref<17024xf32, #tpu.memory_space<vmem>>, vector<16xf32>,
      %parallel_loop3A_221 = arith.mulf %parallel_loop3A_220, %get3A_15 : vector<16xf32>
      %parallel_loop3A_222 = arith.addf %parallel_loop3A_192, %parallel_loop3A_221 : vector<16xf32>
      %parallel_loop3A_223 = arith.constant 48 : i32
      %parallel_loop3A_224 = arith.addi %parallel_loop3A_117, %parallel_loop3A_223 : i32
      %parallel_loop3A_225 = arith.index_cast %parallel_loop3A_224 : i32 to index
      %parallel_loop3A_226 = tpu.vector_load %arg7[%parallel_loop3A_225] {strides = array<i32>} : memref<17024xf32, #tpu.memory_space<vmem>>, vector<16xf32>,
      %parallel_loop3A_227 = arith.mulf %parallel_loop3A_226, %get3A_15 : vector<16xf32>
      %parallel_loop3A_228 = arith.addf %parallel_loop3A_198, %parallel_loop3A_227 : vector<16xf32>
      %parallel_loop3A_229 = arith.constant 48 : i32
      %parallel_loop3A_230 = arith.addi %parallel_loop3A_121, %parallel_loop3A_229 : i32
      %parallel_loop3A_231 = arith.index_cast %parallel_loop3A_230 : i32 to index
      %parallel_loop3A_232 = tpu.vector_load %arg7[%parallel_loop3A_231] {strides = array<i32>} : memref<17024xf32, #tpu.memory_space<vmem>>, vector<16xf32>,
      %parallel_loop3A_233 = arith.mulf %parallel_loop3A_232, %get3A_15 : vector<16xf32>
      %parallel_loop3A_234 = arith.addf %parallel_loop3A_204, %parallel_loop3A_233 : vector<16xf32>
      %parallel_loop3A_235 = arith.constant 48 : i32
      %parallel_loop3A_236 = arith.addi %parallel_loop3A_125, %parallel_loop3A_235 : i32
      %parallel_loop3A_237 = arith.index_cast %parallel_loop3A_236 : i32 to index
      %parallel_loop3A_238 = tpu.vector_load %arg7[%parallel_loop3A_237] {strides = array<i32>} : memref<17024xf32, #tpu.memory_space<vmem>>, vector<16xf32>,
      %parallel_loop3A_239 = arith.mulf %parallel_loop3A_238, %get3A_15 : vector<16xf32>
      %parallel_loop3A_240 = arith.addf %parallel_loop3A_210, %parallel_loop3A_239 : vector<16xf32>
      %parallel_loop3A_241 = arith.constant 64 : i32
      %parallel_loop3A_242 = arith.addi %parallel_loop3A_109, %parallel_loop3A_241 : i32
      %parallel_loop3A_243 = arith.index_cast %parallel_loop3A_242 : i32 to index
      %parallel_loop3A_244 = tpu.vector_load %arg7[%parallel_loop3A_243] {strides = array<i32>} : memref<17024xf32, #tpu.memory_space<vmem>>, vector<16xf32>,
      %parallel_loop3A_245 = arith.mulf %parallel_loop3A_244, %get3A_17 : vector<16xf32>
      %parallel_loop3A_246 = arith.addf %parallel_loop3A_216, %parallel_loop3A_245 : vector<16xf32>
      %parallel_loop3A_247 = arith.constant 64 : i32
      %parallel_loop3A_248 = arith.addi %parallel_loop3A_113, %parallel_loop3A_247 : i32
      %parallel_loop3A_249 = arith.index_cast %parallel_loop3A_248 : i32 to index
      %parallel_loop3A_250 = tpu.vector_load %arg7[%parallel_loop3A_249] {strides = array<i32>} : memref<17024xf32, #tpu.memory_space<vmem>>, vector<16xf32>,
      %parallel_loop3A_251 = arith.mulf %parallel_loop3A_250, %get3A_17 : vector<16xf32>
      %parallel_loop3A_252 = arith.addf %parallel_loop3A_222, %parallel_loop3A_251 : vector<16xf32>
      %parallel_loop3A_253 = arith.constant 64 : i32
      %parallel_loop3A_254 = arith.addi %parallel_loop3A_117, %parallel_loop3A_253 : i32
      %parallel_loop3A_255 = arith.index_cast %parallel_loop3A_254 : i32 to index
      %parallel_loop3A_256 = tpu.vector_load %arg7[%parallel_loop3A_255] {strides = array<i32>} : memref<17024xf32, #tpu.memory_space<vmem>>, vector<16xf32>,
      %parallel_loop3A_257 = arith.mulf %parallel_loop3A_256, %get3A_17 : vector<16xf32>
      %parallel_loop3A_258 = arith.addf %parallel_loop3A_228, %parallel_loop3A_257 : vector<16xf32>
      %parallel_loop3A_259 = arith.constant 64 : i32
      %parallel_loop3A_260 = arith.addi %parallel_loop3A_121, %parallel_loop3A_259 : i32
      %parallel_loop3A_261 = arith.index_cast %parallel_loop3A_260 : i32 to index
      %parallel_loop3A_262 = tpu.vector_load %arg7[%parallel_loop3A_261] {strides = array<i32>} : memref<17024xf32, #tpu.memory_space<vmem>>, vector<16xf32>,
      %parallel_loop3A_263 = arith.mulf %parallel_loop3A_262, %get3A_17 : vector<16xf32>
      %parallel_loop3A_264 = arith.addf %parallel_loop3A_234, %parallel_loop3A_263 : vector<16xf32>
      %parallel_loop3A_265 = arith.constant 64 : i32
      %parallel_loop3A_266 = arith.addi %parallel_loop3A_125, %parallel_loop3A_265 : i32
      %parallel_loop3A_267 = arith.index_cast %parallel_loop3A_266 : i32 to index
      %parallel_loop3A_268 = tpu.vector_load %arg7[%parallel_loop3A_267] {strides = array<i32>} : memref<17024xf32, #tpu.memory_space<vmem>>, vector<16xf32>,
      %parallel_loop3A_269 = arith.mulf %parallel_loop3A_268, %get3A_17 : vector<16xf32>
      %parallel_loop3A_270 = arith.addf %parallel_loop3A_240, %parallel_loop3A_269 : vector<16xf32>
      %parallel_loop3A_271 = arith.constant 80 : i32
      %parallel_loop3A_272 = arith.addi %parallel_loop3A_109, %parallel_loop3A_271 : i32
      %parallel_loop3A_273 = arith.index_cast %parallel_loop3A_272 : i32 to index
      %parallel_loop3A_274 = tpu.vector_load %arg7[%parallel_loop3A_273] {strides = array<i32>} : memref<17024xf32, #tpu.memory_space<vmem>>, vector<16xf32>,
      %parallel_loop3A_275 = arith.mulf %parallel_loop3A_274, %get3A_19 : vector<16xf32>
      %parallel_loop3A_276 = arith.addf %parallel_loop3A_246, %parallel_loop3A_275 : vector<16xf32>
      %parallel_loop3A_277 = arith.constant 80 : i32
      %parallel_loop3A_278 = arith.addi %parallel_loop3A_113, %parallel_loop3A_277 : i32
      %parallel_loop3A_279 = arith.index_cast %parallel_loop3A_278 : i32 to index
      %parallel_loop3A_280 = tpu.vector_load %arg7[%parallel_loop3A_279] {strides = array<i32>} : memref<17024xf32, #tpu.memory_space<vmem>>, vector<16xf32>,
      %parallel_loop3A_281 = arith.mulf %parallel_loop3A_280, %get3A_19 : vector<16xf32>
      %parallel_loop3A_282 = arith.addf %parallel_loop3A_252, %parallel_loop3A_281 : vector<16xf32>
      %parallel_loop3A_283 = arith.constant 80 : i32
      %parallel_loop3A_284 = arith.addi %parallel_loop3A_117, %parallel_loop3A_283 : i32
      %parallel_loop3A_285 = arith.index_cast %parallel_loop3A_284 : i32 to index
      %parallel_loop3A_286 = tpu.vector_load %arg7[%parallel_loop3A_285] {strides = array<i32>} : memref<17024xf32, #tpu.memory_space<vmem>>, vector<16xf32>,
      %parallel_loop3A_287 = arith.mulf %parallel_loop3A_286, %get3A_19 : vector<16xf32>
      %parallel_loop3A_288 = arith.addf %parallel_loop3A_258, %parallel_loop3A_287 : vector<16xf32>
      %parallel_loop3A_289 = arith.constant 80 : i32
      %parallel_loop3A_290 = arith.addi %parallel_loop3A_121, %parallel_loop3A_289 : i32
      %parallel_loop3A_291 = arith.index_cast %parallel_loop3A_290 : i32 to index
      %parallel_loop3A_292 = tpu.vector_load %arg7[%parallel_loop3A_291] {strides = array<i32>} : memref<17024xf32, #tpu.memory_space<vmem>>, vector<16xf32>,
      %parallel_loop3A_293 = arith.mulf %parallel_loop3A_292, %get3A_19 : vector<16xf32>
      %parallel_loop3A_294 = arith.addf %parallel_loop3A_264, %parallel_loop3A_293 : vector<16xf32>
      %parallel_loop3A_295 = arith.constant 80 : i32
      %parallel_loop3A_296 = arith.addi %parallel_loop3A_125, %parallel_loop3A_295 : i32
      %parallel_loop3A_297 = arith.index_cast %parallel_loop3A_296 : i32 to index
      %parallel_loop3A_298 = tpu.vector_load %arg7[%parallel_loop3A_297] {strides = array<i32>} : memref<17024xf32, #tpu.memory_space<vmem>>, vector<16xf32>,
      %parallel_loop3A_299 = arith.mulf %parallel_loop3A_298, %get3A_19 : vector<16xf32>
      %parallel_loop3A_300 = arith.addf %parallel_loop3A_270, %parallel_loop3A_299 : vector<16xf32>
      %parallel_loop3A_301 = arith.constant 96 : i32
      %parallel_loop3A_302 = arith.addi %parallel_loop3A_109, %parallel_loop3A_301 : i32
      %parallel_loop3A_303 = arith.index_cast %parallel_loop3A_302 : i32 to index
      %parallel_loop3A_304 = tpu.vector_load %arg7[%parallel_loop3A_303] {strides = array<i32>} : memref<17024xf32, #tpu.memory_space<vmem>>, vector<16xf32>,
      %parallel_loop3A_305 = arith.mulf %parallel_loop3A_304, %get3A_21 : vector<16xf32>
      %parallel_loop3A_306 = arith.addf %parallel_loop3A_276, %parallel_loop3A_305 : vector<16xf32>
      %parallel_loop3A_307 = arith.constant 96 : i32
      %parallel_loop3A_308 = arith.addi %parallel_loop3A_113, %parallel_loop3A_307 : i32
      %parallel_loop3A_309 = arith.index_cast %parallel_loop3A_308 : i32 to index
      %parallel_loop3A_310 = tpu.vector_load %arg7[%parallel_loop3A_309] {strides = array<i32>} : memref<17024xf32, #tpu.memory_space<vmem>>, vector<16xf32>,
      %parallel_loop3A_311 = arith.mulf %parallel_loop3A_310, %get3A_21 : vector<16xf32>
      %parallel_loop3A_312 = arith.addf %parallel_loop3A_282, %parallel_loop3A_311 : vector<16xf32>
      %parallel_loop3A_313 = arith.constant 96 : i32
      %parallel_loop3A_314 = arith.addi %parallel_loop3A_117, %parallel_loop3A_313 : i32
      %parallel_loop3A_315 = arith.index_cast %parallel_loop3A_314 : i32 to index
      %parallel_loop3A_316 = tpu.vector_load %arg7[%parallel_loop3A_315] {strides = array<i32>} : memref<17024xf32, #tpu.memory_space<vmem>>, vector<16xf32>,
      %parallel_loop3A_317 = arith.mulf %parallel_loop3A_316, %get3A_21 : vector<16xf32>
      %parallel_loop3A_318 = arith.addf %parallel_loop3A_288, %parallel_loop3A_317 : vector<16xf32>
      %parallel_loop3A_319 = arith.constant 96 : i32
      %parallel_loop3A_320 = arith.addi %parallel_loop3A_121, %parallel_loop3A_319 : i32
      %parallel_loop3A_321 = arith.index_cast %parallel_loop3A_320 : i32 to index
      %parallel_loop3A_322 = tpu.vector_load %arg7[%parallel_loop3A_321] {strides = array<i32>} : memref<17024xf32, #tpu.memory_space<vmem>>, vector<16xf32>,
      %parallel_loop3A_323 = arith.mulf %parallel_loop3A_322, %get3A_21 : vector<16xf32>
      %parallel_loop3A_324 = arith.addf %parallel_loop3A_294, %parallel_loop3A_323 : vector<16xf32>
      %parallel_loop3A_325 = arith.constant 96 : i32
      %parallel_loop3A_326 = arith.addi %parallel_loop3A_125, %parallel_loop3A_325 : i32
      %parallel_loop3A_327 = arith.index_cast %parallel_loop3A_326 : i32 to index
      %parallel_loop3A_328 = tpu.vector_load %arg7[%parallel_loop3A_327] {strides = array<i32>} : memref<17024xf32, #tpu.memory_space<vmem>>, vector<16xf32>,
      %parallel_loop3A_329 = arith.mulf %parallel_loop3A_328, %get3A_21 : vector<16xf32>
      %parallel_loop3A_330 = arith.addf %parallel_loop3A_300, %parallel_loop3A_329 : vector<16xf32>
      %parallel_loop3A_331 = arith.constant 112 : i32
      %parallel_loop3A_332 = arith.addi %parallel_loop3A_109, %parallel_loop3A_331 : i32
      %parallel_loop3A_333 = arith.index_cast %parallel_loop3A_332 : i32 to index
      %parallel_loop3A_334 = tpu.vector_load %arg7[%parallel_loop3A_333] {strides = array<i32>} : memref<17024xf32, #tpu.memory_space<vmem>>, vector<16xf32>,
      %parallel_loop3A_335 = arith.mulf %parallel_loop3A_334, %get3A_23 : vector<16xf32>
      %parallel_loop3A_336 = arith.addf %parallel_loop3A_306, %parallel_loop3A_335 : vector<16xf32>
      %parallel_loop3A_337 = arith.constant 112 : i32
      %parallel_loop3A_338 = arith.addi %parallel_loop3A_113, %parallel_loop3A_337 : i32
      %parallel_loop3A_339 = arith.index_cast %parallel_loop3A_338 : i32 to index
      %parallel_loop3A_340 = tpu.vector_load %arg7[%parallel_loop3A_339] {strides = array<i32>} : memref<17024xf32, #tpu.memory_space<vmem>>, vector<16xf32>,
      %parallel_loop3A_341 = arith.mulf %parallel_loop3A_340, %get3A_23 : vector<16xf32>
      %parallel_loop3A_342 = arith.addf %parallel_loop3A_312, %parallel_loop3A_341 : vector<16xf32>
      %parallel_loop3A_343 = arith.constant 112 : i32
      %parallel_loop3A_344 = arith.addi %parallel_loop3A_117, %parallel_loop3A_343 : i32
      %parallel_loop3A_345 = arith.index_cast %parallel_loop3A_344 : i32 to index
      %parallel_loop3A_346 = tpu.vector_load %arg7[%parallel_loop3A_345] {strides = array<i32>} : memref<17024xf32, #tpu.memory_space<vmem>>, vector<16xf32>,
      %parallel_loop3A_347 = arith.mulf %parallel_loop3A_346, %get3A_23 : vector<16xf32>
      %parallel_loop3A_348 = arith.addf %parallel_loop3A_318, %parallel_loop3A_347 : vector<16xf32>
      %parallel_loop3A_349 = arith.constant 112 : i32
      %parallel_loop3A_350 = arith.addi %parallel_loop3A_121, %parallel_loop3A_349 : i32
      %parallel_loop3A_351 = arith.index_cast %parallel_loop3A_350 : i32 to index
      %parallel_loop3A_352 = tpu.vector_load %arg7[%parallel_loop3A_351] {strides = array<i32>} : memref<17024xf32, #tpu.memory_space<vmem>>, vector<16xf32>,
      %parallel_loop3A_353 = arith.mulf %parallel_loop3A_352, %get3A_23 : vector<16xf32>
      %parallel_loop3A_354 = arith.addf %parallel_loop3A_324, %parallel_loop3A_353 : vector<16xf32>
      %parallel_loop3A_355 = arith.constant 112 : i32
      %parallel_loop3A_356 = arith.addi %parallel_loop3A_125, %parallel_loop3A_355 : i32
      %parallel_loop3A_357 = arith.index_cast %parallel_loop3A_356 : i32 to index
      %parallel_loop3A_358 = tpu.vector_load %arg7[%parallel_loop3A_357] {strides = array<i32>} : memref<17024xf32, #tpu.memory_space<vmem>>, vector<16xf32>,
      %parallel_loop3A_359 = arith.mulf %parallel_loop3A_358, %get3A_23 : vector<16xf32>
      %parallel_loop3A_360 = arith.addf %parallel_loop3A_330, %parallel_loop3A_359 : vector<16xf32>
      %parallel_loop3A_361 = arith.constant true
      %parallel_loop3A_362 = vector.broadcast %parallel_loop3A_361 : i1 to vector<16xi1>
      %parallel_loop3A_363 = tpu.scan <sum>, %parallel_loop3A_336 masked %parallel_loop3A_362 : vector<16xf32>, vector<16xi1> -> vector<16xf32>
      %parallel_loop3A_364 = vector.extract %parallel_loop3A_363[15] : f32 from vector<16xf32>
      %parallel_loop3A_365 = vector.broadcast %parallel_loop3A_364 : f32 to vector<16xf32>
      %parallel_loop3A_366 = math.exp %parallel_loop3A_365 : vector<16xf32>
      %parallel_loop3A_367 = arith.addf %parallel_loop3A_66, %parallel_loop3A_366 : vector<16xf32>
      %parallel_loop3A_368 = arith.constant true
      %parallel_loop3A_369 = vector.broadcast %parallel_loop3A_368 : i1 to vector<16xi1>
      %parallel_loop3A_370 = tpu.scan <sum>, %parallel_loop3A_342 masked %parallel_loop3A_369 : vector<16xf32>, vector<16xi1> -> vector<16xf32>
      %parallel_loop3A_371 = vector.extract %parallel_loop3A_370[15] : f32 from vector<16xf32>
      %parallel_loop3A_372 = vector.broadcast %parallel_loop3A_371 : f32 to vector<16xf32>
      %parallel_loop3A_373 = math.exp %parallel_loop3A_372 : vector<16xf32>
      %parallel_loop3A_374 = arith.addf %parallel_loop3A_367, %parallel_loop3A_373 : vector<16xf32>
      %parallel_loop3A_375 = arith.constant true
      %parallel_loop3A_376 = vector.broadcast %parallel_loop3A_375 : i1 to vector<16xi1>
      %parallel_loop3A_377 = tpu.scan <sum>, %parallel_loop3A_348 masked %parallel_loop3A_376 : vector<16xf32>, vector<16xi1> -> vector<16xf32>
      %parallel_loop3A_378 = vector.extract %parallel_loop3A_377[15] : f32 from vector<16xf32>
      %parallel_loop3A_379 = vector.broadcast %parallel_loop3A_378 : f32 to vector<16xf32>
      %parallel_loop3A_380 = math.exp %parallel_loop3A_379 : vector<16xf32>
      %parallel_loop3A_381 = arith.addf %parallel_loop3A_374, %parallel_loop3A_380 : vector<16xf32>
      %parallel_loop3A_382 = arith.constant true
      %parallel_loop3A_383 = vector.broadcast %parallel_loop3A_382 : i1 to vector<16xi1>
      %parallel_loop3A_384 = tpu.scan <sum>, %parallel_loop3A_354 masked %parallel_loop3A_383 : vector<16xf32>, vector<16xi1> -> vector<16xf32>
      %parallel_loop3A_385 = vector.extract %parallel_loop3A_384[15] : f32 from vector<16xf32>
      %parallel_loop3A_386 = vector.broadcast %parallel_loop3A_385 : f32 to vector<16xf32>
      %parallel_loop3A_387 = math.exp %parallel_loop3A_386 : vector<16xf32>
      %parallel_loop3A_388 = arith.addf %parallel_loop3A_381, %parallel_loop3A_387 : vector<16xf32>
      %parallel_loop3A_389 = arith.constant true
      %parallel_loop3A_390 = vector.broadcast %parallel_loop3A_389 : i1 to vector<16xi1>
      %parallel_loop3A_391 = tpu.scan <sum>, %parallel_loop3A_360 masked %parallel_loop3A_390 : vector<16xf32>, vector<16xi1> -> vector<16xf32>
      %parallel_loop3A_392 = vector.extract %parallel_loop3A_391[15] : f32 from vector<16xf32>
      %parallel_loop3A_393 = vector.broadcast %parallel_loop3A_392 : f32 to vector<16xf32>
      %parallel_loop3A_394 = math.exp %parallel_loop3A_393 : vector<16xf32>
      %parallel_loop3A_395 = arith.addf %parallel_loop3A_388, %parallel_loop3A_394 : vector<16xf32>
      %parallel_loop3A_396 = arith.addi %parallel_loop3A_109, %min3A_26 : i32
      %parallel_loop3A_397 = arith.constant 0 : i32
      %parallel_loop3A_398 = arith.addi %parallel_loop3A_396, %parallel_loop3A_397 : i32
      %parallel_loop3A_399 = arith.index_cast %parallel_loop3A_398 : i32 to index
      %parallel_loop3A_400 = tpu.vector_load %arg7[%parallel_loop3A_399] {strides = array<i32>} : memref<17024xf32, #tpu.memory_space<vmem>>, vector<16xf32>,
      %parallel_loop3A_401 = arith.mulf %parallel_loop3A_366, %parallel_loop3A_400 : vector<16xf32>
      %parallel_loop3A_402 = arith.addi %parallel_loop3A_113, %min3A_26 : i32
      %parallel_loop3A_403 = arith.constant 0 : i32
      %parallel_loop3A_404 = arith.addi %parallel_loop3A_402, %parallel_loop3A_403 : i32
      %parallel_loop3A_405 = arith.index_cast %parallel_loop3A_404 : i32 to index
      %parallel_loop3A_406 = tpu.vector_load %arg7[%parallel_loop3A_405] {strides = array<i32>} : memref<17024xf32, #tpu.memory_space<vmem>>, vector<16xf32>,
      %parallel_loop3A_407 = arith.mulf %parallel_loop3A_373, %parallel_loop3A_406 : vector<16xf32>
      %parallel_loop3A_408 = arith.addi %parallel_loop3A_117, %min3A_26 : i32
      %parallel_loop3A_409 = arith.constant 0 : i32
      %parallel_loop3A_410 = arith.addi %parallel_loop3A_408, %parallel_loop3A_409 : i32
      %parallel_loop3A_411 = arith.index_cast %parallel_loop3A_410 : i32 to index
      %parallel_loop3A_412 = tpu.vector_load %arg7[%parallel_loop3A_411] {strides = array<i32>} : memref<17024xf32, #tpu.memory_space<vmem>>, vector<16xf32>,
      %parallel_loop3A_413 = arith.mulf %parallel_loop3A_380, %parallel_loop3A_412 : vector<16xf32>
      %parallel_loop3A_414 = arith.addi %parallel_loop3A_121, %min3A_26 : i32
      %parallel_loop3A_415 = arith.constant 0 : i32
      %parallel_loop3A_416 = arith.addi %parallel_loop3A_414, %parallel_loop3A_415 : i32
      %parallel_loop3A_417 = arith.index_cast %parallel_loop3A_416 : i32 to index
      %parallel_loop3A_418 = tpu.vector_load %arg7[%parallel_loop3A_417] {strides = array<i32>} : memref<17024xf32, #tpu.memory_space<vmem>>, vector<16xf32>,
      %parallel_loop3A_419 = arith.mulf %parallel_loop3A_387, %parallel_loop3A_418 : vector<16xf32>
      %parallel_loop3A_420 = arith.addi %parallel_loop3A_125, %min3A_26 : i32
      %parallel_loop3A_421 = arith.constant 0 : i32
      %parallel_loop3A_422 = arith.addi %parallel_loop3A_420, %parallel_loop3A_421 : i32
      %parallel_loop3A_423 = arith.index_cast %parallel_loop3A_422 : i32 to index
      %parallel_loop3A_424 = tpu.vector_load %arg7[%parallel_loop3A_423] {strides = array<i32>} : memref<17024xf32, #tpu.memory_space<vmem>>, vector<16xf32>,
      %parallel_loop3A_425 = arith.mulf %parallel_loop3A_394, %parallel_loop3A_424 : vector<16xf32>
      %parallel_loop3A_426 = arith.constant 0 : i32
      %parallel_loop3A_427 = vector.broadcast %parallel_loop3A_426 : i32 to vector<16xi32>
      %parallel_loop3A_428 = arith.addi %parallel_loop3A_77, %parallel_loop3A_427 : vector<16xi32>
      tpu.vector_store_idx %arg11[%parallel_loop3A_428], %parallel_loop3A_401 {add = true} : memref<32768xf32, #tpu.memory_space<vmem>>[vector<16xi32>], vector<16xf32>,
      %parallel_loop3A_429 = arith.constant 0 : i32
      %parallel_loop3A_430 = vector.broadcast %parallel_loop3A_429 : i32 to vector<16xi32>
      %parallel_loop3A_431 = arith.addi %parallel_loop3A_84, %parallel_loop3A_430 : vector<16xi32>
      tpu.vector_store_idx %arg11[%parallel_loop3A_431], %parallel_loop3A_407 {add = true} : memref<32768xf32, #tpu.memory_space<vmem>>[vector<16xi32>], vector<16xf32>,
      %parallel_loop3A_432 = arith.constant 0 : i32
      %parallel_loop3A_433 = vector.broadcast %parallel_loop3A_432 : i32 to vector<16xi32>
      %parallel_loop3A_434 = arith.addi %parallel_loop3A_91, %parallel_loop3A_433 : vector<16xi32>
      tpu.vector_store_idx %arg11[%parallel_loop3A_434], %parallel_loop3A_413 {add = true} : memref<32768xf32, #tpu.memory_space<vmem>>[vector<16xi32>], vector<16xf32>,
      %parallel_loop3A_435 = arith.constant 0 : i32
      %parallel_loop3A_436 = vector.broadcast %parallel_loop3A_435 : i32 to vector<16xi32>
      %parallel_loop3A_437 = arith.addi %parallel_loop3A_98, %parallel_loop3A_436 : vector<16xi32>
      tpu.vector_store_idx %arg11[%parallel_loop3A_437], %parallel_loop3A_419 {add = true} : memref<32768xf32, #tpu.memory_space<vmem>>[vector<16xi32>], vector<16xf32>,
      %parallel_loop3A_438 = arith.constant 0 : i32
      %parallel_loop3A_439 = vector.broadcast %parallel_loop3A_438 : i32 to vector<16xi32>
      %parallel_loop3A_440 = arith.addi %parallel_loop3A_105, %parallel_loop3A_439 : vector<16xi32>
      tpu.vector_store_idx %arg11[%parallel_loop3A_440], %parallel_loop3A_425 {add = true} : memref<32768xf32, #tpu.memory_space<vmem>>[vector<16xi32>], vector<16xf32>,
      %parallel_loop3A_441 = arith.addi %parallel_loop3A_109, %min3A_26 : i32
      %parallel_loop3A_442 = arith.constant 16 : i32
      %parallel_loop3A_443 = arith.addi %parallel_loop3A_441, %parallel_loop3A_442 : i32
      %parallel_loop3A_444 = arith.index_cast %parallel_loop3A_443 : i32 to index
      %parallel_loop3A_445 = tpu.vector_load %arg7[%parallel_loop3A_444] {strides = array<i32>} : memref<17024xf32, #tpu.memory_space<vmem>>, vector<16xf32>,
      %parallel_loop3A_446 = arith.mulf %parallel_loop3A_366, %parallel_loop3A_445 : vector<16xf32>
      %parallel_loop3A_447 = arith.addi %parallel_loop3A_113, %min3A_26 : i32
      %parallel_loop3A_448 = arith.constant 16 : i32
      %parallel_loop3A_449 = arith.addi %parallel_loop3A_447, %parallel_loop3A_448 : i32
      %parallel_loop3A_450 = arith.index_cast %parallel_loop3A_449 : i32 to index
      %parallel_loop3A_451 = tpu.vector_load %arg7[%parallel_loop3A_450] {strides = array<i32>} : memref<17024xf32, #tpu.memory_space<vmem>>, vector<16xf32>,
      %parallel_loop3A_452 = arith.mulf %parallel_loop3A_373, %parallel_loop3A_451 : vector<16xf32>
      %parallel_loop3A_453 = arith.addi %parallel_loop3A_117, %min3A_26 : i32
      %parallel_loop3A_454 = arith.constant 16 : i32
      %parallel_loop3A_455 = arith.addi %parallel_loop3A_453, %parallel_loop3A_454 : i32
      %parallel_loop3A_456 = arith.index_cast %parallel_loop3A_455 : i32 to index
      %parallel_loop3A_457 = tpu.vector_load %arg7[%parallel_loop3A_456] {strides = array<i32>} : memref<17024xf32, #tpu.memory_space<vmem>>, vector<16xf32>,
      %parallel_loop3A_458 = arith.mulf %parallel_loop3A_380, %parallel_loop3A_457 : vector<16xf32>
      %parallel_loop3A_459 = arith.addi %parallel_loop3A_121, %min3A_26 : i32
      %parallel_loop3A_460 = arith.constant 16 : i32
      %parallel_loop3A_461 = arith.addi %parallel_loop3A_459, %parallel_loop3A_460 : i32
      %parallel_loop3A_462 = arith.index_cast %parallel_loop3A_461 : i32 to index
      %parallel_loop3A_463 = tpu.vector_load %arg7[%parallel_loop3A_462] {strides = array<i32>} : memref<17024xf32, #tpu.memory_space<vmem>>, vector<16xf32>,
      %parallel_loop3A_464 = arith.mulf %parallel_loop3A_387, %parallel_loop3A_463 : vector<16xf32>
      %parallel_loop3A_465 = arith.addi %parallel_loop3A_125, %min3A_26 : i32
      %parallel_loop3A_466 = arith.constant 16 : i32
      %parallel_loop3A_467 = arith.addi %parallel_loop3A_465, %parallel_loop3A_466 : i32
      %parallel_loop3A_468 = arith.index_cast %parallel_loop3A_467 : i32 to index
      %parallel_loop3A_469 = tpu.vector_load %arg7[%parallel_loop3A_468] {strides = array<i32>} : memref<17024xf32, #tpu.memory_space<vmem>>, vector<16xf32>,
      %parallel_loop3A_470 = arith.mulf %parallel_loop3A_394, %parallel_loop3A_469 : vector<16xf32>
      %parallel_loop3A_471 = arith.constant 16 : i32
      %parallel_loop3A_472 = vector.broadcast %parallel_loop3A_471 : i32 to vector<16xi32>
      %parallel_loop3A_473 = arith.addi %parallel_loop3A_77, %parallel_loop3A_472 : vector<16xi32>
      tpu.vector_store_idx %arg11[%parallel_loop3A_473], %parallel_loop3A_446 {add = true} : memref<32768xf32, #tpu.memory_space<vmem>>[vector<16xi32>], vector<16xf32>,
      %parallel_loop3A_474 = arith.constant 16 : i32
      %parallel_loop3A_475 = vector.broadcast %parallel_loop3A_474 : i32 to vector<16xi32>
      %parallel_loop3A_476 = arith.addi %parallel_loop3A_84, %parallel_loop3A_475 : vector<16xi32>
      tpu.vector_store_idx %arg11[%parallel_loop3A_476], %parallel_loop3A_452 {add = true} : memref<32768xf32, #tpu.memory_space<vmem>>[vector<16xi32>], vector<16xf32>,
      %parallel_loop3A_477 = arith.constant 16 : i32
      %parallel_loop3A_478 = vector.broadcast %parallel_loop3A_477 : i32 to vector<16xi32>
      %parallel_loop3A_479 = arith.addi %parallel_loop3A_91, %parallel_loop3A_478 : vector<16xi32>
      tpu.vector_store_idx %arg11[%parallel_loop3A_479], %parallel_loop3A_458 {add = true} : memref<32768xf32, #tpu.memory_space<vmem>>[vector<16xi32>], vector<16xf32>,
      %parallel_loop3A_480 = arith.constant 16 : i32
      %parallel_loop3A_481 = vector.broadcast %parallel_loop3A_480 : i32 to vector<16xi32>
      %parallel_loop3A_482 = arith.addi %parallel_loop3A_98, %parallel_loop3A_481 : vector<16xi32>
      tpu.vector_store_idx %arg11[%parallel_loop3A_482], %parallel_loop3A_464 {add = true} : memref<32768xf32, #tpu.memory_space<vmem>>[vector<16xi32>], vector<16xf32>,
      %parallel_loop3A_483 = arith.constant 16 : i32
      %parallel_loop3A_484 = vector.broadcast %parallel_loop3A_483 : i32 to vector<16xi32>
      %parallel_loop3A_485 = arith.addi %parallel_loop3A_105, %parallel_loop3A_484 : vector<16xi32>
      tpu.vector_store_idx %arg11[%parallel_loop3A_485], %parallel_loop3A_470 {add = true} : memref<32768xf32, #tpu.memory_space<vmem>>[vector<16xi32>], vector<16xf32>,
      %parallel_loop3A_486 = arith.addi %parallel_loop3A_109, %min3A_26 : i32
      %parallel_loop3A_487 = arith.constant 32 : i32
      %parallel_loop3A_488 = arith.addi %parallel_loop3A_486, %parallel_loop3A_487 : i32
      %parallel_loop3A_489 = arith.index_cast %parallel_loop3A_488 : i32 to index
      %parallel_loop3A_490 = tpu.vector_load %arg7[%parallel_loop3A_489] {strides = array<i32>} : memref<17024xf32, #tpu.memory_space<vmem>>, vector<16xf32>,
      %parallel_loop3A_491 = arith.mulf %parallel_loop3A_366, %parallel_loop3A_490 : vector<16xf32>
      %parallel_loop3A_492 = arith.addi %parallel_loop3A_113, %min3A_26 : i32
      %parallel_loop3A_493 = arith.constant 32 : i32
      %parallel_loop3A_494 = arith.addi %parallel_loop3A_492, %parallel_loop3A_493 : i32
      %parallel_loop3A_495 = arith.index_cast %parallel_loop3A_494 : i32 to index
      %parallel_loop3A_496 = tpu.vector_load %arg7[%parallel_loop3A_495] {strides = array<i32>} : memref<17024xf32, #tpu.memory_space<vmem>>, vector<16xf32>,
      %parallel_loop3A_497 = arith.mulf %parallel_loop3A_373, %parallel_loop3A_496 : vector<16xf32>
      %parallel_loop3A_498 = arith.addi %parallel_loop3A_117, %min3A_26 : i32
      %parallel_loop3A_499 = arith.constant 32 : i32
      %parallel_loop3A_500 = arith.addi %parallel_loop3A_498, %parallel_loop3A_499 : i32
      %parallel_loop3A_501 = arith.index_cast %parallel_loop3A_500 : i32 to index
      %parallel_loop3A_502 = tpu.vector_load %arg7[%parallel_loop3A_501] {strides = array<i32>} : memref<17024xf32, #tpu.memory_space<vmem>>, vector<16xf32>,
      %parallel_loop3A_503 = arith.mulf %parallel_loop3A_380, %parallel_loop3A_502 : vector<16xf32>
      %parallel_loop3A_504 = arith.addi %parallel_loop3A_121, %min3A_26 : i32
      %parallel_loop3A_505 = arith.constant 32 : i32
      %parallel_loop3A_506 = arith.addi %parallel_loop3A_504, %parallel_loop3A_505 : i32
      %parallel_loop3A_507 = arith.index_cast %parallel_loop3A_506 : i32 to index
      %parallel_loop3A_508 = tpu.vector_load %arg7[%parallel_loop3A_507] {strides = array<i32>} : memref<17024xf32, #tpu.memory_space<vmem>>, vector<16xf32>,
      %parallel_loop3A_509 = arith.mulf %parallel_loop3A_387, %parallel_loop3A_508 : vector<16xf32>
      %parallel_loop3A_510 = arith.addi %parallel_loop3A_125, %min3A_26 : i32
      %parallel_loop3A_511 = arith.constant 32 : i32
      %parallel_loop3A_512 = arith.addi %parallel_loop3A_510, %parallel_loop3A_511 : i32
      %parallel_loop3A_513 = arith.index_cast %parallel_loop3A_512 : i32 to index
      %parallel_loop3A_514 = tpu.vector_load %arg7[%parallel_loop3A_513] {strides = array<i32>} : memref<17024xf32, #tpu.memory_space<vmem>>, vector<16xf32>,
      %parallel_loop3A_515 = arith.mulf %parallel_loop3A_394, %parallel_loop3A_514 : vector<16xf32>
      %parallel_loop3A_516 = arith.constant 32 : i32
      %parallel_loop3A_517 = vector.broadcast %parallel_loop3A_516 : i32 to vector<16xi32>
      %parallel_loop3A_518 = arith.addi %parallel_loop3A_77, %parallel_loop3A_517 : vector<16xi32>
      tpu.vector_store_idx %arg11[%parallel_loop3A_518], %parallel_loop3A_491 {add = true} : memref<32768xf32, #tpu.memory_space<vmem>>[vector<16xi32>], vector<16xf32>,
      %parallel_loop3A_519 = arith.constant 32 : i32
      %parallel_loop3A_520 = vector.broadcast %parallel_loop3A_519 : i32 to vector<16xi32>
      %parallel_loop3A_521 = arith.addi %parallel_loop3A_84, %parallel_loop3A_520 : vector<16xi32>
      tpu.vector_store_idx %arg11[%parallel_loop3A_521], %parallel_loop3A_497 {add = true} : memref<32768xf32, #tpu.memory_space<vmem>>[vector<16xi32>], vector<16xf32>,
      %parallel_loop3A_522 = arith.constant 32 : i32
      %parallel_loop3A_523 = vector.broadcast %parallel_loop3A_522 : i32 to vector<16xi32>
      %parallel_loop3A_524 = arith.addi %parallel_loop3A_91, %parallel_loop3A_523 : vector<16xi32>
      tpu.vector_store_idx %arg11[%parallel_loop3A_524], %parallel_loop3A_503 {add = true} : memref<32768xf32, #tpu.memory_space<vmem>>[vector<16xi32>], vector<16xf32>,
      %parallel_loop3A_525 = arith.constant 32 : i32
      %parallel_loop3A_526 = vector.broadcast %parallel_loop3A_525 : i32 to vector<16xi32>
      %parallel_loop3A_527 = arith.addi %parallel_loop3A_98, %parallel_loop3A_526 : vector<16xi32>
      tpu.vector_store_idx %arg11[%parallel_loop3A_527], %parallel_loop3A_509 {add = true} : memref<32768xf32, #tpu.memory_space<vmem>>[vector<16xi32>], vector<16xf32>,
      %parallel_loop3A_528 = arith.constant 32 : i32
      %parallel_loop3A_529 = vector.broadcast %parallel_loop3A_528 : i32 to vector<16xi32>
      %parallel_loop3A_530 = arith.addi %parallel_loop3A_105, %parallel_loop3A_529 : vector<16xi32>
      tpu.vector_store_idx %arg11[%parallel_loop3A_530], %parallel_loop3A_515 {add = true} : memref<32768xf32, #tpu.memory_space<vmem>>[vector<16xi32>], vector<16xf32>,
      %parallel_loop3A_531 = arith.addi %parallel_loop3A_109, %min3A_26 : i32
      %parallel_loop3A_532 = arith.constant 48 : i32
      %parallel_loop3A_533 = arith.addi %parallel_loop3A_531, %parallel_loop3A_532 : i32
      %parallel_loop3A_534 = arith.index_cast %parallel_loop3A_533 : i32 to index
      %parallel_loop3A_535 = tpu.vector_load %arg7[%parallel_loop3A_534] {strides = array<i32>} : memref<17024xf32, #tpu.memory_space<vmem>>, vector<16xf32>,
      %parallel_loop3A_536 = arith.mulf %parallel_loop3A_366, %parallel_loop3A_535 : vector<16xf32>
      %parallel_loop3A_537 = arith.addi %parallel_loop3A_113, %min3A_26 : i32
      %parallel_loop3A_538 = arith.constant 48 : i32
      %parallel_loop3A_539 = arith.addi %parallel_loop3A_537, %parallel_loop3A_538 : i32
      %parallel_loop3A_540 = arith.index_cast %parallel_loop3A_539 : i32 to index
      %parallel_loop3A_541 = tpu.vector_load %arg7[%parallel_loop3A_540] {strides = array<i32>} : memref<17024xf32, #tpu.memory_space<vmem>>, vector<16xf32>,
      %parallel_loop3A_542 = arith.mulf %parallel_loop3A_373, %parallel_loop3A_541 : vector<16xf32>
      %parallel_loop3A_543 = arith.addi %parallel_loop3A_117, %min3A_26 : i32
      %parallel_loop3A_544 = arith.constant 48 : i32
      %parallel_loop3A_545 = arith.addi %parallel_loop3A_543, %parallel_loop3A_544 : i32
      %parallel_loop3A_546 = arith.index_cast %parallel_loop3A_545 : i32 to index
      %parallel_loop3A_547 = tpu.vector_load %arg7[%parallel_loop3A_546] {strides = array<i32>} : memref<17024xf32, #tpu.memory_space<vmem>>, vector<16xf32>,
      %parallel_loop3A_548 = arith.mulf %parallel_loop3A_380, %parallel_loop3A_547 : vector<16xf32>
      %parallel_loop3A_549 = arith.addi %parallel_loop3A_121, %min3A_26 : i32
      %parallel_loop3A_550 = arith.constant 48 : i32
      %parallel_loop3A_551 = arith.addi %parallel_loop3A_549, %parallel_loop3A_550 : i32
      %parallel_loop3A_552 = arith.index_cast %parallel_loop3A_551 : i32 to index
      %parallel_loop3A_553 = tpu.vector_load %arg7[%parallel_loop3A_552] {strides = array<i32>} : memref<17024xf32, #tpu.memory_space<vmem>>, vector<16xf32>,
      %parallel_loop3A_554 = arith.mulf %parallel_loop3A_387, %parallel_loop3A_553 : vector<16xf32>
      %parallel_loop3A_555 = arith.addi %parallel_loop3A_125, %min3A_26 : i32
      %parallel_loop3A_556 = arith.constant 48 : i32
      %parallel_loop3A_557 = arith.addi %parallel_loop3A_555, %parallel_loop3A_556 : i32
      %parallel_loop3A_558 = arith.index_cast %parallel_loop3A_557 : i32 to index
      %parallel_loop3A_559 = tpu.vector_load %arg7[%parallel_loop3A_558] {strides = array<i32>} : memref<17024xf32, #tpu.memory_space<vmem>>, vector<16xf32>,
      %parallel_loop3A_560 = arith.mulf %parallel_loop3A_394, %parallel_loop3A_559 : vector<16xf32>
      %parallel_loop3A_561 = arith.constant 48 : i32
      %parallel_loop3A_562 = vector.broadcast %parallel_loop3A_561 : i32 to vector<16xi32>
      %parallel_loop3A_563 = arith.addi %parallel_loop3A_77, %parallel_loop3A_562 : vector<16xi32>
      tpu.vector_store_idx %arg11[%parallel_loop3A_563], %parallel_loop3A_536 {add = true} : memref<32768xf32, #tpu.memory_space<vmem>>[vector<16xi32>], vector<16xf32>,
      %parallel_loop3A_564 = arith.constant 48 : i32
      %parallel_loop3A_565 = vector.broadcast %parallel_loop3A_564 : i32 to vector<16xi32>
      %parallel_loop3A_566 = arith.addi %parallel_loop3A_84, %parallel_loop3A_565 : vector<16xi32>
      tpu.vector_store_idx %arg11[%parallel_loop3A_566], %parallel_loop3A_542 {add = true} : memref<32768xf32, #tpu.memory_space<vmem>>[vector<16xi32>], vector<16xf32>,
      %parallel_loop3A_567 = arith.constant 48 : i32
      %parallel_loop3A_568 = vector.broadcast %parallel_loop3A_567 : i32 to vector<16xi32>
      %parallel_loop3A_569 = arith.addi %parallel_loop3A_91, %parallel_loop3A_568 : vector<16xi32>
      tpu.vector_store_idx %arg11[%parallel_loop3A_569], %parallel_loop3A_548 {add = true} : memref<32768xf32, #tpu.memory_space<vmem>>[vector<16xi32>], vector<16xf32>,
      %parallel_loop3A_570 = arith.constant 48 : i32
      %parallel_loop3A_571 = vector.broadcast %parallel_loop3A_570 : i32 to vector<16xi32>
      %parallel_loop3A_572 = arith.addi %parallel_loop3A_98, %parallel_loop3A_571 : vector<16xi32>
      tpu.vector_store_idx %arg11[%parallel_loop3A_572], %parallel_loop3A_554 {add = true} : memref<32768xf32, #tpu.memory_space<vmem>>[vector<16xi32>], vector<16xf32>,
      %parallel_loop3A_573 = arith.constant 48 : i32
      %parallel_loop3A_574 = vector.broadcast %parallel_loop3A_573 : i32 to vector<16xi32>
      %parallel_loop3A_575 = arith.addi %parallel_loop3A_105, %parallel_loop3A_574 : vector<16xi32>
      tpu.vector_store_idx %arg11[%parallel_loop3A_575], %parallel_loop3A_560 {add = true} : memref<32768xf32, #tpu.memory_space<vmem>>[vector<16xi32>], vector<16xf32>,
      %parallel_loop3A_576 = arith.addi %parallel_loop3A_109, %min3A_26 : i32
      %parallel_loop3A_577 = arith.constant 64 : i32
      %parallel_loop3A_578 = arith.addi %parallel_loop3A_576, %parallel_loop3A_577 : i32
      %parallel_loop3A_579 = arith.index_cast %parallel_loop3A_578 : i32 to index
      %parallel_loop3A_580 = tpu.vector_load %arg7[%parallel_loop3A_579] {strides = array<i32>} : memref<17024xf32, #tpu.memory_space<vmem>>, vector<16xf32>,
      %parallel_loop3A_581 = arith.mulf %parallel_loop3A_366, %parallel_loop3A_580 : vector<16xf32>
      %parallel_loop3A_582 = arith.addi %parallel_loop3A_113, %min3A_26 : i32
      %parallel_loop3A_583 = arith.constant 64 : i32
      %parallel_loop3A_584 = arith.addi %parallel_loop3A_582, %parallel_loop3A_583 : i32
      %parallel_loop3A_585 = arith.index_cast %parallel_loop3A_584 : i32 to index
      %parallel_loop3A_586 = tpu.vector_load %arg7[%parallel_loop3A_585] {strides = array<i32>} : memref<17024xf32, #tpu.memory_space<vmem>>, vector<16xf32>,
      %parallel_loop3A_587 = arith.mulf %parallel_loop3A_373, %parallel_loop3A_586 : vector<16xf32>
      %parallel_loop3A_588 = arith.addi %parallel_loop3A_117, %min3A_26 : i32
      %parallel_loop3A_589 = arith.constant 64 : i32
      %parallel_loop3A_590 = arith.addi %parallel_loop3A_588, %parallel_loop3A_589 : i32
      %parallel_loop3A_591 = arith.index_cast %parallel_loop3A_590 : i32 to index
      %parallel_loop3A_592 = tpu.vector_load %arg7[%parallel_loop3A_591] {strides = array<i32>} : memref<17024xf32, #tpu.memory_space<vmem>>, vector<16xf32>,
      %parallel_loop3A_593 = arith.mulf %parallel_loop3A_380, %parallel_loop3A_592 : vector<16xf32>
      %parallel_loop3A_594 = arith.addi %parallel_loop3A_121, %min3A_26 : i32
      %parallel_loop3A_595 = arith.constant 64 : i32
      %parallel_loop3A_596 = arith.addi %parallel_loop3A_594, %parallel_loop3A_595 : i32
      %parallel_loop3A_597 = arith.index_cast %parallel_loop3A_596 : i32 to index
      %parallel_loop3A_598 = tpu.vector_load %arg7[%parallel_loop3A_597] {strides = array<i32>} : memref<17024xf32, #tpu.memory_space<vmem>>, vector<16xf32>,
      %parallel_loop3A_599 = arith.mulf %parallel_loop3A_387, %parallel_loop3A_598 : vector<16xf32>
      %parallel_loop3A_600 = arith.addi %parallel_loop3A_125, %min3A_26 : i32
      %parallel_loop3A_601 = arith.constant 64 : i32
      %parallel_loop3A_602 = arith.addi %parallel_loop3A_600, %parallel_loop3A_601 : i32
      %parallel_loop3A_603 = arith.index_cast %parallel_loop3A_602 : i32 to index
      %parallel_loop3A_604 = tpu.vector_load %arg7[%parallel_loop3A_603] {strides = array<i32>} : memref<17024xf32, #tpu.memory_space<vmem>>, vector<16xf32>,
      %parallel_loop3A_605 = arith.mulf %parallel_loop3A_394, %parallel_loop3A_604 : vector<16xf32>
      %parallel_loop3A_606 = arith.constant 64 : i32
      %parallel_loop3A_607 = vector.broadcast %parallel_loop3A_606 : i32 to vector<16xi32>
      %parallel_loop3A_608 = arith.addi %parallel_loop3A_77, %parallel_loop3A_607 : vector<16xi32>
      tpu.vector_store_idx %arg11[%parallel_loop3A_608], %parallel_loop3A_581 {add = true} : memref<32768xf32, #tpu.memory_space<vmem>>[vector<16xi32>], vector<16xf32>,
      %parallel_loop3A_609 = arith.constant 64 : i32
      %parallel_loop3A_610 = vector.broadcast %parallel_loop3A_609 : i32 to vector<16xi32>
      %parallel_loop3A_611 = arith.addi %parallel_loop3A_84, %parallel_loop3A_610 : vector<16xi32>
      tpu.vector_store_idx %arg11[%parallel_loop3A_611], %parallel_loop3A_587 {add = true} : memref<32768xf32, #tpu.memory_space<vmem>>[vector<16xi32>], vector<16xf32>,
      %parallel_loop3A_612 = arith.constant 64 : i32
      %parallel_loop3A_613 = vector.broadcast %parallel_loop3A_612 : i32 to vector<16xi32>
      %parallel_loop3A_614 = arith.addi %parallel_loop3A_91, %parallel_loop3A_613 : vector<16xi32>
      tpu.vector_store_idx %arg11[%parallel_loop3A_614], %parallel_loop3A_593 {add = true} : memref<32768xf32, #tpu.memory_space<vmem>>[vector<16xi32>], vector<16xf32>,
      %parallel_loop3A_615 = arith.constant 64 : i32
      %parallel_loop3A_616 = vector.broadcast %parallel_loop3A_615 : i32 to vector<16xi32>
      %parallel_loop3A_617 = arith.addi %parallel_loop3A_98, %parallel_loop3A_616 : vector<16xi32>
      tpu.vector_store_idx %arg11[%parallel_loop3A_617], %parallel_loop3A_599 {add = true} : memref<32768xf32, #tpu.memory_space<vmem>>[vector<16xi32>], vector<16xf32>,
      %parallel_loop3A_618 = arith.constant 64 : i32
      %parallel_loop3A_619 = vector.broadcast %parallel_loop3A_618 : i32 to vector<16xi32>
      %parallel_loop3A_620 = arith.addi %parallel_loop3A_105, %parallel_loop3A_619 : vector<16xi32>
      tpu.vector_store_idx %arg11[%parallel_loop3A_620], %parallel_loop3A_605 {add = true} : memref<32768xf32, #tpu.memory_space<vmem>>[vector<16xi32>], vector<16xf32>,
      %parallel_loop3A_621 = arith.addi %parallel_loop3A_109, %min3A_26 : i32
      %parallel_loop3A_622 = arith.constant 80 : i32
      %parallel_loop3A_623 = arith.addi %parallel_loop3A_621, %parallel_loop3A_622 : i32
      %parallel_loop3A_624 = arith.index_cast %parallel_loop3A_623 : i32 to index
      %parallel_loop3A_625 = tpu.vector_load %arg7[%parallel_loop3A_624] {strides = array<i32>} : memref<17024xf32, #tpu.memory_space<vmem>>, vector<16xf32>,
      %parallel_loop3A_626 = arith.mulf %parallel_loop3A_366, %parallel_loop3A_625 : vector<16xf32>
      %parallel_loop3A_627 = arith.addi %parallel_loop3A_113, %min3A_26 : i32
      %parallel_loop3A_628 = arith.constant 80 : i32
      %parallel_loop3A_629 = arith.addi %parallel_loop3A_627, %parallel_loop3A_628 : i32
      %parallel_loop3A_630 = arith.index_cast %parallel_loop3A_629 : i32 to index
      %parallel_loop3A_631 = tpu.vector_load %arg7[%parallel_loop3A_630] {strides = array<i32>} : memref<17024xf32, #tpu.memory_space<vmem>>, vector<16xf32>,
      %parallel_loop3A_632 = arith.mulf %parallel_loop3A_373, %parallel_loop3A_631 : vector<16xf32>
      %parallel_loop3A_633 = arith.addi %parallel_loop3A_117, %min3A_26 : i32
      %parallel_loop3A_634 = arith.constant 80 : i32
      %parallel_loop3A_635 = arith.addi %parallel_loop3A_633, %parallel_loop3A_634 : i32
      %parallel_loop3A_636 = arith.index_cast %parallel_loop3A_635 : i32 to index
      %parallel_loop3A_637 = tpu.vector_load %arg7[%parallel_loop3A_636] {strides = array<i32>} : memref<17024xf32, #tpu.memory_space<vmem>>, vector<16xf32>,
      %parallel_loop3A_638 = arith.mulf %parallel_loop3A_380, %parallel_loop3A_637 : vector<16xf32>
      %parallel_loop3A_639 = arith.addi %parallel_loop3A_121, %min3A_26 : i32
      %parallel_loop3A_640 = arith.constant 80 : i32
      %parallel_loop3A_641 = arith.addi %parallel_loop3A_639, %parallel_loop3A_640 : i32
      %parallel_loop3A_642 = arith.index_cast %parallel_loop3A_641 : i32 to index
      %parallel_loop3A_643 = tpu.vector_load %arg7[%parallel_loop3A_642] {strides = array<i32>} : memref<17024xf32, #tpu.memory_space<vmem>>, vector<16xf32>,
      %parallel_loop3A_644 = arith.mulf %parallel_loop3A_387, %parallel_loop3A_643 : vector<16xf32>
      %parallel_loop3A_645 = arith.addi %parallel_loop3A_125, %min3A_26 : i32
      %parallel_loop3A_646 = arith.constant 80 : i32
      %parallel_loop3A_647 = arith.addi %parallel_loop3A_645, %parallel_loop3A_646 : i32
      %parallel_loop3A_648 = arith.index_cast %parallel_loop3A_647 : i32 to index
      %parallel_loop3A_649 = tpu.vector_load %arg7[%parallel_loop3A_648] {strides = array<i32>} : memref<17024xf32, #tpu.memory_space<vmem>>, vector<16xf32>,
      %parallel_loop3A_650 = arith.mulf %parallel_loop3A_394, %parallel_loop3A_649 : vector<16xf32>
      %parallel_loop3A_651 = arith.constant 80 : i32
      %parallel_loop3A_652 = vector.broadcast %parallel_loop3A_651 : i32 to vector<16xi32>
      %parallel_loop3A_653 = arith.addi %parallel_loop3A_77, %parallel_loop3A_652 : vector<16xi32>
      tpu.vector_store_idx %arg11[%parallel_loop3A_653], %parallel_loop3A_626 {add = true} : memref<32768xf32, #tpu.memory_space<vmem>>[vector<16xi32>], vector<16xf32>,
      %parallel_loop3A_654 = arith.constant 80 : i32
      %parallel_loop3A_655 = vector.broadcast %parallel_loop3A_654 : i32 to vector<16xi32>
      %parallel_loop3A_656 = arith.addi %parallel_loop3A_84, %parallel_loop3A_655 : vector<16xi32>
      tpu.vector_store_idx %arg11[%parallel_loop3A_656], %parallel_loop3A_632 {add = true} : memref<32768xf32, #tpu.memory_space<vmem>>[vector<16xi32>], vector<16xf32>,
      %parallel_loop3A_657 = arith.constant 80 : i32
      %parallel_loop3A_658 = vector.broadcast %parallel_loop3A_657 : i32 to vector<16xi32>
      %parallel_loop3A_659 = arith.addi %parallel_loop3A_91, %parallel_loop3A_658 : vector<16xi32>
      tpu.vector_store_idx %arg11[%parallel_loop3A_659], %parallel_loop3A_638 {add = true} : memref<32768xf32, #tpu.memory_space<vmem>>[vector<16xi32>], vector<16xf32>,
      %parallel_loop3A_660 = arith.constant 80 : i32
      %parallel_loop3A_661 = vector.broadcast %parallel_loop3A_660 : i32 to vector<16xi32>
      %parallel_loop3A_662 = arith.addi %parallel_loop3A_98, %parallel_loop3A_661 : vector<16xi32>
      tpu.vector_store_idx %arg11[%parallel_loop3A_662], %parallel_loop3A_644 {add = true} : memref<32768xf32, #tpu.memory_space<vmem>>[vector<16xi32>], vector<16xf32>,
      %parallel_loop3A_663 = arith.constant 80 : i32
      %parallel_loop3A_664 = vector.broadcast %parallel_loop3A_663 : i32 to vector<16xi32>
      %parallel_loop3A_665 = arith.addi %parallel_loop3A_105, %parallel_loop3A_664 : vector<16xi32>
      tpu.vector_store_idx %arg11[%parallel_loop3A_665], %parallel_loop3A_650 {add = true} : memref<32768xf32, #tpu.memory_space<vmem>>[vector<16xi32>], vector<16xf32>,
      %parallel_loop3A_666 = arith.addi %parallel_loop3A_109, %min3A_26 : i32
      %parallel_loop3A_667 = arith.constant 96 : i32
      %parallel_loop3A_668 = arith.addi %parallel_loop3A_666, %parallel_loop3A_667 : i32
      %parallel_loop3A_669 = arith.index_cast %parallel_loop3A_668 : i32 to index
      %parallel_loop3A_670 = tpu.vector_load %arg7[%parallel_loop3A_669] {strides = array<i32>} : memref<17024xf32, #tpu.memory_space<vmem>>, vector<16xf32>,
      %parallel_loop3A_671 = arith.mulf %parallel_loop3A_366, %parallel_loop3A_670 : vector<16xf32>
      %parallel_loop3A_672 = arith.addi %parallel_loop3A_113, %min3A_26 : i32
      %parallel_loop3A_673 = arith.constant 96 : i32
      %parallel_loop3A_674 = arith.addi %parallel_loop3A_672, %parallel_loop3A_673 : i32
      %parallel_loop3A_675 = arith.index_cast %parallel_loop3A_674 : i32 to index
      %parallel_loop3A_676 = tpu.vector_load %arg7[%parallel_loop3A_675] {strides = array<i32>} : memref<17024xf32, #tpu.memory_space<vmem>>, vector<16xf32>,
      %parallel_loop3A_677 = arith.mulf %parallel_loop3A_373, %parallel_loop3A_676 : vector<16xf32>
      %parallel_loop3A_678 = arith.addi %parallel_loop3A_117, %min3A_26 : i32
      %parallel_loop3A_679 = arith.constant 96 : i32
      %parallel_loop3A_680 = arith.addi %parallel_loop3A_678, %parallel_loop3A_679 : i32
      %parallel_loop3A_681 = arith.index_cast %parallel_loop3A_680 : i32 to index
      %parallel_loop3A_682 = tpu.vector_load %arg7[%parallel_loop3A_681] {strides = array<i32>} : memref<17024xf32, #tpu.memory_space<vmem>>, vector<16xf32>,
      %parallel_loop3A_683 = arith.mulf %parallel_loop3A_380, %parallel_loop3A_682 : vector<16xf32>
      %parallel_loop3A_684 = arith.addi %parallel_loop3A_121, %min3A_26 : i32
      %parallel_loop3A_685 = arith.constant 96 : i32
      %parallel_loop3A_686 = arith.addi %parallel_loop3A_684, %parallel_loop3A_685 : i32
      %parallel_loop3A_687 = arith.index_cast %parallel_loop3A_686 : i32 to index
      %parallel_loop3A_688 = tpu.vector_load %arg7[%parallel_loop3A_687] {strides = array<i32>} : memref<17024xf32, #tpu.memory_space<vmem>>, vector<16xf32>,
      %parallel_loop3A_689 = arith.mulf %parallel_loop3A_387, %parallel_loop3A_688 : vector<16xf32>
      %parallel_loop3A_690 = arith.addi %parallel_loop3A_125, %min3A_26 : i32
      %parallel_loop3A_691 = arith.constant 96 : i32
      %parallel_loop3A_692 = arith.addi %parallel_loop3A_690, %parallel_loop3A_691 : i32
      %parallel_loop3A_693 = arith.index_cast %parallel_loop3A_692 : i32 to index
      %parallel_loop3A_694 = tpu.vector_load %arg7[%parallel_loop3A_693] {strides = array<i32>} : memref<17024xf32, #tpu.memory_space<vmem>>, vector<16xf32>,
      %parallel_loop3A_695 = arith.mulf %parallel_loop3A_394, %parallel_loop3A_694 : vector<16xf32>
      %parallel_loop3A_696 = arith.constant 96 : i32
      %parallel_loop3A_697 = vector.broadcast %parallel_loop3A_696 : i32 to vector<16xi32>
      %parallel_loop3A_698 = arith.addi %parallel_loop3A_77, %parallel_loop3A_697 : vector<16xi32>
      tpu.vector_store_idx %arg11[%parallel_loop3A_698], %parallel_loop3A_671 {add = true} : memref<32768xf32, #tpu.memory_space<vmem>>[vector<16xi32>], vector<16xf32>,
      %parallel_loop3A_699 = arith.constant 96 : i32
      %parallel_loop3A_700 = vector.broadcast %parallel_loop3A_699 : i32 to vector<16xi32>
      %parallel_loop3A_701 = arith.addi %parallel_loop3A_84, %parallel_loop3A_700 : vector<16xi32>
      tpu.vector_store_idx %arg11[%parallel_loop3A_701], %parallel_loop3A_677 {add = true} : memref<32768xf32, #tpu.memory_space<vmem>>[vector<16xi32>], vector<16xf32>,
      %parallel_loop3A_702 = arith.constant 96 : i32
      %parallel_loop3A_703 = vector.broadcast %parallel_loop3A_702 : i32 to vector<16xi32>
      %parallel_loop3A_704 = arith.addi %parallel_loop3A_91, %parallel_loop3A_703 : vector<16xi32>
      tpu.vector_store_idx %arg11[%parallel_loop3A_704], %parallel_loop3A_683 {add = true} : memref<32768xf32, #tpu.memory_space<vmem>>[vector<16xi32>], vector<16xf32>,
      %parallel_loop3A_705 = arith.constant 96 : i32
      %parallel_loop3A_706 = vector.broadcast %parallel_loop3A_705 : i32 to vector<16xi32>
      %parallel_loop3A_707 = arith.addi %parallel_loop3A_98, %parallel_loop3A_706 : vector<16xi32>
      tpu.vector_store_idx %arg11[%parallel_loop3A_707], %parallel_loop3A_689 {add = true} : memref<32768xf32, #tpu.memory_space<vmem>>[vector<16xi32>], vector<16xf32>,
      %parallel_loop3A_708 = arith.constant 96 : i32
      %parallel_loop3A_709 = vector.broadcast %parallel_loop3A_708 : i32 to vector<16xi32>
      %parallel_loop3A_710 = arith.addi %parallel_loop3A_105, %parallel_loop3A_709 : vector<16xi32>
      tpu.vector_store_idx %arg11[%parallel_loop3A_710], %parallel_loop3A_695 {add = true} : memref<32768xf32, #tpu.memory_space<vmem>>[vector<16xi32>], vector<16xf32>,
      %parallel_loop3A_711 = arith.addi %parallel_loop3A_109, %min3A_26 : i32
      %parallel_loop3A_712 = arith.constant 112 : i32
      %parallel_loop3A_713 = arith.addi %parallel_loop3A_711, %parallel_loop3A_712 : i32
      %parallel_loop3A_714 = arith.index_cast %parallel_loop3A_713 : i32 to index
      %parallel_loop3A_715 = tpu.vector_load %arg7[%parallel_loop3A_714] {strides = array<i32>} : memref<17024xf32, #tpu.memory_space<vmem>>, vector<16xf32>,
      %parallel_loop3A_716 = arith.mulf %parallel_loop3A_366, %parallel_loop3A_715 : vector<16xf32>
      %parallel_loop3A_717 = arith.addi %parallel_loop3A_113, %min3A_26 : i32
      %parallel_loop3A_718 = arith.constant 112 : i32
      %parallel_loop3A_719 = arith.addi %parallel_loop3A_717, %parallel_loop3A_718 : i32
      %parallel_loop3A_720 = arith.index_cast %parallel_loop3A_719 : i32 to index
      %parallel_loop3A_721 = tpu.vector_load %arg7[%parallel_loop3A_720] {strides = array<i32>} : memref<17024xf32, #tpu.memory_space<vmem>>, vector<16xf32>,
      %parallel_loop3A_722 = arith.mulf %parallel_loop3A_373, %parallel_loop3A_721 : vector<16xf32>
      %parallel_loop3A_723 = arith.addi %parallel_loop3A_117, %min3A_26 : i32
      %parallel_loop3A_724 = arith.constant 112 : i32
      %parallel_loop3A_725 = arith.addi %parallel_loop3A_723, %parallel_loop3A_724 : i32
      %parallel_loop3A_726 = arith.index_cast %parallel_loop3A_725 : i32 to index
      %parallel_loop3A_727 = tpu.vector_load %arg7[%parallel_loop3A_726] {strides = array<i32>} : memref<17024xf32, #tpu.memory_space<vmem>>, vector<16xf32>,
      %parallel_loop3A_728 = arith.mulf %parallel_loop3A_380, %parallel_loop3A_727 : vector<16xf32>
      %parallel_loop3A_729 = arith.addi %parallel_loop3A_121, %min3A_26 : i32
      %parallel_loop3A_730 = arith.constant 112 : i32
      %parallel_loop3A_731 = arith.addi %parallel_loop3A_729, %parallel_loop3A_730 : i32
      %parallel_loop3A_732 = arith.index_cast %parallel_loop3A_731 : i32 to index
      %parallel_loop3A_733 = tpu.vector_load %arg7[%parallel_loop3A_732] {strides = array<i32>} : memref<17024xf32, #tpu.memory_space<vmem>>, vector<16xf32>,
      %parallel_loop3A_734 = arith.mulf %parallel_loop3A_387, %parallel_loop3A_733 : vector<16xf32>
      %parallel_loop3A_735 = arith.addi %parallel_loop3A_125, %min3A_26 : i32
      %parallel_loop3A_736 = arith.constant 112 : i32
      %parallel_loop3A_737 = arith.addi %parallel_loop3A_735, %parallel_loop3A_736 : i32
      %parallel_loop3A_738 = arith.index_cast %parallel_loop3A_737 : i32 to index
      %parallel_loop3A_739 = tpu.vector_load %arg7[%parallel_loop3A_738] {strides = array<i32>} : memref<17024xf32, #tpu.memory_space<vmem>>, vector<16xf32>,
      %parallel_loop3A_740 = arith.mulf %parallel_loop3A_394, %parallel_loop3A_739 : vector<16xf32>
      %parallel_loop3A_741 = arith.constant 112 : i32
      %parallel_loop3A_742 = vector.broadcast %parallel_loop3A_741 : i32 to vector<16xi32>
      %parallel_loop3A_743 = arith.addi %parallel_loop3A_77, %parallel_loop3A_742 : vector<16xi32>
      tpu.vector_store_idx %arg11[%parallel_loop3A_743], %parallel_loop3A_716 {add = true} : memref<32768xf32, #tpu.memory_space<vmem>>[vector<16xi32>], vector<16xf32>,
      %parallel_loop3A_744 = arith.constant 112 : i32
      %parallel_loop3A_745 = vector.broadcast %parallel_loop3A_744 : i32 to vector<16xi32>
      %parallel_loop3A_746 = arith.addi %parallel_loop3A_84, %parallel_loop3A_745 : vector<16xi32>
      tpu.vector_store_idx %arg11[%parallel_loop3A_746], %parallel_loop3A_722 {add = true} : memref<32768xf32, #tpu.memory_space<vmem>>[vector<16xi32>], vector<16xf32>,
      %parallel_loop3A_747 = arith.constant 112 : i32
      %parallel_loop3A_748 = vector.broadcast %parallel_loop3A_747 : i32 to vector<16xi32>
      %parallel_loop3A_749 = arith.addi %parallel_loop3A_91, %parallel_loop3A_748 : vector<16xi32>
      tpu.vector_store_idx %arg11[%parallel_loop3A_749], %parallel_loop3A_728 {add = true} : memref<32768xf32, #tpu.memory_space<vmem>>[vector<16xi32>], vector<16xf32>,
      %parallel_loop3A_750 = arith.constant 112 : i32
      %parallel_loop3A_751 = vector.broadcast %parallel_loop3A_750 : i32 to vector<16xi32>
      %parallel_loop3A_752 = arith.addi %parallel_loop3A_98, %parallel_loop3A_751 : vector<16xi32>
      tpu.vector_store_idx %arg11[%parallel_loop3A_752], %parallel_loop3A_734 {add = true} : memref<32768xf32, #tpu.memory_space<vmem>>[vector<16xi32>], vector<16xf32>,
      %parallel_loop3A_753 = arith.constant 112 : i32
      %parallel_loop3A_754 = vector.broadcast %parallel_loop3A_753 : i32 to vector<16xi32>
      %parallel_loop3A_755 = arith.addi %parallel_loop3A_105, %parallel_loop3A_754 : vector<16xi32>
      tpu.vector_store_idx %arg11[%parallel_loop3A_755], %parallel_loop3A_740 {add = true} : memref<32768xf32, #tpu.memory_space<vmem>>[vector<16xi32>], vector<16xf32>,
      scf.yield %parallel_loop3A_395 : vector<16xf32>
    } {sc.loop_unroll_factor = 1 : i64, sc.parallel_access}
    %swap3A = arith.constant 0 : index
    %swap3A_64 = tpu.vector_load %arg12[%swap3A] {strides = array<i32>} : memref<16xf32, #tpu.memory_space<vmem>>, vector<16xf32>,
    tpu.vector_store %arg12[%swap3A], %parallel_loop3A_63 {strides = array<i32>} : memref<16xf32, #tpu.memory_space<vmem>>, vector<16xf32>,
    "tpu.region"() ({
      %run_scoped3A = tpu.sem_alloc : memref<!tpu.dma_semaphore, #tpu.memory_space<semaphore_mem>>
      %dma_start3A_65 = arith.constant 0 : i32
      %dma_start3A_66 = tpu.memref_slice %arg5[%add3A, %dma_start3A_65] : memref<32x32768xf32, #tpu.memory_space<hbm>> -> memref<1x32768xf32, #tpu.memory_space<hbm>>
      %dma_start3A_67 = tpu.memref_squeeze %dma_start3A_66 : memref<1x32768xf32, #tpu.memory_space<hbm>> -> memref<32768xf32, #tpu.memory_space<hbm>>
      %dma_start3A_68 = arith.constant 0 : i32
      %dma_start3A_69 = tpu.memref_slice %arg5[%add3A, %dma_start3A_68] : memref<32x32768xf32, #tpu.memory_space<hbm>> -> memref<1x32768xf32, #tpu.memory_space<hbm>>
      %dma_start3A_70 = tpu.memref_squeeze %dma_start3A_69 : memref<1x32768xf32, #tpu.memory_space<hbm>> -> memref<32768xf32, #tpu.memory_space<hbm>>
      tpu.enqueue_dma source(%arg11 : memref<32768xf32, #tpu.memory_space<vmem>>) target(%dma_start3A_70 : memref<32768xf32, #tpu.memory_space<hbm>>) target_semaphore(%run_scoped3A : memref<!tpu.dma_semaphore, #tpu.memory_space<semaphore_mem>>)
      %dma_wait3A_71 = arith.constant 0 : i32
      %dma_wait3A_72 = tpu.memref_slice %arg5[%add3A, %dma_wait3A_71] : memref<32x32768xf32, #tpu.memory_space<hbm>> -> memref<1x32768xf32, #tpu.memory_space<hbm>>
      %dma_wait3A_73 = tpu.memref_squeeze %dma_wait3A_72 : memref<1x32768xf32, #tpu.memory_space<hbm>> -> memref<32768xf32, #tpu.memory_space<hbm>>
      %dma_wait3A_74 = arith.constant 0 : i32
      %dma_wait3A_75 = tpu.memref_slice %arg5[%add3A, %dma_wait3A_74] : memref<32x32768xf32, #tpu.memory_space<hbm>> -> memref<1x32768xf32, #tpu.memory_space<hbm>>
      %dma_wait3A_76 = tpu.memref_squeeze %dma_wait3A_75 : memref<1x32768xf32, #tpu.memory_space<hbm>> -> memref<32768xf32, #tpu.memory_space<hbm>>
      tpu.wait_dma2 semaphore(%run_scoped3A : memref<!tpu.dma_semaphore, #tpu.memory_space<semaphore_mem>>) src(%arg11 : memref<32768xf32, #tpu.memory_space<vmem>>) dst(%dma_wait3A_76 : memref<32768xf32, #tpu.memory_space<hbm>>)
      tpu.yield
    }) : () -> ()
    "tpu.region"() ({
      %run_scoped3A = tpu.sem_alloc : memref<!tpu.dma_semaphore, #tpu.memory_space<semaphore_mem>>
      %dma_start3A_65 = arith.constant 0 : i32
      %dma_start3A_66 = tpu.memref_slice %arg6[%add3A, %dma_start3A_65] : memref<32x16xf32, #tpu.memory_space<hbm>> -> memref<1x16xf32, #tpu.memory_space<hbm>>
      %dma_start3A_67 = tpu.memref_squeeze %dma_start3A_66 : memref<1x16xf32, #tpu.memory_space<hbm>> -> memref<16xf32, #tpu.memory_space<hbm>>
      %dma_start3A_68 = arith.constant 0 : i32
      %dma_start3A_69 = tpu.memref_slice %arg6[%add3A, %dma_start3A_68] : memref<32x16xf32, #tpu.memory_space<hbm>> -> memref<1x16xf32, #tpu.memory_space<hbm>>
      %dma_start3A_70 = tpu.memref_squeeze %dma_start3A_69 : memref<1x16xf32, #tpu.memory_space<hbm>> -> memref<16xf32, #tpu.memory_space<hbm>>
      tpu.enqueue_dma source(%arg12 : memref<16xf32, #tpu.memory_space<vmem>>) target(%dma_start3A_70 : memref<16xf32, #tpu.memory_space<hbm>>) target_semaphore(%run_scoped3A : memref<!tpu.dma_semaphore, #tpu.memory_space<semaphore_mem>>)
      %dma_wait3A_71 = arith.constant 0 : i32
      %dma_wait3A_72 = tpu.memref_slice %arg6[%add3A, %dma_wait3A_71] : memref<32x16xf32, #tpu.memory_space<hbm>> -> memref<1x16xf32, #tpu.memory_space<hbm>>
      %dma_wait3A_73 = tpu.memref_squeeze %dma_wait3A_72 : memref<1x16xf32, #tpu.memory_space<hbm>> -> memref<16xf32, #tpu.memory_space<hbm>>
      %dma_wait3A_74 = arith.constant 0 : i32
      %dma_wait3A_75 = tpu.memref_slice %arg6[%add3A, %dma_wait3A_74] : memref<32x16xf32, #tpu.memory_space<hbm>> -> memref<1x16xf32, #tpu.memory_space<hbm>>
      %dma_wait3A_76 = tpu.memref_squeeze %dma_wait3A_75 : memref<1x16xf32, #tpu.memory_space<hbm>> -> memref<16xf32, #tpu.memory_space<hbm>>
      tpu.wait_dma2 semaphore(%run_scoped3A : memref<!tpu.dma_semaphore, #tpu.memory_space<semaphore_mem>>) src(%arg12 : memref<16xf32, #tpu.memory_space<vmem>>) dst(%dma_wait3A_76 : memref<16xf32, #tpu.memory_space<hbm>>)
      tpu.yield
    }) : () -> ()
    return
  }
}

module attributes {stable_mosaic.version = 14 : i64} {
  func.func @_combine_body(%arg0: memref<32x256x128xf32, #tpu.memory_space<vmem>>, %arg1: memref<32x16xf32, #tpu.memory_space<vmem>>, %arg2: memref<256x128xf32, #tpu.memory_space<vmem>>) attributes {dimension_semantics = [], scalar_prefetch = 0 : i64, scratch_operands = 0 : i64, tpu.core_type = #tpu.core_type<tc>} {
    %get3A = arith.constant 0 : index
    %get3A_0 = arith.constant 0 : index
    %get3A_1 = vector.load %arg1[%get3A, %get3A_0] : memref<32x16xf32, #tpu.memory_space<vmem>>, vector<32x16xf32>
    %reduce_sum3A = vector.shape_cast %get3A_1 : vector<32x16xf32> to vector<1x32x16xf32>
    %reduce_sum3A_2 = arith.constant dense<0.000000e+00> : vector<1xf32>
    %reduce_sum3A_3 = vector.multi_reduction <add>, %reduce_sum3A, %reduce_sum3A_2 [1, 2] : vector<1x32x16xf32> to vector<1xf32>
    %reduce_sum3A_4 = vector.shape_cast %reduce_sum3A_3 : vector<1xf32> to vector<1x1x1xf32>
    %reduce_sum3A_5 = vector.extract %reduce_sum3A_4[0, 0, 0] : f32 from vector<1x1x1xf32>
    %mul3A = arith.constant 6.250000e-02 : f32
    %mul3A_6 = arith.mulf %reduce_sum3A_5, %mul3A : f32
    %get3A_7 = arith.constant 0 : index
    %get3A_8 = arith.constant 0 : index
    %get3A_9 = arith.constant 0 : index
    %get3A_10 = vector.load %arg0[%get3A_7, %get3A_8, %get3A_9] : memref<32x256x128xf32, #tpu.memory_space<vmem>>, vector<32x256x128xf32>
    %reduce_sum3A_11 = arith.constant dense<0.000000e+00> : vector<256x128xf32>
    %reduce_sum3A_12 = vector.multi_reduction <add>, %get3A_10, %reduce_sum3A_11 [0] : vector<32x256x128xf32> to vector<256x128xf32>
    %div3A = arith.constant 1.000000e+00 : f32
    %div3A_13 = arith.divf %div3A, %mul3A_6 : f32
    %mul3A_14 = vector.broadcast %div3A_13 : f32 to vector<256x128xf32>
    %mul3A_15 = arith.mulf %reduce_sum3A_12, %mul3A_14 : vector<256x128xf32>
    %swap3A = arith.constant 0 : index
    %swap3A_16 = arith.constant 0 : index
    %swap3A_17 = vector.load %arg2[%swap3A, %swap3A_16] : memref<256x128xf32, #tpu.memory_space<vmem>>, vector<256x128xf32>
    tpu.vector_store %arg2[%swap3A, %swap3A_16], %mul3A_15 {strides = array<i32>} : memref<256x128xf32, #tpu.memory_space<vmem>>, vector<256x128xf32>,
    return
  }
}

</mosaic_0001>

<sc_bundles>
// kernel: kernel.4.cloned.1.call-start
scs
__scs_entry_jumppad:
0x0: {  	(pc) =	sbr.rel $0x88, $3  }
0x1: {  	(tag) =	ssettag $0x0;
	lr =	simm.s32 $0x1  }
0x2: {  	[smem:$0x3F9E] =	sst lr;
	_ =	strace $0xD0000000  }
0x3: {  	_ = 	snop  }
0x4: {  	_ = 	snop  }
0x5: {  	_ = 	snop  }
0x6: {  	_ = 	snop  }
0x7: {  	_ = 	snop  }
__scs_overlays_trampoline_lowered:
0x8: {  	[smem:$0x3FAD] =	sst s0  }
0x9: {  	[smem:$0x3FAE] =	sst s1  }
0xa: {  	[smem:$0x3FAF] =	sst s2  }
0xb: {  	[smem:$0x3FB0] =	sst s3  }
0xc: {  	[smem:$0x3FB1] =	sst s4  }
0xd: {  	[smem:$0x3FB2] =	sst s5  }
0xe: {  	[smem:$0x3FB3] =	sst s6  }
0xf: {  	[smem:$0x3FB4] =	sst s7  }
0x10: {  	[smem:$0x3FB5] =	sst s8  }
0x11: {  	[smem:$0x3FB6] =	sst s9;
	s0 =	simm.s32 @!p0 $0x0  }
0x12: {  	s1 =	sld [smem:$0x3F9C];
	s0 =	simm.s32 @p0 $0x1  }
0x13: {  	[smem:$0x3FB7] =	sst s0;
	s0 =	simm.s32 @!p1 $0x0  }
0x14: {  	s2 =	sld [smem:$0x3F9B];
	s0 =	simm.s32 @p1 $0x1  }
0x15: {  	[smem:$0x3FB8] =	sst s0;
	s0 =	simm.s32 @!p2 $0x0  }
0x16: {  	s3 =	sld [smem:$0x3FDB];
	s0 =	simm.s32 @p2 $0x1  }
0x17: {  	s4 =	simm.s32 $0x1BF5;
	[smem:$0x3FBA] =	sst s0  }
0x18: {  	s0 =	sld [smem:$0x3F9D];
	_ =	swait.ge [sflag:s4], $0x0  }
0x19: {  	s7 =	sld [smem:$0x3F9E]  }
0x1a: {  	s8 =	sadd.s32 $0xFFFFE003, lr  }
0x1b: {  	s9 =	sadd.s32 $0xFFFFFEF7, lr;
	s5 =	simm.s32 $0xFFFFFFFF;
	p2 =	slt.u32 s8, $0xFFFFF086  }
0x1c: {  	p1 =	slt.u32 s9, $0xF7A;
	s5 =	simm.s32 @!p2 $0x0  }
0x1d: {  	s5 =	simm.s32 @p1 $0x1;
	p0 =	seq.s32 s7, s2  }
0x1e: {  	s7 =	smul.u32 @!p0 $0xF7A, s2;
	p2 =	seq.s32 @!p0 s5, $0x0  }
0x1f: {  	s9 =	smul.u32 $0xF7A, s1;
	s8 =	simm.s32 @!p0 $0x1BF5;
	p2 =	por !p2, p0  }
0x20: {  	[sflag:s8] =	ssyncset.s32 @!p0 $0xFFFFF086;
	s6 =	sadd.s32 @!p0 s3, s7;
	s7 =	simm.s32 @!p0 $0x108  }
0x21: {  	s3 =	sadd.s32 s3, s9;
	s6 =	sadd.s32 @!p0 $0x88, s6;
	s7 =	simm.s32 @p2 $0x1082  }
0x22: {  	[simem:s7], [sflag:s8] =	dma.local @!p0 [hbm:s6], $0xF7A  }
0x23: {  	s9 =	sor.u32 $0xD0000000, s2;
	s6 =	simm.s32 $0x108;
	_ =	swait.ge @!p0 [sflag:s8], $0x0  }
0x24: {  	s3 =	sadd.s32 $0x88, s3;
	s6 =	simm.s32 @!p1 $0x1082;
	[sflag:s4] =	ssyncset.s32 $0xFFFFF086  }
0x25: {  	[simem:s6], [sflag:s4] =	dma.local [hbm:s3], $0xF7A  }
0x26: {  	[smem:$0x3F9E] =	sst s1;
	(tag) =	ssettag s2;
	_ =	strace s9  }
0x27: {  	s1 =	sld [smem:$0x3FAE]  }
0x28: {  	s2 =	sld [smem:$0x3FAF]  }
0x29: {  	s4 =	sld [smem:$0x3FB1]  }
0x2a: {  	p0 =	seq.s32 s5, $0x0;
	s5 =	sld [smem:$0x3FB2]  }
0x2b: {  	s6 =	sld [smem:$0x3FB3]  }
0x2c: {  	s7 =	sld [smem:$0x3FB4]  }
0x2d: {  	s3 =	simm.s32 $0x108;
	s8 =	sld [smem:$0x3FB5]  }
0x2e: {  	s3 =	simm.s32 @!p0 $0x1082;
	s9 =	sld [smem:$0x3FB6]  }
0x2f: {  	lr =	sadd.s32 s0, s3;
	s0 =	sld [smem:$0x3FAD]  }
0x30: {  	s3 =	sld [smem:$0x3FB0]  }
0x31: {  	[smem:$0x3FB9] =	sst s10  }
0x32: {  	s10 =	sld [smem:$0x3FB7];
	_ =	sdelay $0x3  }
0x33: {  	p0 =	seq.s32 s10, $0x1;
	s10 =	sld [smem:$0x3FB9];
	_ =	sdelay $0x3  }
0x34: {  	[smem:$0x3FB9] =	sst s10  }
0x35: {  	s10 =	sld [smem:$0x3FB8];
	_ =	sdelay $0x3  }
0x36: {  	p1 =	seq.s32 s10, $0x1;
	s10 =	sld [smem:$0x3FB9];
	_ =	sdelay $0x3  }
0x37: {  	[smem:$0x3FB9] =	sst s10  }
0x38: {  	s10 =	sld [smem:$0x3FBA]  }
0x39: {  	_ = 	snop;
	(pc) =	sbr.ind lr, $3  }
0x3a: {  	_ = 	snop  }
0x3b: {  	_ = 	snop  }
0x3c: {  	p2 =	seq.s32 s10, $0x1;
	s10 =	sld [smem:$0x3FB9]  }
0x3d: {  	_ =	shalt  }
0x3e: {  	_ =	shalt  }
0x3f: {  	_ =	shalt  }
0x40: {  	_ =	shalt  }
0x41: {  	_ =	shalt  }
0x42: {  	_ =	shalt  }
0x43: {  	_ =	shalt  }
0x44: {  	_ =	shalt  }
0x45: {  	_ =	shalt  }
0x46: {  	_ =	shalt  }
0x47: {  	_ =	shalt  }
0x48: {  	_ =	shalt  }
0x49: {  	_ =	shalt  }
0x4a: {  	_ =	shalt  }
0x4b: {  	_ =	shalt  }
0x4c: {  	_ =	shalt  }
0x4d: {  	_ =	shalt  }
0x4e: {  	_ =	shalt  }
0x4f: {  	_ =	shalt  }
0x50: {  	_ =	shalt  }
0x51: {  	_ =	shalt  }
0x52: {  	_ =	shalt  }
0x53: {  	_ =	shalt  }
0x54: {  	_ =	shalt  }
0x55: {  	_ =	shalt  }
0x56: {  	_ =	shalt  }
0x57: {  	_ =	shalt  }
0x58: {  	_ =	shalt  }
0x59: {  	_ =	shalt  }
0x5a: {  	_ =	shalt  }
0x5b: {  	_ =	shalt  }
0x5c: {  	_ =	shalt  }
0x5d: {  	_ =	shalt  }
0x5e: {  	_ =	shalt  }
0x5f: {  	_ =	shalt  }
0x60: {  	_ =	shalt  }
0x61: {  	_ =	shalt  }
0x62: {  	_ =	shalt  }
0x63: {  	_ =	shalt  }
0x64: {  	_ =	shalt  }
0x65: {  	_ =	shalt  }
0x66: {  	_ =	shalt  }
0x67: {  	_ =	shalt  }
0x68: {  	_ =	shalt  }
0x69: {  	_ =	shalt  }
0x6a: {  	_ =	shalt  }
0x6b: {  	_ =	shalt  }
0x6c: {  	_ =	shalt  }
0x6d: {  	_ =	shalt  }
0x6e: {  	_ =	shalt  }
0x6f: {  	_ =	shalt  }
0x70: {  	_ =	shalt  }
0x71: {  	_ =	shalt  }
0x72: {  	_ =	shalt  }
0x73: {  	_ =	shalt  }
0x74: {  	_ =	shalt  }
0x75: {  	_ =	shalt  }
0x76: {  	_ =	shalt  }
0x77: {  	_ =	shalt  }
0x78: {  	_ =	shalt  }
0x79: {  	_ =	shalt  }
0x7a: {  	_ =	shalt  }
0x7b: {  	_ =	shalt  }
0x7c: {  	_ =	shalt  }
0x7d: {  	_ =	shalt  }
0x7e: {  	_ =	shalt  }
0x7f: {  	_ =	shalt  }
0x80: {  	_ =	shalt  }
0x81: {  	_ =	shalt  }
0x82: {  	_ =	shalt  }
0x83: {  	_ =	shalt  }
0x84: {  	_ =	shalt  }
0x85: {  	_ =	shalt  }
0x86: {  	_ =	shalt  }
0x87: {  	_ =	shalt  }
.Lfunc_end0:
.L_simem_size_0:
called_computation_lowered:
.L_overlay_start_0:
0x88: {  	s2 =	sld [smem:$0x3FD9]  }
0x89: {  	s3 =	sld [smem:$0x3FFE];
	_ =	sdelay $0x1  }
0x8a: {  	s1 =	srdreg.scid  }
0x8b: {  	s0 =	sand.u32 $0x1, s1  }
0x8c: {  	s17 =	sshll.u32 s0, $0xA;
	s2 =	sadd.s32 s3, s2  }
0x8d: {  	s2 =	sadd.s32 s2, s17  }
0x8e: {  	[smem:$0x3FC5] =	sst s2  }
0x8f: {  	_ = 	snop  }
0x90: {  	s2 =	sld [smem:$0x3FC9]  }
0x91: {  	s18 =	sld [smem:$0x3FC7]  }
0x92: {  	s4 =	sld [smem:$0x3FD0];
	(tm) =	ssettm $0x1  }
0x93: {  	s5 =	sld [smem:$0x3FFB];
	_ =	sdelay $0x3  }
0x94: {  	_ =	strace s5  }
0x95: {  	s5 =	sld [smem:$0x3FFC];
	_ =	sdelay $0x3  }
0x96: {  	_ =	strace s5  }
0x97: {  	s5 =	sld [smem:$0x3FFD];
	_ =	sdelay $0x3  }
0x98: {  	_ =	strace s5  }
0x99: {  	_ =	strace $0x8FFFFFFF  }
0x9a: {  	s19 =	sld [smem:$0x3FDB];
	_ =	sdelay $0x1  }
0x9b: {  	s6 =	simm.s32 $_scs_section_size  }
0x9c: {  	s7 =	simm.s32 $_size__tile_overlayer_lowered;
	s8 =	simm.s32 $_tile_overlayer_lowered  }
0x9d: {  	s22 =	simm.s32 $0x1BFF;
	s21 =	sshll.u32 s8, $0x1;
	s5 =	sadd.s32 s6, s19  }
0x9e: {  	s9 =	simm.s32 $0x0;
	s20 =	sshll.u32 s7, $0x1;
	s7 =	sadd.s32 s21, s5  }
0x9f: {  	[timem:s9], [sflag:s22] =	dma.local [hbm:s7], s20  }
0xa0: {  	_ =	swait.ge [sflag:s22], s20  }
0xa1: {  	s6 =	ssub.s32 $0x0, s20;
	[sflag:s22] =	ssyncset.done $0x0  }
0xa2: {  	[sflag:s22] =	ssyncadd.s32 s6;
	_ =	sdelay $0x1  }
0xa3: {  	s23 =	simm.s32 $0x1B8B  }
0xa4: {  	_ =	swait.ge [sflag:s23], $0x1  }
0xa5: {  	[sflag:s23] =	ssyncset.done $0x0  }
0xa6: {  	s25 =	simm.s32 $0x1B8E;
	s24 =	sld [smem:$0x3FFE];
	[sflag:s23] =	ssyncadd.s32 $0xFFFFFFFF  }
0xa7: {  	s26 =	simm.s32 $execute0_lowered;
	[smem:$0x3FD2] =	sst s25  }
0xa8: {  	s7 =	sshll.u32 s26, $0x1;
	_ =	strace $0x80000046;
	[dreg:$0x1] =	wrdreg $0xFFFFFFFF  }
0xa9: {  	s28 =	simm.s32 $_size_execute0_lowered;
	s5 =	sadd.s32 s5, s7;
	[dreg:$0x0] =	wrdreg $0x0  }
0xaa: {  	s7 =	sshll.u32 s28, $0x1;
	[dreg:$0x2] =	wrdreg s5  }
0xab: {  	[dreg:$0x3] =	wrdreg s7  }
0xac: {  	[dreg:$0x4] =	wrdreg $0xC0  }
0xad: {  	_ =	task [dreg:s9], $0x5FFFF  }
0xae: {  	[dreg:$0x1] =	wrdreg $0xFFFFFFFF  }
0xaf: {  	[dreg:$0x0] =	wrdreg $0x60  }
0xb0: {  	[dreg:$0x2] =	wrdreg s2  }
0xb1: {  	[dreg:$0x3] =	wrdreg s24  }
0xb2: {  	[dreg:$0x4] =	wrdreg s18  }
0xb3: {  	[dreg:$0x5] =	wrdreg s4  }
0xb4: {  	[dreg:$0x6] =	wrdreg $0x9  }
0xb5: {  	_ =	task.clear_ibuf [dreg:s9], $0x7FFFF;
	_ =	strace $0x90000046  }
0xb6: {  	s29 =	simm.s32 $0x9;
	_ =	strace $0x80000048  }
0xb7: {  	_ =	swait.ge [sflag:s29], $0x1  }
0xb8: {  	[sflag:s29] =	ssyncadd.s32 $0xFFFFFFFF  }
0xb9: {  	_ =	strace $0x90000048  }
0xba: {  	_ =	sfence  }
0xbb: {  	s30 =	sld [smem:$0x0];
	_ =	sdelay $0x2  }
0xbc: {  	s31 =	sshll.u32 s1, $0xD;
	s1 =	sshrl.u32 s1, $0x2  }
0xbd: {  	s3 =	sand.u32 $0x4000, s31;
	s1 =	sadd.s32 s1, s30  }
0xbe: {  	s0 =	sor.u32 s3, s0;
	s1 =	sshll.u32 s1, $0x11  }
0xbf: {  	s0 =	sor.u32 s1, s0  }
0xc0: {  	s0 =	sadd.s32 $0x8F2B, s0  }
0xc1: {  	[sflag:s0] =	ssyncadd.remote.s32 $0x1  }
0xc2: {  	_ =	sfence.sel $0xFFFF  }
0xc3: {  	[dreg:$0x0] =	wrdreg $0xFFFFFFFF;
	(pc) =	sbr.abs _section_cstart, $3  }
0xc4: {  	[dreg:$0x1] =	wrdreg $0xFFFFFFFF  }
0xc5: {  	_ =	task.clear_ibuf [dreg:s9], $0x2FFFF;
	_ =	strace $0x9FFFFFFF  }
0xc6: {  	(tm) =	ssettm $0x7FFFFFFF  }
0xc7: {  	_ =	shalt  }
tec
execute0_lowered:
.L_overlay_start_1:
0x0: {  	(tag) =	ssettag $0x1  }
0x1: {  	s0 =	srdreg.scid;
	s1 =	rddreg [dreg:$0x0]  }
0x2: {  	s4 =	stileid.u32;
	s3 =	rddreg [dreg:$0x1]  }
0x3: {  	s11 =	rddreg [dreg:$0x3];
	s13 =	simm.s32 $0x9180;
	s14 =	simm.s32 $0x3  }
0x4: {  	s15 =	simm.s32 $0x80;
	s16 =	simm.s32 $0x400;
	s17 =	simm.s32 $0x8500  }
0x5: {  	s18 =	simm.s32 $0x4280;
	s19 =	simm.s32 $0x1;
	s20 =	simm.s32 $0x9200  }
0x6: {  	s21 =	simm.s32 $0x2;
	s22 =	simm.s32 $0x11200;
	s23 =	simm.s32 $0x0  }
0x7: {  	s0 =	sand.u32 $0x1, s0;
	s2 =	sshll.u32 s4, $0x1;
	s6 =	sshrl.u32 s4, $0x2  }
0x8: {  	s4 =	simm.s32 $0x0;
	s2 =	sor.u32 s0, s2;
	s5 =	smul.u32 $0x6400, s6  }
0x9: {  	[smem:$0x7FF] =	sst s4;
	s8 =	sshll.u32 s6, $0x12;
	s0 =	ssub.s32 $0x2, s0  }
0xa: {  	s29 =	sshll.u32 s6, $0xA;
	s26 =	sshll.u32 s2, $0x7;
	s9 =	smul.u32 $0xC35, s2  }
0xb: {  	_ =	strace $0x80000047;
	s10 =	sshrl.u32 s0, $0x1;
	s12 =	smul.u32 $0x61A80, s2  }
0xc: {  	v55 =	vlaneseq.u32;
	s2 =	smul.u32 $0xC350, s2;
	s7 =	sand.u32 $0x380, s26;
	s0 =	ssub.s32 s0, s10  }
0xd: {  	v56 =	vor.u32 $0x10, v55;
	s5 =	sor.u32 s5, s7;
	s8 =	sor.u32 s8, s7;
	s28 =	sshrl.u32 s12, $0x3  }
0xe: {  	v57 =	vor.u32 $0x20, v55;
	[tilespmem:$0x1FFB0] =	vst v56;
	s6 =	sadd.s32 s1, s2;
	s10 =	sor.u32 s29, s7;
	s12 =	smax.u32 s0, $0x1  }
0xf: {  	v58 =	vor.u32 $0x30, v55;
	[tilespmem:$0x1FFC0] =	vst v57;
	s5 =	sshrl.u32 s5, $0x3;
	s8 =	sshrl.u32 s8, $0x3;
	s30 =	sadd.s32 s1, s28  }
0x10: {  	v6 =	vor.u32 $0x40, v55;
	[tilespmem:$0x1FFD0] =	vst v58;
	s31 =	sshrl.u32 s10, $0x3;
	s5 =	sadd.s32 s5, s3;
	s3 =	sadd.s32 s8, s3  }
0x11: {  	v59 =	vor.u32 $0x50, v55;
	[tilespmem:$0x1FFE0] =	vst v6;
	s7 =	sadd.s32 $0x7D0, s30;
	s8 =	sadd.s32 $0xFA, s9;
	s9 =	sadd.s32 $0x177, s9  }
0x12: {  	v0 =	vimm.f32 $0.0e+00;
	v7 =	vor.u32 $0x60, v55;
	v8 =	vor.u32 $0x70, v55;
	[tilespmem:$0x1FFF0] =	vst v59;
	s11 =	sadd.s32 s11, s31;
	s5 =	sadd.s32 $0xA00, s5;
	s10 =	sadd.s32 $0x3C00, s3  }
.LBB2_1:
0x13: {  	s0 =	rddreg [dreg:$0x2]  }
0x14: {  	[tilespmem:s13], [sflag:$0x3] =	stream.linear.gather [hbm4b:s0+s4], $0x80, $0x38;
	[tilespmem:$0x11280] =	vst v63  }
0x15: {  	_ =	swait.ge [sflag:s14], $0x80  }
0x16: {  	[sflag:s14] =	ssyncset.done $0x0  }
0x17: {  	[sflag:s14] =	ssyncadd.s32 $0xFFFFFF80  }
0x18: {  	[tilespmem:s17], [sflag:$0x3] =	stream.strided.gather [hbm4b:s5+s15], $0xC80, s16, s15, $0x38;
	[tilespmem:$0x11280] =	vst v63  }
0x19: {  	_ =	swait.ge [sflag:s14], $0xC80  }
0x1a: {  	[sflag:s14] =	ssyncset.done $0x0  }
0x1b: {  	s2 =	simm.s32 $0x0;
	s0 =	simm.s32 $0x40;
	[sflag:s14] =	ssyncadd.s32 $0xFFFFF380  }
.LBB2_2:
0x1c: {  	p0 =	sne.s32 s0, $0x1FFC0;
	[tilespmem:s2+$0x9200] =	vst v0;
	s2 =	smov.u32 s0;
	s0 =	sadd.s32 $0x40, s0  }
.Ltmp0:
0x1d: {  	(pc) =	sbr.rel @p0 .LBB2_2-.Ltmp0, $2  }
0x1e: {  	_ =	sdelay $0x2  }
0x1f: {  	s2 =	sshra.s32 s2, $0x2  }
0x20: {  	[tilespmem:s2+$0x9200] =	vst v0  }
0x21: {  	v9 =	vld [tilespmem:$0x8500];
	_ =	sdelay $0x4  }
0x22: {  	(v2sf) =	vpush v9, $0x0;
	_ =	sdelay $0x4  }
0x23: {  	v10 =	vld [tilespmem:$0x9190]  }
0x24: {  	v11 =	vld [tilespmem:$0x91A0]  }
0x25: {  	v12 =	vld [tilespmem:$0x91B0]  }
0x26: {  	v13 =	vld [tilespmem:$0x91C0]  }
0x27: {  	v14 =	vld [tilespmem:$0x91D0]  }
0x28: {  	v15 =	vld [tilespmem:$0x91E0]  }
0x29: {  	s24 =	simm.s32 $0x0;
	v16 =	vld [tilespmem:$0x91F0]  }
0x2a: {  	v9 =	vld [tilespmem:$0x9180];
	[tilespmem:s24], [sflag:$0x1] =	stream.linear.gather [hbm4b:s6+s24], $0x3E80, $0x38  }
0x2b: {  	_ = 	snop  }
0x2c: {  	[tilespmem:s18], [sflag:$0x2] =	stream.linear.gather [hbm4b:s7+s24], $0x3E80, $0x38;
	[tilespmem:$0x11280] =	vst v63  }
0x2d: {  	s0 =	spop (v2sf)  }
0x2e: {  	s31 =	sshra.s32 s0, $0x1F  }
0x2f: {  	s0 =	sand.u32 s31, s0  }
0x30: {  	v28 =	vimm.f32 $0.0e+00;
	s26 =	simm.s32 $0x8500;
	s28 =	simm.s32 $0x857D;
	s25 =	sshll.u32 s0, $0x2  }
.LBB2_4:
0x31: {  	_ =	swait.ge [sflag:s19], $0x3E80  }
0x32: {  	[sflag:s19] =	ssyncset.done $0x0  }
0x33: {  	s0 =	simm.s32 $0x140;
	[sflag:s19] =	ssyncadd.s32 $0xFFFFC180  }
0x34: {  	v17 =	vld [tilespmem:s0+$0xFFFFFF30]  }
0x35: {  	v18 =	vld [tilespmem:s0+$0xFFFFFFB0]  }
0x36: {  	v19 =	vld [tilespmem:s0+$0x30]  }
0x37: {  	v20 =	vld [tilespmem:s0+$0xFFFFFF20]  }
0x38: {  	v21 =	vld [tilespmem:s0+$0xFFFFFFA0]  }
0x39: {  	v22 =	vld [tilespmem:s0+$0x20]  }
0x3a: {  	v23 =	vld [tilespmem:s0+$0xFFFFFF10]  }
0x3b: {  	v24 =	vld [tilespmem:s0+$0xFFFFFF90]  }
0x3c: {  	v25 =	vld [tilespmem:s0+$0x10]  }
0x3d: {  	v26 =	vld [tilespmem:s0+$0xFFFFFF00]  }
0x3e: {  	v27 =	vld [tilespmem:s0+$0xFFFFFF80]  }
0x3f: {  	v29 =	vld [tilespmem:s0+$0xFFFFFEF0]  }
0x40: {  	v30 =	vld [tilespmem:s0+$0xFFFFFF70]  }
0x41: {  	v31 =	vld [tilespmem:s0+$0xFFFFFEE0]  }
0x42: {  	v32 =	vld [tilespmem:s0+$0xFFFFFF60]  }
0x43: {  	v33 =	vld [tilespmem:s0+$0xFFFFFEC0]  }
0x44: {  	v34 =	vld [tilespmem:s0+$0xFFFFFED0]  }
0x45: {  	v35 =	vld [tilespmem:s0+$0xFFFFFFE0];
	v17 =	vmul.f32 v17, v16;
	v18 =	vmul.f32 v18, v16  }
0x46: {  	v36 =	vld [tilespmem:s0+$0xFFFFFF40];
	v20 =	vmul.f32 v20, v15;
	v19 =	vmul.f32 v19, v16  }
0x47: {  	v37 =	vld [tilespmem:s0+$0xFFFFFF50];
	v21 =	vmul.f32 v21, v15;
	v22 =	vmul.f32 v22, v15  }
0x48: {  	v38 =	vld [tilespmem:s0+$0xFFFFFFC0];
	v23 =	vmul.f32 v23, v14;
	v24 =	vmul.f32 v24, v14  }
0x49: {  	v39 =	vld [tilespmem:s0+$0x40];
	v33 =	vmul.f32 v33, v9;
	v34 =	vmul.f32 v34, v10  }
0x4a: {  	v40 =	vld [tilespmem:s0+$0xFFFFFFD0];
	v26 =	vmul.f32 v26, v13;
	v25 =	vmul.f32 v25, v14  }
0x4b: {  	v41 =	vld [tilespmem:s0+$0x50];
	v31 =	vmul.f32 v31, v11;
	v27 =	vmul.f32 v27, v13  }
0x4c: {  	v42 =	vld [tilespmem:s0+$0xD0];
	v36 =	vmul.f32 v36, v9;
	v37 =	vmul.f32 v37, v10  }
0x4d: {  	v45 =	vld [tilespmem:s0+$0x60];
	v29 =	vmul.f32 v29, v12;
	v30 =	vmul.f32 v30, v12;
	v33 =	vadd.f32 v34, v33  }
0x4e: {  	v3 =	vld [tilespmem:s0+$0xC0];
	v32 =	vmul.f32 v32, v11;
	v35 =	vmul.f32 v35, v11  }
0x4f: {  	v44 =	vld [tilespmem:s0+$0xFFFFFFF0];
	v38 =	vmul.f32 v38, v9;
	v36 =	vadd.f32 v37, v36;
	v31 =	vadd.f32 v31, v33  }
0x50: {  	v46 =	vld [tilespmem:s0+$0xE0];
	v40 =	vmul.f32 v40, v10;
	v39 =	vmul.f32 v39, v9  }
0x51: {  	v41 =	vmul.f32 v41, v10;
	v32 =	vadd.f32 v32, v36;
	v29 =	vadd.f32 v29, v31;
	v31 =	vld [tilespmem:s0+$0x0]  }
0x52: {  	v47 =	vld [tilespmem:s0+$0x70];
	v48 =	vmul.f32 v42, v10;
	v51 =	vmul.f32 v45, v11;
	v38 =	vadd.f32 v40, v38  }
0x53: {  	v49 =	vld [tilespmem:s0+$0xF0];
	v34 =	vmul.f32 v3, v9;
	v30 =	vadd.f32 v30, v32;
	v26 =	vadd.f32 v26, v29  }
0x54: {  	v50 =	vld [tilespmem:s0+$0x80];
	v35 =	vadd.f32 v35, v38;
	v33 =	vmul.f32 v44, v12;
	v29 =	vadd.f32 v41, v39  }
0x55: {  	v36 =	vmul.f32 v46, v11;
	v27 =	vadd.f32 v27, v30;
	v30 =	vld [tilespmem:s0+$0x100];
	v23 =	vadd.f32 v23, v26  }
0x56: {  	v52 =	vld [tilespmem:s0+$0x90];
	v33 =	vadd.f32 v33, v35;
	v26 =	vadd.f32 v48, v34;
	v31 =	vmul.f32 v31, v13  }
0x57: {  	v53 =	vld [tilespmem:s0+$0x110];
	v20 =	vadd.f32 v20, v23;
	v23 =	vadd.f32 v51, v29;
	v29 =	vmul.f32 v47, v12  }
0x58: {  	v32 =	vmul.f32 v49, v12;
	v24 =	vadd.f32 v24, v27;
	v27 =	vld [tilespmem:s0+$0xA0];
	v26 =	vadd.f32 v36, v26  }
0x59: {  	v54 =	vld [tilespmem:s0+$0x120];
	v31 =	vadd.f32 v31, v33;
	v23 =	vadd.f32 v29, v23;
	v29 =	vmul.f32 v50, v13  }
0x5a: {  	v30 =	vmul.f32 v30, v13;
	v17 =	vadd.f32 v17, v20;
	v20 =	vld [tilespmem:s0+$0xB0];
	v26 =	vadd.f32 v32, v26  }
0x5b: {  	v21 =	vadd.f32 v21, v24;
	v24 =	vmul.f32 v52, v14;
	v23 =	vadd.f32 v29, v23;
	v29 =	vld [tilespmem:s0+$0x130]  }
0x5c: {  	v25 =	vadd.f32 v25, v31;
	v26 =	vadd.f32 v30, v26;
	v30 =	vmul.f32 v53, v14  }
0x5d: {  	v18 =	vadd.f32 v18, v21;
	v21 =	vadd.f32 v24, v23;
	v23 =	vmul.f32 v27, v15  }
0x5e: {  	(xrf2) =	vadd.scan.msk.f32 $0xffff, v17;
	v22 =	vadd.f32 v22, v25;
	v25 =	vmul.f32 v54, v15;
	v24 =	vadd.f32 v30, v26  }
0x5f: {  	(xrf2) =	vadd.scan.msk.f32 $0xffff, v18;
	v20 =	vmul.f32 v20, v16;
	v17 =	vadd.f32 v23, v21  }
0x60: {  	v18 =	vadd.f32 v19, v22;
	v19 =	vadd.f32 v25, v24;
	v21 =	vmul.f32 v29, v16  }
0x61: {  	v17 =	vadd.f32 v20, v17  }
0x62: {  	(xrf2) =	vadd.scan.msk.f32 $0xffff, v18;
	v18 =	vadd.f32 v21, v19  }
0x63: {  	(xrf2) =	vadd.scan.msk.f32 $0xffff, v17  }
0x64: {  	(xrf2) =	vadd.scan.msk.f32 $0xffff, v18;
	_ =	sdelay $0x3  }
0x65: {  	v17, _, _ =	vpop (xrf2)  }
0x66: {  	v18, _, _ =	vpop (xrf2);
	v17 =	vmul.f32 $1.442695020e+00, v17  }
0x67: {  	v18 =	vmul.f32 $1.442695020e+00, v18  }
0x68: {  	v17 =	vbroadcast v17, $0xF  }
0x69: {  	v18 =	vbroadcast v18, $0xF;
	v19, _, _ =	vpop (xrf2)  }
0x6a: {  	v21 =	vld [tilespmem:s26+$0x0];
	(erf) = vpow2.f32 v17;
	v19 =	vmul.f32 $1.442695020e+00, v19;
	v20, _, _ =	vpop (xrf2)  }
0x6b: {  	(erf) = vpow2.f32 v18;
	v17 =	vmul.f32 $1.442695020e+00, v20;
	v20, _, _ =	vpop (xrf2)  }
0x6c: {  	v19 =	vbroadcast v19, $0xF;
	v20 =	vmul.f32 $1.442695020e+00, v20  }
0x6d: {  	s30 =	sshra.s32 s25, $0x2;
	v17 =	vbroadcast v17, $0xF  }
0x6e: {  	s29 =	sadd.s32 $0x140, s30;
	(erf) = vpow2.f32 v19;
	v18 =	vbroadcast v20, $0xF  }
0x6f: {  	v61 =	vld [tilespmem:s29+$0xC0];
	v19 =	vshll.u32 v21, $0x7;
	(erf) = vpow2.f32 v17  }
0x70: {  	v26 =	vbroadcast v19, $0x0;
	(erf) = vpow2.f32 v18;
	v18 =	vld [tilespmem:s29+$0xFFFFFEC0]  }
0x71: {  	s2 =	simm.s32 $0x3C0;
	v22 =	vbroadcast v19, $0x1;
	v20 =	vld [tilespmem:s29+$0xFFFFFF40]  }
0x72: {  	v52 =	vld [tilespmem:s2+$0xFFFFFF20];
	v30 =	vor.u32 v55, v26  }
0x73: {  	v29 =	vld [tilespmem:s29+$0xFFFFFFC0];
	v23 =	vbroadcast v19, $0x2;
	v60 =	vor.u32 v55, v22  }
0x74: {  	v31 =	vld [tilespmem:s29+$0x40];
	v27 =	vpop (erf)  }
0x75: {  	v53 =	vld [tilespmem:s2+$0xFFFFFFA0];
	v17 =	vbroadcast v19, $0x3;
	v62 =	vor.u32 v55, v23;
	v24 =	vpop (erf);
	v18 =	vmul.f32 v27, v18  }
0x76: {  	v54 =	vld [tilespmem:s2+$0x20];
	v21 =	vbroadcast v19, $0x4;
	v20 =	vmul.f32 v24, v20  }
0x77: {  	v19 =	vor.u32 v55, v17;
	v25 =	vpop (erf);
	[tilespmem:v30+s20+$0x0] =	vst.idx.add.f32.msk $0xffff, v18  }
0x78: {  	v63 =	vor.u32 v55, v21;
	v29 =	vmul.f32 v25, v29;
	[tilespmem:v60+s20+$0x0] =	vst.idx.add.f32.msk $0xffff, v20  }
0x79: {  	v60 =	vld [tilespmem:s2+$0xFFFFFEF0];
	v18 =	vpop (erf)  }
0x7a: {  	[tilespmem:v62+s20+$0x0] =	vst.idx.add.f32.msk $0xffff, v29;
	v30 =	vmul.f32 v18, v31;
	v20 =	vpop (erf)  }
0x7b: {  	v62 =	vld [tilespmem:s2+$0xFFFFFEE0];
	v29 =	vmul.f32 v20, v61  }
0x7c: {  	[tilespmem:v19+s20+$0x0] =	vst.idx.add.f32.msk $0xffff, v30  }
0x7d: {  	[tilespmem:v63+s20+$0x0] =	vst.idx.add.f32.msk $0xffff, v29  }
0x7e: {  	v19 =	vld [tilespmem:s29+$0xFFFFFED0]  }
0x7f: {  	v61 =	vld [tilespmem:s2+$0xFFFFFF70]  }
0x80: {  	v31 =	vor.u32 v56, v26;
	v29 =	vld [tilespmem:s29+$0xFFFFFF50]  }
0x81: {  	v32 =	vld [tilespmem:s29+$0x50]  }
0x82: {  	v0 =	vor.u32 v56, v22;
	v63 =	vld [tilespmem:s2+$0xFFFFFF10]  }
0x83: {  	v30 =	vld [tilespmem:s29+$0xFFFFFFD0];
	v19 =	vmul.f32 v19, v27  }
0x84: {  	v34 =	vld [tilespmem:s29+$0xD0]  }
0x85: {  	v1 =	vor.u32 v56, v23;
	v29 =	vmul.f32 v29, v24;
	[tilespmem:v31+s20+$0x0] =	vst.idx.add.f32.msk $0xffff, v19  }
0x86: {  	v19 =	vmul.f32 v32, v18;
	v32 =	vmul.f32 v52, v15;
	v52 =	vld [tilespmem:s2+$0x50]  }
0x87: {  	v2 =	vor.u32 v56, v17;
	[tilespmem:v0+s20+$0x0] =	vst.idx.add.f32.msk $0xffff, v29  }
0x88: {  	v30 =	vmul.f32 v30, v25;
	v0 =	vld [tilespmem:s2+$0xFFFFFF90]  }
0x89: {  	v3 =	vor.u32 v56, v21;
	v29 =	vmul.f32 v34, v20;
	v34 =	vmul.f32 v54, v15;
	v54 =	vld [tilespmem:s2+$0xD0]  }
0x8a: {  	[tilespmem:v1+s20+$0x0] =	vst.idx.add.f32.msk $0xffff, v30  }
0x8b: {  	v1 =	vld [tilespmem:s2+$0x10]  }
0x8c: {  	[tilespmem:v2+s20+$0x0] =	vst.idx.add.f32.msk $0xffff, v19  }
0x8d: {  	v2 =	vld [tilespmem:s2+$0xFFFFFF00]  }
0x8e: {  	[tilespmem:v3+s20+$0x0] =	vst.idx.add.f32.msk $0xffff, v29  }
0x8f: {  	v19 =	vld [tilespmem:s29+$0xFFFFFEE0]  }
0x90: {  	v29 =	vld [tilespmem:s29+$0xFFFFFF60]  }
0x91: {  	v31 =	vor.u32 v57, v26;
	v3 =	vld [tilespmem:s2+$0xFFFFFF80]  }
0x92: {  	v41 =	vor.u32 v57, v22;
	v30 =	vld [tilespmem:s29+$0xFFFFFFE0]  }
0x93: {  	v40 =	vld [tilespmem:s29+$0x60]  }
0x94: {  	v43 =	vor.u32 v57, v23;
	v42 =	vld [tilespmem:s29+$0xE0];
	v19 =	vmul.f32 v19, v27  }
0x95: {  	v36 =	vmul.f32 v0, v14;
	v0 =	vld [tilespmem:s2+$0xC0];
	v29 =	vmul.f32 v29, v24  }
0x96: {  	v44 =	vor.u32 v57, v17;
	[tilespmem:v31+s20+$0x0] =	vst.idx.add.f32.msk $0xffff, v19  }
0x97: {  	v45 =	vor.u32 v57, v21;
	v30 =	vmul.f32 v30, v25;
	[tilespmem:v41+s20+$0x0] =	vst.idx.add.f32.msk $0xffff, v29  }
0x98: {  	v41 =	vmul.f32 v61, v12;
	v61 =	vld [tilespmem:s2+$0x0]  }
0x99: {  	v19 =	vmul.f32 v40, v18;
	[tilespmem:v43+s20+$0x0] =	vst.idx.add.f32.msk $0xffff, v30  }
0x9a: {  	v29 =	vmul.f32 v42, v20;
	v43 =	vld [tilespmem:s2+$0xFFFFFF60]  }
0x9b: {  	[tilespmem:v44+s20+$0x0] =	vst.idx.add.f32.msk $0xffff, v19  }
0x9c: {  	[tilespmem:v45+s20+$0x0] =	vst.idx.add.f32.msk $0xffff, v29  }
0x9d: {  	v19 =	vld [tilespmem:s29+$0xFFFFFEF0]  }
0x9e: {  	v44 =	vld [tilespmem:s2+$0xFFFFFEC0]  }
0x9f: {  	v31 =	vor.u32 v58, v26;
	v45 =	vld [tilespmem:s2+$0xFFFFFED0]  }
0xa0: {  	v29 =	vld [tilespmem:s29+$0xFFFFFF70]  }
0xa1: {  	v46 =	vld [tilespmem:s29+$0x70]  }
0xa2: {  	v47 =	vor.u32 v58, v22;
	v30 =	vld [tilespmem:s29+$0xFFFFFFF0];
	v19 =	vmul.f32 v19, v27  }
0xa3: {  	v48 =	vld [tilespmem:s29+$0xF0]  }
0xa4: {  	[tilespmem:v31+s20+$0x0] =	vst.idx.add.f32.msk $0xffff, v19  }
0xa5: {  	v49 =	vor.u32 v58, v23;
	v29 =	vmul.f32 v29, v24;
	v31 =	vld [tilespmem:s2+$0x30]  }
0xa6: {  	v19 =	vmul.f32 v46, v18;
	v46 =	vld [tilespmem:s2+$0xFFFFFFE0]  }
0xa7: {  	[tilespmem:v47+s20+$0x0] =	vst.idx.add.f32.msk $0xffff, v29  }
0xa8: {  	v50 =	vor.u32 v58, v17;
	v30 =	vmul.f32 v30, v25;
	v47 =	vld [tilespmem:s2+$0xFFFFFF40]  }
0xa9: {  	v29 =	vmul.f32 v48, v20;
	v48 =	vld [tilespmem:s2+$0xFFFFFF50]  }
0xaa: {  	v51 =	vor.u32 v58, v21;
	[tilespmem:v49+s20+$0x0] =	vst.idx.add.f32.msk $0xffff, v30  }
0xab: {  	v30 =	vld [tilespmem:s2+$0xFFFFFFB0]  }
0xac: {  	v49 =	vld [tilespmem:s2+$0xFFFFFFC0]  }
0xad: {  	v44 =	vmul.f32 v44, v9;
	v45 =	vmul.f32 v45, v10;
	[tilespmem:v50+s20+$0x0] =	vst.idx.add.f32.msk $0xffff, v19  }
0xae: {  	v50 =	vld [tilespmem:s2+$0x40]  }
0xaf: {  	v42 =	vmul.f32 v62, v11;
	v44 =	vadd.f32 v45, v44;
	[tilespmem:v51+s20+$0x0] =	vst.idx.add.f32.msk $0xffff, v29  }
0xb0: {  	v33 =	vmul.f32 v53, v15;
	v35 =	vmul.f32 v63, v14;
	v29 =	vld [tilespmem:s2+$0xFFFFFF30]  }
0xb1: {  	v37 =	vmul.f32 v1, v14;
	v40 =	vmul.f32 v60, v12;
	v42 =	vadd.f32 v42, v44;
	v51 =	vld [tilespmem:s2+$0xFFFFFFD0]  }
0xb2: {  	v38 =	vmul.f32 v2, v13;
	v39 =	vmul.f32 v3, v13;
	v19 =	vld [tilespmem:s29+$0xFFFFFF00]  }
0xb3: {  	v60 =	vmul.f32 v52, v10;
	v40 =	vadd.f32 v40, v42;
	v6 =	vld [tilespmem:$0x1FFE0];
	v44 =	vmul.f32 v46, v11  }
0xb4: {  	v46 =	vld [tilespmem:s2+$0xFFFFFFF0];
	v63 =	vmul.f32 v47, v9;
	v48 =	vmul.f32 v48, v10  }
0xb5: {  	v62 =	vmul.f32 v0, v9;
	v61 =	vmul.f32 v61, v13;
	v38 =	vadd.f32 v38, v40;
	v47 =	vld [tilespmem:s29+$0x80]  }
0xb6: {  	v43 =	vmul.f32 v43, v11;
	v1 =	vmul.f32 v49, v9;
	v49 =	vld [tilespmem:s2+$0xE0];
	v45 =	vadd.f32 v48, v63  }
0xb7: {  	v31 =	vmul.f32 v31, v16;
	v35 =	vadd.f32 v35, v38;
	v2 =	vmul.f32 v51, v10;
	v51 =	vld [tilespmem:s2+$0x60]  }
0xb8: {  	v30 =	vmul.f32 v30, v16;
	v3 =	vmul.f32 v50, v9;
	v48 =	vld [tilespmem:s2+$0x70];
	v43 =	vadd.f32 v43, v45  }
0xb9: {  	v50 =	vld [tilespmem:s2+$0x80];
	v32 =	vadd.f32 v32, v35;
	v63 =	vadd.f32 v2, v1;
	v1 =	vmul.f32 v54, v10  }
0xba: {  	v29 =	vmul.f32 v29, v16;
	v0 =	vadd.f32 v60, v3;
	v54 =	vld [tilespmem:s2+$0xF0];
	v41 =	vadd.f32 v41, v43  }
0xbb: {  	v3 =	vmul.f32 v46, v12;
	v2 =	vadd.f32 v44, v63;
	v38 =	vadd.f32 v1, v62;
	v62 =	vld [tilespmem:s2+$0x90]  }
0xbc: {  	v19 =	vmul.f32 v19, v27;
	v29 =	vadd.f32 v29, v32;
	v1 =	vld [tilespmem:s2+$0x100];
	v51 =	vmul.f32 v51, v11  }
0xbd: {  	v53 =	vor.u32 v6, v26;
	v39 =	vadd.f32 v39, v41;
	v60 =	vadd.f32 v3, v2;
	v3 =	vld [tilespmem:s2+$0xA0]  }
0xbe: {  	v2 =	vmul.f32 v49, v11;
	v49 =	vmul.f32 v50, v13;
	v50 =	vld [tilespmem:s2+$0x110];
	v63 =	vadd.f32 v51, v0  }
0xbf: {  	v0 =	vmul.f32 v48, v12;
	v36 =	vadd.f32 v36, v39;
	v52 =	vmul.f32 v54, v12;
	v54 =	vld [tilespmem:s2+$0xB0]  }
0xc0: {  	v45 =	vor.u32 v6, v22;
	v41 =	vadd.f32 v61, v60;
	v51 =	vadd.f32 v2, v38;
	v61 =	vld [tilespmem:s2+$0x120]  }
0xc1: {  	v2 =	vld [tilespmem:s2+$0x130];
	v48 =	vadd.f32 v0, v63;
	v33 =	vadd.f32 v33, v36;
	v60 =	vmul.f32 v62, v14  }
0xc2: {  	v62 =	vld [tilespmem:s29+$0xFFFFFF80];
	v0 =	vmul.f32 v1, v13;
	v37 =	vadd.f32 v37, v41;
	v63 =	vadd.f32 v52, v51  }
0xc3: {  	v32 =	vadd.f32 v49, v48;
	v30 =	vadd.f32 v30, v33;
	v1 =	vmul.f32 v3, v15;
	v3 =	vld [tilespmem:s29+$0x0]  }
0xc4: {  	(xrf2) =	vadd.scan.msk.f32 $0xffff, v29;
	v46 =	vmul.f32 v50, v14;
	v49 =	vld [tilespmem:s29+$0x100];
	v50 =	vor.u32 v6, v23;
	v34 =	vadd.f32 v34, v37  }
0xc5: {  	[tilespmem:v53+s20+$0x0] =	vst.idx.add.f32.msk $0xffff, v19;
	v19 =	vmul.f32 v47, v18;
	v33 =	vadd.f32 v0, v63  }
0xc6: {  	v48 =	vmul.f32 v54, v16;
	v32 =	vadd.f32 v60, v32;
	(xrf2) =	vadd.scan.msk.f32 $0xffff, v30;
	v29 =	vadd.f32 v31, v34  }
0xc7: {  	s31 =	sadd.s32 $0x3C0, s30;
	v51 =	vmul.f32 v61, v15;
	v30 =	vor.u32 v6, v17;
	v33 =	vadd.f32 v46, v33  }
0xc8: {  	s3 =	sadd.s32 $0x5, s26;
	v42 =	vld [tilespmem:s31+$0x40];
	v54 =	vmul.f32 v62, v24;
	v31 =	vadd.f32 v1, v32;
	(xrf2) =	vadd.scan.msk.f32 $0xffff, v29;
	v29 =	vor.u32 v6, v21  }
0xc9: {  	v28 =	vadd.f32 v27, v28;
	v52 =	vld [tilespmem:s3+$0x0];
	v61 =	vmul.f32 v2, v16;
	v62 =	vmul.f32 v3, v25  }
0xca: {  	v60 =	vadd.f32 v51, v33;
	[tilespmem:v45+s20+$0x0] =	vst.idx.add.f32.msk $0xffff, v54;
	v31 =	vadd.f32 v48, v31  }
0xcb: {  	v63 =	vmul.f32 v49, v20;
	[tilespmem:v50+s20+$0x0] =	vst.idx.add.f32.msk $0xffff, v62  }
0xcc: {  	(xrf2) =	vadd.scan.msk.f32 $0xffff, v31;
	v31 =	vadd.f32 v61, v60;
	[tilespmem:v30+s20+$0x0] =	vst.idx.add.f32.msk $0xffff, v19  }
0xcd: {  	[tilespmem:v29+s20+$0x0] =	vst.idx.add.f32.msk $0xffff, v63  }
0xce: {  	v19 =	vadd.f32 v24, v28;
	v28, _, _ =	vpop (xrf2);
	(xrf2) =	vadd.scan.msk.f32 $0xffff, v31;
	v29 =	vld [tilespmem:s29+$0xFFFFFF10]  }
0xcf: {  	v31 =	vmul.f32 $1.442695020e+00, v28;
	v30 =	vld [tilespmem:s29+$0xFFFFFF90]  }
0xd0: {  	v36 =	vld [tilespmem:s29+$0x90];
	v0, _, _ =	vpop (xrf2)  }
0xd1: {  	v40 =	vld [tilespmem:s31+$0xFFFFFFC0];
	v44 =	vshll.u32 v52, $0x7;
	v31 =	vbroadcast v31, $0xF;
	v32 =	vmul.f32 $1.442695020e+00, v0  }
0xd2: {  	v52 =	vor.u32 v59, v22;
	v3 =	vor.u32 v59, v26;
	v28 =	vbroadcast v44, $0x0;
	v1 =	vld [tilespmem:s29+$0x10]  }
0xd3: {  	v19 =	vadd.f32 v25, v19;
	v53 =	vld [tilespmem:s29+$0x110];
	(erf) = vpow2.f32 v31;
	v2, _, _ =	vpop (xrf2);
	v32 =	vbroadcast v32, $0xF  }
0xd4: {  	v43 =	vld [tilespmem:s31+$0xFFFFFF40];
	v60 =	vor.u32 v59, v23;
	v34 =	vmul.f32 $1.442695020e+00, v2;
	v29 =	vmul.f32 v29, v27  }
0xd5: {  	v39 =	vld [tilespmem:s31+$0xFFFFFEC0];
	v19 =	vadd.f32 v18, v19;
	v62 =	vmul.f32 v30, v24;
	v35 =	vmul.f32 v36, v18  }
0xd6: {  	v41 =	vld [tilespmem:s31+$0xC0];
	(erf) = vpow2.f32 v32;
	v54, _, _ =	vpop (xrf2);
	v63 =	vbroadcast v34, $0xF  }
0xd7: {  	v19 =	vadd.f32 v20, v19;
	[tilespmem:v3+s20+$0x0] =	vst.idx.add.f32.msk $0xffff, v29;
	v29 =	vmul.f32 v1, v25;
	v61 =	vmul.f32 $1.442695020e+00, v54  }
0xd8: {  	v30 =	vor.u32 v59, v17;
	v33 =	vmul.f32 v53, v20;
	[tilespmem:v52+s20+$0x0] =	vst.idx.add.f32.msk $0xffff, v62;
	v31, _, _ =	vpop (xrf2);
	(erf) = vpow2.f32 v63  }
0xd9: {  	s0 =	simm.s32 $0x5;
	s3 =	sadd.s32 $0x5, s3;
	v32 =	vor.u32 v59, v21;
	[tilespmem:v60+s20+$0x0] =	vst.idx.add.f32.msk $0xffff, v29;
	v31 =	vmul.f32 $1.442695020e+00, v31;
	v34 =	vbroadcast v61, $0xF  }
.LBB2_5:
0xda: {  	_ =	sdelay $0x1  }
0xdb: {  	v29 =	vld [tilespmem:s3+$0x0];
	v36 =	vbroadcast v31, $0xF;
	(erf) = vpow2.f32 v34  }
0xdc: {  	v31 =	vbroadcast v44, $0x1;
	v59 =	vor.u32 v55, v28;
	[tilespmem:v30+s20+$0x0] =	vst.idx.add.f32.msk $0xffff, v35  }
0xdd: {  	[tilespmem:v32+s20+$0x0] =	vst.idx.add.f32.msk $0xffff, v33;
	(erf) = vpow2.f32 v36  }
0xde: {  	v33 =	vbroadcast v44, $0x2;
	v60 =	vor.u32 v55, v31;
	v46 =	vld [tilespmem:s29+$0xFFFFFF20];
	v45 =	vpop (erf)  }
0xdf: {  	v61 =	vld [tilespmem:s29+$0xFFFFFFA0];
	v30 =	vmul.f32 v45, v39  }
0xe0: {  	v32 =	vbroadcast v44, $0x3;
	v48 =	vld [tilespmem:s29+$0x20];
	v47 =	vor.u32 v55, v33;
	v35 =	vpop (erf)  }
0xe1: {  	v49 =	vor.u32 v7, v26;
	v0 =	vmul.f32 v35, v43;
	[tilespmem:v59+s20+$0x0] =	vst.idx.add.f32.msk $0xffff, v30  }
0xe2: {  	v62 =	vor.u32 v55, v32;
	v38 =	vpop (erf);
	v30 =	vbroadcast v44, $0x4;
	v63 =	vld [tilespmem:s29+$0xA0]  }
0xe3: {  	v1 =	vor.u32 v7, v22;
	v40 =	vmul.f32 v38, v40;
	[tilespmem:v60+s20+$0x0] =	vst.idx.add.f32.msk $0xffff, v0  }
0xe4: {  	v46 =	vmul.f32 v46, v27;
	v37 =	vpop (erf);
	v2 =	vor.u32 v55, v30;
	v51 =	vld [tilespmem:s29+$0x120]  }
0xe5: {  	v42 =	vmul.f32 v37, v42;
	[tilespmem:v47+s20+$0x0] =	vst.idx.add.f32.msk $0xffff, v40  }
0xe6: {  	v50 =	vmul.f32 v61, v24;
	v39 =	vpop (erf);
	[tilespmem:v49+s20+$0x0] =	vst.idx.add.f32.msk $0xffff, v46  }
0xe7: {  	v41 =	vmul.f32 v39, v41;
	[tilespmem:v62+s20+$0x0] =	vst.idx.add.f32.msk $0xffff, v42  }
0xe8: {  	[tilespmem:v1+s20+$0x0] =	vst.idx.add.f32.msk $0xffff, v50  }
0xe9: {  	[tilespmem:v2+s20+$0x0] =	vst.idx.add.f32.msk $0xffff, v41  }
0xea: {  	v59 =	vor.u32 v7, v23;
	v41 =	vld [tilespmem:s31+$0xFFFFFED0]  }
0xeb: {  	v61 =	vor.u32 v7, v17;
	v60 =	vld [tilespmem:s31+$0xFFFFFF50]  }
0xec: {  	v62 =	vor.u32 v56, v28;
	v46 =	vld [tilespmem:s31+$0xFFFFFFD0]  }
0xed: {  	v3 =	vmul.f32 v48, v25;
	v0 =	vor.u32 v56, v31;
	v34 =	vmul.f32 v63, v18;
	v63 =	vld [tilespmem:s31+$0x50]  }
0xee: {  	v1 =	vor.u32 v56, v33;
	v50 =	vld [tilespmem:s31+$0xD0]  }
0xef: {  	v52 =	vor.u32 v56, v32;
	[tilespmem:v59+s20+$0x0] =	vst.idx.add.f32.msk $0xffff, v3;
	v41 =	vmul.f32 v41, v45  }
0xf0: {  	v3 =	vor.u32 v56, v30;
	[tilespmem:v61+s20+$0x0] =	vst.idx.add.f32.msk $0xffff, v34;
	v2 =	vmul.f32 v60, v35  }
0xf1: {  	v46 =	vmul.f32 v46, v38;
	[tilespmem:v62+s20+$0x0] =	vst.idx.add.f32.msk $0xffff, v41  }
0xf2: {  	v48 =	vmul.f32 v63, v37;
	[tilespmem:v0+s20+$0x0] =	vst.idx.add.f32.msk $0xffff, v2  }
0xf3: {  	v53 =	vmul.f32 v50, v39;
	[tilespmem:v1+s20+$0x0] =	vst.idx.add.f32.msk $0xffff, v46  }
0xf4: {  	[tilespmem:v52+s20+$0x0] =	vst.idx.add.f32.msk $0xffff, v48  }
0xf5: {  	[tilespmem:v3+s20+$0x0] =	vst.idx.add.f32.msk $0xffff, v53  }
0xf6: {  	v54 =	vor.u32 v7, v21;
	v34 =	vld [tilespmem:s31+$0xFFFFFEE0]  }
0xf7: {  	v41 =	vld [tilespmem:s31+$0xFFFFFF60]  }
0xf8: {  	v55 =	vor.u32 v57, v28;
	v42 =	vld [tilespmem:s31+$0xFFFFFFE0]  }
0xf9: {  	v36 =	vmul.f32 v51, v20;
	v56 =	vor.u32 v57, v31;
	v44 =	vld [tilespmem:s31+$0x60]  }
0xfa: {  	v59 =	vor.u32 v57, v33;
	v47 =	vld [tilespmem:s31+$0xE0]  }
0xfb: {  	v60 =	vor.u32 v57, v32;
	[tilespmem:v54+s20+$0x0] =	vst.idx.add.f32.msk $0xffff, v36;
	v34 =	vmul.f32 v34, v45  }
0xfc: {  	v62 =	vor.u32 v57, v30;
	v63 =	vld [tilespmem:s29+$0xFFFFFF30];
	v61 =	vmul.f32 v41, v35  }
0xfd: {  	v42 =	vmul.f32 v42, v38;
	[tilespmem:v55+s20+$0x0] =	vst.idx.add.f32.msk $0xffff, v34  }
0xfe: {  	v0 =	vmul.f32 v44, v37;
	[tilespmem:v56+s20+$0x0] =	vst.idx.add.f32.msk $0xffff, v61  }
0xff: {  	v1 =	vmul.f32 v47, v39;
	[tilespmem:v59+s20+$0x0] =	vst.idx.add.f32.msk $0xffff, v42  }
0x100: {  	[tilespmem:v60+s20+$0x0] =	vst.idx.add.f32.msk $0xffff, v0  }
0x101: {  	[tilespmem:v62+s20+$0x0] =	vst.idx.add.f32.msk $0xffff, v1  }
0x102: {  	v36 =	vld [tilespmem:s31+$0xFFFFFEF0]  }
0x103: {  	v40 =	vld [tilespmem:s31+$0xFFFFFF70]  }
0x104: {  	v3 =	vor.u32 v58, v28;
	v2 =	vld [tilespmem:s31+$0xFFFFFFF0]  }
0x105: {  	v52 =	vor.u32 v58, v31;
	v43 =	vld [tilespmem:s31+$0x70]  }
0x106: {  	v54 =	vor.u32 v58, v33;
	v34 =	vmul.f32 v63, v27;
	v27 =	vmov v45;
	v53 =	vld [tilespmem:s31+$0xF0]  }
0x107: {  	v55 =	vor.u32 v58, v32;
	v48 =	vld [tilespmem:s29+$0xFFFFFFB0];
	v36 =	vmul.f32 v36, v27  }
0x108: {  	v56 =	vor.u32 v58, v30;
	v57 =	vld [tilespmem:s29+$0x30];
	v40 =	vmul.f32 v40, v35  }
0x109: {  	v41 =	vmul.f32 v2, v38;
	[tilespmem:v3+s20+$0x0] =	vst.idx.add.f32.msk $0xffff, v36  }
0x10a: {  	v58 =	vmul.f32 v43, v37;
	[tilespmem:v52+s20+$0x0] =	vst.idx.add.f32.msk $0xffff, v40  }
0x10b: {  	v59 =	vmul.f32 v53, v39;
	[tilespmem:v54+s20+$0x0] =	vst.idx.add.f32.msk $0xffff, v41  }
0x10c: {  	[tilespmem:v55+s20+$0x0] =	vst.idx.add.f32.msk $0xffff, v58  }
0x10d: {  	[tilespmem:v56+s20+$0x0] =	vst.idx.add.f32.msk $0xffff, v59  }
0x10e: {  	v60 =	vld [tilespmem:s31+$0xFFFFFF00]  }
0x10f: {  	v40 =	vld [tilespmem:s31+$0xFFFFFF80]  }
0x110: {  	v41 =	vld [tilespmem:s31+$0x0]  }
0x111: {  	v42 =	vld [tilespmem:s31+$0x80]  }
0x112: {  	v61 =	vld [tilespmem:s31+$0x100]  }
0x113: {  	v62 =	vld [tilespmem:s29+$0xB0]  }
0x114: {  	s2 =	sadd.s32 $0x280, s2;
	v63 =	vld [tilespmem:s29+$0x130]  }
0x115: {  	v49 =	vld [tilespmem:s2+$0xFFFFFF30]  }
0x116: {  	v0 =	vld [tilespmem:s2+$0x30]  }
0x117: {  	v1 =	vld [tilespmem:s2+$0xFFFFFF20]  }
0x118: {  	v2 =	vld [tilespmem:s2+$0xFFFFFFA0]  }
0x119: {  	v3 =	vld [tilespmem:s2+$0x20]  }
0x11a: {  	v51 =	vld [tilespmem:s2+$0xFFFFFF90]  }
0x11b: {  	v52 =	vld [tilespmem:s2+$0x10]  }
0x11c: {  	v53 =	vld [tilespmem:s2+$0xFFFFFF00]  }
0x11d: {  	v54 =	vld [tilespmem:s2+$0xFFFFFF80]  }
0x11e: {  	v19 =	vadd.f32 v45, v19;
	v55 =	vld [tilespmem:s2+$0xFFFFFEF0]  }
0x11f: {  	v56 =	vld [tilespmem:s2+$0xFFFFFF70]  }
0x120: {  	v19 =	vadd.f32 v35, v19;
	v36 =	vmul.f32 v48, v24;
	v24 =	vmovc v35;
	v35 =	vmul.f32 v57, v25;
	v57 =	vld [tilespmem:s2+$0xFFFFFEE0]  }
0x121: {  	v58 =	vld [tilespmem:s2+$0xFFFFFF60]  }
0x122: {  	v59 =	vld [tilespmem:s2+$0xFFFFFEC0]  }
0x123: {  	v25 =	vmov v38;
	v5 =	vld [tilespmem:s2+$0xD0]  }
0x124: {  	v46 =	vmul.f32 v41, v25;
	v41 =	vld [tilespmem:s2+$0xFFFFFFB0]  }
0x125: {  	v45 =	vmul.f32 v40, v24;
	v40 =	vld [tilespmem:s2+$0xFFFFFF10]  }
0x126: {  	v19 =	vadd.f32 v38, v19;
	v44 =	vmul.f32 v60, v27;
	v60 =	vld [tilespmem:s2+$0xFFFFFED0]  }
0x127: {  	v38 =	vmul.f32 v62, v18;
	v62 =	vld [tilespmem:s2+$0xFFFFFF40]  }
0x128: {  	v19 =	vadd.f32 v37, v19;
	v47 =	vmul.f32 v42, v37;
	v18 =	vmovc v37;
	v37 =	vmul.f32 v63, v20;
	v63 =	vld [tilespmem:s2+$0xFFFFFF50]  }
0x129: {  	v48 =	vmul.f32 v61, v39;
	v61 =	vld [tilespmem:s2+$0xFFFFFFE0]  }
0x12a: {  	v43 =	vmul.f32 v1, v15;
	v42 =	vmul.f32 v0, v16;
	v1 =	vld [tilespmem:s2+$0xFFFFFFC0]  }
0x12b: {  	v59 =	vmul.f32 v59, v9;
	v0 =	vld [tilespmem:s2+$0x40];
	v60 =	vmul.f32 v60, v10  }
0x12c: {  	v50 =	vmul.f32 v2, v15;
	v2 =	vld [tilespmem:s2+$0xFFFFFFD0];
	v57 =	vmul.f32 v57, v11  }
0x12d: {  	v62 =	vmul.f32 v62, v9;
	v63 =	vmul.f32 v63, v10;
	v59 =	vadd.f32 v60, v59;
	v60 =	vld [tilespmem:s2+$0x50]  }
0x12e: {  	v19 =	vadd.f32 v39, v19;
	v20 =	vmovc v39;
	v39 =	vmul.f32 v3, v15;
	v3 =	vld [tilespmem:s2+$0xC0];
	v55 =	vmul.f32 v55, v12  }
0x12f: {  	v58 =	vmul.f32 v58, v11;
	v57 =	vadd.f32 v57, v59;
	v59 =	vadd.f32 v63, v62;
	v62 =	vld [tilespmem:s2+$0xFFFFFFF0]  }
0x130: {  	v53 =	vmul.f32 v53, v13;
	v1 =	vmul.f32 v1, v9;
	v63 =	vld [tilespmem:s2+$0x60]  }
0x131: {  	v2 =	vmul.f32 v2, v10;
	v55 =	vadd.f32 v55, v57;
	v58 =	vadd.f32 v58, v59;
	v59 =	vld [tilespmem:s2+$0x0]  }
0x132: {  	v56 =	vmul.f32 v56, v12;
	v57 =	vmul.f32 v60, v10;
	v60 =	vld [tilespmem:s2+$0x70]  }
0x133: {  	v61 =	vmul.f32 v61, v11;
	v1 =	vadd.f32 v2, v1;
	v53 =	vadd.f32 v53, v55;
	v55 =	vld [tilespmem:s2+$0xE0]  }
0x134: {  	v54 =	vmul.f32 v54, v13;
	v0 =	vmul.f32 v0, v9;
	v56 =	vadd.f32 v56, v58;
	v58 =	vld [tilespmem:$0x1FFD0]  }
0x135: {  	v40 =	vmul.f32 v40, v14;
	v1 =	vadd.f32 v61, v1;
	v61 =	vmul.f32 v62, v12;
	v62 =	vld [tilespmem:s2+$0x80]  }
0x136: {  	v5 =	vmul.f32 v5, v10;
	v3 =	vmul.f32 v3, v9;
	v0 =	vadd.f32 v57, v0;
	v57 =	vld [tilespmem:s2+$0x90]  }
0x137: {  	v40 =	vadd.f32 v40, v53;
	v53 =	vld [tilespmem:s2+$0xF0]  }
0x138: {  	v3 =	vadd.f32 v5, v3;
	v5 =	vmul.f32 v63, v11;
	v54 =	vadd.f32 v54, v56;
	v56 =	vld [tilespmem:$0x1FFB0]  }
0x139: {  	v51 =	vmul.f32 v51, v14;
	v1 =	vadd.f32 v61, v1;
	v63 =	vmul.f32 v59, v13;
	v59 =	vld [tilespmem:$0x1FFF0]  }
0x13a: {  	v49 =	vmul.f32 v49, v16;
	v0 =	vadd.f32 v5, v0;
	v5 =	vld [tilespmem:s2+$0x100];
	v40 =	vadd.f32 v43, v40  }
0x13b: {  	v52 =	vmul.f32 v52, v14;
	v2 =	vmul.f32 v60, v12;
	v60 =	vadd.f32 v51, v54;
	v54 =	vld [tilespmem:s2+$0xA0]  }
0x13c: {  	v51 =	vld [tilespmem:s2+$0xB0];
	v61 =	vmul.f32 v55, v11;
	v1 =	vadd.f32 v63, v1;
	v40 =	vadd.f32 v49, v40  }
0x13d: {  	v0 =	vadd.f32 v2, v0;
	v62 =	vmul.f32 v62, v13;
	v49 =	vld [tilespmem:s2+$0x110];
	v43 =	vadd.f32 v50, v60  }
0x13e: {  	v60 =	vmul.f32 v57, v14;
	v57 =	vld [tilespmem:$0x1FFC0];
	v3 =	vadd.f32 v61, v3;
	v63 =	vmul.f32 v53, v12  }
0x13f: {  	v4 =	vor.u32 v6, v28;
	v41 =	vmul.f32 v41, v16;
	v1 =	vadd.f32 v52, v1;
	v61 =	vld [tilespmem:s2+$0x120]  }
0x140: {  	s29 =	smov.u32 s31;
	s31 =	sadd.s32 s30, s2;
	v50 =	vld [tilespmem:s2+$0x130];
	v0 =	vadd.f32 v62, v0;
	v5 =	vmul.f32 v5, v13;
	v3 =	vadd.f32 v63, v3  }
0x141: {  	v53 =	vor.u32 v6, v31;
	v62 =	vadd.f32 v41, v43;
	v43 =	vld [tilespmem:s31+$0xFFFFFF40];
	v1 =	vadd.f32 v39, v1  }
0x142: {  	(xrf2) =	vadd.scan.msk.f32 $0xffff, v40;
	v40 =	vld [tilespmem:s31+$0xFFFFFFC0];
	v63 =	vmul.f32 v54, v15;
	v3 =	vadd.f32 v5, v3;
	v5 =	vmul.f32 v49, v14  }
0x143: {  	v41 =	vld [tilespmem:s31+$0xC0];
	v54 =	vmul.f32 v51, v16;
	v0 =	vadd.f32 v60, v0;
	v60 =	vor.u32 v6, v33  }
0x144: {  	v39 =	vld [tilespmem:s31+$0xFFFFFEC0];
	(xrf2) =	vadd.scan.msk.f32 $0xffff, v62;
	v3 =	vadd.f32 v5, v3;
	v5 =	vmul.f32 v61, v15;
	v61 =	vor.u32 v6, v32  }
0x145: {  	v62 =	vor.u32 v6, v30;
	v1 =	vadd.f32 v42, v1;
	v42 =	vld [tilespmem:s31+$0x40];
	v0 =	vadd.f32 v63, v0  }
0x146: {  	[tilespmem:v4+s20+$0x0] =	vst.idx.add.f32.msk $0xffff, v44  }
0x147: {  	[tilespmem:v53+s20+$0x0] =	vst.idx.add.f32.msk $0xffff, v45;
	(xrf2) =	vadd.scan.msk.f32 $0xffff, v1;
	v0 =	vadd.f32 v54, v0  }
0x148: {  	v63 =	vadd.f32 v5, v3;
	v5 =	vmul.f32 v50, v16;
	[tilespmem:v60+s20+$0x0] =	vst.idx.add.f32.msk $0xffff, v46  }
0x149: {  	[tilespmem:v61+s20+$0x0] =	vst.idx.add.f32.msk $0xffff, v47  }
0x14a: {  	(xrf2) =	vadd.scan.msk.f32 $0xffff, v0;
	v4 =	vadd.f32 v5, v63;
	[tilespmem:v62+s20+$0x0] =	vst.idx.add.f32.msk $0xffff, v48  }
0x14b: {  	v61 =	vor.u32 v8, v26;
	v1 =	vld [tilespmem:s29+$0xFFFFFF10]  }
0x14c: {  	v5 =	vor.u32 v8, v22;
	v54, _, _ =	vpop (xrf2);
	(xrf2) =	vadd.scan.msk.f32 $0xffff, v4;
	v4 =	vld [tilespmem:s29+$0xFFFFFF90]  }
0x14d: {  	v22 =	vmov v31;
	v31 =	vor.u32 v8, v23;
	v26 =	vmov v28;
	v45 =	vld [tilespmem:s29+$0x10]  }
0x14e: {  	v23 =	vmov v33;
	v3 =	vmul.f32 $1.442695020e+00, v54;
	v62 =	vor.u32 v59, v26;
	v60, _, _ =	vpop (xrf2);
	v33 =	vld [tilespmem:s29+$0x90]  }
0x14f: {  	v44 =	vshll.u32 v29, $0x7;
	v63 =	vor.u32 v8, v17;
	v47 =	vld [tilespmem:s29+$0x110];
	v0 =	vmul.f32 $1.442695020e+00, v60  }
0x150: {  	v28 =	vbroadcast v44, $0x0;
	v52 =	vor.u32 v59, v22;
	v3 =	vbroadcast v3, $0xF;
	[tilespmem:v61+s20+$0x0] =	vst.idx.add.f32.msk $0xffff, v34  }
0x151: {  	s0 =	sadd.s32 $0x5, s0;
	v29, _, _ =	vpop (xrf2);
	v54 =	vbroadcast v0, $0xF;
	[tilespmem:v5+s20+$0x0] =	vst.idx.add.f32.msk $0xffff, v36;
	v5 =	vor.u32 v8, v21;
	v1 =	vmul.f32 v1, v27  }
0x152: {  	p0 =	slt.u32 s0, $0x78;
	v60 =	vor.u32 v59, v23;
	(erf) = vpow2.f32 v3;
	v53 =	vmul.f32 $1.442695020e+00, v29;
	[tilespmem:v31+s20+$0x0] =	vst.idx.add.f32.msk $0xffff, v35  }
.Ltmp1:
0x153: {  	v4 =	vmul.f32 v4, v24;
	(erf) = vpow2.f32 v54;
	[tilespmem:v62+s20+$0x0] =	vst.idx.add.f32.msk $0xffff, v1;
	(pc) =	sbr.rel @p0 .LBB2_5-.Ltmp1, $4  }
0x154: {  	v35 =	vmul.f32 v33, v18;
	v29, _, _ =	vpop (xrf2);
	v61 =	vbroadcast v53, $0xF;
	[tilespmem:v63+s20+$0x0] =	vst.idx.add.f32.msk $0xffff, v38  }
0x155: {  	v55 =	vlaneseq.u32;
	v17 =	vmovc v32;
	v21 =	vmovc v30;
	v29 =	vmul.f32 $1.442695020e+00, v29;
	v63 =	vmul.f32 v45, v25;
	[tilespmem:v52+s20+$0x0] =	vst.idx.add.f32.msk $0xffff, v4  }
0x156: {  	v30 =	vor.u32 v59, v17;
	v33 =	vmul.f32 v47, v20;
	(erf) = vpow2.f32 v61;
	v62, _, _ =	vpop (xrf2);
	[tilespmem:v5+s20+$0x0] =	vst.idx.add.f32.msk $0xffff, v37  }
0x157: {  	s3 =	sadd.s32 $0x5, s3;
	v32 =	vor.u32 v59, v21;
	v34 =	vbroadcast v29, $0xF;
	v31 =	vmul.f32 $1.442695020e+00, v62;
	[tilespmem:v60+s20+$0x0] =	vst.idx.add.f32.msk $0xffff, v63  }
0x158: {  	_ =	sdelay $0x1  }
0x159: {  	v0 =	vbroadcast v31, $0xF  }
0x15a: {  	(erf) = vpow2.f32 v34  }
0x15b: {  	[tilespmem:v30+s20+$0x0] =	vst.idx.add.f32.msk $0xffff, v35;
	(erf) = vpow2.f32 v0  }
0x15c: {  	v1 =	vor.u32 v55, v28;
	v34 =	vbroadcast v44, $0x1;
	[tilespmem:v32+s20+$0x0] =	vst.idx.add.f32.msk $0xffff, v33  }
0x15d: {  	v2 =	vld [tilespmem:s29+$0xFFFFFF20]  }
0x15e: {  	v35 =	vbroadcast v44, $0x2;
	v4 =	vld [tilespmem:s29+$0xFFFFFFA0];
	v47 =	vor.u32 v55, v34;
	v33 =	vpop (erf)  }
0x15f: {  	v36 =	vbroadcast v44, $0x3;
	v48 =	vor.u32 v7, v26;
	v38 =	vld [tilespmem:s29+$0x20];
	v3 =	vmul.f32 v33, v39;
	v32 =	vpop (erf)  }
0x160: {  	v37 =	vbroadcast v44, $0x4;
	v5 =	vor.u32 v55, v35;
	v29 =	vmul.f32 v32, v43;
	v43 =	vld [tilespmem:s29+$0x120]  }
0x161: {  	v49 =	vor.u32 v55, v36;
	[tilespmem:v1+s20+$0x0] =	vst.idx.add.f32.msk $0xffff, v3  }
0x162: {  	v50 =	vor.u32 v55, v37;
	v3 =	vld [tilespmem:s29+$0xA0];
	v31 =	vpop (erf);
	v2 =	vmul.f32 v2, v27  }
0x163: {  	v40 =	vmul.f32 v31, v40;
	[tilespmem:v47+s20+$0x0] =	vst.idx.add.f32.msk $0xffff, v29;
	v30 =	vpop (erf)  }
0x164: {  	[tilespmem:v48+s20+$0x0] =	vst.idx.add.f32.msk $0xffff, v2;
	v42 =	vmul.f32 v30, v42;
	v29 =	vpop (erf)  }
0x165: {  	[tilespmem:v5+s20+$0x0] =	vst.idx.add.f32.msk $0xffff, v40;
	v51 =	vmul.f32 v29, v41  }
0x166: {  	[tilespmem:v49+s20+$0x0] =	vst.idx.add.f32.msk $0xffff, v42  }
0x167: {  	[tilespmem:v50+s20+$0x0] =	vst.idx.add.f32.msk $0xffff, v51  }
0x168: {  	v52 =	vor.u32 v7, v22;
	v1 =	vld [tilespmem:s31+$0xFFFFFED0]  }
0x169: {  	v53 =	vor.u32 v7, v23;
	v5 =	vld [tilespmem:s31+$0xFFFFFF50]  }
0x16a: {  	v60 =	vor.u32 v56, v28;
	v54 =	vld [tilespmem:s31+$0xFFFFFFD0]  }
0x16b: {  	v62 =	vor.u32 v56, v34;
	v4 =	vmul.f32 v4, v24;
	v61 =	vld [tilespmem:s31+$0x50]  }
0x16c: {  	v45 =	vor.u32 v56, v35;
	v38 =	vmul.f32 v38, v25;
	v63 =	vld [tilespmem:s31+$0xD0]  }
0x16d: {  	[tilespmem:v52+s20+$0x0] =	vst.idx.add.f32.msk $0xffff, v4;
	v49 =	vor.u32 v56, v36;
	v48 =	vmul.f32 v1, v33  }
0x16e: {  	v4 =	vor.u32 v56, v37;
	[tilespmem:v53+s20+$0x0] =	vst.idx.add.f32.msk $0xffff, v38;
	v50 =	vmul.f32 v5, v32  }
0x16f: {  	v5 =	vmul.f32 v54, v31;
	[tilespmem:v60+s20+$0x0] =	vst.idx.add.f32.msk $0xffff, v48  }
0x170: {  	v51 =	vmul.f32 v61, v30;
	[tilespmem:v62+s20+$0x0] =	vst.idx.add.f32.msk $0xffff, v50  }
0x171: {  	v52 =	vmul.f32 v63, v29;
	[tilespmem:v45+s20+$0x0] =	vst.idx.add.f32.msk $0xffff, v5  }
0x172: {  	[tilespmem:v49+s20+$0x0] =	vst.idx.add.f32.msk $0xffff, v51  }
0x173: {  	[tilespmem:v4+s20+$0x0] =	vst.idx.add.f32.msk $0xffff, v52  }
0x174: {  	v53 =	vor.u32 v7, v17;
	v1 =	vld [tilespmem:s31+$0xFFFFFEE0]  }
0x175: {  	v54 =	vor.u32 v7, v21;
	v4 =	vld [tilespmem:s31+$0xFFFFFF60]  }
0x176: {  	v60 =	vor.u32 v57, v28;
	v5 =	vld [tilespmem:s31+$0xFFFFFFE0]  }
0x177: {  	v3 =	vmul.f32 v3, v18;
	v62 =	vor.u32 v57, v34;
	v61 =	vld [tilespmem:s31+$0x60]  }
0x178: {  	v63 =	vmul.f32 v43, v20;
	v45 =	vor.u32 v57, v35;
	v42 =	vld [tilespmem:s31+$0xE0]  }
0x179: {  	v47 =	vor.u32 v57, v36;
	[tilespmem:v53+s20+$0x0] =	vst.idx.add.f32.msk $0xffff, v3;
	v46 =	vmul.f32 v1, v33  }
0x17a: {  	[tilespmem:v54+s20+$0x0] =	vst.idx.add.f32.msk $0xffff, v63;
	v49 =	vor.u32 v57, v37;
	v48 =	vmul.f32 v4, v32  }
0x17b: {  	v4 =	vmul.f32 v5, v31;
	[tilespmem:v60+s20+$0x0] =	vst.idx.add.f32.msk $0xffff, v46  }
0x17c: {  	v50 =	vmul.f32 v61, v30;
	[tilespmem:v62+s20+$0x0] =	vst.idx.add.f32.msk $0xffff, v48  }
0x17d: {  	v51 =	vmul.f32 v42, v29;
	[tilespmem:v45+s20+$0x0] =	vst.idx.add.f32.msk $0xffff, v4  }
0x17e: {  	[tilespmem:v47+s20+$0x0] =	vst.idx.add.f32.msk $0xffff, v50  }
0x17f: {  	[tilespmem:v49+s20+$0x0] =	vst.idx.add.f32.msk $0xffff, v51  }
0x180: {  	v0 =	vld [tilespmem:s31+$0xFFFFFEF0]  }
0x181: {  	v1 =	vld [tilespmem:s31+$0xFFFFFF70]  }
0x182: {  	v52 =	vor.u32 v58, v28;
	v2 =	vld [tilespmem:s31+$0xFFFFFFF0]  }
0x183: {  	v5 =	vor.u32 v58, v34;
	v4 =	vld [tilespmem:s31+$0x70]  }
0x184: {  	v53 =	vor.u32 v58, v35;
	v38 =	vld [tilespmem:s31+$0xF0]  }
0x185: {  	v54 =	vor.u32 v58, v36;
	v40 =	vld [tilespmem:s29+$0xFFFFFF30];
	v0 =	vmul.f32 v0, v33  }
0x186: {  	v41 =	vld [tilespmem:s29+$0x30];
	v60 =	vor.u32 v58, v37;
	v1 =	vmul.f32 v1, v32  }
0x187: {  	v2 =	vmul.f32 v2, v31;
	[tilespmem:v52+s20+$0x0] =	vst.idx.add.f32.msk $0xffff, v0  }
0x188: {  	v61 =	vmul.f32 v4, v30;
	[tilespmem:v5+s20+$0x0] =	vst.idx.add.f32.msk $0xffff, v1  }
0x189: {  	v62 =	vmul.f32 v38, v29;
	[tilespmem:v53+s20+$0x0] =	vst.idx.add.f32.msk $0xffff, v2  }
0x18a: {  	[tilespmem:v54+s20+$0x0] =	vst.idx.add.f32.msk $0xffff, v61  }
0x18b: {  	[tilespmem:v60+s20+$0x0] =	vst.idx.add.f32.msk $0xffff, v62  }
0x18c: {  	v0 =	vld [tilespmem:s31+$0xFFFFFF00]  }
0x18d: {  	v1 =	vld [tilespmem:s31+$0xFFFFFF80]  }
0x18e: {  	v63 =	vor.u32 v6, v28;
	v2 =	vld [tilespmem:s31+$0x0]  }
0x18f: {  	v5 =	vor.u32 v6, v34;
	v4 =	vld [tilespmem:s31+$0x80]  }
0x190: {  	v49 =	vor.u32 v6, v35;
	v48 =	vld [tilespmem:s31+$0x100]  }
0x191: {  	v44 =	vld [tilespmem:s29+$0xB0];
	v50 =	vor.u32 v6, v36;
	v0 =	vmul.f32 v0, v33  }
0x192: {  	v27 =	vmul.f32 v40, v27;
	v40 =	vld [tilespmem:s29+$0x130];
	v51 =	vor.u32 v6, v37;
	v1 =	vmul.f32 v1, v32  }
0x193: {  	v2 =	vmul.f32 v2, v31;
	[tilespmem:v63+s20+$0x0] =	vst.idx.add.f32.msk $0xffff, v0  }
0x194: {  	v52 =	vmul.f32 v4, v30;
	[tilespmem:v5+s20+$0x0] =	vst.idx.add.f32.msk $0xffff, v1  }
0x195: {  	v53 =	vmul.f32 v48, v29;
	[tilespmem:v49+s20+$0x0] =	vst.idx.add.f32.msk $0xffff, v2  }
0x196: {  	[tilespmem:v50+s20+$0x0] =	vst.idx.add.f32.msk $0xffff, v52  }
0x197: {  	[tilespmem:v51+s20+$0x0] =	vst.idx.add.f32.msk $0xffff, v53  }
0x198: {  	v0 =	vld [tilespmem:s31+$0xFFFFFF10]  }
0x199: {  	v54 =	vor.u32 v8, v26;
	v2 =	vld [tilespmem:s31+$0xFFFFFF90]  }
0x19a: {  	v4 =	vor.u32 v59, v28;
	v3 =	vld [tilespmem:s31+$0x10]  }
0x19b: {  	v26 =	vor.u32 v59, v34;
	v5 =	vld [tilespmem:s31+$0x90]  }
0x19c: {  	v61 =	vor.u32 v59, v35;
	v60 =	vld [tilespmem:s31+$0x110]  }
0x19d: {  	v42 =	vld [tilespmem:s29+$0xFFFFFFB0];
	v62 =	vor.u32 v59, v36;
	v0 =	vmul.f32 v0, v33  }
0x19e: {  	v45 =	vor.u32 v59, v37;
	[tilespmem:v54+s20+$0x0] =	vst.idx.add.f32.msk $0xffff, v27;
	v63 =	vmul.f32 v2, v32  }
0x19f: {  	v46 =	vmul.f32 v3, v31;
	[tilespmem:v4+s20+$0x0] =	vst.idx.add.f32.msk $0xffff, v0  }
0x1a0: {  	v47 =	vmul.f32 v5, v30;
	[tilespmem:v26+s20+$0x0] =	vst.idx.add.f32.msk $0xffff, v63  }
0x1a1: {  	v48 =	vmul.f32 v60, v29;
	[tilespmem:v61+s20+$0x0] =	vst.idx.add.f32.msk $0xffff, v46  }
0x1a2: {  	[tilespmem:v62+s20+$0x0] =	vst.idx.add.f32.msk $0xffff, v47  }
0x1a3: {  	[tilespmem:v45+s20+$0x0] =	vst.idx.add.f32.msk $0xffff, v48  }
0x1a4: {  	v49 =	vor.u32 v8, v22;
	v1 =	vld [tilespmem:s31+$0xFFFFFF20]  }
0x1a5: {  	v50 =	vor.u32 v8, v23;
	v3 =	vld [tilespmem:s31+$0xFFFFFFA0]  }
0x1a6: {  	v5 =	vor.u32 v7, v28;
	v4 =	vld [tilespmem:s31+$0x20]  }
0x1a7: {  	v22 =	vmul.f32 v42, v24;
	v24 =	vor.u32 v7, v34;
	v23 =	vld [tilespmem:s31+$0xA0]  }
0x1a8: {  	v25 =	vmul.f32 v41, v25;
	v27 =	vor.u32 v7, v35;
	v26 =	vld [tilespmem:s31+$0x120]  }
0x1a9: {  	v52 =	vor.u32 v7, v36;
	[tilespmem:v49+s20+$0x0] =	vst.idx.add.f32.msk $0xffff, v22;
	v51 =	vmul.f32 v1, v33  }
0x1aa: {  	v54 =	vor.u32 v7, v37;
	[tilespmem:v50+s20+$0x0] =	vst.idx.add.f32.msk $0xffff, v25;
	v53 =	vmul.f32 v3, v32  }
0x1ab: {  	v4 =	vmul.f32 v4, v31;
	[tilespmem:v5+s20+$0x0] =	vst.idx.add.f32.msk $0xffff, v51  }
0x1ac: {  	v60 =	vmul.f32 v23, v30;
	[tilespmem:v24+s20+$0x0] =	vst.idx.add.f32.msk $0xffff, v53  }
0x1ad: {  	v61 =	vmul.f32 v26, v29;
	[tilespmem:v27+s20+$0x0] =	vst.idx.add.f32.msk $0xffff, v4  }
0x1ae: {  	[tilespmem:v52+s20+$0x0] =	vst.idx.add.f32.msk $0xffff, v60  }
0x1af: {  	[tilespmem:v54+s20+$0x0] =	vst.idx.add.f32.msk $0xffff, v61  }
0x1b0: {  	v62 =	vor.u32 v8, v17;
	v1 =	vld [tilespmem:s31+$0xFFFFFF30]  }
0x1b1: {  	v63 =	vor.u32 v8, v21;
	v3 =	vld [tilespmem:s31+$0xFFFFFFB0]  }
0x1b2: {  	v5 =	vor.u32 v8, v28;
	v4 =	vld [tilespmem:s31+$0x30]  }
0x1b3: {  	v21 =	vor.u32 v8, v34;
	v17 =	vmul.f32 v44, v18;
	v18 =	vld [tilespmem:s31+$0xB0]  }
0x1b4: {  	v20 =	vmul.f32 v40, v20;
	v23 =	vor.u32 v8, v35;
	v22 =	vld [tilespmem:s31+$0x130]  }
0x1b5: {  	v38 =	vor.u32 v8, v36;
	[tilespmem:v62+s20+$0x0] =	vst.idx.add.f32.msk $0xffff, v17;
	v35 =	vmul.f32 v1, v33  }
0x1b6: {  	s29 =	smul.u32 $0xFA, s24;
	v40 =	vor.u32 v8, v37;
	[tilespmem:v63+s20+$0x0] =	vst.idx.add.f32.msk $0xffff, v20;
	v39 =	vmul.f32 v3, v32  }
0x1b7: {  	v4 =	vmul.f32 v4, v31;
	[tilespmem:v5+s20+$0x0] =	vst.idx.add.f32.msk $0xffff, v35  }
0x1b8: {  	s0 =	sadd.s32 s29, s8;
	v41 =	vmul.f32 v18, v30;
	[tilespmem:v21+s20+$0x0] =	vst.idx.add.f32.msk $0xffff, v39  }
0x1b9: {  	s0 =	sshll.u32 s0, $0x4;
	v42 =	vmul.f32 v22, v29;
	[tilespmem:v23+s20+$0x0] =	vst.idx.add.f32.msk $0xffff, v4  }
0x1ba: {  	s0 =	sand.u32 $0x1FFFFFF0, s0;
	[tilespmem:v38+s20+$0x0] =	vst.idx.add.f32.msk $0xffff, v41  }
0x1bb: {  	s0 =	sadd.s32 s1, s0;
	[tilespmem:v40+s20+$0x0] =	vst.idx.add.f32.msk $0xffff, v42  }
0x1bc: {  	[tilespmem:s4], [sflag:$0x1] =	stream.linear.gather [hbm4b:s0+s4], $0x3E80, $0x38;
	[tilespmem:$0x11280] =	vst v63  }
0x1bd: {  	_ =	swait.ge [sflag:s21], $0x3E80  }
0x1be: {  	[sflag:s21] =	ssyncset.done $0x0  }
0x1bf: {  	s31 =	simm.s32 $0x43C0;
	[sflag:s21] =	ssyncadd.s32 $0xFFFFC180  }
0x1c0: {  	v43 =	vld [tilespmem:s31+$0xFFFFFF30]  }
0x1c1: {  	v44 =	vld [tilespmem:s31+$0xFFFFFFB0]  }
0x1c2: {  	v45 =	vld [tilespmem:s31+$0x30]  }
0x1c3: {  	v46 =	vld [tilespmem:s31+$0xFFFFFF20]  }
0x1c4: {  	v4 =	vld [tilespmem:s31+$0xFFFFFFA0]  }
0x1c5: {  	v5 =	vld [tilespmem:s31+$0x20]  }
0x1c6: {  	v17 =	vld [tilespmem:s31+$0xFFFFFF10]  }
0x1c7: {  	v18 =	vld [tilespmem:s31+$0xFFFFFF90]  }
0x1c8: {  	v20 =	vld [tilespmem:s31+$0x10]  }
0x1c9: {  	v21 =	vld [tilespmem:s31+$0xFFFFFF00]  }
0x1ca: {  	v22 =	vld [tilespmem:s31+$0xFFFFFF80]  }
0x1cb: {  	v23 =	vld [tilespmem:s31+$0xFFFFFEF0]  }
0x1cc: {  	v24 =	vld [tilespmem:s31+$0xFFFFFF70]  }
0x1cd: {  	v25 =	vld [tilespmem:s31+$0xFFFFFEE0]  }
0x1ce: {  	v26 =	vld [tilespmem:s31+$0xFFFFFF60]  }
0x1cf: {  	v27 =	vld [tilespmem:s31+$0xFFFFFEC0]  }
0x1d0: {  	v28 =	vld [tilespmem:s31+$0xFFFFFED0]  }
0x1d1: {  	v47 =	vld [tilespmem:s31+$0xFFFFFFE0]  }
0x1d2: {  	v48 =	vld [tilespmem:s31+$0xFFFFFF40];
	v0 =	vmul.f32 v43, v16;
	v1 =	vmul.f32 v44, v16  }
0x1d3: {  	v49 =	vld [tilespmem:s31+$0xFFFFFF50];
	v3 =	vmul.f32 v46, v15;
	v2 =	vmul.f32 v45, v16  }
0x1d4: {  	v50 =	vld [tilespmem:s31+$0xFFFFFFC0];
	v4 =	vmul.f32 v4, v15;
	v5 =	vmul.f32 v5, v15  }
0x1d5: {  	v51 =	vld [tilespmem:s31+$0x40];
	v17 =	vmul.f32 v17, v14;
	v18 =	vmul.f32 v18, v14  }
0x1d6: {  	v52 =	vld [tilespmem:s31+$0xFFFFFFD0];
	v27 =	vmul.f32 v27, v9;
	v28 =	vmul.f32 v28, v10  }
0x1d7: {  	v53 =	vld [tilespmem:s31+$0x50];
	v21 =	vmul.f32 v21, v13;
	v20 =	vmul.f32 v20, v14  }
0x1d8: {  	v54 =	vld [tilespmem:s31+$0xD0];
	v35 =	vmul.f32 v48, v9;
	v36 =	vmul.f32 v49, v10  }
0x1d9: {  	v60 =	vld [tilespmem:s31+$0x60];
	v25 =	vmul.f32 v25, v11;
	v22 =	vmul.f32 v22, v13;
	v27 =	vadd.f32 v28, v27  }
0x1da: {  	v23 =	vmul.f32 v23, v12;
	v26 =	vmul.f32 v26, v11;
	v28 =	vld [tilespmem:s31+$0xC0];
	v35 =	vadd.f32 v36, v35  }
0x1db: {  	v37 =	vmul.f32 v50, v9;
	v39 =	vmul.f32 v52, v10;
	v25 =	vadd.f32 v25, v27;
	v27 =	vld [tilespmem:s31+$0xFFFFFFF0]  }
0x1dc: {  	v61 =	vld [tilespmem:s31+$0xE0];
	v24 =	vmul.f32 v24, v12;
	v34 =	vmul.f32 v47, v11;
	v26 =	vadd.f32 v26, v35  }
0x1dd: {  	v38 =	vmul.f32 v51, v9;
	v37 =	vadd.f32 v39, v37;
	v23 =	vadd.f32 v23, v25;
	v25 =	vld [tilespmem:s31+$0x0]  }
0x1de: {  	v62 =	vld [tilespmem:s31+$0x70];
	v40 =	vmul.f32 v53, v10;
	v63 =	vmul.f32 v54, v10;
	v24 =	vadd.f32 v24, v26  }
0x1df: {  	v34 =	vadd.f32 v34, v37;
	v26 =	vld [tilespmem:s31+$0xF0];
	v28 =	vmul.f32 v28, v9;
	v21 =	vadd.f32 v21, v23  }
0x1e0: {  	v23 =	vadd.f32 v40, v38;
	v40 =	vld [tilespmem:s31+$0x80];
	v22 =	vadd.f32 v22, v24;
	v27 =	vmul.f32 v27, v12  }
0x1e1: {  	v24 =	vld [tilespmem:s31+$0x100];
	v17 =	vadd.f32 v17, v21;
	v21 =	vadd.f32 v63, v28;
	v28 =	vmul.f32 v60, v11  }
0x1e2: {  	v41 =	vld [tilespmem:s31+$0x90];
	v35 =	vmul.f32 v61, v11;
	v27 =	vadd.f32 v27, v34;
	v25 =	vmul.f32 v25, v13  }
0x1e3: {  	v3 =	vadd.f32 v3, v17;
	v17 =	vadd.f32 v28, v23;
	v23 =	vmul.f32 v62, v12;
	v28 =	vld [tilespmem:s31+$0x110]  }
0x1e4: {  	v18 =	vadd.f32 v18, v22;
	v22 =	vld [tilespmem:s31+$0xA0];
	v26 =	vmul.f32 v26, v12;
	v21 =	vadd.f32 v35, v21  }
0x1e5: {  	v25 =	vadd.f32 v25, v27;
	v27 =	vld [tilespmem:s31+$0x120];
	v17 =	vadd.f32 v23, v17;
	v23 =	vmul.f32 v40, v13  }
0x1e6: {  	v42 =	vld [tilespmem:s31+$0xB0];
	v4 =	vadd.f32 v4, v18;
	v24 =	vmul.f32 v24, v13;
	v21 =	vadd.f32 v26, v21  }
0x1e7: {  	v18 =	vmul.f32 v41, v14;
	v0 =	vadd.f32 v0, v3;
	v17 =	vadd.f32 v23, v17;
	v23 =	vld [tilespmem:s31+$0x130]  }
0x1e8: {  	v20 =	vadd.f32 v20, v25;
	v21 =	vadd.f32 v24, v21;
	v24 =	vmul.f32 v28, v14  }
0x1e9: {  	v1 =	vadd.f32 v1, v4;
	v4 =	vadd.f32 v18, v17;
	v17 =	vmul.f32 v22, v15  }
0x1ea: {  	v5 =	vadd.f32 v5, v20;
	v20 =	vmul.f32 v27, v15;
	v18 =	vadd.f32 v24, v21  }
0x1eb: {  	v3 =	vmul.f32 v42, v16;
	(xrf2) =	vadd.scan.msk.f32 $0xffff, v0;
	v43 =	vadd.f32 v17, v4  }
0x1ec: {  	(xrf2) =	vadd.scan.msk.f32 $0xffff, v1;
	v44 =	vadd.f32 v2, v5;
	v45 =	vadd.f32 v20, v18;
	v4 =	vmul.f32 v23, v16  }
0x1ed: {  	v0 =	vadd.f32 v3, v43  }
0x1ee: {  	(xrf2) =	vadd.scan.msk.f32 $0xffff, v44;
	v46 =	vadd.f32 v4, v45  }
0x1ef: {  	(xrf2) =	vadd.scan.msk.f32 $0xffff, v0  }
0x1f0: {  	(xrf2) =	vadd.scan.msk.f32 $0xffff, v46;
	_ =	sdelay $0x4  }
0x1f1: {  	v47, _, _ =	vpop (xrf2)  }
0x1f2: {  	v48, _, _ =	vpop (xrf2);
	v0 =	vmul.f32 $1.442695020e+00, v47  }
0x1f3: {  	v1 =	vmul.f32 $1.442695020e+00, v48  }
0x1f4: {  	v0 =	vbroadcast v0, $0xF;
	v49, _, _ =	vpop (xrf2)  }
0x1f5: {  	v1 =	vbroadcast v1, $0xF;
	v2 =	vmul.f32 $1.442695020e+00, v49;
	v50, _, _ =	vpop (xrf2)  }
0x1f6: {  	v4 =	vld [tilespmem:s28+$0x0];
	(erf) = vpow2.f32 v0;
	v51 =	vmul.f32 $1.442695020e+00, v50;
	v52, _, _ =	vpop (xrf2)  }
0x1f7: {  	v17 =	vmov s30;
	v2 =	vbroadcast v2, $0xF;
	v3 =	vmul.f32 $1.442695020e+00, v52  }
0x1f8: {  	(erf) = vpow2.f32 v1;
	v0 =	vbroadcast v51, $0xF  }
0x1f9: {  	(erf) = vpow2.f32 v2;
	v53 =	vbroadcast v3, $0xF  }
0x1fa: {  	(erf) = vpow2.f32 v0  }
0x1fb: {  	v54 =	vshll.u32 v4, $0x7;
	(erf) = vpow2.f32 v53  }
0x1fc: {  	v60 =	vld.idx.msk [tilespmem:v17+s31+$0xFFFFFEC0 ss:$0x1], $0xffff;
	v27 =	vbroadcast v54, $0x0  }
0x1fd: {  	v61 =	vld.idx.msk [tilespmem:v17+s31+$0xFFFFFF40 ss:$0x1], $0xffff;
	v23 =	vbroadcast v54, $0x1  }
0x1fe: {  	v62 =	vld.idx.msk [tilespmem:v17+s31+$0xFFFFFFC0 ss:$0x1], $0xffff;
	v24 =	vbroadcast v54, $0x2;
	v4 =	vor.u32 v55, v27  }
0x1ff: {  	v5 =	vld.idx.msk [tilespmem:v17+s31+$0x40 ss:$0x1], $0xffff;
	v18 =	vbroadcast v54, $0x3;
	v22 =	vor.u32 v55, v23  }
0x200: {  	v63 =	vld.idx.msk [tilespmem:v17+s31+$0xC0 ss:$0x1], $0xffff;
	v21 =	vbroadcast v54, $0x4;
	v40 =	vor.u32 v55, v24;
	v28 =	vpop (erf)  }
0x201: {  	s30 =	simm.s32 $0x4640;
	v42 =	vor.u32 v55, v18;
	v41 =	vmul.f32 v28, v60;
	v25 =	vpop (erf)  }
0x202: {  	v36 =	vld [tilespmem:s30+$0x10];
	v43 =	vor.u32 v55, v21;
	v2 =	vmul.f32 v25, v61;
	v26 =	vpop (erf)  }
0x203: {  	[tilespmem:v4+s20+$0x0] =	vst.idx.add.f32.msk $0xffff, v41;
	v44 =	vmul.f32 v26, v62;
	v20 =	vpop (erf)  }
0x204: {  	[tilespmem:v22+s20+$0x0] =	vst.idx.add.f32.msk $0xffff, v2;
	v45 =	vmul.f32 v20, v5;
	v22 =	vpop (erf)  }
0x205: {  	[tilespmem:v40+s20+$0x0] =	vst.idx.add.f32.msk $0xffff, v44;
	v46 =	vmul.f32 v22, v63  }
0x206: {  	[tilespmem:v42+s20+$0x0] =	vst.idx.add.f32.msk $0xffff, v45  }
0x207: {  	[tilespmem:v43+s20+$0x0] =	vst.idx.add.f32.msk $0xffff, v46  }
0x208: {  	v0 =	vld.idx.msk [tilespmem:v17+s31+$0xFFFFFED0 ss:$0x1], $0xffff  }
0x209: {  	v1 =	vld.idx.msk [tilespmem:v17+s31+$0xFFFFFF50 ss:$0x1], $0xffff  }
0x20a: {  	v19 =	vadd.f32 v33, v19;
	v48 =	vld.idx.msk [tilespmem:v17+s31+$0xD0 ss:$0x1], $0xffff  }
0x20b: {  	v47 =	vor.u32 v56, v27;
	v2 =	vld.idx.msk [tilespmem:v17+s31+$0xFFFFFFD0 ss:$0x1], $0xffff  }
0x20c: {  	v19 =	vadd.f32 v32, v19;
	v38 =	vld [tilespmem:s30+$0xFFFFFF80];
	v5 =	vor.u32 v56, v23  }
0x20d: {  	v49 =	vor.u32 v56, v24;
	v4 =	vld.idx.msk [tilespmem:v17+s31+$0x50 ss:$0x1], $0xffff  }
0x20e: {  	v19 =	vadd.f32 v31, v19;
	v31 =	vld [tilespmem:s30+$0xD0];
	v0 =	vmul.f32 v0, v28  }
0x20f: {  	v50 =	vor.u32 v56, v18;
	v1 =	vmul.f32 v1, v25;
	v53 =	vmul.f32 v48, v22;
	v48 =	vld [tilespmem:s30+$0xFFFFFF30]  }
0x210: {  	v2 =	vmul.f32 v2, v26;
	[tilespmem:v47+s20+$0x0] =	vst.idx.add.f32.msk $0xffff, v0  }
0x211: {  	[tilespmem:v5+s20+$0x0] =	vst.idx.add.f32.msk $0xffff, v1  }
0x212: {  	v51 =	vor.u32 v56, v21;
	v52 =	vmul.f32 v4, v20;
	[tilespmem:v49+s20+$0x0] =	vst.idx.add.f32.msk $0xffff, v2  }
0x213: {  	v49 =	vld [tilespmem:s30+$0xFFFFFFB0]  }
0x214: {  	[tilespmem:v50+s20+$0x0] =	vst.idx.add.f32.msk $0xffff, v52  }
0x215: {  	v50 =	vld [tilespmem:s30+$0x30]  }
0x216: {  	v52 =	vld [tilespmem:s30+$0xFFFFFF90]  }
0x217: {  	[tilespmem:v51+s20+$0x0] =	vst.idx.add.f32.msk $0xffff, v53  }
0x218: {  	v51 =	vld [tilespmem:s30+$0xFFFFFF20]  }
0x219: {  	v53 =	vld [tilespmem:s30+$0xFFFFFF00]  }
0x21a: {  	v0 =	vld.idx.msk [tilespmem:v17+s31+$0xFFFFFEE0 ss:$0x1], $0xffff  }
0x21b: {  	v1 =	vld.idx.msk [tilespmem:v17+s31+$0xFFFFFF60 ss:$0x1], $0xffff  }
0x21c: {  	v2 =	vld.idx.msk [tilespmem:v17+s31+$0xFFFFFFE0 ss:$0x1], $0xffff  }
0x21d: {  	v60 =	vld.idx.msk [tilespmem:v17+s31+$0xE0 ss:$0x1], $0xffff  }
0x21e: {  	v54 =	vor.u32 v57, v27;
	v4 =	vld.idx.msk [tilespmem:v17+s31+$0x60 ss:$0x1], $0xffff  }
0x21f: {  	v33 =	vmul.f32 v52, v14;
	v52 =	vld [tilespmem:s30+$0x40]  }
0x220: {  	v5 =	vor.u32 v57, v23;
	v37 =	vmul.f32 v53, v13;
	v53 =	vld [tilespmem:s30+$0x50]  }
0x221: {  	v61 =	vor.u32 v57, v24;
	v3 =	vmul.f32 v51, v15;
	v51 =	vld [tilespmem:s30+$0xF0];
	v0 =	vmul.f32 v0, v28  }
0x222: {  	v40 =	vmul.f32 v60, v22;
	v60 =	vld [tilespmem:s30+$0xFFFFFEC0]  }
0x223: {  	v62 =	vor.u32 v57, v18;
	v1 =	vmul.f32 v1, v25;
	[tilespmem:v54+s20+$0x0] =	vst.idx.add.f32.msk $0xffff, v0  }
0x224: {  	v2 =	vmul.f32 v2, v26;
	v54 =	vld [tilespmem:s30+$0xFFFFFEE0]  }
0x225: {  	[tilespmem:v5+s20+$0x0] =	vst.idx.add.f32.msk $0xffff, v1  }
0x226: {  	v63 =	vor.u32 v57, v21;
	v39 =	vmul.f32 v4, v20;
	[tilespmem:v61+s20+$0x0] =	vst.idx.add.f32.msk $0xffff, v2  }
0x227: {  	v61 =	vld [tilespmem:s30+$0xFFFFFED0]  }
0x228: {  	[tilespmem:v62+s20+$0x0] =	vst.idx.add.f32.msk $0xffff, v39  }
0x229: {  	v39 =	vld [tilespmem:s30+$0xFFFFFEF0]  }
0x22a: {  	v62 =	vld [tilespmem:s30+$0xFFFFFFE0]  }
0x22b: {  	[tilespmem:v63+s20+$0x0] =	vst.idx.add.f32.msk $0xffff, v40  }
0x22c: {  	v63 =	vld [tilespmem:s30+$0xFFFFFF10]  }
0x22d: {  	v0 =	vld.idx.msk [tilespmem:v17+s31+$0xFFFFFEF0 ss:$0x1], $0xffff  }
0x22e: {  	v1 =	vld.idx.msk [tilespmem:v17+s31+$0xFFFFFF70 ss:$0x1], $0xffff  }
0x22f: {  	v42 =	vld.idx.msk [tilespmem:v17+s31+$0xF0 ss:$0x1], $0xffff  }
0x230: {  	v41 =	vor.u32 v58, v27;
	v40 =	vld [tilespmem:s30+$0xFFFFFF70]  }
0x231: {  	v5 =	vor.u32 v58, v23;
	v2 =	vld.idx.msk [tilespmem:v17+s31+$0xFFFFFFF0 ss:$0x1], $0xffff  }
0x232: {  	v4 =	vld.idx.msk [tilespmem:v17+s31+$0x70 ss:$0x1], $0xffff;
	v34 =	vmul.f32 v63, v14  }
0x233: {  	v43 =	vor.u32 v58, v24;
	v63 =	vmul.f32 v60, v9;
	v60 =	vld [tilespmem:s30+$0xC0];
	v0 =	vmul.f32 v0, v28  }
0x234: {  	v44 =	vor.u32 v58, v18;
	v1 =	vmul.f32 v1, v25;
	v47 =	vmul.f32 v42, v22;
	v42 =	vld [tilespmem:s30+$0xFFFFFF60]  }
0x235: {  	[tilespmem:v41+s20+$0x0] =	vst.idx.add.f32.msk $0xffff, v0  }
0x236: {  	v45 =	vor.u32 v58, v21;
	v2 =	vmul.f32 v2, v26;
	[tilespmem:v5+s20+$0x0] =	vst.idx.add.f32.msk $0xffff, v1  }
0x237: {  	v46 =	vmul.f32 v4, v20;
	v1 =	vmul.f32 v49, v16;
	v49 =	vld [tilespmem:s30+$0xFFFFFFD0]  }
0x238: {  	[tilespmem:v43+s20+$0x0] =	vst.idx.add.f32.msk $0xffff, v2  }
0x239: {  	[tilespmem:v44+s20+$0x0] =	vst.idx.add.f32.msk $0xffff, v46  }
0x23a: {  	v46 =	vld [tilespmem:s30+$0xFFFFFF40]  }
0x23b: {  	v38 =	vmul.f32 v38, v13;
	[tilespmem:v45+s20+$0x0] =	vst.idx.add.f32.msk $0xffff, v47  }
0x23c: {  	v31 =	vmul.f32 v31, v10;
	v52 =	vmul.f32 v52, v9;
	v47 =	vld [tilespmem:s30+$0xFFFFFF50]  }
0x23d: {  	v0 =	vmul.f32 v48, v16;
	v48 =	vld [tilespmem:s30+$0xFFFFFFC0];
	v44 =	vmul.f32 v61, v10  }
0x23e: {  	v32 =	vmul.f32 v53, v10;
	v39 =	vmul.f32 v39, v12;
	v4 =	vld [tilespmem:s30+$0xFFFFFFA0]  }
0x23f: {  	v41 =	vmul.f32 v54, v11;
	v5 =	vld [tilespmem:s30+$0x20];
	v53 =	vmul.f32 v60, v9;
	v35 =	vadd.f32 v44, v63  }
0x240: {  	v19 =	vadd.f32 v30, v19;
	v61 =	vmul.f32 v42, v11;
	v45 =	vld [tilespmem:s30+$0xFFFFFFF0];
	v63 =	vmul.f32 v49, v10  }
0x241: {  	v49 =	vld [tilespmem:s30+$0x60];
	v35 =	vadd.f32 v41, v35;
	v54 =	vmul.f32 v46, v9;
	v47 =	vmul.f32 v47, v10  }
0x242: {  	v32 =	vadd.f32 v32, v52;
	v43 =	vld [tilespmem:s30+$0x0];
	v42 =	vmul.f32 v62, v11;
	v62 =	vmul.f32 v48, v9  }
0x243: {  	v36 =	vmul.f32 v36, v14;
	v60 =	vld [tilespmem:s30+$0x70];
	v35 =	vadd.f32 v39, v35;
	v44 =	vadd.f32 v47, v54  }
0x244: {  	v40 =	vmul.f32 v40, v12;
	v31 =	vadd.f32 v31, v53;
	v48 =	vld [tilespmem:s30+$0x80];
	v54 =	vadd.f32 v63, v62  }
0x245: {  	v2 =	vmul.f32 v50, v16;
	v35 =	vadd.f32 v37, v35;
	v37 =	vld [tilespmem:s30+$0xE0];
	v41 =	vadd.f32 v61, v44  }
0x246: {  	v53 =	vld [tilespmem:s30+$0x90];
	v63 =	vmul.f32 v45, v12;
	v50 =	vmul.f32 v49, v11;
	v62 =	vadd.f32 v42, v54  }
0x247: {  	v4 =	vmul.f32 v4, v15;
	v30 =	vld.idx.msk [tilespmem:v17+s31+$0x80 ss:$0x1], $0xffff;
	v34 =	vadd.f32 v34, v35;
	v61 =	vadd.f32 v40, v41  }
0x248: {  	v60 =	vmul.f32 v60, v12;
	v47 =	vld [tilespmem:s30+$0x110];
	v32 =	vadd.f32 v50, v32;
	v52 =	vadd.f32 v63, v62  }
0x249: {  	v54 =	vmul.f32 v43, v13;
	v3 =	vadd.f32 v3, v34;
	v38 =	vadd.f32 v38, v61;
	v61 =	vld [tilespmem:s30+$0x100]  }
0x24a: {  	v46 =	vmul.f32 v48, v13;
	v63 =	vld [tilespmem:s30+$0xA0];
	v32 =	vadd.f32 v60, v32;
	v62 =	vmul.f32 v37, v11  }
0x24b: {  	v49 =	vld [tilespmem:s30+$0xB0];
	v50 =	vmul.f32 v53, v14;
	v45 =	vadd.f32 v54, v52;
	v0 =	vadd.f32 v0, v3  }
0x24c: {  	v53 =	vld [tilespmem:s30+$0x130];
	v48 =	vadd.f32 v62, v31;
	v31 =	vmul.f32 v51, v12;
	v33 =	vadd.f32 v33, v38  }
0x24d: {  	v5 =	vmul.f32 v5, v15;
	v32 =	vadd.f32 v46, v32;
	v51 =	vld [tilespmem:s30+$0x120];
	v36 =	vadd.f32 v36, v45  }
0x24e: {  	v42 =	vld.idx.msk [tilespmem:v17+s30+$0xFFFFFF40 ss:$0x1], $0xffff;
	v3 =	vadd.f32 v31, v48;
	v4 =	vadd.f32 v4, v33;
	v31 =	vmul.f32 v61, v13  }
0x24f: {  	v43 =	vld.idx.msk [tilespmem:v17+s30+$0xC0 ss:$0x1], $0xffff;
	v32 =	vadd.f32 v50, v32;
	v52 =	vmul.f32 v63, v15;
	v5 =	vadd.f32 v5, v36  }
0x250: {  	v54 =	vld.idx.msk [tilespmem:v17+s31+$0xFFFFFF00 ss:$0x1], $0xffff;
	v1 =	vadd.f32 v1, v4;
	v4 =	vmul.f32 v47, v14;
	v3 =	vadd.f32 v31, v3  }
0x251: {  	v62 =	vmul.f32 v49, v16;
	(xrf2) =	vadd.scan.msk.f32 $0xffff, v0;
	v61 =	vadd.f32 v52, v32;
	v60 =	vadd.f32 v2, v5  }
0x252: {  	v31 =	vld.idx.msk [tilespmem:v17+s31+$0xFFFFFF80 ss:$0x1], $0xffff;
	(xrf2) =	vadd.scan.msk.f32 $0xffff, v1;
	v3 =	vadd.f32 v4, v3;
	v4 =	vmul.f32 v51, v15  }
0x253: {  	v63 =	vor.u32 v6, v27;
	v5 =	vld.idx.msk [tilespmem:v17+s31+$0x0 ss:$0x1], $0xffff;
	v38 =	vadd.f32 v62, v61  }
0x254: {  	(xrf2) =	vadd.scan.msk.f32 $0xffff, v60;
	v44 =	vadd.f32 v4, v3;
	v4 =	vadd.f32 v29, v19;
	v19 =	vor.u32 v6, v23  }
0x255: {  	v46 =	vld.idx.msk [tilespmem:v17+s31+$0x100 ss:$0x1], $0xffff;
	v45 =	vmul.f32 v53, v16;
	(xrf2) =	vadd.scan.msk.f32 $0xffff, v38;
	v29 =	vor.u32 v6, v24  }
0x256: {  	s2 =	sadd.s32 $0x5, s28;
	v41 =	vld.idx.msk [tilespmem:v17+s30+$0xFFFFFEC0 ss:$0x1], $0xffff;
	v49 =	vmul.f32 v54, v28;
	v48 =	vadd.f32 v28, v4;
	v4 =	vor.u32 v6, v18  }
0x257: {  	v37 =	vld [tilespmem:s2+$0x0];
	v50 =	vor.u32 v6, v21;
	v31 =	vmul.f32 v31, v25;
	v47 =	vadd.f32 v45, v44  }
0x258: {  	[tilespmem:v63+s20+$0x0] =	vst.idx.add.f32.msk $0xffff, v49;
	v52 =	vmul.f32 v5, v26  }
0x259: {  	v53 =	vmul.f32 v30, v20;
	(xrf2) =	vadd.scan.msk.f32 $0xffff, v47;
	[tilespmem:v19+s20+$0x0] =	vst.idx.add.f32.msk $0xffff, v31  }
0x25a: {  	v54 =	vmul.f32 v46, v22;
	[tilespmem:v29+s20+$0x0] =	vst.idx.add.f32.msk $0xffff, v52  }
0x25b: {  	v5, _, _ =	vpop (xrf2);
	[tilespmem:v4+s20+$0x0] =	vst.idx.add.f32.msk $0xffff, v53  }
0x25c: {  	v35 =	vor.u32 v59, v18;
	v38 =	vshll.u32 v37, $0x7;
	v60 =	vmul.f32 $1.442695020e+00, v5;
	v4, _, _ =	vpop (xrf2);
	[tilespmem:v50+s20+$0x0] =	vst.idx.add.f32.msk $0xffff, v54  }
0x25d: {  	v33 =	vor.u32 v59, v24;
	v30 =	vbroadcast v38, $0x1;
	v4 =	vmul.f32 $1.442695020e+00, v4;
	v2 =	vld.idx.msk [tilespmem:v17+s31+$0xFFFFFF10 ss:$0x1], $0xffff  }
0x25e: {  	v51 =	vadd.f32 v25, v48;
	v3 =	vbroadcast v60, $0xF;
	v19 =	vbroadcast v38, $0x0;
	v61, _, _ =	vpop (xrf2);
	v62 =	vld.idx.msk [tilespmem:v17+s31+$0xFFFFFF90 ss:$0x1], $0xffff  }
0x25f: {  	v63 =	vor.u32 v59, v27;
	v1 =	vmul.f32 $1.442695020e+00, v61;
	v5, _, _ =	vpop (xrf2);
	v31 =	vld.idx.msk [tilespmem:v17+s31+$0x10 ss:$0x1], $0xffff;
	v4 =	vbroadcast v4, $0xF  }
0x260: {  	v40 =	vld.idx.msk [tilespmem:v17+s30+$0xFFFFFFC0 ss:$0x1], $0xffff;
	v0 =	vadd.f32 v26, v51;
	(erf) = vpow2.f32 v3;
	v5 =	vmul.f32 $1.442695020e+00, v5  }
0x261: {  	v32 =	vor.u32 v59, v23;
	v44 =	vld.idx.msk [tilespmem:v17+s30+$0x40 ss:$0x1], $0xffff;
	v1 =	vbroadcast v1, $0xF;
	(erf) = vpow2.f32 v4  }
0x262: {  	v0 =	vadd.f32 v20, v0;
	v34 =	vld.idx.msk [tilespmem:v17+s31+$0x90 ss:$0x1], $0xffff;
	v45 =	vbroadcast v5, $0xF;
	v2 =	vmul.f32 v2, v28  }
0x263: {  	v36 =	vor.u32 v59, v21;
	v39 =	vld.idx.msk [tilespmem:v17+s31+$0x110 ss:$0x1], $0xffff;
	(erf) = vpow2.f32 v1;
	v4, _, _ =	vpop (xrf2);
	v47 =	vmul.f32 v62, v25  }
0x264: {  	s3 =	sadd.s32 $0x5, s2;
	s0 =	simm.s32 $0x5;
	s2 =	simm.s32 $0x4640;
	v29 =	vadd.f32 v22, v0;
	v46 =	vmul.f32 v31, v26;
	v37 =	vmul.f32 $1.442695020e+00, v4;
	[tilespmem:v63+s20+$0x0] =	vst.idx.add.f32.msk $0xffff, v2  }
.LBB2_7:
0x265: {  	_ = 	snop  }
0x266: {  	v31 =	vld [tilespmem:s3+$0x0];
	v0 =	vbroadcast v37, $0xF;
	(erf) = vpow2.f32 v45  }
0x267: {  	v1 =	vor.u32 v55, v19;
	v2 =	vmul.f32 v34, v20;
	[tilespmem:v32+s20+$0x0] =	vst.idx.add.f32.msk $0xffff, v47  }
0x268: {  	v3 =	vmul.f32 v39, v22;
	[tilespmem:v33+s20+$0x0] =	vst.idx.add.f32.msk $0xffff, v46;
	(erf) = vpow2.f32 v0  }
0x269: {  	v32 =	vbroadcast v38, $0x2;
	v63 =	vor.u32 v55, v30;
	[tilespmem:v35+s20+$0x0] =	vst.idx.add.f32.msk $0xffff, v2;
	v37 =	vpop (erf)  }
0x26a: {  	[tilespmem:v36+s20+$0x0] =	vst.idx.add.f32.msk $0xffff, v3;
	v4 =	vmul.f32 v37, v41  }
0x26b: {  	v34 =	vbroadcast v38, $0x3;
	v46 =	vor.u32 v55, v32;
	v5 =	vld.idx.msk [tilespmem:v17+s31+$0xFFFFFF20 ss:$0x1], $0xffff;
	v36 =	vpop (erf)  }
0x26c: {  	v45 =	vadd.f32 v37, v29;
	v29 =	vmul.f32 v36, v42;
	[tilespmem:v1+s20+$0x0] =	vst.idx.add.f32.msk $0xffff, v4  }
0x26d: {  	v33 =	vbroadcast v38, $0x4;
	v47 =	vor.u32 v55, v34;
	v41 =	vpop (erf);
	v4 =	vld.idx.msk [tilespmem:v17+s31+$0xFFFFFFA0 ss:$0x1], $0xffff  }
0x26e: {  	v48 =	vmul.f32 v41, v40;
	[tilespmem:v63+s20+$0x0] =	vst.idx.add.f32.msk $0xffff, v29  }
0x26f: {  	v49 =	vor.u32 v55, v33;
	v40 =	vpop (erf);
	v50 =	vld.idx.msk [tilespmem:v17+s31+$0x20 ss:$0x1], $0xffff  }
0x270: {  	v51 =	vmul.f32 v40, v44;
	[tilespmem:v46+s20+$0x0] =	vst.idx.add.f32.msk $0xffff, v48  }
0x271: {  	v3 =	vmul.f32 v5, v28;
	v35 =	vpop (erf);
	v5 =	vld.idx.msk [tilespmem:v17+s31+$0xA0 ss:$0x1], $0xffff  }
0x272: {  	v52 =	vmul.f32 v35, v43;
	[tilespmem:v47+s20+$0x0] =	vst.idx.add.f32.msk $0xffff, v51  }
0x273: {  	v53 =	vmul.f32 v4, v25;
	v4 =	vld.idx.msk [tilespmem:v17+s31+$0x120 ss:$0x1], $0xffff  }
0x274: {  	[tilespmem:v49+s20+$0x0] =	vst.idx.add.f32.msk $0xffff, v52  }
0x275: {  	v55 =	vor.u32 v7, v27;
	v0 =	vld.idx.msk [tilespmem:v17+s30+$0xFFFFFED0 ss:$0x1], $0xffff  }
0x276: {  	v59 =	vor.u32 v7, v23;
	v39 =	vld.idx.msk [tilespmem:v17+s30+$0xFFFFFF50 ss:$0x1], $0xffff  }
0x277: {  	v61 =	vor.u32 v7, v24;
	v60 =	vld.idx.msk [tilespmem:v17+s30+$0xFFFFFFD0 ss:$0x1], $0xffff  }
0x278: {  	v63 =	vor.u32 v56, v19;
	v62 =	vld.idx.msk [tilespmem:v17+s30+$0x50 ss:$0x1], $0xffff  }
0x279: {  	v48 =	vor.u32 v56, v30;
	v47 =	vld.idx.msk [tilespmem:v17+s30+$0xD0 ss:$0x1], $0xffff  }
0x27a: {  	v49 =	vor.u32 v56, v32;
	v54 =	vmul.f32 v50, v26;
	[tilespmem:v55+s20+$0x0] =	vst.idx.add.f32.msk $0xffff, v3  }
0x27b: {  	v51 =	vor.u32 v56, v34;
	[tilespmem:v59+s20+$0x0] =	vst.idx.add.f32.msk $0xffff, v53;
	v0 =	vmul.f32 v0, v37  }
0x27c: {  	v53 =	vor.u32 v56, v33;
	[tilespmem:v61+s20+$0x0] =	vst.idx.add.f32.msk $0xffff, v54;
	v52 =	vmul.f32 v39, v36  }
0x27d: {  	v2 =	vadd.f32 v36, v45;
	v54 =	vmul.f32 v60, v41;
	[tilespmem:v63+s20+$0x0] =	vst.idx.add.f32.msk $0xffff, v0  }
0x27e: {  	v55 =	vmul.f32 v62, v40;
	[tilespmem:v48+s20+$0x0] =	vst.idx.add.f32.msk $0xffff, v52  }
0x27f: {  	v2 =	vadd.f32 v41, v2;
	v56 =	vmul.f32 v47, v35;
	[tilespmem:v49+s20+$0x0] =	vst.idx.add.f32.msk $0xffff, v54  }
0x280: {  	[tilespmem:v51+s20+$0x0] =	vst.idx.add.f32.msk $0xffff, v55  }
0x281: {  	v2 =	vadd.f32 v40, v2;
	[tilespmem:v53+s20+$0x0] =	vst.idx.add.f32.msk $0xffff, v56  }
0x282: {  	v59 =	vor.u32 v7, v18;
	v0 =	vld.idx.msk [tilespmem:v17+s30+$0xFFFFFEE0 ss:$0x1], $0xffff  }
0x283: {  	v29 =	vadd.f32 v35, v2;
	v60 =	vor.u32 v7, v21;
	v2 =	vld.idx.msk [tilespmem:v17+s30+$0xFFFFFF60 ss:$0x1], $0xffff  }
0x284: {  	v38 =	vld.idx.msk [tilespmem:v17+s30+$0xFFFFFFE0 ss:$0x1], $0xffff  }
0x285: {  	v5 =	vmul.f32 v5, v20;
	v62 =	vor.u32 v57, v19;
	v61 =	vld.idx.msk [tilespmem:v17+s30+$0x60 ss:$0x1], $0xffff  }
0x286: {  	v4 =	vmul.f32 v4, v22;
	v48 =	vor.u32 v57, v30;
	v63 =	vld.idx.msk [tilespmem:v17+s30+$0xE0 ss:$0x1], $0xffff  }
0x287: {  	v49 =	vor.u32 v57, v32;
	[tilespmem:v59+s20+$0x0] =	vst.idx.add.f32.msk $0xffff, v5  }
0x288: {  	v50 =	vor.u32 v57, v34;
	[tilespmem:v60+s20+$0x0] =	vst.idx.add.f32.msk $0xffff, v4;
	v0 =	vmul.f32 v0, v37  }
0x289: {  	v51 =	vor.u32 v57, v33;
	v4 =	vld.idx.msk [tilespmem:v17+s31+$0xFFFFFF30 ss:$0x1], $0xffff;
	v2 =	vmul.f32 v2, v36  }
0x28a: {  	v5 =	vmul.f32 v38, v41;
	[tilespmem:v62+s20+$0x0] =	vst.idx.add.f32.msk $0xffff, v0  }
0x28b: {  	v52 =	vmul.f32 v61, v40;
	[tilespmem:v48+s20+$0x0] =	vst.idx.add.f32.msk $0xffff, v2  }
0x28c: {  	v53 =	vmul.f32 v63, v35;
	[tilespmem:v49+s20+$0x0] =	vst.idx.add.f32.msk $0xffff, v5  }
0x28d: {  	[tilespmem:v50+s20+$0x0] =	vst.idx.add.f32.msk $0xffff, v52  }
0x28e: {  	[tilespmem:v51+s20+$0x0] =	vst.idx.add.f32.msk $0xffff, v53  }
0x28f: {  	v0 =	vld.idx.msk [tilespmem:v17+s30+$0xFFFFFEF0 ss:$0x1], $0xffff  }
0x290: {  	v1 =	vld.idx.msk [tilespmem:v17+s30+$0xFFFFFF70 ss:$0x1], $0xffff  }
0x291: {  	v2 =	vld.idx.msk [tilespmem:v17+s30+$0xFFFFFFF0 ss:$0x1], $0xffff  }
0x292: {  	v38 =	vmul.f32 v4, v28;
	v4 =	vor.u32 v58, v19;
	v3 =	vld.idx.msk [tilespmem:v17+s30+$0x70 ss:$0x1], $0xffff  }
0x293: {  	v54 =	vor.u32 v58, v30;
	v5 =	vld.idx.msk [tilespmem:v17+s30+$0xF0 ss:$0x1], $0xffff  }
0x294: {  	v55 =	vor.u32 v58, v32;
	v28 =	vmov v37;
	v42 =	vld.idx.msk [tilespmem:v17+s31+$0xFFFFFFB0 ss:$0x1], $0xffff  }
0x295: {  	v56 =	vor.u32 v58, v34;
	v44 =	vld.idx.msk [tilespmem:v17+s31+$0x30 ss:$0x1], $0xffff;
	v0 =	vmul.f32 v0, v28  }
0x296: {  	v57 =	vor.u32 v58, v33;
	v46 =	vld.idx.msk [tilespmem:v17+s31+$0xB0 ss:$0x1], $0xffff;
	v1 =	vmul.f32 v1, v36  }
0x297: {  	v2 =	vmul.f32 v2, v41;
	[tilespmem:v4+s20+$0x0] =	vst.idx.add.f32.msk $0xffff, v0  }
0x298: {  	v58 =	vmul.f32 v3, v40;
	[tilespmem:v54+s20+$0x0] =	vst.idx.add.f32.msk $0xffff, v1  }
0x299: {  	v59 =	vmul.f32 v5, v35;
	[tilespmem:v55+s20+$0x0] =	vst.idx.add.f32.msk $0xffff, v2  }
0x29a: {  	[tilespmem:v56+s20+$0x0] =	vst.idx.add.f32.msk $0xffff, v58  }
0x29b: {  	[tilespmem:v57+s20+$0x0] =	vst.idx.add.f32.msk $0xffff, v59  }
0x29c: {  	v0 =	vld.idx.msk [tilespmem:v17+s30+$0xFFFFFF00 ss:$0x1], $0xffff  }
0x29d: {  	v1 =	vld.idx.msk [tilespmem:v17+s30+$0xFFFFFF80 ss:$0x1], $0xffff  }
0x29e: {  	v2 =	vld.idx.msk [tilespmem:v17+s30+$0x0 ss:$0x1], $0xffff  }
0x29f: {  	v60 =	vld.idx.msk [tilespmem:v17+s2+$0x80 ss:$0x1], $0xffff;
	s30 =	sadd.s32 $0x280, s30  }
0x2a0: {  	v4 =	vld [tilespmem:s30+$0xFFFFFF30]  }
0x2a1: {  	v5 =	vld [tilespmem:s30+$0xFFFFFFB0]  }
0x2a2: {  	v39 =	vmul.f32 v42, v25;
	v25 =	vmovc v36;
	v36 =	vmul.f32 v46, v20;
	v20 =	vmov v40;
	v40 =	vld [tilespmem:s30+$0x30]  }
0x2a3: {  	v61 =	vld [tilespmem:s30+$0xFFFFFFA0]  }
0x2a4: {  	v62 =	vld [tilespmem:s30+$0x20]  }
0x2a5: {  	v63 =	vld [tilespmem:s30+$0xFFFFFF10]  }
0x2a6: {  	v42 =	vld [tilespmem:s30+$0x10]  }
0x2a7: {  	v43 =	vld [tilespmem:s30+$0xFFFFFF00]  }
0x2a8: {  	v37 =	vmul.f32 v44, v26;
	v44 =	vld [tilespmem:s30+$0xFFFFFF80]  }
0x2a9: {  	v49 =	vld [tilespmem:s30+$0xFFFFFEF0]  }
0x2aa: {  	v50 =	vld [tilespmem:s30+$0xFFFFFF70]  }
0x2ab: {  	v51 =	vld [tilespmem:s30+$0xFFFFFEE0]  }
0x2ac: {  	v52 =	vld [tilespmem:s30+$0xFFFFFF60]  }
0x2ad: {  	v53 =	vld [tilespmem:s30+$0xFFFFFEC0]  }
0x2ae: {  	v54 =	vld [tilespmem:s30+$0xFFFFFED0]  }
0x2af: {  	v55 =	vld [tilespmem:s30+$0xFFFFFFE0]  }
0x2b0: {  	v56 =	vld [tilespmem:s30+$0xFFFFFF40]  }
0x2b1: {  	v57 =	vld [tilespmem:s30+$0xFFFFFF50]  }
0x2b2: {  	v45 =	vmul.f32 v60, v20;
	v60 =	vld [tilespmem:s30+$0xFFFFFF90]  }
0x2b3: {  	v58 =	vld [tilespmem:s30+$0xFFFFFFC0]  }
0x2b4: {  	v59 =	vld [tilespmem:s30+$0x40];
	v53 =	vmul.f32 v53, v9;
	v54 =	vmul.f32 v54, v10  }
0x2b5: {  	v47 =	vmul.f32 v1, v25;
	v1 =	vmul.f32 v61, v15;
	v61 =	vld [tilespmem:s30+$0xC0]  }
0x2b6: {  	v51 =	vmul.f32 v51, v11;
	v56 =	vmul.f32 v56, v9;
	v53 =	vadd.f32 v54, v53;
	v54 =	vld [tilespmem:s30+$0x50]  }
0x2b7: {  	v26 =	vmov v41;
	v57 =	vmul.f32 v57, v10;
	v41 =	vmul.f32 v60, v14;
	v60 =	vld [tilespmem:s30+$0xFFFFFFD0]  }
0x2b8: {  	v3 =	vmul.f32 v63, v14;
	v63 =	vld [tilespmem:s30+$0xD0];
	v49 =	vmul.f32 v49, v12;
	v51 =	vadd.f32 v51, v53  }
0x2b9: {  	v48 =	vmul.f32 v0, v28;
	v52 =	vmul.f32 v52, v11;
	v53 =	vadd.f32 v57, v56;
	v56 =	vld [tilespmem:s30+$0xFFFFFFF0]  }
0x2ba: {  	v0 =	vld [tilespmem:s30+$0xFFFFFF20];
	v43 =	vmul.f32 v43, v13;
	v50 =	vmul.f32 v50, v12;
	v49 =	vadd.f32 v49, v51  }
0x2bb: {  	v51 =	vmul.f32 v59, v9;
	v52 =	vadd.f32 v52, v53;
	v53 =	vld [tilespmem:s30+$0x0];
	v54 =	vmul.f32 v54, v10  }
0x2bc: {  	v57 =	vmul.f32 v58, v9;
	v58 =	vmul.f32 v60, v10;
	v60 =	vld [tilespmem:s30+$0x60]  }
0x2bd: {  	v59 =	vmul.f32 v61, v9;
	v43 =	vadd.f32 v43, v49;
	v49 =	vadd.f32 v54, v51;
	v54 =	vld [tilespmem:s30+$0xE0]  }
0x2be: {  	v51 =	vmul.f32 v63, v10;
	v63 =	vmul.f32 v56, v12;
	v56 =	vld [tilespmem:s30+$0x80]  }
0x2bf: {  	v44 =	vmul.f32 v44, v13;
	v50 =	vadd.f32 v50, v52;
	v57 =	vadd.f32 v58, v57;
	v58 =	vld [tilespmem:s30+$0x70]  }
0x2c0: {  	v3 =	vadd.f32 v3, v43;
	v43 =	vadd.f32 v51, v59;
	v59 =	vld [tilespmem:$0x1FFF0]  }
0x2c1: {  	v0 =	vmul.f32 v0, v15;
	v44 =	vadd.f32 v44, v50;
	v52 =	vmul.f32 v53, v13;
	v53 =	vld [tilespmem:s30+$0x90]  }
0x2c2: {  	v46 =	vmul.f32 v2, v26;
	v55 =	vmul.f32 v55, v11;
	v51 =	vld [tilespmem:s30+$0x100]  }
0x2c3: {  	v4 =	vmul.f32 v4, v16;
	v0 =	vadd.f32 v0, v3;
	v41 =	vadd.f32 v41, v44;
	v44 =	vld [tilespmem:s30+$0xB0]  }
0x2c4: {  	v5 =	vmul.f32 v5, v16;
	v61 =	vadd.f32 v55, v57;
	v57 =	vld [tilespmem:s30+$0xF0];
	v60 =	vmul.f32 v60, v11  }
0x2c5: {  	v0 =	vadd.f32 v4, v0;
	v4 =	vmul.f32 v56, v13;
	v56 =	vld [tilespmem:$0x1FFB0];
	v1 =	vadd.f32 v1, v41  }
0x2c6: {  	v41 =	vld.idx.msk [tilespmem:v17+s30+$0xFFFFFEC0 ss:$0x1], $0xffff;
	v50 =	vadd.f32 v63, v61;
	v61 =	vadd.f32 v60, v49;
	v63 =	vmul.f32 v58, v12  }
0x2c7: {  	v2 =	vmul.f32 v62, v15;
	v60 =	vmul.f32 v54, v11;
	v49 =	vld [tilespmem:s30+$0x110]  }
0x2c8: {  	v42 =	vmul.f32 v42, v14;
	v50 =	vadd.f32 v52, v50;
	v52 =	vld [tilespmem:s30+$0xA0];
	v3 =	vadd.f32 v63, v61  }
0x2c9: {  	v58 =	vld [tilespmem:$0x1FFD0];
	v1 =	vadd.f32 v5, v1;
	v61 =	vadd.f32 v60, v43;
	v63 =	vmul.f32 v57, v12  }
0x2ca: {  	v54 =	vmul.f32 v53, v14;
	v42 =	vadd.f32 v42, v50;
	v50 =	vadd.f32 v4, v3;
	v4 =	vld [tilespmem:s30+$0x120]  }
0x2cb: {  	v53 =	vmul.f32 v44, v16;
	v44 =	vld.idx.msk [tilespmem:v17+s30+$0x40 ss:$0x1], $0xffff;
	v60 =	vmul.f32 v51, v13;
	v5 =	vadd.f32 v63, v61  }
0x2cc: {  	v40 =	vmul.f32 v40, v16;
	v62 =	vor.u32 v6, v19;
	(xrf2) =	vadd.scan.msk.f32 $0xffff, v0;
	v63 =	vld [tilespmem:s30+$0x130];
	v2 =	vadd.f32 v2, v42  }
0x2cd: {  	v57 =	vld [tilespmem:$0x1FFC0];
	(xrf2) =	vadd.scan.msk.f32 $0xffff, v1;
	v61 =	vmul.f32 v52, v15;
	v5 =	vadd.f32 v60, v5;
	v52 =	vmul.f32 v49, v14  }
0x2ce: {  	v1 =	vor.u32 v6, v30;
	v43 =	vld.idx.msk [tilespmem:v17+s30+$0xC0 ss:$0x1], $0xffff;
	v0 =	vadd.f32 v54, v50;
	v54 =	vor.u32 v6, v32  }
0x2cf: {  	v42 =	vld.idx.msk [tilespmem:v17+s30+$0xFFFFFF40 ss:$0x1], $0xffff;
	v2 =	vadd.f32 v40, v2;
	v5 =	vadd.f32 v52, v5;
	v4 =	vmul.f32 v4, v15  }
0x2d0: {  	v60 =	vor.u32 v6, v34;
	v40 =	vld.idx.msk [tilespmem:v17+s30+$0xFFFFFFC0 ss:$0x1], $0xffff;
	v0 =	vadd.f32 v61, v0  }
0x2d1: {  	(xrf2) =	vadd.scan.msk.f32 $0xffff, v2;
	v50 =	vmul.f32 v63, v16;
	v61 =	vadd.f32 v4, v5;
	v5 =	vld.idx.msk [tilespmem:v17+s2+$0x100 ss:$0x1], $0xffff  }
0x2d2: {  	v63 =	vor.u32 v8, v27;
	v0 =	vadd.f32 v53, v0;
	[tilespmem:v62+s20+$0x0] =	vst.idx.add.f32.msk $0xffff, v48  }
0x2d3: {  	[tilespmem:v1+s20+$0x0] =	vst.idx.add.f32.msk $0xffff, v47;
	v47 =	vor.u32 v8, v23  }
0x2d4: {  	v27 =	vmov v19;
	v19 =	vor.u32 v6, v33;
	(xrf2) =	vadd.scan.msk.f32 $0xffff, v0;
	[tilespmem:v54+s20+$0x0] =	vst.idx.add.f32.msk $0xffff, v46  }
0x2d5: {  	v3 =	vadd.f32 v50, v61;
	[tilespmem:v60+s20+$0x0] =	vst.idx.add.f32.msk $0xffff, v45  }
0x2d6: {  	v49 =	vld.idx.msk [tilespmem:v17+s31+$0x130 ss:$0x1], $0xffff  }
0x2d7: {  	v4, _, _ =	vpop (xrf2);
	(xrf2) =	vadd.scan.msk.f32 $0xffff, v3;
	[tilespmem:v63+s20+$0x0] =	vst.idx.add.f32.msk $0xffff, v38;
	v5 =	vmul.f32 v5, v35  }
0x2d8: {  	[tilespmem:v47+s20+$0x0] =	vst.idx.add.f32.msk $0xffff, v39  }
0x2d9: {  	v53 =	vor.u32 v8, v21;
	v48, _, _ =	vpop (xrf2);
	v50 =	vmul.f32 $1.442695020e+00, v4;
	s31 =	smov.u32 s2;
	[tilespmem:v19+s20+$0x0] =	vst.idx.add.f32.msk $0xffff, v5  }
0x2da: {  	v23 =	vmovc v30;
	v38 =	vshll.u32 v31, $0x7;
	v2 =	vmul.f32 $1.442695020e+00, v48;
	v5 =	vor.u32 v8, v24;
	v4 =	vld.idx.msk [tilespmem:v17+s31+$0xFFFFFF10 ss:$0x1], $0xffff  }
0x2db: {  	v45 =	vor.u32 v8, v18;
	v0 =	vbroadcast v50, $0xF;
	v30 =	vbroadcast v38, $0x1;
	v51, _, _ =	vpop (xrf2);
	v31 =	vld.idx.msk [tilespmem:v17+s31+$0xFFFFFF90 ss:$0x1], $0xffff  }
0x2dc: {  	s0 =	sadd.s32 $0x5, s0;
	v21 =	vmovc v33;
	v60 =	vor.u32 v59, v27;
	v54 =	vbroadcast v2, $0xF;
	v46 =	vld.idx.msk [tilespmem:v17+s31+$0x10 ss:$0x1], $0xffff;
	v1 =	vmul.f32 $1.442695020e+00, v51  }
0x2dd: {  	p0 =	slt.u32 s0, $0x78;
	v18 =	vmovc v34;
	v19 =	vbroadcast v38, $0x0;
	v24 =	vmovc v32;
	(erf) = vpow2.f32 v0;
	v32 =	vor.u32 v59, v23;
	v34 =	vld.idx.msk [tilespmem:v17+s31+$0x90 ss:$0x1], $0xffff  }
.Ltmp2:
0x2de: {  	v39 =	vld.idx.msk [tilespmem:v17+s31+$0x110 ss:$0x1], $0xffff;
	(erf) = vpow2.f32 v54;
	v33 =	vor.u32 v59, v24;
	v52, _, _ =	vpop (xrf2);
	v1 =	vbroadcast v1, $0xF;
	(pc) =	sbr.rel @p0 .LBB2_7-.Ltmp2, $4  }
0x2df: {  	v3 =	vmul.f32 v49, v22;
	v22 =	vmov v35;
	v61 =	vmul.f32 $1.442695020e+00, v52;
	[tilespmem:v5+s20+$0x0] =	vst.idx.add.f32.msk $0xffff, v37  }
0x2e0: {  	v35 =	vor.u32 v59, v18;
	v63 =	vmul.f32 v4, v28;
	[tilespmem:v45+s20+$0x0] =	vst.idx.add.f32.msk $0xffff, v36;
	(erf) = vpow2.f32 v1  }
0x2e1: {  	v55 =	vlaneseq.u32;
	v47 =	vmul.f32 v31, v25;
	v46 =	vmul.f32 v46, v26;
	v62, _, _ =	vpop (xrf2);
	[tilespmem:v53+s20+$0x0] =	vst.idx.add.f32.msk $0xffff, v3  }
0x2e2: {  	s3 =	sadd.s32 $0x5, s3;
	s2 =	smov.u32 s30;
	v36 =	vor.u32 v59, v21;
	v45 =	vbroadcast v61, $0xF;
	v37 =	vmul.f32 $1.442695020e+00, v62;
	[tilespmem:v60+s20+$0x0] =	vst.idx.add.f32.msk $0xffff, v63  }
0x2e3: {  	_ =	sdelay $0x3  }
0x2e4: {  	v2 =	vmul.f32 v34, v20;
	[tilespmem:v32+s20+$0x0] =	vst.idx.add.f32.msk $0xffff, v47;
	v0 =	vbroadcast v37, $0xF  }
0x2e5: {  	v3 =	vmul.f32 v39, v22;
	(erf) = vpow2.f32 v45;
	[tilespmem:v33+s20+$0x0] =	vst.idx.add.f32.msk $0xffff, v46  }
0x2e6: {  	v1 =	vor.u32 v55, v19;
	[tilespmem:v35+s20+$0x0] =	vst.idx.add.f32.msk $0xffff, v2;
	(erf) = vpow2.f32 v0  }
0x2e7: {  	[tilespmem:v36+s20+$0x0] =	vst.idx.add.f32.msk $0xffff, v3  }
0x2e8: {  	v31 =	vbroadcast v38, $0x2;
	v54 =	vor.u32 v55, v30;
	v32 =	vpop (erf);
	v4 =	vld.idx.msk [tilespmem:v17+s31+$0xFFFFFF20 ss:$0x1], $0xffff  }
0x2e9: {  	v60 =	vmul.f32 v32, v41;
	v63 =	vld.idx.msk [tilespmem:v17+s31+$0xFFFFFFA0 ss:$0x1], $0xffff  }
0x2ea: {  	v33 =	vbroadcast v38, $0x3;
	v61 =	vor.u32 v55, v31;
	v34 =	vpop (erf);
	v3 =	vld.idx.msk [tilespmem:v17+s31+$0xA0 ss:$0x1], $0xffff  }
0x2eb: {  	v52 =	vor.u32 v7, v27;
	v35 =	vbroadcast v38, $0x4;
	v5 =	vmul.f32 v34, v42;
	[tilespmem:v1+s20+$0x0] =	vst.idx.add.f32.msk $0xffff, v60  }
0x2ec: {  	v62 =	vor.u32 v55, v33;
	v36 =	vpop (erf);
	v1 =	vld.idx.msk [tilespmem:v17+s31+$0x120 ss:$0x1], $0xffff  }
0x2ed: {  	v49 =	vor.u32 v55, v35;
	v48 =	vmul.f32 v36, v40;
	[tilespmem:v54+s20+$0x0] =	vst.idx.add.f32.msk $0xffff, v5  }
0x2ee: {  	v5 =	vld.idx.msk [tilespmem:v17+s31+$0x20 ss:$0x1], $0xffff;
	v4 =	vmul.f32 v4, v28;
	v38 =	vpop (erf)  }
0x2ef: {  	[tilespmem:v61+s20+$0x0] =	vst.idx.add.f32.msk $0xffff, v48;
	v50 =	vmul.f32 v38, v44;
	v37 =	vpop (erf)  }
0x2f0: {  	[tilespmem:v52+s20+$0x0] =	vst.idx.add.f32.msk $0xffff, v4;
	v51 =	vmul.f32 v37, v43  }
0x2f1: {  	[tilespmem:v62+s20+$0x0] =	vst.idx.add.f32.msk $0xffff, v50  }
0x2f2: {  	[tilespmem:v49+s20+$0x0] =	vst.idx.add.f32.msk $0xffff, v51  }
0x2f3: {  	v53 =	vor.u32 v7, v23;
	v0 =	vld.idx.msk [tilespmem:v17+s30+$0xFFFFFED0 ss:$0x1], $0xffff  }
0x2f4: {  	v54 =	vor.u32 v7, v24;
	v40 =	vld.idx.msk [tilespmem:v17+s30+$0xFFFFFF50 ss:$0x1], $0xffff  }
0x2f5: {  	v61 =	vor.u32 v56, v19;
	v42 =	vld.idx.msk [tilespmem:v17+s30+$0xFFFFFFD0 ss:$0x1], $0xffff  }
0x2f6: {  	v2 =	vmul.f32 v63, v25;
	v63 =	vor.u32 v56, v30;
	v60 =	vld.idx.msk [tilespmem:v17+s30+$0x50 ss:$0x1], $0xffff  }
0x2f7: {  	v48 =	vor.u32 v56, v31;
	v5 =	vmul.f32 v5, v26;
	v62 =	vld.idx.msk [tilespmem:v17+s30+$0xD0 ss:$0x1], $0xffff  }
0x2f8: {  	v4 =	vor.u32 v56, v33;
	[tilespmem:v53+s20+$0x0] =	vst.idx.add.f32.msk $0xffff, v2;
	v0 =	vmul.f32 v0, v32  }
0x2f9: {  	v53 =	vor.u32 v56, v35;
	[tilespmem:v54+s20+$0x0] =	vst.idx.add.f32.msk $0xffff, v5;
	v52 =	vmul.f32 v40, v34  }
0x2fa: {  	v5 =	vmul.f32 v42, v36;
	[tilespmem:v61+s20+$0x0] =	vst.idx.add.f32.msk $0xffff, v0  }
0x2fb: {  	v54 =	vmul.f32 v60, v38;
	[tilespmem:v63+s20+$0x0] =	vst.idx.add.f32.msk $0xffff, v52  }
0x2fc: {  	v60 =	vmul.f32 v62, v37;
	[tilespmem:v48+s20+$0x0] =	vst.idx.add.f32.msk $0xffff, v5  }
0x2fd: {  	[tilespmem:v4+s20+$0x0] =	vst.idx.add.f32.msk $0xffff, v54  }
0x2fe: {  	[tilespmem:v53+s20+$0x0] =	vst.idx.add.f32.msk $0xffff, v60  }
0x2ff: {  	v61 =	vor.u32 v7, v18;
	v0 =	vld.idx.msk [tilespmem:v17+s30+$0xFFFFFEE0 ss:$0x1], $0xffff  }
0x300: {  	v5 =	vor.u32 v7, v21;
	v4 =	vld.idx.msk [tilespmem:v17+s30+$0xFFFFFF60 ss:$0x1], $0xffff  }
0x301: {  	v62 =	vor.u32 v57, v19;
	v39 =	vld.idx.msk [tilespmem:v17+s30+$0xFFFFFFE0 ss:$0x1], $0xffff  }
0x302: {  	v3 =	vmul.f32 v3, v20;
	v48 =	vor.u32 v57, v30;
	v63 =	vld.idx.msk [tilespmem:v17+s30+$0x60 ss:$0x1], $0xffff  }
0x303: {  	v1 =	vmul.f32 v1, v22;
	v50 =	vor.u32 v57, v31;
	v49 =	vld.idx.msk [tilespmem:v17+s30+$0xE0 ss:$0x1], $0xffff  }
0x304: {  	v51 =	vor.u32 v57, v33;
	[tilespmem:v61+s20+$0x0] =	vst.idx.add.f32.msk $0xffff, v3;
	v0 =	vmul.f32 v0, v32  }
0x305: {  	v53 =	vor.u32 v57, v35;
	[tilespmem:v5+s20+$0x0] =	vst.idx.add.f32.msk $0xffff, v1;
	v52 =	vmul.f32 v4, v34  }
0x306: {  	v4 =	vmul.f32 v39, v36;
	[tilespmem:v62+s20+$0x0] =	vst.idx.add.f32.msk $0xffff, v0  }
0x307: {  	v54 =	vmul.f32 v63, v38;
	[tilespmem:v48+s20+$0x0] =	vst.idx.add.f32.msk $0xffff, v52  }
0x308: {  	v60 =	vmul.f32 v49, v37;
	[tilespmem:v50+s20+$0x0] =	vst.idx.add.f32.msk $0xffff, v4  }
0x309: {  	[tilespmem:v51+s20+$0x0] =	vst.idx.add.f32.msk $0xffff, v54  }
0x30a: {  	[tilespmem:v53+s20+$0x0] =	vst.idx.add.f32.msk $0xffff, v60  }
0x30b: {  	v0 =	vld.idx.msk [tilespmem:v17+s30+$0xFFFFFEF0 ss:$0x1], $0xffff  }
0x30c: {  	v1 =	vld.idx.msk [tilespmem:v17+s30+$0xFFFFFF70 ss:$0x1], $0xffff  }
0x30d: {  	v61 =	vor.u32 v58, v19;
	v2 =	vld.idx.msk [tilespmem:v17+s30+$0xFFFFFFF0 ss:$0x1], $0xffff  }
0x30e: {  	v5 =	vor.u32 v58, v30;
	v4 =	vld.idx.msk [tilespmem:v17+s30+$0x70 ss:$0x1], $0xffff  }
0x30f: {  	v63 =	vor.u32 v58, v31;
	v62 =	vld.idx.msk [tilespmem:v17+s30+$0xF0 ss:$0x1], $0xffff  }
0x310: {  	v41 =	vld.idx.msk [tilespmem:v17+s31+$0xFFFFFF30 ss:$0x1], $0xffff;
	v48 =	vor.u32 v58, v33;
	v0 =	vmul.f32 v0, v32  }
0x311: {  	v43 =	vld.idx.msk [tilespmem:v17+s31+$0xFFFFFFB0 ss:$0x1], $0xffff;
	v49 =	vor.u32 v58, v35;
	v1 =	vmul.f32 v1, v34  }
0x312: {  	v2 =	vmul.f32 v2, v36;
	[tilespmem:v61+s20+$0x0] =	vst.idx.add.f32.msk $0xffff, v0  }
0x313: {  	v50 =	vmul.f32 v4, v38;
	[tilespmem:v5+s20+$0x0] =	vst.idx.add.f32.msk $0xffff, v1  }
0x314: {  	v51 =	vmul.f32 v62, v37;
	[tilespmem:v63+s20+$0x0] =	vst.idx.add.f32.msk $0xffff, v2  }
0x315: {  	[tilespmem:v48+s20+$0x0] =	vst.idx.add.f32.msk $0xffff, v50  }
0x316: {  	[tilespmem:v49+s20+$0x0] =	vst.idx.add.f32.msk $0xffff, v51  }
0x317: {  	v0 =	vld.idx.msk [tilespmem:v17+s30+$0xFFFFFF00 ss:$0x1], $0xffff  }
0x318: {  	v1 =	vld.idx.msk [tilespmem:v17+s30+$0xFFFFFF80 ss:$0x1], $0xffff  }
0x319: {  	v52 =	vor.u32 v6, v19;
	v2 =	vld.idx.msk [tilespmem:v17+s30+$0x0 ss:$0x1], $0xffff  }
0x31a: {  	v5 =	vor.u32 v6, v30;
	v4 =	vld.idx.msk [tilespmem:v17+s2+$0x80 ss:$0x1], $0xffff  }
0x31b: {  	v53 =	vor.u32 v6, v31;
	v40 =	vld.idx.msk [tilespmem:v17+s2+$0x100 ss:$0x1], $0xffff  }
0x31c: {  	v42 =	vld.idx.msk [tilespmem:v17+s31+$0x30 ss:$0x1], $0xffff;
	v54 =	vor.u32 v6, v33;
	v0 =	vmul.f32 v0, v32  }
0x31d: {  	v45 =	vld.idx.msk [tilespmem:v17+s31+$0xB0 ss:$0x1], $0xffff;
	v60 =	vor.u32 v6, v35;
	v1 =	vmul.f32 v1, v34  }
0x31e: {  	v2 =	vmul.f32 v2, v36;
	[tilespmem:v52+s20+$0x0] =	vst.idx.add.f32.msk $0xffff, v0  }
0x31f: {  	v61 =	vmul.f32 v4, v38;
	[tilespmem:v5+s20+$0x0] =	vst.idx.add.f32.msk $0xffff, v1  }
0x320: {  	v62 =	vmul.f32 v40, v37;
	[tilespmem:v53+s20+$0x0] =	vst.idx.add.f32.msk $0xffff, v2  }
0x321: {  	[tilespmem:v54+s20+$0x0] =	vst.idx.add.f32.msk $0xffff, v61  }
0x322: {  	[tilespmem:v60+s20+$0x0] =	vst.idx.add.f32.msk $0xffff, v62  }
0x323: {  	v0 =	vld.idx.msk [tilespmem:v17+s2+$0xFFFFFF10 ss:$0x1], $0xffff  }
0x324: {  	v63 =	vor.u32 v8, v27;
	v2 =	vld.idx.msk [tilespmem:v17+s2+$0xFFFFFF90 ss:$0x1], $0xffff  }
0x325: {  	v4 =	vor.u32 v59, v19;
	v3 =	vld.idx.msk [tilespmem:v17+s2+$0x10 ss:$0x1], $0xffff  }
0x326: {  	v27 =	vor.u32 v59, v30;
	v5 =	vld.idx.msk [tilespmem:v17+s2+$0x90 ss:$0x1], $0xffff  }
0x327: {  	v28 =	vmul.f32 v41, v28;
	v48 =	vor.u32 v59, v31;
	v39 =	vld.idx.msk [tilespmem:v17+s2+$0x110 ss:$0x1], $0xffff  }
0x328: {  	v41 =	vld.idx.msk [tilespmem:v17+s31+$0x130 ss:$0x1], $0xffff;
	v49 =	vor.u32 v59, v33;
	v0 =	vmul.f32 v0, v32  }
0x329: {  	v50 =	vor.u32 v59, v35;
	[tilespmem:v63+s20+$0x0] =	vst.idx.add.f32.msk $0xffff, v28;
	v2 =	vmul.f32 v2, v34  }
0x32a: {  	v3 =	vmul.f32 v3, v36;
	[tilespmem:v4+s20+$0x0] =	vst.idx.add.f32.msk $0xffff, v0  }
0x32b: {  	v51 =	vmul.f32 v5, v38;
	[tilespmem:v27+s20+$0x0] =	vst.idx.add.f32.msk $0xffff, v2  }
0x32c: {  	v52 =	vmul.f32 v39, v37;
	[tilespmem:v48+s20+$0x0] =	vst.idx.add.f32.msk $0xffff, v3  }
0x32d: {  	[tilespmem:v49+s20+$0x0] =	vst.idx.add.f32.msk $0xffff, v51  }
0x32e: {  	[tilespmem:v50+s20+$0x0] =	vst.idx.add.f32.msk $0xffff, v52  }
0x32f: {  	v53 =	vor.u32 v8, v23;
	v1 =	vld.idx.msk [tilespmem:v17+s2+$0xFFFFFF20 ss:$0x1], $0xffff  }
0x330: {  	v54 =	vor.u32 v8, v24;
	v3 =	vld.idx.msk [tilespmem:v17+s2+$0xFFFFFFA0 ss:$0x1], $0xffff  }
0x331: {  	v5 =	vor.u32 v7, v19;
	v4 =	vld.idx.msk [tilespmem:v17+s2+$0x20 ss:$0x1], $0xffff  }
0x332: {  	v60 =	vmul.f32 v43, v25;
	v62 =	vor.u32 v7, v30;
	v61 =	vld.idx.msk [tilespmem:v17+s2+$0xA0 ss:$0x1], $0xffff  }
0x333: {  	v63 =	vmul.f32 v42, v26;
	v28 =	vor.u32 v7, v31;
	v27 =	vld.idx.msk [tilespmem:v17+s2+$0x120 ss:$0x1], $0xffff  }
0x334: {  	[tilespmem:v53+s20+$0x0] =	vst.idx.add.f32.msk $0xffff, v60;
	v39 =	vor.u32 v7, v33;
	v23 =	vmul.f32 v1, v32  }
0x335: {  	v42 =	vor.u32 v7, v35;
	[tilespmem:v54+s20+$0x0] =	vst.idx.add.f32.msk $0xffff, v63;
	v40 =	vmul.f32 v3, v34  }
0x336: {  	v4 =	vmul.f32 v4, v36;
	[tilespmem:v5+s20+$0x0] =	vst.idx.add.f32.msk $0xffff, v23  }
0x337: {  	v43 =	vmul.f32 v61, v38;
	[tilespmem:v62+s20+$0x0] =	vst.idx.add.f32.msk $0xffff, v40  }
0x338: {  	v44 =	vmul.f32 v27, v37;
	[tilespmem:v28+s20+$0x0] =	vst.idx.add.f32.msk $0xffff, v4  }
0x339: {  	[tilespmem:v39+s20+$0x0] =	vst.idx.add.f32.msk $0xffff, v43  }
0x33a: {  	[tilespmem:v42+s20+$0x0] =	vst.idx.add.f32.msk $0xffff, v44  }
0x33b: {  	v46 =	vor.u32 v8, v18;
	v1 =	vld.idx.msk [tilespmem:v17+s2+$0xFFFFFF30 ss:$0x1], $0xffff  }
0x33c: {  	v47 =	vor.u32 v8, v21;
	v3 =	vld.idx.msk [tilespmem:v17+s2+$0xFFFFFFB0 ss:$0x1], $0xffff  }
0x33d: {  	v18 =	vor.u32 v8, v19;
	v5 =	vld.idx.msk [tilespmem:v17+s2+$0x30 ss:$0x1], $0xffff  }
0x33e: {  	v19 =	vmul.f32 v45, v20;
	v49 =	vor.u32 v8, v30;
	v4 =	vadd.f32 v32, v29;
	v48 =	vld.idx.msk [tilespmem:v17+s2+$0xB0 ss:$0x1], $0xffff  }
0x33f: {  	v54 =	vor.u32 v8, v33;
	v50 =	vmul.f32 v41, v22;
	v52 =	vor.u32 v8, v31;
	v51 =	vld.idx.msk [tilespmem:v17+s2+$0x130 ss:$0x1], $0xffff  }
0x340: {  	[tilespmem:v46+s20+$0x0] =	vst.idx.add.f32.msk $0xffff, v19;
	v4 =	vadd.f32 v34, v4;
	v53 =	vmul.f32 v1, v32  }
0x341: {  	p0 =	seq.s32 s24, $0xB;
	[tilespmem:v47+s20+$0x0] =	vst.idx.add.f32.msk $0xffff, v50;
	v61 =	vor.u32 v8, v35;
	v60 =	vmul.f32 v3, v34  }
.Ltmp3:
0x342: {  	v4 =	vadd.f32 v36, v4;
	v5 =	vmul.f32 v5, v36;
	[tilespmem:v18+s20+$0x0] =	vst.idx.add.f32.msk $0xffff, v53;
	(pc) =	sbr.rel @p0 .LBB2_10-.Ltmp3, $4  }
0x343: {  	v62 =	vmul.f32 v48, v38;
	[tilespmem:v49+s20+$0x0] =	vst.idx.add.f32.msk $0xffff, v60  }
0x344: {  	v63 =	vadd.f32 v38, v4;
	v4 =	vmul.f32 v51, v37;
	[tilespmem:v52+s20+$0x0] =	vst.idx.add.f32.msk $0xffff, v5  }
0x345: {  	[tilespmem:v54+s20+$0x0] =	vst.idx.add.f32.msk $0xffff, v62  }
0x346: {  	v28 =	vadd.f32 v37, v63;
	[tilespmem:v61+s20+$0x0] =	vst.idx.add.f32.msk $0xffff, v4  }
.Ltmp4:
0x347: {  	s0 =	sadd.s32 s29, s9;
	(pc) =	sbr.rel .LBB2_4-.Ltmp4, $4  }
0x348: {  	s0 =	sshll.u32 s0, $0x4  }
0x349: {  	s24 =	sadd.s32 $0x1, s24;
	s0 =	sand.u32 $0x1FFFFFF0, s0  }
0x34a: {  	s26 =	sadd.s32 $0xFA, s26;
	s28 =	sadd.s32 $0xFA, s28;
	s0 =	sadd.s32 s1, s0  }
0x34b: {  	[tilespmem:s18], [sflag:$0x2] =	stream.linear.gather [hbm4b:s0+s4], $0x3E80, $0x38;
	[tilespmem:$0x11280] =	vst v63  }
.LBB2_10:
0x34c: {  	_ =	swait.ge [sflag:s19], $0x3E80  }
0x34d: {  	[sflag:s19] =	ssyncset.done $0x0  }
0x34e: {  	s24 =	simm.s32 $0x140;
	[sflag:s19] =	ssyncadd.s32 $0xFFFFC180  }
0x34f: {  	v0 =	vld [tilespmem:s24+$0xFFFFFF30]  }
0x350: {  	v1 =	vld [tilespmem:s24+$0xFFFFFFB0]  }
0x351: {  	v2 =	vld [tilespmem:s24+$0x30]  }
0x352: {  	v3 =	vld [tilespmem:s24+$0xFFFFFF20]  }
0x353: {  	v4 =	vld [tilespmem:s24+$0xFFFFFFA0]  }
0x354: {  	v5 =	vld [tilespmem:s24+$0x20]  }
0x355: {  	v18 =	vld [tilespmem:s24+$0xFFFFFF10]  }
0x356: {  	v19 =	vld [tilespmem:s24+$0xFFFFFF90]  }
0x357: {  	v20 =	vld [tilespmem:s24+$0x10]  }
0x358: {  	v21 =	vld [tilespmem:s24+$0xFFFFFF00]  }
0x359: {  	v22 =	vld [tilespmem:s24+$0xFFFFFF80]  }
0x35a: {  	v23 =	vld [tilespmem:s24+$0xFFFFFEF0]  }
0x35b: {  	v24 =	vld [tilespmem:s24+$0xFFFFFF70]  }
0x35c: {  	v25 =	vld [tilespmem:s24+$0xFFFFFEE0]  }
0x35d: {  	v26 =	vld [tilespmem:s24+$0xFFFFFF60]  }
0x35e: {  	v27 =	vld [tilespmem:s24+$0xFFFFFEC0]  }
0x35f: {  	v29 =	vld [tilespmem:s24+$0xFFFFFED0]  }
0x360: {  	v30 =	vld [tilespmem:s24+$0xFFFFFFE0]  }
0x361: {  	v31 =	vld [tilespmem:s24+$0xFFFFFF40];
	v0 =	vmul.f32 v0, v16;
	v1 =	vmul.f32 v1, v16  }
0x362: {  	v32 =	vld [tilespmem:s24+$0xFFFFFF50];
	v3 =	vmul.f32 v3, v15;
	v2 =	vmul.f32 v2, v16  }
0x363: {  	v33 =	vld [tilespmem:s24+$0xFFFFFFC0];
	v4 =	vmul.f32 v4, v15;
	v5 =	vmul.f32 v5, v15  }
0x364: {  	v34 =	vld [tilespmem:s24+$0x40];
	v18 =	vmul.f32 v18, v14;
	v19 =	vmul.f32 v19, v14  }
0x365: {  	v35 =	vld [tilespmem:s24+$0xFFFFFFD0];
	v27 =	vmul.f32 v27, v9;
	v29 =	vmul.f32 v29, v10  }
0x366: {  	v36 =	vld [tilespmem:s24+$0x50];
	v21 =	vmul.f32 v21, v13;
	v20 =	vmul.f32 v20, v14  }
0x367: {  	v37 =	vld [tilespmem:s24+$0xD0];
	v31 =	vmul.f32 v31, v9;
	v32 =	vmul.f32 v32, v10  }
0x368: {  	v40 =	vld [tilespmem:s24+$0x60];
	v25 =	vmul.f32 v25, v11;
	v22 =	vmul.f32 v22, v13;
	v27 =	vadd.f32 v29, v27  }
0x369: {  	v23 =	vmul.f32 v23, v12;
	v26 =	vmul.f32 v26, v11;
	v29 =	vld [tilespmem:s24+$0xC0];
	v31 =	vadd.f32 v32, v31  }
0x36a: {  	v33 =	vmul.f32 v33, v9;
	v35 =	vmul.f32 v35, v10;
	v25 =	vadd.f32 v25, v27;
	v27 =	vld [tilespmem:s24+$0xFFFFFFF0]  }
0x36b: {  	v24 =	vmul.f32 v24, v12;
	v30 =	vmul.f32 v30, v11;
	v26 =	vadd.f32 v26, v31;
	v31 =	vld [tilespmem:s24+$0xE0]  }
0x36c: {  	v34 =	vmul.f32 v34, v9;
	v33 =	vadd.f32 v35, v33;
	v23 =	vadd.f32 v23, v25;
	v25 =	vld [tilespmem:s24+$0x0]  }
0x36d: {  	v41 =	vld [tilespmem:s24+$0x70];
	v36 =	vmul.f32 v36, v10;
	v42 =	vmul.f32 v37, v10;
	v24 =	vadd.f32 v24, v26  }
0x36e: {  	v30 =	vadd.f32 v30, v33;
	v26 =	vld [tilespmem:s24+$0xF0];
	v29 =	vmul.f32 v29, v9;
	v21 =	vadd.f32 v21, v23  }
0x36f: {  	v43 =	vld [tilespmem:s24+$0x80];
	v23 =	vadd.f32 v36, v34;
	v22 =	vadd.f32 v22, v24;
	v27 =	vmul.f32 v27, v12  }
0x370: {  	v24 =	vld [tilespmem:s24+$0x100];
	v18 =	vadd.f32 v18, v21;
	v21 =	vadd.f32 v42, v29;
	v29 =	vmul.f32 v40, v11  }
0x371: {  	v31 =	vmul.f32 v31, v11;
	v27 =	vadd.f32 v27, v30;
	v25 =	vmul.f32 v25, v13;
	v30 =	vld [tilespmem:s24+$0x90]  }
0x372: {  	v3 =	vadd.f32 v3, v18;
	v18 =	vadd.f32 v29, v23;
	v23 =	vmul.f32 v41, v12;
	v29 =	vld [tilespmem:s24+$0x110]  }
0x373: {  	v19 =	vadd.f32 v19, v22;
	v22 =	vld [tilespmem:s24+$0xA0];
	v26 =	vmul.f32 v26, v12;
	v21 =	vadd.f32 v31, v21  }
0x374: {  	v25 =	vadd.f32 v25, v27;
	v27 =	vld [tilespmem:s24+$0x120];
	v18 =	vadd.f32 v23, v18;
	v23 =	vmul.f32 v43, v13  }
0x375: {  	v44 =	vld [tilespmem:s24+$0xB0];
	v4 =	vadd.f32 v4, v19;
	v24 =	vmul.f32 v24, v13;
	v21 =	vadd.f32 v26, v21  }
0x376: {  	v0 =	vadd.f32 v0, v3;
	v18 =	vadd.f32 v23, v18;
	v19 =	vmul.f32 v30, v14;
	v23 =	vld [tilespmem:s24+$0x130]  }
0x377: {  	v20 =	vadd.f32 v20, v25;
	v21 =	vadd.f32 v24, v21;
	v24 =	vmul.f32 v29, v14  }
0x378: {  	v1 =	vadd.f32 v1, v4;
	v4 =	vadd.f32 v19, v18;
	v18 =	vmul.f32 v22, v15  }
0x379: {  	v5 =	vadd.f32 v5, v20;
	v20 =	vmul.f32 v27, v15;
	v19 =	vadd.f32 v24, v21  }
0x37a: {  	v3 =	vmul.f32 v44, v16;
	(xrf2) =	vadd.scan.msk.f32 $0xffff, v0;
	v45 =	vadd.f32 v18, v4  }
0x37b: {  	(xrf2) =	vadd.scan.msk.f32 $0xffff, v1;
	v46 =	vadd.f32 v2, v5;
	v47 =	vadd.f32 v20, v19;
	v4 =	vmul.f32 v23, v16  }
0x37c: {  	v0 =	vadd.f32 v3, v45  }
0x37d: {  	(xrf2) =	vadd.scan.msk.f32 $0xffff, v46;
	v48 =	vadd.f32 v4, v47  }
0x37e: {  	(xrf2) =	vadd.scan.msk.f32 $0xffff, v0  }
0x37f: {  	(xrf2) =	vadd.scan.msk.f32 $0xffff, v48  }
0x380: {  	s0 =	simm.s32 $0x90B8  }
0x381: {  	v4 =	vld [tilespmem:s0+$0x0];
	_ =	sdelay $0x2  }
0x382: {  	v49, _, _ =	vpop (xrf2)  }
0x383: {  	v50, _, _ =	vpop (xrf2);
	v0 =	vmul.f32 $1.442695020e+00, v49  }
0x384: {  	v1 =	vmul.f32 $1.442695020e+00, v50;
	v61 =	vshll.u32 v4, $0x7  }
0x385: {  	v0 =	vbroadcast v0, $0xF;
	v26 =	vbroadcast v61, $0x0;
	v51, _, _ =	vpop (xrf2)  }
0x386: {  	v1 =	vbroadcast v1, $0xF;
	v2 =	vmul.f32 $1.442695020e+00, v51;
	v52, _, _ =	vpop (xrf2)  }
0x387: {  	(erf) = vpow2.f32 v0;
	v53 =	vmul.f32 $1.442695020e+00, v52;
	v54, _, _ =	vpop (xrf2)  }
0x388: {  	v62 =	vld.idx.msk [tilespmem:v17+s24+$0xFFFFFEC0 ss:$0x1], $0xffff;
	v2 =	vbroadcast v2, $0xF;
	v3 =	vmul.f32 $1.442695020e+00, v54  }
0x389: {  	v63 =	vld.idx.msk [tilespmem:v17+s24+$0xFFFFFF40 ss:$0x1], $0xffff;
	(erf) = vpow2.f32 v1;
	v0 =	vbroadcast v53, $0xF  }
0x38a: {  	v33 =	vld.idx.msk [tilespmem:v17+s24+$0xFFFFFFC0 ss:$0x1], $0xffff;
	(erf) = vpow2.f32 v2;
	v60 =	vbroadcast v3, $0xF  }
0x38b: {  	v29 =	vld.idx.msk [tilespmem:v17+s24+$0xC0 ss:$0x1], $0xffff;
	v22 =	vbroadcast v61, $0x1;
	(erf) = vpow2.f32 v0  }
0x38c: {  	s25 =	simm.s32 $0x3C0;
	v5 =	vld.idx.msk [tilespmem:v17+s24+$0x40 ss:$0x1], $0xffff;
	v23 =	vbroadcast v61, $0x2;
	(erf) = vpow2.f32 v60  }
0x38d: {  	v18 =	vbroadcast v61, $0x3;
	v20 =	vbroadcast v61, $0x4;
	v61 =	vld [tilespmem:s25+$0xFFFFFF80]  }
0x38e: {  	v51 =	vld [tilespmem:s25+$0xFFFFFF30]  }
0x38f: {  	v4 =	vor.u32 v55, v26;
	v52 =	vld [tilespmem:s25+$0xFFFFFFB0]  }
0x390: {  	v21 =	vor.u32 v55, v22;
	v54 =	vld [tilespmem:s25+$0xFFFFFF20]  }
0x391: {  	v30 =	vor.u32 v55, v23;
	v53 =	vld [tilespmem:s25+$0x30];
	v27 =	vpop (erf)  }
0x392: {  	v35 =	vor.u32 v55, v18;
	v60 =	vld [tilespmem:s25+$0xFFFFFF00];
	v34 =	vmul.f32 v27, v62;
	v24 =	vpop (erf)  }
0x393: {  	v31 =	vor.u32 v55, v20;
	v62 =	vld [tilespmem:s25+$0xFFFFFEF0];
	v2 =	vmul.f32 v24, v63;
	v25 =	vpop (erf)  }
0x394: {  	[tilespmem:v4+s20+$0x0] =	vst.idx.add.f32.msk $0xffff, v34;
	v36 =	vmul.f32 v25, v33;
	v19 =	vpop (erf)  }
0x395: {  	[tilespmem:v21+s20+$0x0] =	vst.idx.add.f32.msk $0xffff, v2;
	v37 =	vmul.f32 v19, v5;
	v21 =	vpop (erf)  }
0x396: {  	[tilespmem:v30+s20+$0x0] =	vst.idx.add.f32.msk $0xffff, v36;
	v38 =	vmul.f32 v21, v29  }
0x397: {  	[tilespmem:v35+s20+$0x0] =	vst.idx.add.f32.msk $0xffff, v37  }
0x398: {  	[tilespmem:v31+s20+$0x0] =	vst.idx.add.f32.msk $0xffff, v38  }
0x399: {  	v0 =	vld.idx.msk [tilespmem:v17+s24+$0xFFFFFED0 ss:$0x1], $0xffff  }
0x39a: {  	v63 =	vld [tilespmem:s25+$0xFFFFFF70]  }
0x39b: {  	v39 =	vor.u32 v56, v26;
	v1 =	vld.idx.msk [tilespmem:v17+s24+$0xFFFFFF50 ss:$0x1], $0xffff  }
0x39c: {  	v2 =	vld.idx.msk [tilespmem:v17+s24+$0xFFFFFFD0 ss:$0x1], $0xffff  }
0x39d: {  	v5 =	vor.u32 v56, v22;
	v4 =	vld.idx.msk [tilespmem:v17+s24+$0x50 ss:$0x1], $0xffff  }
0x39e: {  	v30 =	vor.u32 v56, v23;
	v38 =	vld [tilespmem:s25+$0xFFFFFEC0];
	v0 =	vmul.f32 v0, v27  }
0x39f: {  	v31 =	vor.u32 v56, v18;
	v29 =	vld.idx.msk [tilespmem:v17+s24+$0xD0 ss:$0x1], $0xffff  }
0x3a0: {  	v1 =	vmul.f32 v1, v24;
	[tilespmem:v39+s20+$0x0] =	vst.idx.add.f32.msk $0xffff, v0  }
0x3a1: {  	v40 =	vor.u32 v56, v20;
	v2 =	vmul.f32 v2, v25;
	v39 =	vld [tilespmem:s25+$0xFFFFFED0]  }
0x3a2: {  	v41 =	vmul.f32 v4, v19;
	[tilespmem:v5+s20+$0x0] =	vst.idx.add.f32.msk $0xffff, v1  }
0x3a3: {  	[tilespmem:v30+s20+$0x0] =	vst.idx.add.f32.msk $0xffff, v2  }
0x3a4: {  	v42 =	vmul.f32 v29, v21;
	[tilespmem:v31+s20+$0x0] =	vst.idx.add.f32.msk $0xffff, v41  }
0x3a5: {  	v41 =	vld [tilespmem:s25+$0xFFFFFF40]  }
0x3a6: {  	[tilespmem:v40+s20+$0x0] =	vst.idx.add.f32.msk $0xffff, v42  }
0x3a7: {  	v0 =	vld.idx.msk [tilespmem:v17+s24+$0xFFFFFEE0 ss:$0x1], $0xffff  }
0x3a8: {  	v40 =	vld [tilespmem:s25+$0xFFFFFFE0]  }
0x3a9: {  	v43 =	vor.u32 v57, v26;
	v1 =	vld.idx.msk [tilespmem:v17+s24+$0xFFFFFF60 ss:$0x1], $0xffff  }
0x3aa: {  	v2 =	vld.idx.msk [tilespmem:v17+s24+$0xFFFFFFE0 ss:$0x1], $0xffff  }
0x3ab: {  	v5 =	vor.u32 v57, v22;
	v4 =	vld.idx.msk [tilespmem:v17+s24+$0x60 ss:$0x1], $0xffff  }
0x3ac: {  	v30 =	vor.u32 v57, v23;
	v42 =	vld [tilespmem:s25+$0xFFFFFF50];
	v0 =	vmul.f32 v0, v27  }
0x3ad: {  	v31 =	vor.u32 v57, v18;
	v29 =	vld.idx.msk [tilespmem:v17+s24+$0xE0 ss:$0x1], $0xffff  }
0x3ae: {  	v1 =	vmul.f32 v1, v24;
	[tilespmem:v43+s20+$0x0] =	vst.idx.add.f32.msk $0xffff, v0  }
0x3af: {  	v44 =	vor.u32 v57, v20;
	v2 =	vmul.f32 v2, v25;
	v43 =	vld [tilespmem:s25+$0xFFFFFFC0]  }
0x3b0: {  	v45 =	vmul.f32 v4, v19;
	[tilespmem:v5+s20+$0x0] =	vst.idx.add.f32.msk $0xffff, v1  }
0x3b1: {  	[tilespmem:v30+s20+$0x0] =	vst.idx.add.f32.msk $0xffff, v2  }
0x3b2: {  	v46 =	vmul.f32 v29, v21;
	[tilespmem:v31+s20+$0x0] =	vst.idx.add.f32.msk $0xffff, v45  }
0x3b3: {  	v45 =	vld [tilespmem:s25+$0xFFFFFFD0]  }
0x3b4: {  	[tilespmem:v44+s20+$0x0] =	vst.idx.add.f32.msk $0xffff, v46  }
0x3b5: {  	v44 =	vld [tilespmem:s25+$0x40]  }
0x3b6: {  	v46 =	vld [tilespmem:s25+$0x50]  }
0x3b7: {  	v0 =	vld.idx.msk [tilespmem:v17+s24+$0xFFFFFEF0 ss:$0x1], $0xffff  }
0x3b8: {  	v1 =	vld.idx.msk [tilespmem:v17+s24+$0xFFFFFF70 ss:$0x1], $0xffff  }
0x3b9: {  	v2 =	vld.idx.msk [tilespmem:v17+s24+$0xFFFFFFF0 ss:$0x1], $0xffff  }
0x3ba: {  	v4 =	vld.idx.msk [tilespmem:v17+s24+$0x70 ss:$0x1], $0xffff  }
0x3bb: {  	v29 =	vld.idx.msk [tilespmem:v17+s24+$0xF0 ss:$0x1], $0xffff  }
0x3bc: {  	v47 =	vor.u32 v58, v26;
	v3 =	vmul.f32 v54, v15;
	v54 =	vmul.f32 v45, v10;
	v45 =	vld [tilespmem:s25+$0x60]  }
0x3bd: {  	v33 =	vmul.f32 v61, v13;
	v61 =	vmul.f32 v46, v10;
	v46 =	vld [tilespmem:s25+$0x0]  }
0x3be: {  	v32 =	vmul.f32 v60, v13;
	v5 =	vor.u32 v58, v22;
	v60 =	vmul.f32 v44, v9;
	v44 =	vld [tilespmem:s25+$0x90]  }
0x3bf: {  	v30 =	vor.u32 v58, v23;
	v0 =	vmul.f32 v0, v27;
	v49 =	vmul.f32 v4, v19;
	v4 =	vld [tilespmem:s25+$0xFFFFFFA0]  }
0x3c0: {  	v31 =	vor.u32 v58, v18;
	v50 =	vmul.f32 v29, v21;
	v29 =	vld [tilespmem:s25+$0xFFFFFF10]  }
0x3c1: {  	v48 =	vor.u32 v58, v20;
	v1 =	vmul.f32 v1, v24;
	[tilespmem:v47+s20+$0x0] =	vst.idx.add.f32.msk $0xffff, v0  }
0x3c2: {  	v2 =	vmul.f32 v2, v25;
	v0 =	vmul.f32 v51, v16;
	v51 =	vld [tilespmem:s25+$0xC0]  }
0x3c3: {  	[tilespmem:v5+s20+$0x0] =	vst.idx.add.f32.msk $0xffff, v1  }
0x3c4: {  	[tilespmem:v30+s20+$0x0] =	vst.idx.add.f32.msk $0xffff, v2  }
0x3c5: {  	[tilespmem:v31+s20+$0x0] =	vst.idx.add.f32.msk $0xffff, v49  }
0x3c6: {  	[tilespmem:v48+s20+$0x0] =	vst.idx.add.f32.msk $0xffff, v50  }
0x3c7: {  	v48 =	vld [tilespmem:s25+$0xFFFFFEE0]  }
0x3c8: {  	v34 =	vmul.f32 v62, v12;
	v38 =	vmul.f32 v38, v9;
	v47 =	vld [tilespmem:s25+$0xD0]  }
0x3c9: {  	v39 =	vmul.f32 v39, v10;
	v42 =	vmul.f32 v42, v10;
	v49 =	vld [tilespmem:s25+$0xFFFFFF60]  }
0x3ca: {  	v5 =	vld [tilespmem:s25+$0x20];
	v1 =	vmul.f32 v52, v16;
	v52 =	vmul.f32 v40, v11  }
0x3cb: {  	v40 =	vld [tilespmem:s25+$0xFFFFFFF0];
	v2 =	vmul.f32 v53, v16;
	v53 =	vmul.f32 v43, v9  }
0x3cc: {  	v38 =	vadd.f32 v39, v38;
	v30 =	vld [tilespmem:s25+$0xFFFFFF90];
	v50 =	vmul.f32 v41, v9;
	v36 =	vmul.f32 v48, v11  }
0x3cd: {  	v35 =	vmul.f32 v63, v12;
	v43 =	vld.idx.msk [tilespmem:v17+s25+$0xC0 ss:$0x1], $0xffff;
	v4 =	vmul.f32 v4, v15;
	v63 =	vadd.f32 v54, v53  }
0x3ce: {  	v31 =	vld [tilespmem:s25+$0x10];
	v39 =	vadd.f32 v42, v50;
	v37 =	vmul.f32 v49, v11;
	v36 =	vadd.f32 v36, v38  }
0x3cf: {  	v54 =	vld [tilespmem:s25+$0x80];
	v62 =	vmul.f32 v51, v9;
	v50 =	vmul.f32 v47, v10;
	v52 =	vadd.f32 v52, v63  }
0x3d0: {  	v29 =	vmul.f32 v29, v14;
	v48 =	vld [tilespmem:s25+$0x70];
	v37 =	vadd.f32 v37, v39;
	v34 =	vadd.f32 v34, v36  }
0x3d1: {  	v51 =	vld [tilespmem:s25+$0xE0];
	v53 =	vmul.f32 v40, v12;
	v49 =	vadd.f32 v61, v60;
	v60 =	vadd.f32 v50, v62  }
0x3d2: {  	v41 =	vld.idx.msk [tilespmem:v17+s25+$0xFFFFFEC0 ss:$0x1], $0xffff;
	v30 =	vmul.f32 v30, v14;
	v35 =	vadd.f32 v35, v37;
	v32 =	vadd.f32 v32, v34  }
0x3d3: {  	v61 =	vmul.f32 v45, v11;
	v62 =	vld [tilespmem:s25+$0xF0];
	v63 =	vadd.f32 v53, v52;
	v45 =	vmul.f32 v46, v13  }
0x3d4: {  	v6 =	vld [tilespmem:$0x1FFE0];
	v31 =	vmul.f32 v31, v14;
	v33 =	vadd.f32 v33, v35;
	v29 =	vadd.f32 v29, v32  }
0x3d5: {  	v47 =	vld [tilespmem:s25+$0x100];
	v46 =	vmul.f32 v48, v12;
	v35 =	vadd.f32 v45, v63;
	v34 =	vadd.f32 v61, v49  }
0x3d6: {  	v48 =	vld [tilespmem:s25+$0xA0];
	v3 =	vadd.f32 v3, v29;
	v29 =	vadd.f32 v30, v33;
	v30 =	vmul.f32 v51, v11  }
0x3d7: {  	v5 =	vmul.f32 v5, v15;
	v50 =	vld [tilespmem:s25+$0x110];
	v49 =	vmul.f32 v54, v13;
	v34 =	vadd.f32 v46, v34  }
0x3d8: {  	v52 =	vld [tilespmem:s25+$0xB0];
	v31 =	vadd.f32 v31, v35;
	v51 =	vadd.f32 v30, v60;
	v30 =	vmul.f32 v62, v12  }
0x3d9: {  	v53 =	vmul.f32 v44, v14;
	v54 =	vld [tilespmem:s25+$0x120];
	v34 =	vadd.f32 v49, v34;
	v0 =	vadd.f32 v0, v3  }
0x3da: {  	v42 =	vld.idx.msk [tilespmem:v17+s25+$0xFFFFFF40 ss:$0x1], $0xffff;
	v4 =	vadd.f32 v4, v29;
	v29 =	vmul.f32 v47, v13;
	v3 =	vadd.f32 v30, v51  }
0x3db: {  	v61 =	vld.idx.msk [tilespmem:v17+s24+$0xFFFFFF00 ss:$0x1], $0xffff;
	v5 =	vadd.f32 v5, v31;
	v31 =	vmul.f32 v48, v15;
	v30 =	vadd.f32 v53, v34  }
0x3dc: {  	v60 =	vld [tilespmem:s25+$0x130];
	v1 =	vadd.f32 v1, v4;
	v4 =	vmul.f32 v50, v14;
	v3 =	vadd.f32 v29, v3  }
0x3dd: {  	v62 =	vadd.f32 v2, v5;
	(xrf2) =	vadd.scan.msk.f32 $0xffff, v0;
	v29 =	vld.idx.msk [tilespmem:v17+s24+$0xFFFFFF80 ss:$0x1], $0xffff;
	v63 =	vadd.f32 v31, v30  }
0x3de: {  	v30 =	vmul.f32 v52, v16;
	(xrf2) =	vadd.scan.msk.f32 $0xffff, v1;
	v3 =	vadd.f32 v4, v3;
	v4 =	vmul.f32 v54, v15  }
0x3df: {  	v36 =	vor.u32 v6, v26;
	v5 =	vld.idx.msk [tilespmem:v17+s24+$0x0 ss:$0x1], $0xffff;
	(xrf2) =	vadd.scan.msk.f32 $0xffff, v62  }
0x3e0: {  	v31 =	vld.idx.msk [tilespmem:v17+s24+$0x80 ss:$0x1], $0xffff;
	v38 =	vadd.f32 v30, v63;
	v44 =	vadd.f32 v4, v3;
	v4 =	vor.u32 v6, v22  }
0x3e1: {  	v46 =	vld.idx.msk [tilespmem:v17+s24+$0x100 ss:$0x1], $0xffff;
	v45 =	vmul.f32 v60, v16;
	v30 =	vor.u32 v6, v23  }
0x3e2: {  	s31 =	simm.s32 $0x90BD;
	v48 =	vadd.f32 v27, v28;
	v28 =	vor.u32 v6, v18;
	v49 =	vmul.f32 v61, v27;
	(xrf2) =	vadd.scan.msk.f32 $0xffff, v38  }
0x3e3: {  	v37 =	vld [tilespmem:s31+$0x0];
	v50 =	vor.u32 v6, v20;
	v29 =	vmul.f32 v29, v24;
	v47 =	vadd.f32 v45, v44  }
0x3e4: {  	[tilespmem:v36+s20+$0x0] =	vst.idx.add.f32.msk $0xffff, v49;
	v52 =	vmul.f32 v5, v25  }
0x3e5: {  	v53 =	vmul.f32 v31, v19;
	(xrf2) =	vadd.scan.msk.f32 $0xffff, v47;
	[tilespmem:v4+s20+$0x0] =	vst.idx.add.f32.msk $0xffff, v29  }
0x3e6: {  	v54 =	vmul.f32 v46, v21;
	[tilespmem:v30+s20+$0x0] =	vst.idx.add.f32.msk $0xffff, v52  }
0x3e7: {  	v4, _, _ =	vpop (xrf2);
	[tilespmem:v28+s20+$0x0] =	vst.idx.add.f32.msk $0xffff, v53  }
0x3e8: {  	v35 =	vor.u32 v59, v18;
	v38 =	vshll.u32 v37, $0x7;
	v60 =	vmul.f32 $1.442695020e+00, v4;
	v4, _, _ =	vpop (xrf2);
	[tilespmem:v50+s20+$0x0] =	vst.idx.add.f32.msk $0xffff, v54  }
0x3e9: {  	v32 =	vor.u32 v59, v22;
	v30 =	vbroadcast v38, $0x1;
	v61, _, _ =	vpop (xrf2);
	v4 =	vmul.f32 $1.442695020e+00, v4;
	v2 =	vld.idx.msk [tilespmem:v17+s24+$0xFFFFFF10 ss:$0x1], $0xffff  }
0x3ea: {  	v51 =	vadd.f32 v24, v48;
	v3 =	vbroadcast v60, $0xF;
	v1 =	vmul.f32 $1.442695020e+00, v61;
	v62 =	vld.idx.msk [tilespmem:v17+s24+$0xFFFFFF90 ss:$0x1], $0xffff  }
0x3eb: {  	v63 =	vor.u32 v59, v26;
	v28 =	vbroadcast v38, $0x0;
	v31 =	vld.idx.msk [tilespmem:v17+s24+$0x10 ss:$0x1], $0xffff;
	v4 =	vbroadcast v4, $0xF  }
0x3ec: {  	v40 =	vld.idx.msk [tilespmem:v17+s25+$0xFFFFFFC0 ss:$0x1], $0xffff;
	v0 =	vadd.f32 v25, v51;
	v5, _, _ =	vpop (xrf2);
	(erf) = vpow2.f32 v3;
	v1 =	vbroadcast v1, $0xF  }
0x3ed: {  	v33 =	vor.u32 v59, v23;
	v44 =	vld.idx.msk [tilespmem:v17+s25+$0x40 ss:$0x1], $0xffff;
	v5 =	vmul.f32 $1.442695020e+00, v5;
	(erf) = vpow2.f32 v4  }
0x3ee: {  	v0 =	vadd.f32 v19, v0;
	v34 =	vld.idx.msk [tilespmem:v17+s24+$0x90 ss:$0x1], $0xffff;
	(erf) = vpow2.f32 v1;
	v2 =	vmul.f32 v2, v27  }
0x3ef: {  	v36 =	vor.u32 v59, v20;
	v39 =	vld.idx.msk [tilespmem:v17+s24+$0x110 ss:$0x1], $0xffff;
	v45 =	vbroadcast v5, $0xF;
	v4, _, _ =	vpop (xrf2);
	v47 =	vmul.f32 v62, v24  }
0x3f0: {  	s2 =	simm.s32 $0x90C2;
	s26 =	simm.s32 $0x3C0;
	s0 =	simm.s32 $0x5;
	v29 =	vadd.f32 v21, v0;
	v46 =	vmul.f32 v31, v25;
	v37 =	vmul.f32 $1.442695020e+00, v4;
	[tilespmem:v63+s20+$0x0] =	vst.idx.add.f32.msk $0xffff, v2  }
.LBB2_11:
0x3f1: {  	_ = 	snop  }
0x3f2: {  	v31 =	vld [tilespmem:s2+$0x0];
	v0 =	vbroadcast v37, $0xF;
	(erf) = vpow2.f32 v45  }
0x3f3: {  	v1 =	vor.u32 v55, v28;
	v2 =	vmul.f32 v34, v19;
	[tilespmem:v32+s20+$0x0] =	vst.idx.add.f32.msk $0xffff, v47  }
0x3f4: {  	v3 =	vmul.f32 v39, v21;
	[tilespmem:v33+s20+$0x0] =	vst.idx.add.f32.msk $0xffff, v46;
	(erf) = vpow2.f32 v0  }
0x3f5: {  	v32 =	vbroadcast v38, $0x2;
	v63 =	vor.u32 v55, v30;
	[tilespmem:v35+s20+$0x0] =	vst.idx.add.f32.msk $0xffff, v2;
	v37 =	vpop (erf)  }
0x3f6: {  	[tilespmem:v36+s20+$0x0] =	vst.idx.add.f32.msk $0xffff, v3;
	v4 =	vmul.f32 v37, v41  }
0x3f7: {  	v34 =	vbroadcast v38, $0x3;
	v46 =	vor.u32 v55, v32;
	v5 =	vld.idx.msk [tilespmem:v17+s24+$0xFFFFFF20 ss:$0x1], $0xffff;
	v36 =	vpop (erf)  }
0x3f8: {  	v45 =	vadd.f32 v37, v29;
	v29 =	vmul.f32 v36, v42;
	[tilespmem:v1+s20+$0x0] =	vst.idx.add.f32.msk $0xffff, v4  }
0x3f9: {  	v33 =	vbroadcast v38, $0x4;
	v47 =	vor.u32 v55, v34;
	v41 =	vpop (erf);
	v4 =	vld.idx.msk [tilespmem:v17+s24+$0xFFFFFFA0 ss:$0x1], $0xffff  }
0x3fa: {  	v48 =	vmul.f32 v41, v40;
	[tilespmem:v63+s20+$0x0] =	vst.idx.add.f32.msk $0xffff, v29  }
0x3fb: {  	v49 =	vor.u32 v55, v33;
	v40 =	vpop (erf);
	v50 =	vld.idx.msk [tilespmem:v17+s24+$0x20 ss:$0x1], $0xffff  }
0x3fc: {  	v51 =	vmul.f32 v40, v44;
	[tilespmem:v46+s20+$0x0] =	vst.idx.add.f32.msk $0xffff, v48  }
0x3fd: {  	v3 =	vmul.f32 v5, v27;
	v35 =	vpop (erf);
	v5 =	vld.idx.msk [tilespmem:v17+s24+$0xA0 ss:$0x1], $0xffff  }
0x3fe: {  	v52 =	vmul.f32 v35, v43;
	[tilespmem:v47+s20+$0x0] =	vst.idx.add.f32.msk $0xffff, v51  }
0x3ff: {  	v53 =	vmul.f32 v4, v24;
	v4 =	vld.idx.msk [tilespmem:v17+s24+$0x120 ss:$0x1], $0xffff  }
0x400: {  	[tilespmem:v49+s20+$0x0] =	vst.idx.add.f32.msk $0xffff, v52  }
0x401: {  	v55 =	vor.u32 v7, v26;
	v0 =	vld.idx.msk [tilespmem:v17+s25+$0xFFFFFED0 ss:$0x1], $0xffff  }
0x402: {  	v59 =	vor.u32 v7, v22;
	v39 =	vld.idx.msk [tilespmem:v17+s25+$0xFFFFFF50 ss:$0x1], $0xffff  }
0x403: {  	v61 =	vor.u32 v7, v23;
	v60 =	vld.idx.msk [tilespmem:v17+s25+$0xFFFFFFD0 ss:$0x1], $0xffff  }
0x404: {  	v63 =	vor.u32 v56, v28;
	v62 =	vld.idx.msk [tilespmem:v17+s25+$0x50 ss:$0x1], $0xffff  }
0x405: {  	v48 =	vor.u32 v56, v30;
	v47 =	vld.idx.msk [tilespmem:v17+s25+$0xD0 ss:$0x1], $0xffff  }
0x406: {  	v49 =	vor.u32 v56, v32;
	v54 =	vmul.f32 v50, v25;
	[tilespmem:v55+s20+$0x0] =	vst.idx.add.f32.msk $0xffff, v3  }
0x407: {  	v51 =	vor.u32 v56, v34;
	[tilespmem:v59+s20+$0x0] =	vst.idx.add.f32.msk $0xffff, v53;
	v0 =	vmul.f32 v0, v37  }
0x408: {  	v53 =	vor.u32 v56, v33;
	[tilespmem:v61+s20+$0x0] =	vst.idx.add.f32.msk $0xffff, v54;
	v52 =	vmul.f32 v39, v36  }
0x409: {  	v2 =	vadd.f32 v36, v45;
	v54 =	vmul.f32 v60, v41;
	[tilespmem:v63+s20+$0x0] =	vst.idx.add.f32.msk $0xffff, v0  }
0x40a: {  	v55 =	vmul.f32 v62, v40;
	[tilespmem:v48+s20+$0x0] =	vst.idx.add.f32.msk $0xffff, v52  }
0x40b: {  	v2 =	vadd.f32 v41, v2;
	v56 =	vmul.f32 v47, v35;
	[tilespmem:v49+s20+$0x0] =	vst.idx.add.f32.msk $0xffff, v54  }
0x40c: {  	[tilespmem:v51+s20+$0x0] =	vst.idx.add.f32.msk $0xffff, v55  }
0x40d: {  	v2 =	vadd.f32 v40, v2;
	[tilespmem:v53+s20+$0x0] =	vst.idx.add.f32.msk $0xffff, v56  }
0x40e: {  	v59 =	vor.u32 v7, v18;
	v0 =	vld.idx.msk [tilespmem:v17+s25+$0xFFFFFEE0 ss:$0x1], $0xffff  }
0x40f: {  	v29 =	vadd.f32 v35, v2;
	v60 =	vor.u32 v7, v20;
	v2 =	vld.idx.msk [tilespmem:v17+s25+$0xFFFFFF60 ss:$0x1], $0xffff  }
0x410: {  	v38 =	vld.idx.msk [tilespmem:v17+s25+$0xFFFFFFE0 ss:$0x1], $0xffff  }
0x411: {  	v5 =	vmul.f32 v5, v19;
	v62 =	vor.u32 v57, v28;
	v61 =	vld.idx.msk [tilespmem:v17+s25+$0x60 ss:$0x1], $0xffff  }
0x412: {  	v4 =	vmul.f32 v4, v21;
	v48 =	vor.u32 v57, v30;
	v63 =	vld.idx.msk [tilespmem:v17+s25+$0xE0 ss:$0x1], $0xffff  }
0x413: {  	v49 =	vor.u32 v57, v32;
	[tilespmem:v59+s20+$0x0] =	vst.idx.add.f32.msk $0xffff, v5  }
0x414: {  	v50 =	vor.u32 v57, v34;
	[tilespmem:v60+s20+$0x0] =	vst.idx.add.f32.msk $0xffff, v4;
	v0 =	vmul.f32 v0, v37  }
0x415: {  	v51 =	vor.u32 v57, v33;
	v4 =	vld.idx.msk [tilespmem:v17+s24+$0xFFFFFF30 ss:$0x1], $0xffff;
	v2 =	vmul.f32 v2, v36  }
0x416: {  	v5 =	vmul.f32 v38, v41;
	[tilespmem:v62+s20+$0x0] =	vst.idx.add.f32.msk $0xffff, v0  }
0x417: {  	v52 =	vmul.f32 v61, v40;
	[tilespmem:v48+s20+$0x0] =	vst.idx.add.f32.msk $0xffff, v2  }
0x418: {  	v53 =	vmul.f32 v63, v35;
	[tilespmem:v49+s20+$0x0] =	vst.idx.add.f32.msk $0xffff, v5  }
0x419: {  	[tilespmem:v50+s20+$0x0] =	vst.idx.add.f32.msk $0xffff, v52  }
0x41a: {  	[tilespmem:v51+s20+$0x0] =	vst.idx.add.f32.msk $0xffff, v53  }
0x41b: {  	v0 =	vld.idx.msk [tilespmem:v17+s25+$0xFFFFFEF0 ss:$0x1], $0xffff  }
0x41c: {  	v1 =	vld.idx.msk [tilespmem:v17+s25+$0xFFFFFF70 ss:$0x1], $0xffff  }
0x41d: {  	v2 =	vld.idx.msk [tilespmem:v17+s25+$0xFFFFFFF0 ss:$0x1], $0xffff  }
0x41e: {  	v38 =	vmul.f32 v4, v27;
	v4 =	vor.u32 v58, v28;
	v3 =	vld.idx.msk [tilespmem:v17+s25+$0x70 ss:$0x1], $0xffff  }
0x41f: {  	v54 =	vor.u32 v58, v30;
	v5 =	vld.idx.msk [tilespmem:v17+s25+$0xF0 ss:$0x1], $0xffff  }
0x420: {  	v55 =	vor.u32 v58, v32;
	v27 =	vmov v37;
	v42 =	vld.idx.msk [tilespmem:v17+s24+$0xFFFFFFB0 ss:$0x1], $0xffff  }
0x421: {  	v56 =	vor.u32 v58, v34;
	v44 =	vld.idx.msk [tilespmem:v17+s24+$0x30 ss:$0x1], $0xffff;
	v0 =	vmul.f32 v0, v27  }
0x422: {  	v57 =	vor.u32 v58, v33;
	v46 =	vld.idx.msk [tilespmem:v17+s24+$0xB0 ss:$0x1], $0xffff;
	v1 =	vmul.f32 v1, v36  }
0x423: {  	v2 =	vmul.f32 v2, v41;
	[tilespmem:v4+s20+$0x0] =	vst.idx.add.f32.msk $0xffff, v0  }
0x424: {  	v58 =	vmul.f32 v3, v40;
	[tilespmem:v54+s20+$0x0] =	vst.idx.add.f32.msk $0xffff, v1  }
0x425: {  	v59 =	vmul.f32 v5, v35;
	[tilespmem:v55+s20+$0x0] =	vst.idx.add.f32.msk $0xffff, v2  }
0x426: {  	[tilespmem:v56+s20+$0x0] =	vst.idx.add.f32.msk $0xffff, v58  }
0x427: {  	[tilespmem:v57+s20+$0x0] =	vst.idx.add.f32.msk $0xffff, v59  }
0x428: {  	v0 =	vld.idx.msk [tilespmem:v17+s25+$0xFFFFFF00 ss:$0x1], $0xffff  }
0x429: {  	v1 =	vld.idx.msk [tilespmem:v17+s25+$0xFFFFFF80 ss:$0x1], $0xffff  }
0x42a: {  	v2 =	vld.idx.msk [tilespmem:v17+s25+$0x0 ss:$0x1], $0xffff  }
0x42b: {  	v60 =	vld.idx.msk [tilespmem:v17+s26+$0x80 ss:$0x1], $0xffff;
	s25 =	sadd.s32 $0x280, s25  }
0x42c: {  	v4 =	vld [tilespmem:s25+$0xFFFFFF30]  }
0x42d: {  	v5 =	vld [tilespmem:s25+$0xFFFFFFB0]  }
0x42e: {  	v39 =	vmul.f32 v42, v24;
	v24 =	vmovc v36;
	v36 =	vmul.f32 v46, v19;
	v19 =	vmov v40;
	v40 =	vld [tilespmem:s25+$0x30]  }
0x42f: {  	v61 =	vld [tilespmem:s25+$0xFFFFFFA0]  }
0x430: {  	v62 =	vld [tilespmem:s25+$0x20]  }
0x431: {  	v63 =	vld [tilespmem:s25+$0xFFFFFF10]  }
0x432: {  	v42 =	vld [tilespmem:s25+$0x10]  }
0x433: {  	v43 =	vld [tilespmem:s25+$0xFFFFFF00]  }
0x434: {  	v37 =	vmul.f32 v44, v25;
	v44 =	vld [tilespmem:s25+$0xFFFFFF80]  }
0x435: {  	v49 =	vld [tilespmem:s25+$0xFFFFFEF0]  }
0x436: {  	v50 =	vld [tilespmem:s25+$0xFFFFFF70]  }
0x437: {  	v51 =	vld [tilespmem:s25+$0xFFFFFEE0]  }
0x438: {  	v52 =	vld [tilespmem:s25+$0xFFFFFF60]  }
0x439: {  	v53 =	vld [tilespmem:s25+$0xFFFFFEC0]  }
0x43a: {  	v54 =	vld [tilespmem:s25+$0xFFFFFED0]  }
0x43b: {  	v55 =	vld [tilespmem:s25+$0xFFFFFFE0]  }
0x43c: {  	v56 =	vld [tilespmem:s25+$0xFFFFFF40]  }
0x43d: {  	v57 =	vld [tilespmem:s25+$0xFFFFFF50]  }
0x43e: {  	v45 =	vmul.f32 v60, v19;
	v60 =	vld [tilespmem:s25+$0xFFFFFF90]  }
0x43f: {  	v58 =	vld [tilespmem:s25+$0xFFFFFFC0]  }
0x440: {  	v59 =	vld [tilespmem:s25+$0x40];
	v53 =	vmul.f32 v53, v9;
	v54 =	vmul.f32 v54, v10  }
0x441: {  	v47 =	vmul.f32 v1, v24;
	v1 =	vmul.f32 v61, v15;
	v61 =	vld [tilespmem:s25+$0xC0]  }
0x442: {  	v51 =	vmul.f32 v51, v11;
	v56 =	vmul.f32 v56, v9;
	v53 =	vadd.f32 v54, v53;
	v54 =	vld [tilespmem:s25+$0x50]  }
0x443: {  	v25 =	vmov v41;
	v57 =	vmul.f32 v57, v10;
	v41 =	vmul.f32 v60, v14;
	v60 =	vld [tilespmem:s25+$0xFFFFFFD0]  }
0x444: {  	v3 =	vmul.f32 v63, v14;
	v63 =	vld [tilespmem:s25+$0xD0];
	v49 =	vmul.f32 v49, v12;
	v51 =	vadd.f32 v51, v53  }
0x445: {  	v48 =	vmul.f32 v0, v27;
	v52 =	vmul.f32 v52, v11;
	v53 =	vadd.f32 v57, v56;
	v56 =	vld [tilespmem:s25+$0xFFFFFFF0]  }
0x446: {  	v0 =	vld [tilespmem:s25+$0xFFFFFF20];
	v43 =	vmul.f32 v43, v13;
	v50 =	vmul.f32 v50, v12;
	v49 =	vadd.f32 v49, v51  }
0x447: {  	v51 =	vmul.f32 v59, v9;
	v52 =	vadd.f32 v52, v53;
	v53 =	vld [tilespmem:s25+$0x0];
	v54 =	vmul.f32 v54, v10  }
0x448: {  	v57 =	vmul.f32 v58, v9;
	v58 =	vmul.f32 v60, v10;
	v60 =	vld [tilespmem:s25+$0x60]  }
0x449: {  	v59 =	vmul.f32 v61, v9;
	v43 =	vadd.f32 v43, v49;
	v49 =	vadd.f32 v54, v51;
	v54 =	vld [tilespmem:s25+$0xE0]  }
0x44a: {  	v51 =	vmul.f32 v63, v10;
	v63 =	vmul.f32 v56, v12;
	v56 =	vld [tilespmem:s25+$0x80]  }
0x44b: {  	v44 =	vmul.f32 v44, v13;
	v50 =	vadd.f32 v50, v52;
	v57 =	vadd.f32 v58, v57;
	v58 =	vld [tilespmem:s25+$0x70]  }
0x44c: {  	v3 =	vadd.f32 v3, v43;
	v43 =	vadd.f32 v51, v59;
	v59 =	vld [tilespmem:$0x1FFF0]  }
0x44d: {  	v0 =	vmul.f32 v0, v15;
	v44 =	vadd.f32 v44, v50;
	v52 =	vmul.f32 v53, v13;
	v53 =	vld [tilespmem:s25+$0x90]  }
0x44e: {  	v46 =	vmul.f32 v2, v25;
	v55 =	vmul.f32 v55, v11;
	v51 =	vld [tilespmem:s25+$0x100]  }
0x44f: {  	v4 =	vmul.f32 v4, v16;
	v0 =	vadd.f32 v0, v3;
	v41 =	vadd.f32 v41, v44;
	v44 =	vld [tilespmem:s25+$0xB0]  }
0x450: {  	v5 =	vmul.f32 v5, v16;
	v61 =	vadd.f32 v55, v57;
	v57 =	vld [tilespmem:s25+$0xF0];
	v60 =	vmul.f32 v60, v11  }
0x451: {  	v0 =	vadd.f32 v4, v0;
	v4 =	vmul.f32 v56, v13;
	v56 =	vld [tilespmem:$0x1FFB0];
	v1 =	vadd.f32 v1, v41  }
0x452: {  	v41 =	vld.idx.msk [tilespmem:v17+s25+$0xFFFFFEC0 ss:$0x1], $0xffff;
	v50 =	vadd.f32 v63, v61;
	v61 =	vadd.f32 v60, v49;
	v63 =	vmul.f32 v58, v12  }
0x453: {  	v2 =	vmul.f32 v62, v15;
	v60 =	vmul.f32 v54, v11;
	v49 =	vld [tilespmem:s25+$0x110]  }
0x454: {  	v42 =	vmul.f32 v42, v14;
	v50 =	vadd.f32 v52, v50;
	v52 =	vld [tilespmem:s25+$0xA0];
	v3 =	vadd.f32 v63, v61  }
0x455: {  	v58 =	vld [tilespmem:$0x1FFD0];
	v1 =	vadd.f32 v5, v1;
	v61 =	vadd.f32 v60, v43;
	v63 =	vmul.f32 v57, v12  }
0x456: {  	v54 =	vmul.f32 v53, v14;
	v42 =	vadd.f32 v42, v50;
	v50 =	vadd.f32 v4, v3;
	v4 =	vld [tilespmem:s25+$0x120]  }
0x457: {  	v53 =	vmul.f32 v44, v16;
	v44 =	vld.idx.msk [tilespmem:v17+s25+$0x40 ss:$0x1], $0xffff;
	v60 =	vmul.f32 v51, v13;
	v5 =	vadd.f32 v63, v61  }
0x458: {  	v40 =	vmul.f32 v40, v16;
	v62 =	vor.u32 v6, v28;
	(xrf2) =	vadd.scan.msk.f32 $0xffff, v0;
	v63 =	vld [tilespmem:s25+$0x130];
	v2 =	vadd.f32 v2, v42  }
0x459: {  	v57 =	vld [tilespmem:$0x1FFC0];
	(xrf2) =	vadd.scan.msk.f32 $0xffff, v1;
	v61 =	vmul.f32 v52, v15;
	v5 =	vadd.f32 v60, v5;
	v52 =	vmul.f32 v49, v14  }
0x45a: {  	v1 =	vor.u32 v6, v30;
	v43 =	vld.idx.msk [tilespmem:v17+s25+$0xC0 ss:$0x1], $0xffff;
	v0 =	vadd.f32 v54, v50;
	v54 =	vor.u32 v6, v32  }
0x45b: {  	v42 =	vld.idx.msk [tilespmem:v17+s25+$0xFFFFFF40 ss:$0x1], $0xffff;
	v2 =	vadd.f32 v40, v2;
	v5 =	vadd.f32 v52, v5;
	v4 =	vmul.f32 v4, v15  }
0x45c: {  	v60 =	vor.u32 v6, v34;
	v40 =	vld.idx.msk [tilespmem:v17+s25+$0xFFFFFFC0 ss:$0x1], $0xffff;
	v0 =	vadd.f32 v61, v0  }
0x45d: {  	(xrf2) =	vadd.scan.msk.f32 $0xffff, v2;
	v50 =	vmul.f32 v63, v16;
	v61 =	vadd.f32 v4, v5;
	v5 =	vld.idx.msk [tilespmem:v17+s26+$0x100 ss:$0x1], $0xffff  }
0x45e: {  	v63 =	vor.u32 v8, v26;
	v0 =	vadd.f32 v53, v0;
	[tilespmem:v62+s20+$0x0] =	vst.idx.add.f32.msk $0xffff, v48  }
0x45f: {  	[tilespmem:v1+s20+$0x0] =	vst.idx.add.f32.msk $0xffff, v47;
	v47 =	vor.u32 v8, v22  }
0x460: {  	v26 =	vmov v28;
	v28 =	vor.u32 v6, v33;
	(xrf2) =	vadd.scan.msk.f32 $0xffff, v0;
	[tilespmem:v54+s20+$0x0] =	vst.idx.add.f32.msk $0xffff, v46  }
0x461: {  	v3 =	vadd.f32 v50, v61;
	[tilespmem:v60+s20+$0x0] =	vst.idx.add.f32.msk $0xffff, v45  }
0x462: {  	v49 =	vld.idx.msk [tilespmem:v17+s24+$0x130 ss:$0x1], $0xffff  }
0x463: {  	v4, _, _ =	vpop (xrf2);
	(xrf2) =	vadd.scan.msk.f32 $0xffff, v3;
	[tilespmem:v63+s20+$0x0] =	vst.idx.add.f32.msk $0xffff, v38;
	v5 =	vmul.f32 v5, v35  }
0x464: {  	[tilespmem:v47+s20+$0x0] =	vst.idx.add.f32.msk $0xffff, v39  }
0x465: {  	v53 =	vor.u32 v8, v20;
	v48, _, _ =	vpop (xrf2);
	v50 =	vmul.f32 $1.442695020e+00, v4;
	s24 =	smov.u32 s26;
	[tilespmem:v28+s20+$0x0] =	vst.idx.add.f32.msk $0xffff, v5  }
0x466: {  	v22 =	vmovc v30;
	v38 =	vshll.u32 v31, $0x7;
	v2 =	vmul.f32 $1.442695020e+00, v48;
	v5 =	vor.u32 v8, v23;
	v4 =	vld.idx.msk [tilespmem:v17+s24+$0xFFFFFF10 ss:$0x1], $0xffff  }
0x467: {  	v45 =	vor.u32 v8, v18;
	v0 =	vbroadcast v50, $0xF;
	v30 =	vbroadcast v38, $0x1;
	v51, _, _ =	vpop (xrf2);
	v31 =	vld.idx.msk [tilespmem:v17+s24+$0xFFFFFF90 ss:$0x1], $0xffff  }
0x468: {  	s0 =	sadd.s32 $0x5, s0;
	v20 =	vmovc v33;
	v60 =	vor.u32 v59, v26;
	v54 =	vbroadcast v2, $0xF;
	v46 =	vld.idx.msk [tilespmem:v17+s24+$0x10 ss:$0x1], $0xffff;
	v1 =	vmul.f32 $1.442695020e+00, v51  }
0x469: {  	p0 =	slt.u32 s0, $0x78;
	v18 =	vmovc v34;
	v28 =	vbroadcast v38, $0x0;
	v23 =	vmovc v32;
	(erf) = vpow2.f32 v0;
	v32 =	vor.u32 v59, v22;
	v34 =	vld.idx.msk [tilespmem:v17+s24+$0x90 ss:$0x1], $0xffff  }
.Ltmp5:
0x46a: {  	v39 =	vld.idx.msk [tilespmem:v17+s24+$0x110 ss:$0x1], $0xffff;
	(erf) = vpow2.f32 v54;
	v33 =	vor.u32 v59, v23;
	v52, _, _ =	vpop (xrf2);
	v1 =	vbroadcast v1, $0xF;
	(pc) =	sbr.rel @p0 .LBB2_11-.Ltmp5, $4  }
0x46b: {  	v3 =	vmul.f32 v49, v21;
	v21 =	vmov v35;
	v61 =	vmul.f32 $1.442695020e+00, v52;
	[tilespmem:v5+s20+$0x0] =	vst.idx.add.f32.msk $0xffff, v37  }
0x46c: {  	v35 =	vor.u32 v59, v18;
	v63 =	vmul.f32 v4, v27;
	[tilespmem:v45+s20+$0x0] =	vst.idx.add.f32.msk $0xffff, v36;
	(erf) = vpow2.f32 v1  }
0x46d: {  	v55 =	vlaneseq.u32;
	v47 =	vmul.f32 v31, v24;
	v46 =	vmul.f32 v46, v25;
	v62, _, _ =	vpop (xrf2);
	[tilespmem:v53+s20+$0x0] =	vst.idx.add.f32.msk $0xffff, v3  }
0x46e: {  	s2 =	sadd.s32 $0x5, s2;
	s26 =	smov.u32 s25;
	v36 =	vor.u32 v59, v20;
	v45 =	vbroadcast v61, $0xF;
	v37 =	vmul.f32 $1.442695020e+00, v62;
	[tilespmem:v60+s20+$0x0] =	vst.idx.add.f32.msk $0xffff, v63  }
0x46f: {  	_ =	sdelay $0x2  }
0x470: {  	(erf) = vpow2.f32 v45  }
0x471: {  	v1 =	vor.u32 v55, v28;
	v2 =	vmul.f32 v34, v19;
	[tilespmem:v32+s20+$0x0] =	vst.idx.add.f32.msk $0xffff, v47;
	v0 =	vbroadcast v37, $0xF  }
0x472: {  	v3 =	vmul.f32 v39, v21;
	[tilespmem:v33+s20+$0x0] =	vst.idx.add.f32.msk $0xffff, v46  }
0x473: {  	v9 =	vbroadcast v38, $0x2;
	[tilespmem:v35+s20+$0x0] =	vst.idx.add.f32.msk $0xffff, v2;
	(erf) = vpow2.f32 v0;
	v0 =	vor.u32 v55, v30;
	v10 =	vpop (erf)  }
0x474: {  	[tilespmem:v36+s20+$0x0] =	vst.idx.add.f32.msk $0xffff, v3;
	v2 =	vmul.f32 v10, v41  }
0x475: {  	v11 =	vbroadcast v38, $0x3;
	v3 =	vor.u32 v55, v9;
	v12 =	vpop (erf);
	v4 =	vld.idx.msk [tilespmem:v17+s24+$0xFFFFFF20 ss:$0x1], $0xffff  }
0x476: {  	v5 =	vmul.f32 v12, v42;
	[tilespmem:v1+s20+$0x0] =	vst.idx.add.f32.msk $0xffff, v2  }
0x477: {  	v1 =	vor.u32 v55, v11;
	v14 =	vpop (erf);
	v2 =	vld.idx.msk [tilespmem:v17+s24+$0xFFFFFFA0 ss:$0x1], $0xffff  }
0x478: {  	v13 =	vbroadcast v38, $0x4;
	v16 =	vmul.f32 v14, v40;
	[tilespmem:v0+s20+$0x0] =	vst.idx.add.f32.msk $0xffff, v5  }
0x479: {  	v51 =	vor.u32 v7, v26;
	v5 =	vld.idx.msk [tilespmem:v17+s24+$0x20 ss:$0x1], $0xffff;
	v15 =	vpop (erf)  }
0x47a: {  	v0 =	vor.u32 v55, v13;
	[tilespmem:v3+s20+$0x0] =	vst.idx.add.f32.msk $0xffff, v16;
	v31 =	vmul.f32 v15, v44  }
0x47b: {  	v3 =	vld.idx.msk [tilespmem:v17+s24+$0xA0 ss:$0x1], $0xffff  }
0x47c: {  	v4 =	vmul.f32 v4, v27;
	v16 =	vpop (erf);
	[tilespmem:v1+s20+$0x0] =	vst.idx.add.f32.msk $0xffff, v31  }
0x47d: {  	v50 =	vmul.f32 v16, v43;
	v1 =	vld.idx.msk [tilespmem:v17+s24+$0x120 ss:$0x1], $0xffff  }
0x47e: {  	[tilespmem:v51+s20+$0x0] =	vst.idx.add.f32.msk $0xffff, v4  }
0x47f: {  	[tilespmem:v0+s20+$0x0] =	vst.idx.add.f32.msk $0xffff, v50  }
0x480: {  	v52 =	vor.u32 v7, v22;
	v0 =	vld.idx.msk [tilespmem:v17+s25+$0xFFFFFED0 ss:$0x1], $0xffff  }
0x481: {  	v54 =	vor.u32 v7, v23;
	v32 =	vld.idx.msk [tilespmem:v17+s25+$0xFFFFFF50 ss:$0x1], $0xffff  }
0x482: {  	v61 =	vor.u32 v56, v28;
	v53 =	vld.idx.msk [tilespmem:v17+s25+$0xFFFFFFD0 ss:$0x1], $0xffff  }
0x483: {  	v63 =	vor.u32 v56, v30;
	v2 =	vmul.f32 v2, v24;
	v60 =	vld.idx.msk [tilespmem:v17+s25+$0x50 ss:$0x1], $0xffff  }
0x484: {  	v44 =	vor.u32 v56, v9;
	v5 =	vmul.f32 v5, v25;
	v62 =	vld.idx.msk [tilespmem:v17+s25+$0xD0 ss:$0x1], $0xffff  }
0x485: {  	v4 =	vor.u32 v56, v11;
	[tilespmem:v52+s20+$0x0] =	vst.idx.add.f32.msk $0xffff, v2;
	v0 =	vmul.f32 v0, v10  }
0x486: {  	v45 =	vor.u32 v56, v13;
	[tilespmem:v54+s20+$0x0] =	vst.idx.add.f32.msk $0xffff, v5;
	v2 =	vmul.f32 v32, v12  }
0x487: {  	v5 =	vmul.f32 v53, v14;
	[tilespmem:v61+s20+$0x0] =	vst.idx.add.f32.msk $0xffff, v0  }
0x488: {  	v0 =	vmul.f32 v60, v15;
	[tilespmem:v63+s20+$0x0] =	vst.idx.add.f32.msk $0xffff, v2  }
0x489: {  	v2 =	vmul.f32 v62, v16;
	[tilespmem:v44+s20+$0x0] =	vst.idx.add.f32.msk $0xffff, v5  }
0x48a: {  	[tilespmem:v4+s20+$0x0] =	vst.idx.add.f32.msk $0xffff, v0  }
0x48b: {  	[tilespmem:v45+s20+$0x0] =	vst.idx.add.f32.msk $0xffff, v2  }
0x48c: {  	v2 =	vor.u32 v7, v18;
	v0 =	vld.idx.msk [tilespmem:v17+s25+$0xFFFFFEE0 ss:$0x1], $0xffff  }
0x48d: {  	v5 =	vor.u32 v7, v20;
	v4 =	vld.idx.msk [tilespmem:v17+s25+$0xFFFFFF60 ss:$0x1], $0xffff  }
0x48e: {  	v46 =	vor.u32 v57, v28;
	v31 =	vld.idx.msk [tilespmem:v17+s25+$0xFFFFFFE0 ss:$0x1], $0xffff  }
0x48f: {  	v48 =	vor.u32 v57, v30;
	v3 =	vmul.f32 v3, v19;
	v47 =	vld.idx.msk [tilespmem:v17+s25+$0x60 ss:$0x1], $0xffff  }
0x490: {  	v50 =	vor.u32 v57, v9;
	v1 =	vmul.f32 v1, v21;
	v49 =	vld.idx.msk [tilespmem:v17+s25+$0xE0 ss:$0x1], $0xffff  }
0x491: {  	[tilespmem:v2+s20+$0x0] =	vst.idx.add.f32.msk $0xffff, v3;
	v2 =	vor.u32 v57, v11;
	v0 =	vmul.f32 v0, v10  }
0x492: {  	v3 =	vor.u32 v57, v13;
	[tilespmem:v5+s20+$0x0] =	vst.idx.add.f32.msk $0xffff, v1;
	v1 =	vmul.f32 v4, v12  }
0x493: {  	v4 =	vmul.f32 v31, v14;
	[tilespmem:v46+s20+$0x0] =	vst.idx.add.f32.msk $0xffff, v0  }
0x494: {  	v0 =	vmul.f32 v47, v15;
	[tilespmem:v48+s20+$0x0] =	vst.idx.add.f32.msk $0xffff, v1  }
0x495: {  	v1 =	vmul.f32 v49, v16;
	[tilespmem:v50+s20+$0x0] =	vst.idx.add.f32.msk $0xffff, v4  }
0x496: {  	[tilespmem:v2+s20+$0x0] =	vst.idx.add.f32.msk $0xffff, v0  }
0x497: {  	[tilespmem:v3+s20+$0x0] =	vst.idx.add.f32.msk $0xffff, v1  }
0x498: {  	v0 =	vld.idx.msk [tilespmem:v17+s25+$0xFFFFFEF0 ss:$0x1], $0xffff  }
0x499: {  	v1 =	vld.idx.msk [tilespmem:v17+s25+$0xFFFFFF70 ss:$0x1], $0xffff  }
0x49a: {  	v3 =	vor.u32 v58, v28;
	v2 =	vld.idx.msk [tilespmem:v17+s25+$0xFFFFFFF0 ss:$0x1], $0xffff  }
0x49b: {  	v5 =	vor.u32 v58, v30;
	v4 =	vld.idx.msk [tilespmem:v17+s25+$0x70 ss:$0x1], $0xffff  }
0x49c: {  	v52 =	vor.u32 v58, v9;
	v51 =	vld.idx.msk [tilespmem:v17+s25+$0xF0 ss:$0x1], $0xffff  }
0x49d: {  	v54 =	vor.u32 v58, v11;
	v53 =	vld.idx.msk [tilespmem:v17+s24+$0xFFFFFF30 ss:$0x1], $0xffff;
	v0 =	vmul.f32 v0, v10  }
0x49e: {  	v61 =	vor.u32 v58, v13;
	v60 =	vld.idx.msk [tilespmem:v17+s24+$0xFFFFFFB0 ss:$0x1], $0xffff;
	v1 =	vmul.f32 v1, v12  }
0x49f: {  	v2 =	vmul.f32 v2, v14;
	[tilespmem:v3+s20+$0x0] =	vst.idx.add.f32.msk $0xffff, v0  }
0x4a0: {  	v0 =	vmul.f32 v4, v15;
	[tilespmem:v5+s20+$0x0] =	vst.idx.add.f32.msk $0xffff, v1  }
0x4a1: {  	v1 =	vmul.f32 v51, v16;
	[tilespmem:v52+s20+$0x0] =	vst.idx.add.f32.msk $0xffff, v2  }
0x4a2: {  	[tilespmem:v54+s20+$0x0] =	vst.idx.add.f32.msk $0xffff, v0  }
0x4a3: {  	[tilespmem:v61+s20+$0x0] =	vst.idx.add.f32.msk $0xffff, v1  }
0x4a4: {  	v0 =	vld.idx.msk [tilespmem:v17+s25+$0xFFFFFF00 ss:$0x1], $0xffff  }
0x4a5: {  	v1 =	vld.idx.msk [tilespmem:v17+s25+$0xFFFFFF80 ss:$0x1], $0xffff  }
0x4a6: {  	v3 =	vor.u32 v6, v28;
	v2 =	vld.idx.msk [tilespmem:v17+s25+$0x0 ss:$0x1], $0xffff  }
0x4a7: {  	v5 =	vor.u32 v6, v30;
	v4 =	vld.idx.msk [tilespmem:v17+s26+$0x80 ss:$0x1], $0xffff  }
0x4a8: {  	v62 =	vor.u32 v6, v9;
	v32 =	vld.idx.msk [tilespmem:v17+s26+$0x100 ss:$0x1], $0xffff  }
0x4a9: {  	v40 =	vor.u32 v6, v11;
	v63 =	vld.idx.msk [tilespmem:v17+s24+$0x30 ss:$0x1], $0xffff;
	v0 =	vmul.f32 v0, v10  }
0x4aa: {  	v42 =	vor.u32 v6, v13;
	v41 =	vld.idx.msk [tilespmem:v17+s24+$0xB0 ss:$0x1], $0xffff;
	v1 =	vmul.f32 v1, v12  }
0x4ab: {  	v2 =	vmul.f32 v2, v14;
	[tilespmem:v3+s20+$0x0] =	vst.idx.add.f32.msk $0xffff, v0  }
0x4ac: {  	v0 =	vmul.f32 v4, v15;
	[tilespmem:v5+s20+$0x0] =	vst.idx.add.f32.msk $0xffff, v1  }
0x4ad: {  	v1 =	vmul.f32 v32, v16;
	[tilespmem:v62+s20+$0x0] =	vst.idx.add.f32.msk $0xffff, v2  }
0x4ae: {  	[tilespmem:v40+s20+$0x0] =	vst.idx.add.f32.msk $0xffff, v0  }
0x4af: {  	[tilespmem:v42+s20+$0x0] =	vst.idx.add.f32.msk $0xffff, v1  }
0x4b0: {  	v0 =	vld.idx.msk [tilespmem:v17+s26+$0xFFFFFF10 ss:$0x1], $0xffff  }
0x4b1: {  	v1 =	vor.u32 v8, v26;
	v2 =	vld.idx.msk [tilespmem:v17+s26+$0xFFFFFF90 ss:$0x1], $0xffff  }
0x4b2: {  	v4 =	vor.u32 v59, v28;
	v3 =	vld.idx.msk [tilespmem:v17+s26+$0x10 ss:$0x1], $0xffff  }
0x4b3: {  	v43 =	vor.u32 v59, v30;
	v5 =	vld.idx.msk [tilespmem:v17+s26+$0x90 ss:$0x1], $0xffff  }
0x4b4: {  	v45 =	vor.u32 v59, v9;
	v44 =	vmul.f32 v53, v27;
	v31 =	vld.idx.msk [tilespmem:v17+s26+$0x110 ss:$0x1], $0xffff  }
0x4b5: {  	v46 =	vld.idx.msk [tilespmem:v17+s24+$0x130 ss:$0x1], $0xffff;
	v47 =	vor.u32 v59, v11;
	v0 =	vmul.f32 v0, v10  }
0x4b6: {  	[tilespmem:v1+s20+$0x0] =	vst.idx.add.f32.msk $0xffff, v44;
	v1 =	vor.u32 v59, v13;
	v2 =	vmul.f32 v2, v12  }
0x4b7: {  	v3 =	vmul.f32 v3, v14;
	[tilespmem:v4+s20+$0x0] =	vst.idx.add.f32.msk $0xffff, v0  }
0x4b8: {  	v0 =	vmul.f32 v5, v15;
	[tilespmem:v43+s20+$0x0] =	vst.idx.add.f32.msk $0xffff, v2  }
0x4b9: {  	v2 =	vmul.f32 v31, v16;
	[tilespmem:v45+s20+$0x0] =	vst.idx.add.f32.msk $0xffff, v3  }
0x4ba: {  	[tilespmem:v47+s20+$0x0] =	vst.idx.add.f32.msk $0xffff, v0  }
0x4bb: {  	[tilespmem:v1+s20+$0x0] =	vst.idx.add.f32.msk $0xffff, v2  }
0x4bc: {  	v0 =	vor.u32 v8, v22;
	v1 =	vld.idx.msk [tilespmem:v17+s26+$0xFFFFFF20 ss:$0x1], $0xffff  }
0x4bd: {  	v2 =	vor.u32 v8, v23;
	v3 =	vld.idx.msk [tilespmem:v17+s26+$0xFFFFFFA0 ss:$0x1], $0xffff  }
0x4be: {  	v5 =	vor.u32 v7, v28;
	v4 =	vld.idx.msk [tilespmem:v17+s26+$0x20 ss:$0x1], $0xffff  }
0x4bf: {  	v50 =	vor.u32 v7, v30;
	v48 =	vmul.f32 v60, v24;
	v49 =	vld.idx.msk [tilespmem:v17+s26+$0xA0 ss:$0x1], $0xffff  }
0x4c0: {  	v51 =	vmul.f32 v63, v25;
	v52 =	vor.u32 v7, v9;
	v26 =	vld.idx.msk [tilespmem:v17+s26+$0x120 ss:$0x1], $0xffff  }
0x4c1: {  	[tilespmem:v0+s20+$0x0] =	vst.idx.add.f32.msk $0xffff, v48;
	v0 =	vmul.f32 v1, v10;
	v1 =	vor.u32 v7, v11  }
0x4c2: {  	[tilespmem:v2+s20+$0x0] =	vst.idx.add.f32.msk $0xffff, v51;
	v2 =	vmul.f32 v3, v12;
	v3 =	vor.u32 v7, v13  }
0x4c3: {  	v4 =	vmul.f32 v4, v14;
	[tilespmem:v5+s20+$0x0] =	vst.idx.add.f32.msk $0xffff, v0  }
0x4c4: {  	v0 =	vmul.f32 v49, v15;
	[tilespmem:v50+s20+$0x0] =	vst.idx.add.f32.msk $0xffff, v2  }
0x4c5: {  	v2 =	vmul.f32 v26, v16;
	[tilespmem:v52+s20+$0x0] =	vst.idx.add.f32.msk $0xffff, v4  }
0x4c6: {  	[tilespmem:v1+s20+$0x0] =	vst.idx.add.f32.msk $0xffff, v0  }
0x4c7: {  	[tilespmem:v3+s20+$0x0] =	vst.idx.add.f32.msk $0xffff, v2  }
0x4c8: {  	v0 =	vadd.f32 v10, v29;
	v1 =	vor.u32 v8, v18;
	v2 =	vld.idx.msk [tilespmem:v17+s26+$0xFFFFFF30 ss:$0x1], $0xffff  }
0x4c9: {  	v3 =	vor.u32 v8, v20;
	v4 =	vld.idx.msk [tilespmem:v17+s26+$0xFFFFFFB0 ss:$0x1], $0xffff  }
0x4ca: {  	v53 =	vor.u32 v8, v28;
	v0 =	vadd.f32 v12, v0;
	v5 =	vld.idx.msk [tilespmem:v17+s26+$0x30 ss:$0x1], $0xffff  }
0x4cb: {  	v54 =	vmul.f32 v41, v19;
	v61 =	vor.u32 v8, v30;
	v60 =	vld.idx.msk [tilespmem:v17+s26+$0xB0 ss:$0x1], $0xffff  }
0x4cc: {  	v9 =	vor.u32 v8, v9;
	v62 =	vmul.f32 v46, v21;
	v63 =	vld.idx.msk [tilespmem:v17+s26+$0x130 ss:$0x1], $0xffff;
	v0 =	vadd.f32 v14, v0  }
0x4cd: {  	[tilespmem:v1+s20+$0x0] =	vst.idx.add.f32.msk $0xffff, v54;
	v1 =	vmul.f32 v2, v10;
	v2 =	vor.u32 v8, v11  }
0x4ce: {  	[tilespmem:v3+s20+$0x0] =	vst.idx.add.f32.msk $0xffff, v62;
	v3 =	vmul.f32 v4, v12;
	v4 =	vor.u32 v8, v13  }
0x4cf: {  	v5 =	vmul.f32 v5, v14;
	[tilespmem:v53+s20+$0x0] =	vst.idx.add.f32.msk $0xffff, v1  }
0x4d0: {  	v0 =	vadd.f32 v15, v0;
	v1 =	vmul.f32 v60, v15;
	[tilespmem:v61+s20+$0x0] =	vst.idx.add.f32.msk $0xffff, v3  }
0x4d1: {  	v3 =	vmul.f32 v63, v16;
	[tilespmem:v9+s20+$0x0] =	vst.idx.add.f32.msk $0xffff, v5  }
0x4d2: {  	v0 =	vadd.f32 v16, v0;
	[tilespmem:v2+s20+$0x0] =	vst.idx.add.f32.msk $0xffff, v1  }
0x4d3: {  	[tilespmem:v4+s20+$0x0] =	vst.idx.add.f32.msk $0xffff, v3  }
0x4d4: {  	[tilespmem:$0x11200] =	vst v0  }
0x4d5: {  	[hbm4b:s10+s15] =	stream.strided.scatter [tilespmem:s20], [sflag:$0x3], $0x8000, s16, s15, $0x38;
	[tilespmem:$0x11280] =	vst v63  }
0x4d6: {  	s23 =	sadd.s32 $0x1, s23;
	_ =	swait.ge [sflag:s14], $0x8000  }
0x4d7: {  	p0 =	sne.s32 s23, s12;
	[sflag:s14] =	ssyncset.done $0x0  }
.Ltmp6:
0x4d8: {  	[sflag:s14] =	ssyncadd.s32 $0xFFFF8000;
	(pc) =	sbr.rel @p0 .LBB2_1-.Ltmp6, $4  }
0x4d9: {  	[hbm4b:s11+s4] =	stream.linear.scatter [tilespmem:s22], [sflag:$0x3], $0x80, $0x38;
	[tilespmem:$0x11280] =	vst v63  }
0x4da: {  	_ =	swait.ge [sflag:s14], $0x80  }
0x4db: {  	[sflag:s14] =	ssyncset.done $0x0  }
0x4dc: {  	v0 =	vimm.f32 $0.0e+00;
	[sflag:s14] =	ssyncadd.s32 $0xFFFFFF80  }
0x4dd: {  	_ =	sfence.sel $0x180000  }
0x4de: {  	[bflag:$0x0] =	sbarrier.arrive $0xFFFF  }
0x4df: {  	_ =	strace $0x90000047  }
0x4e0: {  	s0 =	stileid.u32;
	[bflag:$0x2] =	sbarrier.arrive $0xFFFF  }
0x4e1: {  	p0 =	sne.s32 s0, $0x0;
	s0 =	rddreg [dreg:$0x4]  }
0x4e2: {  	s0 =	sadd.s32 @!p0 $0x100000, s0  }
0x4e3: {  	[sflag:s0] =	ssyncadd.tile.s32 @!p0 $0x1;
	_ =	shalt  }
.Lfunc_end2:
_tile_overlayer_lowered:
.L_overlay_start_2:
0x4e4: {  	(tag) =	ssettag $0x2  }
0x4e5: {  	s0 =	rddreg [dreg:$0x0];
	s2 =	stileid.u32  }
0x4e6: {  	s1 =	rddreg [dreg:$0x1];
	p0 =	sne.s32 s2, $0x0  }
0x4e7: {  	s3 =	rddreg [dreg:$0x2];
	[bflag:$0x3] =	sbarrier.arrive $0xFFFF;
	s2 =	simm.s32 @!p0 $0x1C03  }
0x4e8: {  	[timem:s3], [sflag:s2] =	dma.local @!p0 [hbm:s0], s1  }
0x4e9: {  	s0 =	simm.s32 @!p0 $0x3  }
0x4ea: {  	_ =	swait.ge @!p0 [sflag:s0], s1  }
0x4eb: {  	s1 =	ssub.s32 @!p0 $0x0, s1;
	[sflag:s0] =	ssyncset.done @!p0 $0x0  }
0x4ec: {  	[sflag:s0] =	ssyncadd.s32 @!p0 s1  }
0x4ed: {  	[bflag:$0x3] =	sbarrier.arrive $0xFFFF  }
0x4ee: {  	_ =	shalt  }

</sc_bundles>
